<compile_context>
chip_gen: v7x
topology: tpu7x:2x2x1
jax: 0.10.2.dev20260603
libtpu: 0.0.44.dev20260713+nightly
codegen_flags: <defaults>
</compile_context>

<pallas_src>
import functools

import jax
import jax.numpy as jnp
from jax import lax
from jax.experimental import pallas as pl
from jax.experimental.pallas import tpu as pltpu, tpu_sc as plsc

T, N, E, D, H = 3, 10000, 320000, 128, 128
SLOPE = (1.0 / 8.0 + 1.0 / 3.0) / 2.0

NC, NS = 2, 16
NW = NC * NS
NP = 10240
DEG_NP = 2 * NP
EPW = E // NW
CH = 80
NCH = EPW // CH

DEG_TILE = DEG_NP // NS

_sc_mesh = plsc.VectorSubcoreMesh(
    core_axis_name="c", subcore_axis_name="s", num_cores=NC, num_subcores=NS)


@functools.partial(
    pl.kernel,
    mesh=_sc_mesh,
    compiler_params=pltpu.CompilerParams(needs_layout_passes=False),
    out_type=jax.ShapeDtypeStruct((NC, DEG_NP), jnp.float32),
    scratch_types=[
        pltpu.VMEM((EPW,), jnp.int32),
        pltpu.VMEM((DEG_NP,), jnp.float32),
        pltpu.VMEM((NS, DEG_TILE), jnp.float32),
        pltpu.VMEM_SHARED((NS, DEG_NP), jnp.float32),
    ],
)
def _sc_degrees(src_hbm, dst_hbm, out_hbm, idx_v, hist_v, red_v, hists_sh):
    cid = lax.axis_index("c")
    sid = lax.axis_index("s")
    wid = cid * NS + sid

    def zbody(i, carry):
        hist_v[pl.ds(i * 16, 16)] = jnp.zeros((16,), jnp.float32)
        return carry

    lax.fori_loop(0, DEG_NP // 16, zbody, 0)

    def count(idx_hbm, offset):
        pltpu.sync_copy(idx_hbm.at[pl.ds(wid * EPW, EPW)], idx_v)

        def body(i, carry):
            idx16 = idx_v[pl.ds(i * 16, 16)] + offset
            cnt, last = plsc.scan_count(idx16)
            plsc.addupdate_scatter(hist_v, [idx16],
                                   cnt.astype(jnp.float32), mask=last)
            return carry

        lax.fori_loop(0, EPW // 16, body, 0)

    count(src_hbm, 0)
    count(dst_hbm, NP)
    pltpu.sync_copy(hist_v, hists_sh.at[sid])
    plsc.subcore_barrier()
    pltpu.sync_copy(hists_sh.at[:, pl.ds(sid * DEG_TILE, DEG_TILE)], red_v)

    def rbody(i, carry):
        s = red_v[0, pl.ds(i * 16, 16)]
        for k in range(1, NS):
            s = s + red_v[k, pl.ds(i * 16, 16)]
        hist_v[pl.ds(i * 16, 16)] = s
        return carry

    lax.fori_loop(0, DEG_TILE // 16, rbody, 0)
    pltpu.sync_copy(hist_v.at[pl.ds(0, DEG_TILE)],
                    out_hbm.at[cid, pl.ds(sid * DEG_TILE, DEG_TILE)])


@functools.partial(
    pl.kernel,
    mesh=_sc_mesh,
    out_type=jax.ShapeDtypeStruct((NC, NP, H), jnp.float32),
    scratch_types=(
        [pltpu.VMEM((CH,), jnp.int32) for _ in range(4)]
        + [pltpu.VMEM((CH,), jnp.int32) for _ in range(4)]
        + [pltpu.VMEM((CH, H), jnp.float32) for _ in range(4)]
        + [pltpu.VMEM_SHARED((NP, H), jnp.float32)]
        + [pltpu.SemaphoreType.DMA for _ in range(8)]
    ),
)
def _sc_aggregate(hw_hbm, src_hbm, dst_hbm, out_hbm,
                  si0, si1, si2, si3, di0, di1, di2, di3,
                  b0, b1, b2, b3, agg_sh, s0, s1, s2, s3,
                  t0, t1, t2, t3):
    cid = lax.axis_index("c")
    sid = lax.axis_index("s")
    wid = cid * NS + sid
    rows = NP // NS
    sidx = (si0, si1, si2, si3)
    didx = (di0, di1, di2, di3)
    bufs = (b0, b1, b2, b3)
    sems = (s0, s1, s2, s3)
    ssems = (t0, t1, t2, t3)

    def zb(i, carry):
        for k in range(H // 16):
            b0[i, pl.ds(k * 16, 16)] = jnp.zeros((16,), jnp.float32)
        return carry

    lax.fori_loop(0, CH, zb, 0)
    for r in range(rows // CH):
        pltpu.sync_copy(b0,
                        agg_sh.at[pl.ds(sid * rows + r * CH, CH), :])
    plsc.subcore_barrier()

    base = wid * EPW

    def gather(j, b):
        pltpu.sync_copy(src_hbm.at[pl.ds(base + j * CH, CH)], sidx[b])
        pltpu.async_copy(hw_hbm.at[sidx[b]], bufs[b], sems[b])

    def gather_wait(b):
        pltpu.make_async_copy(hw_hbm.at[sidx[b]], bufs[b], sems[b]).wait()

    def scatter(j, b):
        pltpu.sync_copy(dst_hbm.at[pl.ds(base + j * CH, CH)], didx[b])
        pltpu.async_copy(bufs[b], agg_sh.at[didx[b]], ssems[b], add=True)

    def scatter_wait(b):
        pltpu.make_async_copy(bufs[b], agg_sh.at[didx[b]], ssems[b]).wait()

    gather(0, 0)
    gather(1, 1)
    gather(2, 2)
    gather_wait(0)
    scatter(0, 0)
    gather(3, 3)
    gather_wait(1)
    scatter(1, 1)

    def body(t, carry):
        j0 = 2 + 4 * t
        for m in range(4):
            scatter_wait(m)
            gather(j0 + m + 2, m)
            bc = (2 + m) % 4
            gather_wait(bc)
            scatter(j0 + m, bc)
        return carry

    lax.fori_loop(0, (NCH - 5) // 4, body, 0)
    scatter_wait(0)
    gather(NCH - 1, 0)
    gather_wait(2)
    scatter(NCH - 3, 2)
    scatter_wait(1)
    gather_wait(3)
    scatter(NCH - 2, 3)
    scatter_wait(2)
    gather_wait(0)
    scatter(NCH - 1, 0)
    scatter_wait(3)
    scatter_wait(0)

    plsc.subcore_barrier()
    pltpu.sync_copy(agg_sh.at[pl.ds(sid * rows, rows), :],
                    out_hbm.at[cid, pl.ds(sid * rows, rows), :])


def _mm(a, b):
    return jnp.dot(a, b, preferred_element_type=jnp.float32)


def _mm_t(a, b):
    return lax.dot_general(a, b, (((1,), (1,)), ((), ())),
                           preferred_element_type=jnp.float32)


def _gru_step(W, uW, uU, ub, rW, rU, rb, hW, hU, hb):
    update = jax.nn.sigmoid(_mm(uW, W) + _mm(uU, W) + ub)
    reset = jax.nn.sigmoid(_mm(rW, W) + _mm(rU, W) + rb)
    h_cap = jnp.tanh(_mm(hW, W) + _mm(hU, reset * W) + hb)
    return (1.0 - update) * W + update * h_cap


def _tc_weights_body(gcn_W0, gcn_W1,
                     g0_uW, g0_uU, g0_ub, g0_rW, g0_rU, g0_rb,
                     g0_hW, g0_hU, g0_hb,
                     g1_uW, g1_uU, g1_ub, g1_rW, g1_rU, g1_rb,
                     g1_hW, g1_hU, g1_hb,
                     att_qw, att_qb, att_kw, att_kb, att_vw, att_vb,
                     att_gate, wa0_ref, wa1_ref):
    def evolve(W0, uW, uU, ub, rW, rU, rb, hW, hU, hb):
        W = W0[...]
        for _ in range(T):
            W = _gru_step(W, uW[...], uU[...], ub[...], rW[...], rU[...],
                          rb[...], hW[...], hU[...], hb[...])
        return W

    def attention(W):
        Q = _mm_t(W, att_qw[...]) + att_qb[...]
        K = _mm_t(W, att_kw[...]) + att_kb[...]
        V = _mm_t(W, att_vw[...]) + att_vb[...]
        scores = _mm_t(Q, K) / jnp.sqrt(jnp.float32(H))
        m = jnp.max(scores, axis=-1, keepdims=True)
        e = jnp.exp(scores - m)
        att = _mm(e / jnp.sum(e, axis=-1, keepdims=True), V)
        g = jax.nn.sigmoid(att_gate[...])
        return g * att + (1.0 - g) * W

    W0 = evolve(gcn_W0, g0_uW, g0_uU, g0_ub, g0_rW, g0_rU, g0_rb,
                g0_hW, g0_hU, g0_hb)
    W1 = evolve(gcn_W1, g1_uW, g1_uU, g1_ub, g1_rW, g1_rU, g1_rb,
                g1_hW, g1_hU, g1_hb)
    wa0_ref[...] = attention(W0)
    wa1_ref[...] = attention(W1)


def _tc_node_body(x2, degp, wa0, hw0_ref, s_out_ref, s_in_ref):
    deg_src = degp[0, :N, :] + degp[1, :N, :]
    deg_dst = degp[0, NP:NP + N, :] + degp[1, NP:NP + N, :]
    s_out = lax.rsqrt(jnp.maximum(deg_src, 1.0))
    s_in = lax.rsqrt(jnp.maximum(deg_dst, 1.0))
    s_out_ref[...] = s_out
    s_in_ref[...] = s_in
    hw0_ref[...] = _mm(x2[...] * s_out, wa0[...])


def _tc_layer_body(aggp, s_in, s_out, wa1, hw1_ref):
    agg = aggp[0, :N, :] + aggp[1, :N, :]
    rst = agg * s_in[...]
    feat = jnp.where(rst >= 0, rst, SLOPE * rst)
    hw1_ref[...] = _mm(feat * s_out[...], wa1[...])


def _tc_final_body(aggp, s_in, out_ref):
    agg = aggp[0, :N, :] + aggp[1, :N, :]
    rst = agg * s_in[...]
    out_ref[...] = jnp.where(rst >= 0, rst, SLOPE * rst)


_f32 = jnp.float32

_tc_weights = pl.pallas_call(
    _tc_weights_body,
    out_shape=(jax.ShapeDtypeStruct((H, H), _f32),
               jax.ShapeDtypeStruct((H, H), _f32)),
)

_tc_node = pl.pallas_call(
    _tc_node_body,
    out_shape=(jax.ShapeDtypeStruct((N, H), _f32),
               jax.ShapeDtypeStruct((N, 1), _f32),
               jax.ShapeDtypeStruct((N, 1), _f32)),
)

_tc_layer = pl.pallas_call(
    _tc_layer_body,
    out_shape=jax.ShapeDtypeStruct((N, H), _f32),
)

_tc_final = pl.pallas_call(
    _tc_final_body,
    out_shape=jax.ShapeDtypeStruct((N, H), _f32),
)


def kernel(x, edge_index, gcn_W0, gcn_W1,
           g0_uW, g0_uU, g0_ub, g0_rW, g0_rU, g0_rb, g0_hW, g0_hU, g0_hb,
           g1_uW, g1_uU, g1_ub, g1_rW, g1_rU, g1_rb, g1_hW, g1_hU, g1_hb,
           att_qw, att_qb, att_kw, att_kb, att_vw, att_vb, att_gate):
    x2 = x[T - 1]
    src = edge_index[T - 1, 0]
    dst = edge_index[T - 1, 1]

    degp = _sc_degrees(src, dst).reshape(NC, DEG_NP, 1)
    wa0, wa1 = _tc_weights(gcn_W0, gcn_W1,
                           g0_uW, g0_uU, g0_ub, g0_rW, g0_rU, g0_rb,
                           g0_hW, g0_hU, g0_hb,
                           g1_uW, g1_uU, g1_ub, g1_rW, g1_rU, g1_rb,
                           g1_hW, g1_hU, g1_hb,
                           att_qw, att_qb, att_kw, att_kb, att_vw, att_vb,
                           att_gate)
    hw0, s_out, s_in = _tc_node(x2, degp, wa0)
    aggp0 = _sc_aggregate(hw0, src, dst)
    hw1 = _tc_layer(aggp0, s_in, s_out, wa1)
    aggp1 = _sc_aggregate(hw1, src, dst)
    return _tc_final(aggp1, s_in)

# --- scband reference (transcript-rebuilt; emitter-appended) ---
"""Pipeline reference for scband-tgsan-21303037788694 (READ-ONLY COPY).

The authoritative reference and input builder live on the scoring server;
editing this copy changes nothing except your own understanding.
"""

import jax, jax.numpy as jnp
import numpy as np

T, N, E, D, H = 3, 10000, 320000, 128, 128
SLOPE = (1.0 / 8.0 + 1.0 / 3.0) / 2.0


def setup_inputs(seed: int = 0):
    key = jax.random.key(seed)
    ks = jax.random.split(key, 40)
    inp = {}
    inp['x'] = jax.random.normal(ks[0], (T, N, D), dtype=jnp.float32)
    inp['edge_index'] = jax.random.randint(ks[1], (T, 2, E), 0, N, dtype=jnp.int32)
    s = 1.0 / np.sqrt(H)
    idx = [2]

    def mat(shape):
        m = jax.random.normal(ks[idx[0]], shape, dtype=jnp.float32) * s
        idx[0] += 1
        return m
    inp['gcn_W0'] = mat((D, H))
    inp['gcn_W1'] = mat((H, H))
    for l in range(2):
        for g in ('u', 'r', 'h'):
            inp['g%d_%sW' % (l, g)] = mat((H, H))
            inp['g%d_%sU' % (l, g)] = mat((H, H))
            inp['g%d_%sb' % (l, g)] = jnp.zeros((H, H), dtype=jnp.float32)
    inp['att_qw'] = mat((H, H)); inp['att_qb'] = jnp.zeros((H,), jnp.float32)
    inp['att_kw'] = mat((H, H)); inp['att_kb'] = jnp.zeros((H,), jnp.float32)
    inp['att_vw'] = mat((H, H)); inp['att_vb'] = jnp.zeros((H,), jnp.float32)
    inp['att_gate'] = jax.random.normal(ks[35], (1,), dtype=jnp.float32)
    return inp


def _gru_cell(p, prev_Q):
    uW, uU, ub, rW, rU, rb, hW, hU, hb = p
    z = prev_Q
    update = jax.nn.sigmoid(uW @ z + uU @ prev_Q + ub)
    reset = jax.nn.sigmoid(rW @ z + rU @ prev_Q + rb)
    h_cap = reset * prev_Q
    h_cap = jnp.tanh(hW @ z + hU @ h_cap + hb)
    return (1.0 - update) * prev_Q + update * h_cap


def _attention(Ws, qw, qb, kw, kb, vw, vb, gate):
    Q = Ws @ qw.T + qb
    K = Ws @ kw.T + kb
    V = Ws @ vw.T + vb
    scores = jnp.matmul(Q, jnp.swapaxes(K, -2, -1)) / jnp.sqrt(jnp.float32(H))
    att = jnp.matmul(jax.nn.softmax(scores, axis=-1), V)
    g = jax.nn.sigmoid(gate)
    return g * att + (1.0 - g) * Ws


def _graph_conv(feat, w, src, dst):
    deg_out = jnp.clip(jnp.zeros((N,), jnp.float32).at[src].add(1.0), 1.0, None)
    h = feat * (deg_out ** -0.5)[:, None]
    agg = jnp.zeros((N, feat.shape[1]), jnp.float32).at[dst].add(h[src])
    rst = agg @ w
    deg_in = jnp.clip(jnp.zeros((N,), jnp.float32).at[dst].add(1.0), 1.0, None)
    rst = rst * (deg_in ** -0.5)[:, None]
    return jnp.where(rst >= 0, rst, SLOPE * rst)


def _forward(x, edge_index, gcn_Ws, gru_params, att_params):
    feats = [x[j] for j in range(T)]
    for i in range(2):
        W = gcn_Ws[i]
        Ws = []
        for j in range(T):
            W = _gru_cell(gru_params[i], W)
            Ws.append(W)
        Ws = jnp.stack(Ws, axis=0)
        Wa = _attention(Ws, *att_params)
        for j in range(T):
            W = _gru_cell(gru_params[i], W)
            feats[j] = _graph_conv(feats[j], Wa[j], edge_index[j, 0], edge_index[j, 1])
    return feats[-1]


def reference(x, edge_index, gcn_W0, gcn_W1, g0_uW, g0_uU, g0_ub, g0_rW, g0_rU, g0_rb, g0_hW, g0_hU, g0_hb, g1_uW, g1_uU, g1_ub, g1_rW, g1_rU, g1_rb, g1_hW, g1_hU, g1_hb, att_qw, att_qb, att_kw, att_kb, att_vw, att_vb, att_gate):
    gru0 = (g0_uW, g0_uU, g0_ub, g0_rW, g0_rU, g0_rb, g0_hW, g0_hU, g0_hb)
    gru1 = (g1_uW, g1_uU, g1_ub, g1_rW, g1_rU, g1_rb, g1_hW, g1_hU, g1_hb)
    att = (att_qw, att_qb, att_kw, att_kb, att_vw, att_vb, att_gate)
    return _forward(x, edge_index, (gcn_W0, gcn_W1), (gru0, gru1), att)

if __name__ == "__main__":
    import jax
    _d = setup_inputs()
    print(jax.jit(kernel)(*tuple(_d.values())))

</pallas_src>

<mosaic_0001>
#map = affine_map<(d0, d1) -> (0, 0)>
#map1 = affine_map<(d0, d1) -> (0)>
#map2 = affine_map<(d0, d1) -> (0, 0, 0)>
module attributes {stable_mosaic.version = 14 : i64} {
  func.func @_sc_aggregate(%arg0: i32, %arg1: i32, %arg2: memref<10000x128xf32, #tpu.memory_space<hbm>>, %arg3: memref<320000xi32, #tpu.memory_space<hbm>>, %arg4: memref<320000xi32, #tpu.memory_space<hbm>>, %arg5: memref<2x10240x128xf32, #tpu.memory_space<hbm>>, %arg6: memref<80xi32, #tpu.memory_space<vmem>>, %arg7: memref<80xi32, #tpu.memory_space<vmem>>, %arg8: memref<80xi32, #tpu.memory_space<vmem>>, %arg9: memref<80xi32, #tpu.memory_space<vmem>>, %arg10: memref<80xi32, #tpu.memory_space<vmem>>, %arg11: memref<80xi32, #tpu.memory_space<vmem>>, %arg12: memref<80xi32, #tpu.memory_space<vmem>>, %arg13: memref<80xi32, #tpu.memory_space<vmem>>, %arg14: memref<80x128xf32, #tpu.memory_space<vmem>>, %arg15: memref<80x128xf32, #tpu.memory_space<vmem>>, %arg16: memref<80x128xf32, #tpu.memory_space<vmem>>, %arg17: memref<80x128xf32, #tpu.memory_space<vmem>>, %arg18: memref<10240x128xf32, #tpu.memory_space<vmem_shared>>, %arg19: memref<!tpu.dma_semaphore, #tpu.memory_space<semaphore_mem>>, %arg20: memref<!tpu.dma_semaphore, #tpu.memory_space<semaphore_mem>>, %arg21: memref<!tpu.dma_semaphore, #tpu.memory_space<semaphore_mem>>, %arg22: memref<!tpu.dma_semaphore, #tpu.memory_space<semaphore_mem>>, %arg23: memref<!tpu.dma_semaphore, #tpu.memory_space<semaphore_mem>>, %arg24: memref<!tpu.dma_semaphore, #tpu.memory_space<semaphore_mem>>, %arg25: memref<!tpu.dma_semaphore, #tpu.memory_space<semaphore_mem>>, %arg26: memref<!tpu.dma_semaphore, #tpu.memory_space<semaphore_mem>>) attributes {dimension_semantics = [#tpu.dimension_semantics<core_parallel>, #tpu.dimension_semantics<subcore_parallel>], iteration_bounds = array<i64: 2, 16>, scalar_prefetch = 0 : i64, scratch_operands = 21 : i64, tpu.core_type = #tpu.core_type<sc_vector_subcore>, window_params = [{transform_indices = #map}, {transform_indices = #map1}, {transform_indices = #map1}, {transform_indices = #map2}]} {
    %mul3A = arith.constant 16 : i32
    %mul3A_0 = arith.muli %arg0, %mul3A : i32
    %add3A = arith.addi %mul3A_0, %arg1 : i32
    %scan3A = arith.constant 0 : i32
    %scan3A_1 = arith.constant 0 : i32
    %scan3A_2 = arith.constant 80 : i32
    %scan3A_3 = arith.addi %scan3A_1, %scan3A_2 : i32
    %scan3A_4 = arith.constant 1 : i32
    scf.for %scan3A_129 = %scan3A_1 to %scan3A_3 step %scan3A_4  : i32 {
      %broadcast_in_dim3A = arith.constant 0.000000e+00 : f32
      %broadcast_in_dim3A_130 = vector.broadcast %broadcast_in_dim3A : f32 to vector<16xf32>
      %swap3A = arith.index_cast %scan3A_129 : i32 to index
      %swap3A_131 = arith.constant 0 : index
      %swap3A_132 = tpu.vector_load %arg14[%swap3A, %swap3A_131] {strides = array<i32>} : memref<80x128xf32, #tpu.memory_space<vmem>>, vector<1x16xf32>,
      %swap3A_133 = vector.shape_cast %swap3A_132 : vector<1x16xf32> to vector<16xf32>
      %swap3A_134 = vector.shape_cast %broadcast_in_dim3A_130 : vector<16xf32> to vector<1x16xf32>
      tpu.vector_store %arg14[%swap3A, %swap3A_131], %swap3A_134 {strides = array<i32>} : memref<80x128xf32, #tpu.memory_space<vmem>>, vector<1x16xf32>,
      %broadcast_in_dim3A_135 = arith.constant 0.000000e+00 : f32
      %broadcast_in_dim3A_136 = vector.broadcast %broadcast_in_dim3A_135 : f32 to vector<16xf32>
      %swap3A_137 = arith.index_cast %scan3A_129 : i32 to index
      %swap3A_138 = arith.constant 16 : index
      %swap3A_139 = tpu.vector_load %arg14[%swap3A_137, %swap3A_138] {strides = array<i32>} : memref<80x128xf32, #tpu.memory_space<vmem>>, vector<1x16xf32>,
      %swap3A_140 = vector.shape_cast %swap3A_139 : vector<1x16xf32> to vector<16xf32>
      %swap3A_141 = vector.shape_cast %broadcast_in_dim3A_136 : vector<16xf32> to vector<1x16xf32>
      tpu.vector_store %arg14[%swap3A_137, %swap3A_138], %swap3A_141 {strides = array<i32>} : memref<80x128xf32, #tpu.memory_space<vmem>>, vector<1x16xf32>,
      %broadcast_in_dim3A_142 = arith.constant 0.000000e+00 : f32
      %broadcast_in_dim3A_143 = vector.broadcast %broadcast_in_dim3A_142 : f32 to vector<16xf32>
      %swap3A_144 = arith.index_cast %scan3A_129 : i32 to index
      %swap3A_145 = arith.constant 32 : index
      %swap3A_146 = tpu.vector_load %arg14[%swap3A_144, %swap3A_145] {strides = array<i32>} : memref<80x128xf32, #tpu.memory_space<vmem>>, vector<1x16xf32>,
      %swap3A_147 = vector.shape_cast %swap3A_146 : vector<1x16xf32> to vector<16xf32>
      %swap3A_148 = vector.shape_cast %broadcast_in_dim3A_143 : vector<16xf32> to vector<1x16xf32>
      tpu.vector_store %arg14[%swap3A_144, %swap3A_145], %swap3A_148 {strides = array<i32>} : memref<80x128xf32, #tpu.memory_space<vmem>>, vector<1x16xf32>,
      %broadcast_in_dim3A_149 = arith.constant 0.000000e+00 : f32
      %broadcast_in_dim3A_150 = vector.broadcast %broadcast_in_dim3A_149 : f32 to vector<16xf32>
      %swap3A_151 = arith.index_cast %scan3A_129 : i32 to index
      %swap3A_152 = arith.constant 48 : index
      %swap3A_153 = tpu.vector_load %arg14[%swap3A_151, %swap3A_152] {strides = array<i32>} : memref<80x128xf32, #tpu.memory_space<vmem>>, vector<1x16xf32>,
      %swap3A_154 = vector.shape_cast %swap3A_153 : vector<1x16xf32> to vector<16xf32>
      %swap3A_155 = vector.shape_cast %broadcast_in_dim3A_150 : vector<16xf32> to vector<1x16xf32>
      tpu.vector_store %arg14[%swap3A_151, %swap3A_152], %swap3A_155 {strides = array<i32>} : memref<80x128xf32, #tpu.memory_space<vmem>>, vector<1x16xf32>,
      %broadcast_in_dim3A_156 = arith.constant 0.000000e+00 : f32
      %broadcast_in_dim3A_157 = vector.broadcast %broadcast_in_dim3A_156 : f32 to vector<16xf32>
      %swap3A_158 = arith.index_cast %scan3A_129 : i32 to index
      %swap3A_159 = arith.constant 64 : index
      %swap3A_160 = tpu.vector_load %arg14[%swap3A_158, %swap3A_159] {strides = array<i32>} : memref<80x128xf32, #tpu.memory_space<vmem>>, vector<1x16xf32>,
      %swap3A_161 = vector.shape_cast %swap3A_160 : vector<1x16xf32> to vector<16xf32>
      %swap3A_162 = vector.shape_cast %broadcast_in_dim3A_157 : vector<16xf32> to vector<1x16xf32>
      tpu.vector_store %arg14[%swap3A_158, %swap3A_159], %swap3A_162 {strides = array<i32>} : memref<80x128xf32, #tpu.memory_space<vmem>>, vector<1x16xf32>,
      %broadcast_in_dim3A_163 = arith.constant 0.000000e+00 : f32
      %broadcast_in_dim3A_164 = vector.broadcast %broadcast_in_dim3A_163 : f32 to vector<16xf32>
      %swap3A_165 = arith.index_cast %scan3A_129 : i32 to index
      %swap3A_166 = arith.constant 80 : index
      %swap3A_167 = tpu.vector_load %arg14[%swap3A_165, %swap3A_166] {strides = array<i32>} : memref<80x128xf32, #tpu.memory_space<vmem>>, vector<1x16xf32>,
      %swap3A_168 = vector.shape_cast %swap3A_167 : vector<1x16xf32> to vector<16xf32>
      %swap3A_169 = vector.shape_cast %broadcast_in_dim3A_164 : vector<16xf32> to vector<1x16xf32>
      tpu.vector_store %arg14[%swap3A_165, %swap3A_166], %swap3A_169 {strides = array<i32>} : memref<80x128xf32, #tpu.memory_space<vmem>>, vector<1x16xf32>,
      %broadcast_in_dim3A_170 = arith.constant 0.000000e+00 : f32
      %broadcast_in_dim3A_171 = vector.broadcast %broadcast_in_dim3A_170 : f32 to vector<16xf32>
      %swap3A_172 = arith.index_cast %scan3A_129 : i32 to index
      %swap3A_173 = arith.constant 96 : index
      %swap3A_174 = tpu.vector_load %arg14[%swap3A_172, %swap3A_173] {strides = array<i32>} : memref<80x128xf32, #tpu.memory_space<vmem>>, vector<1x16xf32>,
      %swap3A_175 = vector.shape_cast %swap3A_174 : vector<1x16xf32> to vector<16xf32>
      %swap3A_176 = vector.shape_cast %broadcast_in_dim3A_171 : vector<16xf32> to vector<1x16xf32>
      tpu.vector_store %arg14[%swap3A_172, %swap3A_173], %swap3A_176 {strides = array<i32>} : memref<80x128xf32, #tpu.memory_space<vmem>>, vector<1x16xf32>,
      %broadcast_in_dim3A_177 = arith.constant 0.000000e+00 : f32
      %broadcast_in_dim3A_178 = vector.broadcast %broadcast_in_dim3A_177 : f32 to vector<16xf32>
      %swap3A_179 = arith.index_cast %scan3A_129 : i32 to index
      %swap3A_180 = arith.constant 112 : index
      %swap3A_181 = tpu.vector_load %arg14[%swap3A_179, %swap3A_180] {strides = array<i32>} : memref<80x128xf32, #tpu.memory_space<vmem>>, vector<1x16xf32>,
      %swap3A_182 = vector.shape_cast %swap3A_181 : vector<1x16xf32> to vector<16xf32>
      %swap3A_183 = vector.shape_cast %broadcast_in_dim3A_178 : vector<16xf32> to vector<1x16xf32>
      tpu.vector_store %arg14[%swap3A_179, %swap3A_180], %swap3A_183 {strides = array<i32>} : memref<80x128xf32, #tpu.memory_space<vmem>>, vector<1x16xf32>,
    }
    %scan3A_5 = arith.constant 80 : i32
    %mul3A_6 = arith.constant 640 : i32
    %mul3A_7 = arith.muli %arg1, %mul3A_6 : i32
    %add3A_8 = arith.constant 0 : i32
    %add3A_9 = arith.addi %mul3A_7, %add3A_8 : i32
    "tpu.region"() ({
      %run_scoped3A = tpu.sem_alloc : memref<!tpu.dma_semaphore, #tpu.memory_space<semaphore_mem>>
      %dma_start3A_129 = arith.constant 0 : i32
      %dma_start3A_130 = tpu.memref_slice %arg18[%add3A_9, %dma_start3A_129] : memref<10240x128xf32, #tpu.memory_space<vmem_shared>> -> memref<80x128xf32, #tpu.memory_space<vmem_shared>>
      %dma_start3A_131 = arith.constant 0 : i32
      %dma_start3A_132 = tpu.memref_slice %arg18[%add3A_9, %dma_start3A_131] : memref<10240x128xf32, #tpu.memory_space<vmem_shared>> -> memref<80x128xf32, #tpu.memory_space<vmem_shared>>
      tpu.enqueue_dma source(%arg14 : memref<80x128xf32, #tpu.memory_space<vmem>>) target(%dma_start3A_132 : memref<80x128xf32, #tpu.memory_space<vmem_shared>>) target_semaphore(%run_scoped3A : memref<!tpu.dma_semaphore, #tpu.memory_space<semaphore_mem>>)
      %dma_wait3A_133 = arith.constant 0 : i32
      %dma_wait3A_134 = tpu.memref_slice %arg18[%add3A_9, %dma_wait3A_133] : memref<10240x128xf32, #tpu.memory_space<vmem_shared>> -> memref<80x128xf32, #tpu.memory_space<vmem_shared>>
      %dma_wait3A_135 = arith.constant 0 : i32
      %dma_wait3A_136 = tpu.memref_slice %arg18[%add3A_9, %dma_wait3A_135] : memref<10240x128xf32, #tpu.memory_space<vmem_shared>> -> memref<80x128xf32, #tpu.memory_space<vmem_shared>>
      tpu.wait_dma2 semaphore(%run_scoped3A : memref<!tpu.dma_semaphore, #tpu.memory_space<semaphore_mem>>) src(%arg14 : memref<80x128xf32, #tpu.memory_space<vmem>>) dst(%dma_wait3A_136 : memref<80x128xf32, #tpu.memory_space<vmem_shared>>)
      tpu.yield
    }) : () -> ()
    %mul3A_10 = arith.constant 640 : i32
    %mul3A_11 = arith.muli %arg1, %mul3A_10 : i32
    %add3A_12 = arith.constant 80 : i32
    %add3A_13 = arith.addi %mul3A_11, %add3A_12 : i32
    "tpu.region"() ({
      %run_scoped3A = tpu.sem_alloc : memref<!tpu.dma_semaphore, #tpu.memory_space<semaphore_mem>>
      %dma_start3A_129 = arith.constant 0 : i32
      %dma_start3A_130 = tpu.memref_slice %arg18[%add3A_13, %dma_start3A_129] : memref<10240x128xf32, #tpu.memory_space<vmem_shared>> -> memref<80x128xf32, #tpu.memory_space<vmem_shared>>
      %dma_start3A_131 = arith.constant 0 : i32
      %dma_start3A_132 = tpu.memref_slice %arg18[%add3A_13, %dma_start3A_131] : memref<10240x128xf32, #tpu.memory_space<vmem_shared>> -> memref<80x128xf32, #tpu.memory_space<vmem_shared>>
      tpu.enqueue_dma source(%arg14 : memref<80x128xf32, #tpu.memory_space<vmem>>) target(%dma_start3A_132 : memref<80x128xf32, #tpu.memory_space<vmem_shared>>) target_semaphore(%run_scoped3A : memref<!tpu.dma_semaphore, #tpu.memory_space<semaphore_mem>>)
      %dma_wait3A_133 = arith.constant 0 : i32
      %dma_wait3A_134 = tpu.memref_slice %arg18[%add3A_13, %dma_wait3A_133] : memref<10240x128xf32, #tpu.memory_space<vmem_shared>> -> memref<80x128xf32, #tpu.memory_space<vmem_shared>>
      %dma_wait3A_135 = arith.constant 0 : i32
      %dma_wait3A_136 = tpu.memref_slice %arg18[%add3A_13, %dma_wait3A_135] : memref<10240x128xf32, #tpu.memory_space<vmem_shared>> -> memref<80x128xf32, #tpu.memory_space<vmem_shared>>
      tpu.wait_dma2 semaphore(%run_scoped3A : memref<!tpu.dma_semaphore, #tpu.memory_space<semaphore_mem>>) src(%arg14 : memref<80x128xf32, #tpu.memory_space<vmem>>) dst(%dma_wait3A_136 : memref<80x128xf32, #tpu.memory_space<vmem_shared>>)
      tpu.yield
    }) : () -> ()
    %mul3A_14 = arith.constant 640 : i32
    %mul3A_15 = arith.muli %arg1, %mul3A_14 : i32
    %add3A_16 = arith.constant 160 : i32
    %add3A_17 = arith.addi %mul3A_15, %add3A_16 : i32
    "tpu.region"() ({
      %run_scoped3A = tpu.sem_alloc : memref<!tpu.dma_semaphore, #tpu.memory_space<semaphore_mem>>
      %dma_start3A_129 = arith.constant 0 : i32
      %dma_start3A_130 = tpu.memref_slice %arg18[%add3A_17, %dma_start3A_129] : memref<10240x128xf32, #tpu.memory_space<vmem_shared>> -> memref<80x128xf32, #tpu.memory_space<vmem_shared>>
      %dma_start3A_131 = arith.constant 0 : i32
      %dma_start3A_132 = tpu.memref_slice %arg18[%add3A_17, %dma_start3A_131] : memref<10240x128xf32, #tpu.memory_space<vmem_shared>> -> memref<80x128xf32, #tpu.memory_space<vmem_shared>>
      tpu.enqueue_dma source(%arg14 : memref<80x128xf32, #tpu.memory_space<vmem>>) target(%dma_start3A_132 : memref<80x128xf32, #tpu.memory_space<vmem_shared>>) target_semaphore(%run_scoped3A : memref<!tpu.dma_semaphore, #tpu.memory_space<semaphore_mem>>)
      %dma_wait3A_133 = arith.constant 0 : i32
      %dma_wait3A_134 = tpu.memref_slice %arg18[%add3A_17, %dma_wait3A_133] : memref<10240x128xf32, #tpu.memory_space<vmem_shared>> -> memref<80x128xf32, #tpu.memory_space<vmem_shared>>
      %dma_wait3A_135 = arith.constant 0 : i32
      %dma_wait3A_136 = tpu.memref_slice %arg18[%add3A_17, %dma_wait3A_135] : memref<10240x128xf32, #tpu.memory_space<vmem_shared>> -> memref<80x128xf32, #tpu.memory_space<vmem_shared>>
      tpu.wait_dma2 semaphore(%run_scoped3A : memref<!tpu.dma_semaphore, #tpu.memory_space<semaphore_mem>>) src(%arg14 : memref<80x128xf32, #tpu.memory_space<vmem>>) dst(%dma_wait3A_136 : memref<80x128xf32, #tpu.memory_space<vmem_shared>>)
      tpu.yield
    }) : () -> ()
    %mul3A_18 = arith.constant 640 : i32
    %mul3A_19 = arith.muli %arg1, %mul3A_18 : i32
    %add3A_20 = arith.constant 240 : i32
    %add3A_21 = arith.addi %mul3A_19, %add3A_20 : i32
    "tpu.region"() ({
      %run_scoped3A = tpu.sem_alloc : memref<!tpu.dma_semaphore, #tpu.memory_space<semaphore_mem>>
      %dma_start3A_129 = arith.constant 0 : i32
      %dma_start3A_130 = tpu.memref_slice %arg18[%add3A_21, %dma_start3A_129] : memref<10240x128xf32, #tpu.memory_space<vmem_shared>> -> memref<80x128xf32, #tpu.memory_space<vmem_shared>>
      %dma_start3A_131 = arith.constant 0 : i32
      %dma_start3A_132 = tpu.memref_slice %arg18[%add3A_21, %dma_start3A_131] : memref<10240x128xf32, #tpu.memory_space<vmem_shared>> -> memref<80x128xf32, #tpu.memory_space<vmem_shared>>
      tpu.enqueue_dma source(%arg14 : memref<80x128xf32, #tpu.memory_space<vmem>>) target(%dma_start3A_132 : memref<80x128xf32, #tpu.memory_space<vmem_shared>>) target_semaphore(%run_scoped3A : memref<!tpu.dma_semaphore, #tpu.memory_space<semaphore_mem>>)
      %dma_wait3A_133 = arith.constant 0 : i32
      %dma_wait3A_134 = tpu.memref_slice %arg18[%add3A_21, %dma_wait3A_133] : memref<10240x128xf32, #tpu.memory_space<vmem_shared>> -> memref<80x128xf32, #tpu.memory_space<vmem_shared>>
      %dma_wait3A_135 = arith.constant 0 : i32
      %dma_wait3A_136 = tpu.memref_slice %arg18[%add3A_21, %dma_wait3A_135] : memref<10240x128xf32, #tpu.memory_space<vmem_shared>> -> memref<80x128xf32, #tpu.memory_space<vmem_shared>>
      tpu.wait_dma2 semaphore(%run_scoped3A : memref<!tpu.dma_semaphore, #tpu.memory_space<semaphore_mem>>) src(%arg14 : memref<80x128xf32, #tpu.memory_space<vmem>>) dst(%dma_wait3A_136 : memref<80x128xf32, #tpu.memory_space<vmem_shared>>)
      tpu.yield
    }) : () -> ()
    %mul3A_22 = arith.constant 640 : i32
    %mul3A_23 = arith.muli %arg1, %mul3A_22 : i32
    %add3A_24 = arith.constant 320 : i32
    %add3A_25 = arith.addi %mul3A_23, %add3A_24 : i32
    "tpu.region"() ({
      %run_scoped3A = tpu.sem_alloc : memref<!tpu.dma_semaphore, #tpu.memory_space<semaphore_mem>>
      %dma_start3A_129 = arith.constant 0 : i32
      %dma_start3A_130 = tpu.memref_slice %arg18[%add3A_25, %dma_start3A_129] : memref<10240x128xf32, #tpu.memory_space<vmem_shared>> -> memref<80x128xf32, #tpu.memory_space<vmem_shared>>
      %dma_start3A_131 = arith.constant 0 : i32
      %dma_start3A_132 = tpu.memref_slice %arg18[%add3A_25, %dma_start3A_131] : memref<10240x128xf32, #tpu.memory_space<vmem_shared>> -> memref<80x128xf32, #tpu.memory_space<vmem_shared>>
      tpu.enqueue_dma source(%arg14 : memref<80x128xf32, #tpu.memory_space<vmem>>) target(%dma_start3A_132 : memref<80x128xf32, #tpu.memory_space<vmem_shared>>) target_semaphore(%run_scoped3A : memref<!tpu.dma_semaphore, #tpu.memory_space<semaphore_mem>>)
      %dma_wait3A_133 = arith.constant 0 : i32
      %dma_wait3A_134 = tpu.memref_slice %arg18[%add3A_25, %dma_wait3A_133] : memref<10240x128xf32, #tpu.memory_space<vmem_shared>> -> memref<80x128xf32, #tpu.memory_space<vmem_shared>>
      %dma_wait3A_135 = arith.constant 0 : i32
      %dma_wait3A_136 = tpu.memref_slice %arg18[%add3A_25, %dma_wait3A_135] : memref<10240x128xf32, #tpu.memory_space<vmem_shared>> -> memref<80x128xf32, #tpu.memory_space<vmem_shared>>
      tpu.wait_dma2 semaphore(%run_scoped3A : memref<!tpu.dma_semaphore, #tpu.memory_space<semaphore_mem>>) src(%arg14 : memref<80x128xf32, #tpu.memory_space<vmem>>) dst(%dma_wait3A_136 : memref<80x128xf32, #tpu.memory_space<vmem_shared>>)
      tpu.yield
    }) : () -> ()
    %mul3A_26 = arith.constant 640 : i32
    %mul3A_27 = arith.muli %arg1, %mul3A_26 : i32
    %add3A_28 = arith.constant 400 : i32
    %add3A_29 = arith.addi %mul3A_27, %add3A_28 : i32
    "tpu.region"() ({
      %run_scoped3A = tpu.sem_alloc : memref<!tpu.dma_semaphore, #tpu.memory_space<semaphore_mem>>
      %dma_start3A_129 = arith.constant 0 : i32
      %dma_start3A_130 = tpu.memref_slice %arg18[%add3A_29, %dma_start3A_129] : memref<10240x128xf32, #tpu.memory_space<vmem_shared>> -> memref<80x128xf32, #tpu.memory_space<vmem_shared>>
      %dma_start3A_131 = arith.constant 0 : i32
      %dma_start3A_132 = tpu.memref_slice %arg18[%add3A_29, %dma_start3A_131] : memref<10240x128xf32, #tpu.memory_space<vmem_shared>> -> memref<80x128xf32, #tpu.memory_space<vmem_shared>>
      tpu.enqueue_dma source(%arg14 : memref<80x128xf32, #tpu.memory_space<vmem>>) target(%dma_start3A_132 : memref<80x128xf32, #tpu.memory_space<vmem_shared>>) target_semaphore(%run_scoped3A : memref<!tpu.dma_semaphore, #tpu.memory_space<semaphore_mem>>)
      %dma_wait3A_133 = arith.constant 0 : i32
      %dma_wait3A_134 = tpu.memref_slice %arg18[%add3A_29, %dma_wait3A_133] : memref<10240x128xf32, #tpu.memory_space<vmem_shared>> -> memref<80x128xf32, #tpu.memory_space<vmem_shared>>
      %dma_wait3A_135 = arith.constant 0 : i32
      %dma_wait3A_136 = tpu.memref_slice %arg18[%add3A_29, %dma_wait3A_135] : memref<10240x128xf32, #tpu.memory_space<vmem_shared>> -> memref<80x128xf32, #tpu.memory_space<vmem_shared>>
      tpu.wait_dma2 semaphore(%run_scoped3A : memref<!tpu.dma_semaphore, #tpu.memory_space<semaphore_mem>>) src(%arg14 : memref<80x128xf32, #tpu.memory_space<vmem>>) dst(%dma_wait3A_136 : memref<80x128xf32, #tpu.memory_space<vmem_shared>>)
      tpu.yield
    }) : () -> ()
    %mul3A_30 = arith.constant 640 : i32
    %mul3A_31 = arith.muli %arg1, %mul3A_30 : i32
    %add3A_32 = arith.constant 480 : i32
    %add3A_33 = arith.addi %mul3A_31, %add3A_32 : i32
    "tpu.region"() ({
      %run_scoped3A = tpu.sem_alloc : memref<!tpu.dma_semaphore, #tpu.memory_space<semaphore_mem>>
      %dma_start3A_129 = arith.constant 0 : i32
      %dma_start3A_130 = tpu.memref_slice %arg18[%add3A_33, %dma_start3A_129] : memref<10240x128xf32, #tpu.memory_space<vmem_shared>> -> memref<80x128xf32, #tpu.memory_space<vmem_shared>>
      %dma_start3A_131 = arith.constant 0 : i32
      %dma_start3A_132 = tpu.memref_slice %arg18[%add3A_33, %dma_start3A_131] : memref<10240x128xf32, #tpu.memory_space<vmem_shared>> -> memref<80x128xf32, #tpu.memory_space<vmem_shared>>
      tpu.enqueue_dma source(%arg14 : memref<80x128xf32, #tpu.memory_space<vmem>>) target(%dma_start3A_132 : memref<80x128xf32, #tpu.memory_space<vmem_shared>>) target_semaphore(%run_scoped3A : memref<!tpu.dma_semaphore, #tpu.memory_space<semaphore_mem>>)
      %dma_wait3A_133 = arith.constant 0 : i32
      %dma_wait3A_134 = tpu.memref_slice %arg18[%add3A_33, %dma_wait3A_133] : memref<10240x128xf32, #tpu.memory_space<vmem_shared>> -> memref<80x128xf32, #tpu.memory_space<vmem_shared>>
      %dma_wait3A_135 = arith.constant 0 : i32
      %dma_wait3A_136 = tpu.memref_slice %arg18[%add3A_33, %dma_wait3A_135] : memref<10240x128xf32, #tpu.memory_space<vmem_shared>> -> memref<80x128xf32, #tpu.memory_space<vmem_shared>>
      tpu.wait_dma2 semaphore(%run_scoped3A : memref<!tpu.dma_semaphore, #tpu.memory_space<semaphore_mem>>) src(%arg14 : memref<80x128xf32, #tpu.memory_space<vmem>>) dst(%dma_wait3A_136 : memref<80x128xf32, #tpu.memory_space<vmem_shared>>)
      tpu.yield
    }) : () -> ()
    %mul3A_34 = arith.constant 640 : i32
    %mul3A_35 = arith.muli %arg1, %mul3A_34 : i32
    %add3A_36 = arith.constant 560 : i32
    %add3A_37 = arith.addi %mul3A_35, %add3A_36 : i32
    "tpu.region"() ({
      %run_scoped3A = tpu.sem_alloc : memref<!tpu.dma_semaphore, #tpu.memory_space<semaphore_mem>>
      %dma_start3A_129 = arith.constant 0 : i32
      %dma_start3A_130 = tpu.memref_slice %arg18[%add3A_37, %dma_start3A_129] : memref<10240x128xf32, #tpu.memory_space<vmem_shared>> -> memref<80x128xf32, #tpu.memory_space<vmem_shared>>
      %dma_start3A_131 = arith.constant 0 : i32
      %dma_start3A_132 = tpu.memref_slice %arg18[%add3A_37, %dma_start3A_131] : memref<10240x128xf32, #tpu.memory_space<vmem_shared>> -> memref<80x128xf32, #tpu.memory_space<vmem_shared>>
      tpu.enqueue_dma source(%arg14 : memref<80x128xf32, #tpu.memory_space<vmem>>) target(%dma_start3A_132 : memref<80x128xf32, #tpu.memory_space<vmem_shared>>) target_semaphore(%run_scoped3A : memref<!tpu.dma_semaphore, #tpu.memory_space<semaphore_mem>>)
      %dma_wait3A_133 = arith.constant 0 : i32
      %dma_wait3A_134 = tpu.memref_slice %arg18[%add3A_37, %dma_wait3A_133] : memref<10240x128xf32, #tpu.memory_space<vmem_shared>> -> memref<80x128xf32, #tpu.memory_space<vmem_shared>>
      %dma_wait3A_135 = arith.constant 0 : i32
      %dma_wait3A_136 = tpu.memref_slice %arg18[%add3A_37, %dma_wait3A_135] : memref<10240x128xf32, #tpu.memory_space<vmem_shared>> -> memref<80x128xf32, #tpu.memory_space<vmem_shared>>
      tpu.wait_dma2 semaphore(%run_scoped3A : memref<!tpu.dma_semaphore, #tpu.memory_space<semaphore_mem>>) src(%arg14 : memref<80x128xf32, #tpu.memory_space<vmem>>) dst(%dma_wait3A_136 : memref<80x128xf32, #tpu.memory_space<vmem_shared>>)
      tpu.yield
    }) : () -> ()
    %barrier3A = arith.constant 0 : index
    tpu.barrier barrier_id(%barrier3A)
    %mul3A_38 = arith.constant 10000 : i32
    %mul3A_39 = arith.muli %add3A, %mul3A_38 : i32
    %add3A_40 = arith.constant 0 : i32
    %add3A_41 = arith.addi %mul3A_39, %add3A_40 : i32
    "tpu.region"() ({
      %run_scoped3A = tpu.sem_alloc : memref<!tpu.dma_semaphore, #tpu.memory_space<semaphore_mem>>
      %dma_start3A_129 = tpu.memref_slice %arg3[%add3A_41] : memref<320000xi32, #tpu.memory_space<hbm>> -> memref<80xi32, #tpu.memory_space<hbm>>
      %dma_start3A_130 = tpu.memref_slice %arg3[%add3A_41] : memref<320000xi32, #tpu.memory_space<hbm>> -> memref<80xi32, #tpu.memory_space<hbm>>
      tpu.enqueue_dma source(%dma_start3A_130 : memref<80xi32, #tpu.memory_space<hbm>>) target(%arg6 : memref<80xi32, #tpu.memory_space<vmem>>) target_semaphore(%run_scoped3A : memref<!tpu.dma_semaphore, #tpu.memory_space<semaphore_mem>>)
      %dma_wait3A_131 = tpu.memref_slice %arg3[%add3A_41] : memref<320000xi32, #tpu.memory_space<hbm>> -> memref<80xi32, #tpu.memory_space<hbm>>
      %dma_wait3A_132 = tpu.memref_slice %arg3[%add3A_41] : memref<320000xi32, #tpu.memory_space<hbm>> -> memref<80xi32, #tpu.memory_space<hbm>>
      tpu.wait_dma2 semaphore(%run_scoped3A : memref<!tpu.dma_semaphore, #tpu.memory_space<semaphore_mem>>) src(%dma_wait3A_132 : memref<80xi32, #tpu.memory_space<hbm>>) dst(%arg6 : memref<80xi32, #tpu.memory_space<vmem>>)
      tpu.yield
    }) : () -> ()
    %dma_start3A = arith.constant 0 : i32
    %dma_start3A_42 = arith.constant 0 : i32
    %dma_start3A_43 = tpu.memref_slice %arg2[%dma_start3A, %dma_start3A_42] : memref<10000x128xf32, #tpu.memory_space<hbm>> -> memref<10000x128xf32, #tpu.memory_space<hbm>>
    tpu.enqueue_indirect_dma source(%dma_start3A_43 : memref<10000x128xf32, #tpu.memory_space<hbm>>) target(%arg14 : memref<80x128xf32, #tpu.memory_space<vmem>>) offsets(%arg6 : memref<80xi32, #tpu.memory_space<vmem>>) semaphore(%arg19 : memref<!tpu.dma_semaphore, #tpu.memory_space<semaphore_mem>>)
    %add3A_44 = arith.constant 80 : i32
    %add3A_45 = arith.addi %mul3A_39, %add3A_44 : i32
    "tpu.region"() ({
      %run_scoped3A = tpu.sem_alloc : memref<!tpu.dma_semaphore, #tpu.memory_space<semaphore_mem>>
      %dma_start3A_129 = tpu.memref_slice %arg3[%add3A_45] : memref<320000xi32, #tpu.memory_space<hbm>> -> memref<80xi32, #tpu.memory_space<hbm>>
      %dma_start3A_130 = tpu.memref_slice %arg3[%add3A_45] : memref<320000xi32, #tpu.memory_space<hbm>> -> memref<80xi32, #tpu.memory_space<hbm>>
      tpu.enqueue_dma source(%dma_start3A_130 : memref<80xi32, #tpu.memory_space<hbm>>) target(%arg7 : memref<80xi32, #tpu.memory_space<vmem>>) target_semaphore(%run_scoped3A : memref<!tpu.dma_semaphore, #tpu.memory_space<semaphore_mem>>)
      %dma_wait3A_131 = tpu.memref_slice %arg3[%add3A_45] : memref<320000xi32, #tpu.memory_space<hbm>> -> memref<80xi32, #tpu.memory_space<hbm>>
      %dma_wait3A_132 = tpu.memref_slice %arg3[%add3A_45] : memref<320000xi32, #tpu.memory_space<hbm>> -> memref<80xi32, #tpu.memory_space<hbm>>
      tpu.wait_dma2 semaphore(%run_scoped3A : memref<!tpu.dma_semaphore, #tpu.memory_space<semaphore_mem>>) src(%dma_wait3A_132 : memref<80xi32, #tpu.memory_space<hbm>>) dst(%arg7 : memref<80xi32, #tpu.memory_space<vmem>>)
      tpu.yield
    }) : () -> ()
    %dma_start3A_46 = arith.constant 0 : i32
    %dma_start3A_47 = arith.constant 0 : i32
    %dma_start3A_48 = tpu.memref_slice %arg2[%dma_start3A_46, %dma_start3A_47] : memref<10000x128xf32, #tpu.memory_space<hbm>> -> memref<10000x128xf32, #tpu.memory_space<hbm>>
    tpu.enqueue_indirect_dma source(%dma_start3A_48 : memref<10000x128xf32, #tpu.memory_space<hbm>>) target(%arg15 : memref<80x128xf32, #tpu.memory_space<vmem>>) offsets(%arg7 : memref<80xi32, #tpu.memory_space<vmem>>) semaphore(%arg20 : memref<!tpu.dma_semaphore, #tpu.memory_space<semaphore_mem>>)
    %add3A_49 = arith.constant 160 : i32
    %add3A_50 = arith.addi %mul3A_39, %add3A_49 : i32
    "tpu.region"() ({
      %run_scoped3A = tpu.sem_alloc : memref<!tpu.dma_semaphore, #tpu.memory_space<semaphore_mem>>
      %dma_start3A_129 = tpu.memref_slice %arg3[%add3A_50] : memref<320000xi32, #tpu.memory_space<hbm>> -> memref<80xi32, #tpu.memory_space<hbm>>
      %dma_start3A_130 = tpu.memref_slice %arg3[%add3A_50] : memref<320000xi32, #tpu.memory_space<hbm>> -> memref<80xi32, #tpu.memory_space<hbm>>
      tpu.enqueue_dma source(%dma_start3A_130 : memref<80xi32, #tpu.memory_space<hbm>>) target(%arg8 : memref<80xi32, #tpu.memory_space<vmem>>) target_semaphore(%run_scoped3A : memref<!tpu.dma_semaphore, #tpu.memory_space<semaphore_mem>>)
      %dma_wait3A_131 = tpu.memref_slice %arg3[%add3A_50] : memref<320000xi32, #tpu.memory_space<hbm>> -> memref<80xi32, #tpu.memory_space<hbm>>
      %dma_wait3A_132 = tpu.memref_slice %arg3[%add3A_50] : memref<320000xi32, #tpu.memory_space<hbm>> -> memref<80xi32, #tpu.memory_space<hbm>>
      tpu.wait_dma2 semaphore(%run_scoped3A : memref<!tpu.dma_semaphore, #tpu.memory_space<semaphore_mem>>) src(%dma_wait3A_132 : memref<80xi32, #tpu.memory_space<hbm>>) dst(%arg8 : memref<80xi32, #tpu.memory_space<vmem>>)
      tpu.yield
    }) : () -> ()
    %dma_start3A_51 = arith.constant 0 : i32
    %dma_start3A_52 = arith.constant 0 : i32
    %dma_start3A_53 = tpu.memref_slice %arg2[%dma_start3A_51, %dma_start3A_52] : memref<10000x128xf32, #tpu.memory_space<hbm>> -> memref<10000x128xf32, #tpu.memory_space<hbm>>
    tpu.enqueue_indirect_dma source(%dma_start3A_53 : memref<10000x128xf32, #tpu.memory_space<hbm>>) target(%arg16 : memref<80x128xf32, #tpu.memory_space<vmem>>) offsets(%arg8 : memref<80xi32, #tpu.memory_space<vmem>>) semaphore(%arg21 : memref<!tpu.dma_semaphore, #tpu.memory_space<semaphore_mem>>)
    %dma_wait3A = arith.constant 0 : i32
    %dma_wait3A_54 = arith.constant 0 : i32
    %dma_wait3A_55 = tpu.memref_slice %arg2[%dma_wait3A, %dma_wait3A_54] : memref<10000x128xf32, #tpu.memory_space<hbm>> -> memref<10000x128xf32, #tpu.memory_space<hbm>>
    tpu.wait_indirect_dma semaphore(%arg19 : memref<!tpu.dma_semaphore, #tpu.memory_space<semaphore_mem>>) src(%dma_wait3A_55 : memref<10000x128xf32, #tpu.memory_space<hbm>>) dst(%arg14 : memref<80x128xf32, #tpu.memory_space<vmem>>)
    %add3A_56 = arith.constant 0 : i32
    %add3A_57 = arith.addi %mul3A_39, %add3A_56 : i32
    "tpu.region"() ({
      %run_scoped3A = tpu.sem_alloc : memref<!tpu.dma_semaphore, #tpu.memory_space<semaphore_mem>>
      %dma_start3A_129 = tpu.memref_slice %arg4[%add3A_57] : memref<320000xi32, #tpu.memory_space<hbm>> -> memref<80xi32, #tpu.memory_space<hbm>>
      %dma_start3A_130 = tpu.memref_slice %arg4[%add3A_57] : memref<320000xi32, #tpu.memory_space<hbm>> -> memref<80xi32, #tpu.memory_space<hbm>>
      tpu.enqueue_dma source(%dma_start3A_130 : memref<80xi32, #tpu.memory_space<hbm>>) target(%arg10 : memref<80xi32, #tpu.memory_space<vmem>>) target_semaphore(%run_scoped3A : memref<!tpu.dma_semaphore, #tpu.memory_space<semaphore_mem>>)
      %dma_wait3A_131 = tpu.memref_slice %arg4[%add3A_57] : memref<320000xi32, #tpu.memory_space<hbm>> -> memref<80xi32, #tpu.memory_space<hbm>>
      %dma_wait3A_132 = tpu.memref_slice %arg4[%add3A_57] : memref<320000xi32, #tpu.memory_space<hbm>> -> memref<80xi32, #tpu.memory_space<hbm>>
      tpu.wait_dma2 semaphore(%run_scoped3A : memref<!tpu.dma_semaphore, #tpu.memory_space<semaphore_mem>>) src(%dma_wait3A_132 : memref<80xi32, #tpu.memory_space<hbm>>) dst(%arg10 : memref<80xi32, #tpu.memory_space<vmem>>)
      tpu.yield
    }) : () -> ()
    %dma_start3A_58 = arith.constant 0 : i32
    %dma_start3A_59 = arith.constant 0 : i32
    %dma_start3A_60 = tpu.memref_slice %arg18[%dma_start3A_58, %dma_start3A_59] : memref<10240x128xf32, #tpu.memory_space<vmem_shared>> -> memref<10240x128xf32, #tpu.memory_space<vmem_shared>>
    tpu.enqueue_indirect_dma source(%arg14 : memref<80x128xf32, #tpu.memory_space<vmem>>) target(%dma_start3A_60 : memref<10240x128xf32, #tpu.memory_space<vmem_shared>>) offsets(%arg10 : memref<80xi32, #tpu.memory_space<vmem>>) semaphore(%arg23 : memref<!tpu.dma_semaphore, #tpu.memory_space<semaphore_mem>>) {add = true}
    %add3A_61 = arith.constant 240 : i32
    %add3A_62 = arith.addi %mul3A_39, %add3A_61 : i32
    "tpu.region"() ({
      %run_scoped3A = tpu.sem_alloc : memref<!tpu.dma_semaphore, #tpu.memory_space<semaphore_mem>>
      %dma_start3A_129 = tpu.memref_slice %arg3[%add3A_62] : memref<320000xi32, #tpu.memory_space<hbm>> -> memref<80xi32, #tpu.memory_space<hbm>>
      %dma_start3A_130 = tpu.memref_slice %arg3[%add3A_62] : memref<320000xi32, #tpu.memory_space<hbm>> -> memref<80xi32, #tpu.memory_space<hbm>>
      tpu.enqueue_dma source(%dma_start3A_130 : memref<80xi32, #tpu.memory_space<hbm>>) target(%arg9 : memref<80xi32, #tpu.memory_space<vmem>>) target_semaphore(%run_scoped3A : memref<!tpu.dma_semaphore, #tpu.memory_space<semaphore_mem>>)
      %dma_wait3A_131 = tpu.memref_slice %arg3[%add3A_62] : memref<320000xi32, #tpu.memory_space<hbm>> -> memref<80xi32, #tpu.memory_space<hbm>>
      %dma_wait3A_132 = tpu.memref_slice %arg3[%add3A_62] : memref<320000xi32, #tpu.memory_space<hbm>> -> memref<80xi32, #tpu.memory_space<hbm>>
      tpu.wait_dma2 semaphore(%run_scoped3A : memref<!tpu.dma_semaphore, #tpu.memory_space<semaphore_mem>>) src(%dma_wait3A_132 : memref<80xi32, #tpu.memory_space<hbm>>) dst(%arg9 : memref<80xi32, #tpu.memory_space<vmem>>)
      tpu.yield
    }) : () -> ()
    %dma_start3A_63 = arith.constant 0 : i32
    %dma_start3A_64 = arith.constant 0 : i32
    %dma_start3A_65 = tpu.memref_slice %arg2[%dma_start3A_63, %dma_start3A_64] : memref<10000x128xf32, #tpu.memory_space<hbm>> -> memref<10000x128xf32, #tpu.memory_space<hbm>>
    tpu.enqueue_indirect_dma source(%dma_start3A_65 : memref<10000x128xf32, #tpu.memory_space<hbm>>) target(%arg17 : memref<80x128xf32, #tpu.memory_space<vmem>>) offsets(%arg9 : memref<80xi32, #tpu.memory_space<vmem>>) semaphore(%arg22 : memref<!tpu.dma_semaphore, #tpu.memory_space<semaphore_mem>>)
    %dma_wait3A_66 = arith.constant 0 : i32
    %dma_wait3A_67 = arith.constant 0 : i32
    %dma_wait3A_68 = tpu.memref_slice %arg2[%dma_wait3A_66, %dma_wait3A_67] : memref<10000x128xf32, #tpu.memory_space<hbm>> -> memref<10000x128xf32, #tpu.memory_space<hbm>>
    tpu.wait_indirect_dma semaphore(%arg20 : memref<!tpu.dma_semaphore, #tpu.memory_space<semaphore_mem>>) src(%dma_wait3A_68 : memref<10000x128xf32, #tpu.memory_space<hbm>>) dst(%arg15 : memref<80x128xf32, #tpu.memory_space<vmem>>)
    %add3A_69 = arith.constant 80 : i32
    %add3A_70 = arith.addi %mul3A_39, %add3A_69 : i32
    "tpu.region"() ({
      %run_scoped3A = tpu.sem_alloc : memref<!tpu.dma_semaphore, #tpu.memory_space<semaphore_mem>>
      %dma_start3A_129 = tpu.memref_slice %arg4[%add3A_70] : memref<320000xi32, #tpu.memory_space<hbm>> -> memref<80xi32, #tpu.memory_space<hbm>>
      %dma_start3A_130 = tpu.memref_slice %arg4[%add3A_70] : memref<320000xi32, #tpu.memory_space<hbm>> -> memref<80xi32, #tpu.memory_space<hbm>>
      tpu.enqueue_dma source(%dma_start3A_130 : memref<80xi32, #tpu.memory_space<hbm>>) target(%arg11 : memref<80xi32, #tpu.memory_space<vmem>>) target_semaphore(%run_scoped3A : memref<!tpu.dma_semaphore, #tpu.memory_space<semaphore_mem>>)
      %dma_wait3A_131 = tpu.memref_slice %arg4[%add3A_70] : memref<320000xi32, #tpu.memory_space<hbm>> -> memref<80xi32, #tpu.memory_space<hbm>>
      %dma_wait3A_132 = tpu.memref_slice %arg4[%add3A_70] : memref<320000xi32, #tpu.memory_space<hbm>> -> memref<80xi32, #tpu.memory_space<hbm>>
      tpu.wait_dma2 semaphore(%run_scoped3A : memref<!tpu.dma_semaphore, #tpu.memory_space<semaphore_mem>>) src(%dma_wait3A_132 : memref<80xi32, #tpu.memory_space<hbm>>) dst(%arg11 : memref<80xi32, #tpu.memory_space<vmem>>)
      tpu.yield
    }) : () -> ()
    %dma_start3A_71 = arith.constant 0 : i32
    %dma_start3A_72 = arith.constant 0 : i32
    %dma_start3A_73 = tpu.memref_slice %arg18[%dma_start3A_71, %dma_start3A_72] : memref<10240x128xf32, #tpu.memory_space<vmem_shared>> -> memref<10240x128xf32, #tpu.memory_space<vmem_shared>>
    tpu.enqueue_indirect_dma source(%arg15 : memref<80x128xf32, #tpu.memory_space<vmem>>) target(%dma_start3A_73 : memref<10240x128xf32, #tpu.memory_space<vmem_shared>>) offsets(%arg11 : memref<80xi32, #tpu.memory_space<vmem>>) semaphore(%arg24 : memref<!tpu.dma_semaphore, #tpu.memory_space<semaphore_mem>>) {add = true}
    %scan3A_74 = arith.constant 0 : i32
    %scan3A_75 = arith.constant 0 : i32
    %scan3A_76 = arith.constant 30 : i32
    %scan3A_77 = arith.addi %scan3A_75, %scan3A_76 : i32
    %scan3A_78 = arith.constant 1 : i32
    scf.for %scan3A_129 = %scan3A_75 to %scan3A_77 step %scan3A_78  : i32 {
      %mul3A_130 = arith.constant 4 : i32
      %mul3A_131 = arith.muli %mul3A_130, %scan3A_129 : i32
      %add3A_132 = arith.constant 2 : i32
      %add3A_133 = arith.addi %add3A_132, %mul3A_131 : i32
      %dma_wait3A_134 = arith.constant 0 : i32
      %dma_wait3A_135 = arith.constant 0 : i32
      %dma_wait3A_136 = tpu.memref_slice %arg18[%dma_wait3A_134, %dma_wait3A_135] : memref<10240x128xf32, #tpu.memory_space<vmem_shared>> -> memref<10240x128xf32, #tpu.memory_space<vmem_shared>>
      tpu.wait_indirect_dma semaphore(%arg23 : memref<!tpu.dma_semaphore, #tpu.memory_space<semaphore_mem>>) src(%arg14 : memref<80x128xf32, #tpu.memory_space<vmem>>) dst(%dma_wait3A_136 : memref<10240x128xf32, #tpu.memory_space<vmem_shared>>)
      %add3A_137 = arith.constant 0 : i32
      %add3A_138 = arith.addi %add3A_133, %add3A_137 : i32
      %add3A_139 = arith.constant 2 : i32
      %add3A_140 = arith.addi %add3A_138, %add3A_139 : i32
      %mul3A_141 = arith.constant 80 : i32
      %mul3A_142 = arith.muli %add3A_140, %mul3A_141 : i32
      %add3A_143 = arith.addi %mul3A_39, %mul3A_142 : i32
      "tpu.region"() ({
        %run_scoped3A = tpu.sem_alloc : memref<!tpu.dma_semaphore, #tpu.memory_space<semaphore_mem>>
        %dma_start3A_230 = tpu.memref_slice %arg3[%add3A_143] : memref<320000xi32, #tpu.memory_space<hbm>> -> memref<80xi32, #tpu.memory_space<hbm>>
        %dma_start3A_231 = tpu.memref_slice %arg3[%add3A_143] : memref<320000xi32, #tpu.memory_space<hbm>> -> memref<80xi32, #tpu.memory_space<hbm>>
        tpu.enqueue_dma source(%dma_start3A_231 : memref<80xi32, #tpu.memory_space<hbm>>) target(%arg6 : memref<80xi32, #tpu.memory_space<vmem>>) target_semaphore(%run_scoped3A : memref<!tpu.dma_semaphore, #tpu.memory_space<semaphore_mem>>)
        %dma_wait3A_232 = tpu.memref_slice %arg3[%add3A_143] : memref<320000xi32, #tpu.memory_space<hbm>> -> memref<80xi32, #tpu.memory_space<hbm>>
        %dma_wait3A_233 = tpu.memref_slice %arg3[%add3A_143] : memref<320000xi32, #tpu.memory_space<hbm>> -> memref<80xi32, #tpu.memory_space<hbm>>
        tpu.wait_dma2 semaphore(%run_scoped3A : memref<!tpu.dma_semaphore, #tpu.memory_space<semaphore_mem>>) src(%dma_wait3A_233 : memref<80xi32, #tpu.memory_space<hbm>>) dst(%arg6 : memref<80xi32, #tpu.memory_space<vmem>>)
        tpu.yield
      }) : () -> ()
      %dma_start3A_144 = arith.constant 0 : i32
      %dma_start3A_145 = arith.constant 0 : i32
      %dma_start3A_146 = tpu.memref_slice %arg2[%dma_start3A_144, %dma_start3A_145] : memref<10000x128xf32, #tpu.memory_space<hbm>> -> memref<10000x128xf32, #tpu.memory_space<hbm>>
      tpu.enqueue_indirect_dma source(%dma_start3A_146 : memref<10000x128xf32, #tpu.memory_space<hbm>>) target(%arg14 : memref<80x128xf32, #tpu.memory_space<vmem>>) offsets(%arg6 : memref<80xi32, #tpu.memory_space<vmem>>) semaphore(%arg19 : memref<!tpu.dma_semaphore, #tpu.memory_space<semaphore_mem>>)
      %dma_wait3A_147 = arith.constant 0 : i32
      %dma_wait3A_148 = arith.constant 0 : i32
      %dma_wait3A_149 = tpu.memref_slice %arg2[%dma_wait3A_147, %dma_wait3A_148] : memref<10000x128xf32, #tpu.memory_space<hbm>> -> memref<10000x128xf32, #tpu.memory_space<hbm>>
      tpu.wait_indirect_dma semaphore(%arg21 : memref<!tpu.dma_semaphore, #tpu.memory_space<semaphore_mem>>) src(%dma_wait3A_149 : memref<10000x128xf32, #tpu.memory_space<hbm>>) dst(%arg16 : memref<80x128xf32, #tpu.memory_space<vmem>>)
      %add3A_150 = arith.constant 0 : i32
      %add3A_151 = arith.addi %add3A_133, %add3A_150 : i32
      %mul3A_152 = arith.constant 80 : i32
      %mul3A_153 = arith.muli %add3A_151, %mul3A_152 : i32
      %add3A_154 = arith.addi %mul3A_39, %mul3A_153 : i32
      "tpu.region"() ({
        %run_scoped3A = tpu.sem_alloc : memref<!tpu.dma_semaphore, #tpu.memory_space<semaphore_mem>>
        %dma_start3A_230 = tpu.memref_slice %arg4[%add3A_154] : memref<320000xi32, #tpu.memory_space<hbm>> -> memref<80xi32, #tpu.memory_space<hbm>>
        %dma_start3A_231 = tpu.memref_slice %arg4[%add3A_154] : memref<320000xi32, #tpu.memory_space<hbm>> -> memref<80xi32, #tpu.memory_space<hbm>>
        tpu.enqueue_dma source(%dma_start3A_231 : memref<80xi32, #tpu.memory_space<hbm>>) target(%arg12 : memref<80xi32, #tpu.memory_space<vmem>>) target_semaphore(%run_scoped3A : memref<!tpu.dma_semaphore, #tpu.memory_space<semaphore_mem>>)
        %dma_wait3A_232 = tpu.memref_slice %arg4[%add3A_154] : memref<320000xi32, #tpu.memory_space<hbm>> -> memref<80xi32, #tpu.memory_space<hbm>>
        %dma_wait3A_233 = tpu.memref_slice %arg4[%add3A_154] : memref<320000xi32, #tpu.memory_space<hbm>> -> memref<80xi32, #tpu.memory_space<hbm>>
        tpu.wait_dma2 semaphore(%run_scoped3A : memref<!tpu.dma_semaphore, #tpu.memory_space<semaphore_mem>>) src(%dma_wait3A_233 : memref<80xi32, #tpu.memory_space<hbm>>) dst(%arg12 : memref<80xi32, #tpu.memory_space<vmem>>)
        tpu.yield
      }) : () -> ()
      %dma_start3A_155 = arith.constant 0 : i32
      %dma_start3A_156 = arith.constant 0 : i32
      %dma_start3A_157 = tpu.memref_slice %arg18[%dma_start3A_155, %dma_start3A_156] : memref<10240x128xf32, #tpu.memory_space<vmem_shared>> -> memref<10240x128xf32, #tpu.memory_space<vmem_shared>>
      tpu.enqueue_indirect_dma source(%arg16 : memref<80x128xf32, #tpu.memory_space<vmem>>) target(%dma_start3A_157 : memref<10240x128xf32, #tpu.memory_space<vmem_shared>>) offsets(%arg12 : memref<80xi32, #tpu.memory_space<vmem>>) semaphore(%arg25 : memref<!tpu.dma_semaphore, #tpu.memory_space<semaphore_mem>>) {add = true}
      %dma_wait3A_158 = arith.constant 0 : i32
      %dma_wait3A_159 = arith.constant 0 : i32
      %dma_wait3A_160 = tpu.memref_slice %arg18[%dma_wait3A_158, %dma_wait3A_159] : memref<10240x128xf32, #tpu.memory_space<vmem_shared>> -> memref<10240x128xf32, #tpu.memory_space<vmem_shared>>
      tpu.wait_indirect_dma semaphore(%arg24 : memref<!tpu.dma_semaphore, #tpu.memory_space<semaphore_mem>>) src(%arg15 : memref<80x128xf32, #tpu.memory_space<vmem>>) dst(%dma_wait3A_160 : memref<10240x128xf32, #tpu.memory_space<vmem_shared>>)
      %add3A_161 = arith.constant 1 : i32
      %add3A_162 = arith.addi %add3A_133, %add3A_161 : i32
      %add3A_163 = arith.constant 2 : i32
      %add3A_164 = arith.addi %add3A_162, %add3A_163 : i32
      %mul3A_165 = arith.constant 80 : i32
      %mul3A_166 = arith.muli %add3A_164, %mul3A_165 : i32
      %add3A_167 = arith.addi %mul3A_39, %mul3A_166 : i32
      "tpu.region"() ({
        %run_scoped3A = tpu.sem_alloc : memref<!tpu.dma_semaphore, #tpu.memory_space<semaphore_mem>>
        %dma_start3A_230 = tpu.memref_slice %arg3[%add3A_167] : memref<320000xi32, #tpu.memory_space<hbm>> -> memref<80xi32, #tpu.memory_space<hbm>>
        %dma_start3A_231 = tpu.memref_slice %arg3[%add3A_167] : memref<320000xi32, #tpu.memory_space<hbm>> -> memref<80xi32, #tpu.memory_space<hbm>>
        tpu.enqueue_dma source(%dma_start3A_231 : memref<80xi32, #tpu.memory_space<hbm>>) target(%arg7 : memref<80xi32, #tpu.memory_space<vmem>>) target_semaphore(%run_scoped3A : memref<!tpu.dma_semaphore, #tpu.memory_space<semaphore_mem>>)
        %dma_wait3A_232 = tpu.memref_slice %arg3[%add3A_167] : memref<320000xi32, #tpu.memory_space<hbm>> -> memref<80xi32, #tpu.memory_space<hbm>>
        %dma_wait3A_233 = tpu.memref_slice %arg3[%add3A_167] : memref<320000xi32, #tpu.memory_space<hbm>> -> memref<80xi32, #tpu.memory_space<hbm>>
        tpu.wait_dma2 semaphore(%run_scoped3A : memref<!tpu.dma_semaphore, #tpu.memory_space<semaphore_mem>>) src(%dma_wait3A_233 : memref<80xi32, #tpu.memory_space<hbm>>) dst(%arg7 : memref<80xi32, #tpu.memory_space<vmem>>)
        tpu.yield
      }) : () -> ()
      %dma_start3A_168 = arith.constant 0 : i32
      %dma_start3A_169 = arith.constant 0 : i32
      %dma_start3A_170 = tpu.memref_slice %arg2[%dma_start3A_168, %dma_start3A_169] : memref<10000x128xf32, #tpu.memory_space<hbm>> -> memref<10000x128xf32, #tpu.memory_space<hbm>>
      tpu.enqueue_indirect_dma source(%dma_start3A_170 : memref<10000x128xf32, #tpu.memory_space<hbm>>) target(%arg15 : memref<80x128xf32, #tpu.memory_space<vmem>>) offsets(%arg7 : memref<80xi32, #tpu.memory_space<vmem>>) semaphore(%arg20 : memref<!tpu.dma_semaphore, #tpu.memory_space<semaphore_mem>>)
      %dma_wait3A_171 = arith.constant 0 : i32
      %dma_wait3A_172 = arith.constant 0 : i32
      %dma_wait3A_173 = tpu.memref_slice %arg2[%dma_wait3A_171, %dma_wait3A_172] : memref<10000x128xf32, #tpu.memory_space<hbm>> -> memref<10000x128xf32, #tpu.memory_space<hbm>>
      tpu.wait_indirect_dma semaphore(%arg22 : memref<!tpu.dma_semaphore, #tpu.memory_space<semaphore_mem>>) src(%dma_wait3A_173 : memref<10000x128xf32, #tpu.memory_space<hbm>>) dst(%arg17 : memref<80x128xf32, #tpu.memory_space<vmem>>)
      %add3A_174 = arith.constant 1 : i32
      %add3A_175 = arith.addi %add3A_133, %add3A_174 : i32
      %mul3A_176 = arith.constant 80 : i32
      %mul3A_177 = arith.muli %add3A_175, %mul3A_176 : i32
      %add3A_178 = arith.addi %mul3A_39, %mul3A_177 : i32
      "tpu.region"() ({
        %run_scoped3A = tpu.sem_alloc : memref<!tpu.dma_semaphore, #tpu.memory_space<semaphore_mem>>
        %dma_start3A_230 = tpu.memref_slice %arg4[%add3A_178] : memref<320000xi32, #tpu.memory_space<hbm>> -> memref<80xi32, #tpu.memory_space<hbm>>
        %dma_start3A_231 = tpu.memref_slice %arg4[%add3A_178] : memref<320000xi32, #tpu.memory_space<hbm>> -> memref<80xi32, #tpu.memory_space<hbm>>
        tpu.enqueue_dma source(%dma_start3A_231 : memref<80xi32, #tpu.memory_space<hbm>>) target(%arg13 : memref<80xi32, #tpu.memory_space<vmem>>) target_semaphore(%run_scoped3A : memref<!tpu.dma_semaphore, #tpu.memory_space<semaphore_mem>>)
        %dma_wait3A_232 = tpu.memref_slice %arg4[%add3A_178] : memref<320000xi32, #tpu.memory_space<hbm>> -> memref<80xi32, #tpu.memory_space<hbm>>
        %dma_wait3A_233 = tpu.memref_slice %arg4[%add3A_178] : memref<320000xi32, #tpu.memory_space<hbm>> -> memref<80xi32, #tpu.memory_space<hbm>>
        tpu.wait_dma2 semaphore(%run_scoped3A : memref<!tpu.dma_semaphore, #tpu.memory_space<semaphore_mem>>) src(%dma_wait3A_233 : memref<80xi32, #tpu.memory_space<hbm>>) dst(%arg13 : memref<80xi32, #tpu.memory_space<vmem>>)
        tpu.yield
      }) : () -> ()
      %dma_start3A_179 = arith.constant 0 : i32
      %dma_start3A_180 = arith.constant 0 : i32
      %dma_start3A_181 = tpu.memref_slice %arg18[%dma_start3A_179, %dma_start3A_180] : memref<10240x128xf32, #tpu.memory_space<vmem_shared>> -> memref<10240x128xf32, #tpu.memory_space<vmem_shared>>
      tpu.enqueue_indirect_dma source(%arg17 : memref<80x128xf32, #tpu.memory_space<vmem>>) target(%dma_start3A_181 : memref<10240x128xf32, #tpu.memory_space<vmem_shared>>) offsets(%arg13 : memref<80xi32, #tpu.memory_space<vmem>>) semaphore(%arg26 : memref<!tpu.dma_semaphore, #tpu.memory_space<semaphore_mem>>) {add = true}
      %dma_wait3A_182 = arith.constant 0 : i32
      %dma_wait3A_183 = arith.constant 0 : i32
      %dma_wait3A_184 = tpu.memref_slice %arg18[%dma_wait3A_182, %dma_wait3A_183] : memref<10240x128xf32, #tpu.memory_space<vmem_shared>> -> memref<10240x128xf32, #tpu.memory_space<vmem_shared>>
      tpu.wait_indirect_dma semaphore(%arg25 : memref<!tpu.dma_semaphore, #tpu.memory_space<semaphore_mem>>) src(%arg16 : memref<80x128xf32, #tpu.memory_space<vmem>>) dst(%dma_wait3A_184 : memref<10240x128xf32, #tpu.memory_space<vmem_shared>>)
      %add3A_185 = arith.constant 2 : i32
      %add3A_186 = arith.addi %add3A_133, %add3A_185 : i32
      %add3A_187 = arith.constant 2 : i32
      %add3A_188 = arith.addi %add3A_186, %add3A_187 : i32
      %mul3A_189 = arith.constant 80 : i32
      %mul3A_190 = arith.muli %add3A_188, %mul3A_189 : i32
      %add3A_191 = arith.addi %mul3A_39, %mul3A_190 : i32
      "tpu.region"() ({
        %run_scoped3A = tpu.sem_alloc : memref<!tpu.dma_semaphore, #tpu.memory_space<semaphore_mem>>
        %dma_start3A_230 = tpu.memref_slice %arg3[%add3A_191] : memref<320000xi32, #tpu.memory_space<hbm>> -> memref<80xi32, #tpu.memory_space<hbm>>
        %dma_start3A_231 = tpu.memref_slice %arg3[%add3A_191] : memref<320000xi32, #tpu.memory_space<hbm>> -> memref<80xi32, #tpu.memory_space<hbm>>
        tpu.enqueue_dma source(%dma_start3A_231 : memref<80xi32, #tpu.memory_space<hbm>>) target(%arg8 : memref<80xi32, #tpu.memory_space<vmem>>) target_semaphore(%run_scoped3A : memref<!tpu.dma_semaphore, #tpu.memory_space<semaphore_mem>>)
        %dma_wait3A_232 = tpu.memref_slice %arg3[%add3A_191] : memref<320000xi32, #tpu.memory_space<hbm>> -> memref<80xi32, #tpu.memory_space<hbm>>
        %dma_wait3A_233 = tpu.memref_slice %arg3[%add3A_191] : memref<320000xi32, #tpu.memory_space<hbm>> -> memref<80xi32, #tpu.memory_space<hbm>>
        tpu.wait_dma2 semaphore(%run_scoped3A : memref<!tpu.dma_semaphore, #tpu.memory_space<semaphore_mem>>) src(%dma_wait3A_233 : memref<80xi32, #tpu.memory_space<hbm>>) dst(%arg8 : memref<80xi32, #tpu.memory_space<vmem>>)
        tpu.yield
      }) : () -> ()
      %dma_start3A_192 = arith.constant 0 : i32
      %dma_start3A_193 = arith.constant 0 : i32
      %dma_start3A_194 = tpu.memref_slice %arg2[%dma_start3A_192, %dma_start3A_193] : memref<10000x128xf32, #tpu.memory_space<hbm>> -> memref<10000x128xf32, #tpu.memory_space<hbm>>
      tpu.enqueue_indirect_dma source(%dma_start3A_194 : memref<10000x128xf32, #tpu.memory_space<hbm>>) target(%arg16 : memref<80x128xf32, #tpu.memory_space<vmem>>) offsets(%arg8 : memref<80xi32, #tpu.memory_space<vmem>>) semaphore(%arg21 : memref<!tpu.dma_semaphore, #tpu.memory_space<semaphore_mem>>)
      %dma_wait3A_195 = arith.constant 0 : i32
      %dma_wait3A_196 = arith.constant 0 : i32
      %dma_wait3A_197 = tpu.memref_slice %arg2[%dma_wait3A_195, %dma_wait3A_196] : memref<10000x128xf32, #tpu.memory_space<hbm>> -> memref<10000x128xf32, #tpu.memory_space<hbm>>
      tpu.wait_indirect_dma semaphore(%arg19 : memref<!tpu.dma_semaphore, #tpu.memory_space<semaphore_mem>>) src(%dma_wait3A_197 : memref<10000x128xf32, #tpu.memory_space<hbm>>) dst(%arg14 : memref<80x128xf32, #tpu.memory_space<vmem>>)
      %add3A_198 = arith.constant 2 : i32
      %add3A_199 = arith.addi %add3A_133, %add3A_198 : i32
      %mul3A_200 = arith.constant 80 : i32
      %mul3A_201 = arith.muli %add3A_199, %mul3A_200 : i32
      %add3A_202 = arith.addi %mul3A_39, %mul3A_201 : i32
      "tpu.region"() ({
        %run_scoped3A = tpu.sem_alloc : memref<!tpu.dma_semaphore, #tpu.memory_space<semaphore_mem>>
        %dma_start3A_230 = tpu.memref_slice %arg4[%add3A_202] : memref<320000xi32, #tpu.memory_space<hbm>> -> memref<80xi32, #tpu.memory_space<hbm>>
        %dma_start3A_231 = tpu.memref_slice %arg4[%add3A_202] : memref<320000xi32, #tpu.memory_space<hbm>> -> memref<80xi32, #tpu.memory_space<hbm>>
        tpu.enqueue_dma source(%dma_start3A_231 : memref<80xi32, #tpu.memory_space<hbm>>) target(%arg10 : memref<80xi32, #tpu.memory_space<vmem>>) target_semaphore(%run_scoped3A : memref<!tpu.dma_semaphore, #tpu.memory_space<semaphore_mem>>)
        %dma_wait3A_232 = tpu.memref_slice %arg4[%add3A_202] : memref<320000xi32, #tpu.memory_space<hbm>> -> memref<80xi32, #tpu.memory_space<hbm>>
        %dma_wait3A_233 = tpu.memref_slice %arg4[%add3A_202] : memref<320000xi32, #tpu.memory_space<hbm>> -> memref<80xi32, #tpu.memory_space<hbm>>
        tpu.wait_dma2 semaphore(%run_scoped3A : memref<!tpu.dma_semaphore, #tpu.memory_space<semaphore_mem>>) src(%dma_wait3A_233 : memref<80xi32, #tpu.memory_space<hbm>>) dst(%arg10 : memref<80xi32, #tpu.memory_space<vmem>>)
        tpu.yield
      }) : () -> ()
      %dma_start3A_203 = arith.constant 0 : i32
      %dma_start3A_204 = arith.constant 0 : i32
      %dma_start3A_205 = tpu.memref_slice %arg18[%dma_start3A_203, %dma_start3A_204] : memref<10240x128xf32, #tpu.memory_space<vmem_shared>> -> memref<10240x128xf32, #tpu.memory_space<vmem_shared>>
      tpu.enqueue_indirect_dma source(%arg14 : memref<80x128xf32, #tpu.memory_space<vmem>>) target(%dma_start3A_205 : memref<10240x128xf32, #tpu.memory_space<vmem_shared>>) offsets(%arg10 : memref<80xi32, #tpu.memory_space<vmem>>) semaphore(%arg23 : memref<!tpu.dma_semaphore, #tpu.memory_space<semaphore_mem>>) {add = true}
      %dma_wait3A_206 = arith.constant 0 : i32
      %dma_wait3A_207 = arith.constant 0 : i32
      %dma_wait3A_208 = tpu.memref_slice %arg18[%dma_wait3A_206, %dma_wait3A_207] : memref<10240x128xf32, #tpu.memory_space<vmem_shared>> -> memref<10240x128xf32, #tpu.memory_space<vmem_shared>>
      tpu.wait_indirect_dma semaphore(%arg26 : memref<!tpu.dma_semaphore, #tpu.memory_space<semaphore_mem>>) src(%arg17 : memref<80x128xf32, #tpu.memory_space<vmem>>) dst(%dma_wait3A_208 : memref<10240x128xf32, #tpu.memory_space<vmem_shared>>)
      %add3A_209 = arith.constant 3 : i32
      %add3A_210 = arith.addi %add3A_133, %add3A_209 : i32
      %add3A_211 = arith.constant 2 : i32
      %add3A_212 = arith.addi %add3A_210, %add3A_211 : i32
      %mul3A_213 = arith.constant 80 : i32
      %mul3A_214 = arith.muli %add3A_212, %mul3A_213 : i32
      %add3A_215 = arith.addi %mul3A_39, %mul3A_214 : i32
      "tpu.region"() ({
        %run_scoped3A = tpu.sem_alloc : memref<!tpu.dma_semaphore, #tpu.memory_space<semaphore_mem>>
        %dma_start3A_230 = tpu.memref_slice %arg3[%add3A_215] : memref<320000xi32, #tpu.memory_space<hbm>> -> memref<80xi32, #tpu.memory_space<hbm>>
        %dma_start3A_231 = tpu.memref_slice %arg3[%add3A_215] : memref<320000xi32, #tpu.memory_space<hbm>> -> memref<80xi32, #tpu.memory_space<hbm>>
        tpu.enqueue_dma source(%dma_start3A_231 : memref<80xi32, #tpu.memory_space<hbm>>) target(%arg9 : memref<80xi32, #tpu.memory_space<vmem>>) target_semaphore(%run_scoped3A : memref<!tpu.dma_semaphore, #tpu.memory_space<semaphore_mem>>)
        %dma_wait3A_232 = tpu.memref_slice %arg3[%add3A_215] : memref<320000xi32, #tpu.memory_space<hbm>> -> memref<80xi32, #tpu.memory_space<hbm>>
        %dma_wait3A_233 = tpu.memref_slice %arg3[%add3A_215] : memref<320000xi32, #tpu.memory_space<hbm>> -> memref<80xi32, #tpu.memory_space<hbm>>
        tpu.wait_dma2 semaphore(%run_scoped3A : memref<!tpu.dma_semaphore, #tpu.memory_space<semaphore_mem>>) src(%dma_wait3A_233 : memref<80xi32, #tpu.memory_space<hbm>>) dst(%arg9 : memref<80xi32, #tpu.memory_space<vmem>>)
        tpu.yield
      }) : () -> ()
      %dma_start3A_216 = arith.constant 0 : i32
      %dma_start3A_217 = arith.constant 0 : i32
      %dma_start3A_218 = tpu.memref_slice %arg2[%dma_start3A_216, %dma_start3A_217] : memref<10000x128xf32, #tpu.memory_space<hbm>> -> memref<10000x128xf32, #tpu.memory_space<hbm>>
      tpu.enqueue_indirect_dma source(%dma_start3A_218 : memref<10000x128xf32, #tpu.memory_space<hbm>>) target(%arg17 : memref<80x128xf32, #tpu.memory_space<vmem>>) offsets(%arg9 : memref<80xi32, #tpu.memory_space<vmem>>) semaphore(%arg22 : memref<!tpu.dma_semaphore, #tpu.memory_space<semaphore_mem>>)
      %dma_wait3A_219 = arith.constant 0 : i32
      %dma_wait3A_220 = arith.constant 0 : i32
      %dma_wait3A_221 = tpu.memref_slice %arg2[%dma_wait3A_219, %dma_wait3A_220] : memref<10000x128xf32, #tpu.memory_space<hbm>> -> memref<10000x128xf32, #tpu.memory_space<hbm>>
      tpu.wait_indirect_dma semaphore(%arg20 : memref<!tpu.dma_semaphore, #tpu.memory_space<semaphore_mem>>) src(%dma_wait3A_221 : memref<10000x128xf32, #tpu.memory_space<hbm>>) dst(%arg15 : memref<80x128xf32, #tpu.memory_space<vmem>>)
      %add3A_222 = arith.constant 3 : i32
      %add3A_223 = arith.addi %add3A_133, %add3A_222 : i32
      %mul3A_224 = arith.constant 80 : i32
      %mul3A_225 = arith.muli %add3A_223, %mul3A_224 : i32
      %add3A_226 = arith.addi %mul3A_39, %mul3A_225 : i32
      "tpu.region"() ({
        %run_scoped3A = tpu.sem_alloc : memref<!tpu.dma_semaphore, #tpu.memory_space<semaphore_mem>>
        %dma_start3A_230 = tpu.memref_slice %arg4[%add3A_226] : memref<320000xi32, #tpu.memory_space<hbm>> -> memref<80xi32, #tpu.memory_space<hbm>>
        %dma_start3A_231 = tpu.memref_slice %arg4[%add3A_226] : memref<320000xi32, #tpu.memory_space<hbm>> -> memref<80xi32, #tpu.memory_space<hbm>>
        tpu.enqueue_dma source(%dma_start3A_231 : memref<80xi32, #tpu.memory_space<hbm>>) target(%arg11 : memref<80xi32, #tpu.memory_space<vmem>>) target_semaphore(%run_scoped3A : memref<!tpu.dma_semaphore, #tpu.memory_space<semaphore_mem>>)
        %dma_wait3A_232 = tpu.memref_slice %arg4[%add3A_226] : memref<320000xi32, #tpu.memory_space<hbm>> -> memref<80xi32, #tpu.memory_space<hbm>>
        %dma_wait3A_233 = tpu.memref_slice %arg4[%add3A_226] : memref<320000xi32, #tpu.memory_space<hbm>> -> memref<80xi32, #tpu.memory_space<hbm>>
        tpu.wait_dma2 semaphore(%run_scoped3A : memref<!tpu.dma_semaphore, #tpu.memory_space<semaphore_mem>>) src(%dma_wait3A_233 : memref<80xi32, #tpu.memory_space<hbm>>) dst(%arg11 : memref<80xi32, #tpu.memory_space<vmem>>)
        tpu.yield
      }) : () -> ()
      %dma_start3A_227 = arith.constant 0 : i32
      %dma_start3A_228 = arith.constant 0 : i32
      %dma_start3A_229 = tpu.memref_slice %arg18[%dma_start3A_227, %dma_start3A_228] : memref<10240x128xf32, #tpu.memory_space<vmem_shared>> -> memref<10240x128xf32, #tpu.memory_space<vmem_shared>>
      tpu.enqueue_indirect_dma source(%arg15 : memref<80x128xf32, #tpu.memory_space<vmem>>) target(%dma_start3A_229 : memref<10240x128xf32, #tpu.memory_space<vmem_shared>>) offsets(%arg11 : memref<80xi32, #tpu.memory_space<vmem>>) semaphore(%arg24 : memref<!tpu.dma_semaphore, #tpu.memory_space<semaphore_mem>>) {add = true}
    }
    %scan3A_79 = arith.constant 30 : i32
    %dma_wait3A_80 = arith.constant 0 : i32
    %dma_wait3A_81 = arith.constant 0 : i32
    %dma_wait3A_82 = tpu.memref_slice %arg18[%dma_wait3A_80, %dma_wait3A_81] : memref<10240x128xf32, #tpu.memory_space<vmem_shared>> -> memref<10240x128xf32, #tpu.memory_space<vmem_shared>>
    tpu.wait_indirect_dma semaphore(%arg23 : memref<!tpu.dma_semaphore, #tpu.memory_space<semaphore_mem>>) src(%arg14 : memref<80x128xf32, #tpu.memory_space<vmem>>) dst(%dma_wait3A_82 : memref<10240x128xf32, #tpu.memory_space<vmem_shared>>)
    %add3A_83 = arith.constant 9920 : i32
    %add3A_84 = arith.addi %mul3A_39, %add3A_83 : i32
    "tpu.region"() ({
      %run_scoped3A = tpu.sem_alloc : memref<!tpu.dma_semaphore, #tpu.memory_space<semaphore_mem>>
      %dma_start3A_129 = tpu.memref_slice %arg3[%add3A_84] : memref<320000xi32, #tpu.memory_space<hbm>> -> memref<80xi32, #tpu.memory_space<hbm>>
      %dma_start3A_130 = tpu.memref_slice %arg3[%add3A_84] : memref<320000xi32, #tpu.memory_space<hbm>> -> memref<80xi32, #tpu.memory_space<hbm>>
      tpu.enqueue_dma source(%dma_start3A_130 : memref<80xi32, #tpu.memory_space<hbm>>) target(%arg6 : memref<80xi32, #tpu.memory_space<vmem>>) target_semaphore(%run_scoped3A : memref<!tpu.dma_semaphore, #tpu.memory_space<semaphore_mem>>)
      %dma_wait3A_131 = tpu.memref_slice %arg3[%add3A_84] : memref<320000xi32, #tpu.memory_space<hbm>> -> memref<80xi32, #tpu.memory_space<hbm>>
      %dma_wait3A_132 = tpu.memref_slice %arg3[%add3A_84] : memref<320000xi32, #tpu.memory_space<hbm>> -> memref<80xi32, #tpu.memory_space<hbm>>
      tpu.wait_dma2 semaphore(%run_scoped3A : memref<!tpu.dma_semaphore, #tpu.memory_space<semaphore_mem>>) src(%dma_wait3A_132 : memref<80xi32, #tpu.memory_space<hbm>>) dst(%arg6 : memref<80xi32, #tpu.memory_space<vmem>>)
      tpu.yield
    }) : () -> ()
    %dma_start3A_85 = arith.constant 0 : i32
    %dma_start3A_86 = arith.constant 0 : i32
    %dma_start3A_87 = tpu.memref_slice %arg2[%dma_start3A_85, %dma_start3A_86] : memref<10000x128xf32, #tpu.memory_space<hbm>> -> memref<10000x128xf32, #tpu.memory_space<hbm>>
    tpu.enqueue_indirect_dma source(%dma_start3A_87 : memref<10000x128xf32, #tpu.memory_space<hbm>>) target(%arg14 : memref<80x128xf32, #tpu.memory_space<vmem>>) offsets(%arg6 : memref<80xi32, #tpu.memory_space<vmem>>) semaphore(%arg19 : memref<!tpu.dma_semaphore, #tpu.memory_space<semaphore_mem>>)
    %dma_wait3A_88 = arith.constant 0 : i32
    %dma_wait3A_89 = arith.constant 0 : i32
    %dma_wait3A_90 = tpu.memref_slice %arg2[%dma_wait3A_88, %dma_wait3A_89] : memref<10000x128xf32, #tpu.memory_space<hbm>> -> memref<10000x128xf32, #tpu.memory_space<hbm>>
    tpu.wait_indirect_dma semaphore(%arg21 : memref<!tpu.dma_semaphore, #tpu.memory_space<semaphore_mem>>) src(%dma_wait3A_90 : memref<10000x128xf32, #tpu.memory_space<hbm>>) dst(%arg16 : memref<80x128xf32, #tpu.memory_space<vmem>>)
    %add3A_91 = arith.constant 9760 : i32
    %add3A_92 = arith.addi %mul3A_39, %add3A_91 : i32
    "tpu.region"() ({
      %run_scoped3A = tpu.sem_alloc : memref<!tpu.dma_semaphore, #tpu.memory_space<semaphore_mem>>
      %dma_start3A_129 = tpu.memref_slice %arg4[%add3A_92] : memref<320000xi32, #tpu.memory_space<hbm>> -> memref<80xi32, #tpu.memory_space<hbm>>
      %dma_start3A_130 = tpu.memref_slice %arg4[%add3A_92] : memref<320000xi32, #tpu.memory_space<hbm>> -> memref<80xi32, #tpu.memory_space<hbm>>
      tpu.enqueue_dma source(%dma_start3A_130 : memref<80xi32, #tpu.memory_space<hbm>>) target(%arg12 : memref<80xi32, #tpu.memory_space<vmem>>) target_semaphore(%run_scoped3A : memref<!tpu.dma_semaphore, #tpu.memory_space<semaphore_mem>>)
      %dma_wait3A_131 = tpu.memref_slice %arg4[%add3A_92] : memref<320000xi32, #tpu.memory_space<hbm>> -> memref<80xi32, #tpu.memory_space<hbm>>
      %dma_wait3A_132 = tpu.memref_slice %arg4[%add3A_92] : memref<320000xi32, #tpu.memory_space<hbm>> -> memref<80xi32, #tpu.memory_space<hbm>>
      tpu.wait_dma2 semaphore(%run_scoped3A : memref<!tpu.dma_semaphore, #tpu.memory_space<semaphore_mem>>) src(%dma_wait3A_132 : memref<80xi32, #tpu.memory_space<hbm>>) dst(%arg12 : memref<80xi32, #tpu.memory_space<vmem>>)
      tpu.yield
    }) : () -> ()
    %dma_start3A_93 = arith.constant 0 : i32
    %dma_start3A_94 = arith.constant 0 : i32
    %dma_start3A_95 = tpu.memref_slice %arg18[%dma_start3A_93, %dma_start3A_94] : memref<10240x128xf32, #tpu.memory_space<vmem_shared>> -> memref<10240x128xf32, #tpu.memory_space<vmem_shared>>
    tpu.enqueue_indirect_dma source(%arg16 : memref<80x128xf32, #tpu.memory_space<vmem>>) target(%dma_start3A_95 : memref<10240x128xf32, #tpu.memory_space<vmem_shared>>) offsets(%arg12 : memref<80xi32, #tpu.memory_space<vmem>>) semaphore(%arg25 : memref<!tpu.dma_semaphore, #tpu.memory_space<semaphore_mem>>) {add = true}
    %dma_wait3A_96 = arith.constant 0 : i32
    %dma_wait3A_97 = arith.constant 0 : i32
    %dma_wait3A_98 = tpu.memref_slice %arg18[%dma_wait3A_96, %dma_wait3A_97] : memref<10240x128xf32, #tpu.memory_space<vmem_shared>> -> memref<10240x128xf32, #tpu.memory_space<vmem_shared>>
    tpu.wait_indirect_dma semaphore(%arg24 : memref<!tpu.dma_semaphore, #tpu.memory_space<semaphore_mem>>) src(%arg15 : memref<80x128xf32, #tpu.memory_space<vmem>>) dst(%dma_wait3A_98 : memref<10240x128xf32, #tpu.memory_space<vmem_shared>>)
    %dma_wait3A_99 = arith.constant 0 : i32
    %dma_wait3A_100 = arith.constant 0 : i32
    %dma_wait3A_101 = tpu.memref_slice %arg2[%dma_wait3A_99, %dma_wait3A_100] : memref<10000x128xf32, #tpu.memory_space<hbm>> -> memref<10000x128xf32, #tpu.memory_space<hbm>>
    tpu.wait_indirect_dma semaphore(%arg22 : memref<!tpu.dma_semaphore, #tpu.memory_space<semaphore_mem>>) src(%dma_wait3A_101 : memref<10000x128xf32, #tpu.memory_space<hbm>>) dst(%arg17 : memref<80x128xf32, #tpu.memory_space<vmem>>)
    %add3A_102 = arith.constant 9840 : i32
    %add3A_103 = arith.addi %mul3A_39, %add3A_102 : i32
    "tpu.region"() ({
      %run_scoped3A = tpu.sem_alloc : memref<!tpu.dma_semaphore, #tpu.memory_space<semaphore_mem>>
      %dma_start3A_129 = tpu.memref_slice %arg4[%add3A_103] : memref<320000xi32, #tpu.memory_space<hbm>> -> memref<80xi32, #tpu.memory_space<hbm>>
      %dma_start3A_130 = tpu.memref_slice %arg4[%add3A_103] : memref<320000xi32, #tpu.memory_space<hbm>> -> memref<80xi32, #tpu.memory_space<hbm>>
      tpu.enqueue_dma source(%dma_start3A_130 : memref<80xi32, #tpu.memory_space<hbm>>) target(%arg13 : memref<80xi32, #tpu.memory_space<vmem>>) target_semaphore(%run_scoped3A : memref<!tpu.dma_semaphore, #tpu.memory_space<semaphore_mem>>)
      %dma_wait3A_131 = tpu.memref_slice %arg4[%add3A_103] : memref<320000xi32, #tpu.memory_space<hbm>> -> memref<80xi32, #tpu.memory_space<hbm>>
      %dma_wait3A_132 = tpu.memref_slice %arg4[%add3A_103] : memref<320000xi32, #tpu.memory_space<hbm>> -> memref<80xi32, #tpu.memory_space<hbm>>
      tpu.wait_dma2 semaphore(%run_scoped3A : memref<!tpu.dma_semaphore, #tpu.memory_space<semaphore_mem>>) src(%dma_wait3A_132 : memref<80xi32, #tpu.memory_space<hbm>>) dst(%arg13 : memref<80xi32, #tpu.memory_space<vmem>>)
      tpu.yield
    }) : () -> ()
    %dma_start3A_104 = arith.constant 0 : i32
    %dma_start3A_105 = arith.constant 0 : i32
    %dma_start3A_106 = tpu.memref_slice %arg18[%dma_start3A_104, %dma_start3A_105] : memref<10240x128xf32, #tpu.memory_space<vmem_shared>> -> memref<10240x128xf32, #tpu.memory_space<vmem_shared>>
    tpu.enqueue_indirect_dma source(%arg17 : memref<80x128xf32, #tpu.memory_space<vmem>>) target(%dma_start3A_106 : memref<10240x128xf32, #tpu.memory_space<vmem_shared>>) offsets(%arg13 : memref<80xi32, #tpu.memory_space<vmem>>) semaphore(%arg26 : memref<!tpu.dma_semaphore, #tpu.memory_space<semaphore_mem>>) {add = true}
    %dma_wait3A_107 = arith.constant 0 : i32
    %dma_wait3A_108 = arith.constant 0 : i32
    %dma_wait3A_109 = tpu.memref_slice %arg18[%dma_wait3A_107, %dma_wait3A_108] : memref<10240x128xf32, #tpu.memory_space<vmem_shared>> -> memref<10240x128xf32, #tpu.memory_space<vmem_shared>>
    tpu.wait_indirect_dma semaphore(%arg25 : memref<!tpu.dma_semaphore, #tpu.memory_space<semaphore_mem>>) src(%arg16 : memref<80x128xf32, #tpu.memory_space<vmem>>) dst(%dma_wait3A_109 : memref<10240x128xf32, #tpu.memory_space<vmem_shared>>)
    %dma_wait3A_110 = arith.constant 0 : i32
    %dma_wait3A_111 = arith.constant 0 : i32
    %dma_wait3A_112 = tpu.memref_slice %arg2[%dma_wait3A_110, %dma_wait3A_111] : memref<10000x128xf32, #tpu.memory_space<hbm>> -> memref<10000x128xf32, #tpu.memory_space<hbm>>
    tpu.wait_indirect_dma semaphore(%arg19 : memref<!tpu.dma_semaphore, #tpu.memory_space<semaphore_mem>>) src(%dma_wait3A_112 : memref<10000x128xf32, #tpu.memory_space<hbm>>) dst(%arg14 : memref<80x128xf32, #tpu.memory_space<vmem>>)
    %add3A_113 = arith.constant 9920 : i32
    %add3A_114 = arith.addi %mul3A_39, %add3A_113 : i32
    "tpu.region"() ({
      %run_scoped3A = tpu.sem_alloc : memref<!tpu.dma_semaphore, #tpu.memory_space<semaphore_mem>>
      %dma_start3A_129 = tpu.memref_slice %arg4[%add3A_114] : memref<320000xi32, #tpu.memory_space<hbm>> -> memref<80xi32, #tpu.memory_space<hbm>>
      %dma_start3A_130 = tpu.memref_slice %arg4[%add3A_114] : memref<320000xi32, #tpu.memory_space<hbm>> -> memref<80xi32, #tpu.memory_space<hbm>>
      tpu.enqueue_dma source(%dma_start3A_130 : memref<80xi32, #tpu.memory_space<hbm>>) target(%arg10 : memref<80xi32, #tpu.memory_space<vmem>>) target_semaphore(%run_scoped3A : memref<!tpu.dma_semaphore, #tpu.memory_space<semaphore_mem>>)
      %dma_wait3A_131 = tpu.memref_slice %arg4[%add3A_114] : memref<320000xi32, #tpu.memory_space<hbm>> -> memref<80xi32, #tpu.memory_space<hbm>>
      %dma_wait3A_132 = tpu.memref_slice %arg4[%add3A_114] : memref<320000xi32, #tpu.memory_space<hbm>> -> memref<80xi32, #tpu.memory_space<hbm>>
      tpu.wait_dma2 semaphore(%run_scoped3A : memref<!tpu.dma_semaphore, #tpu.memory_space<semaphore_mem>>) src(%dma_wait3A_132 : memref<80xi32, #tpu.memory_space<hbm>>) dst(%arg10 : memref<80xi32, #tpu.memory_space<vmem>>)
      tpu.yield
    }) : () -> ()
    %dma_start3A_115 = arith.constant 0 : i32
    %dma_start3A_116 = arith.constant 0 : i32
    %dma_start3A_117 = tpu.memref_slice %arg18[%dma_start3A_115, %dma_start3A_116] : memref<10240x128xf32, #tpu.memory_space<vmem_shared>> -> memref<10240x128xf32, #tpu.memory_space<vmem_shared>>
    tpu.enqueue_indirect_dma source(%arg14 : memref<80x128xf32, #tpu.memory_space<vmem>>) target(%dma_start3A_117 : memref<10240x128xf32, #tpu.memory_space<vmem_shared>>) offsets(%arg10 : memref<80xi32, #tpu.memory_space<vmem>>) semaphore(%arg23 : memref<!tpu.dma_semaphore, #tpu.memory_space<semaphore_mem>>) {add = true}
    %dma_wait3A_118 = arith.constant 0 : i32
    %dma_wait3A_119 = arith.constant 0 : i32
    %dma_wait3A_120 = tpu.memref_slice %arg18[%dma_wait3A_118, %dma_wait3A_119] : memref<10240x128xf32, #tpu.memory_space<vmem_shared>> -> memref<10240x128xf32, #tpu.memory_space<vmem_shared>>
    tpu.wait_indirect_dma semaphore(%arg26 : memref<!tpu.dma_semaphore, #tpu.memory_space<semaphore_mem>>) src(%arg17 : memref<80x128xf32, #tpu.memory_space<vmem>>) dst(%dma_wait3A_120 : memref<10240x128xf32, #tpu.memory_space<vmem_shared>>)
    %dma_wait3A_121 = arith.constant 0 : i32
    %dma_wait3A_122 = arith.constant 0 : i32
    %dma_wait3A_123 = tpu.memref_slice %arg18[%dma_wait3A_121, %dma_wait3A_122] : memref<10240x128xf32, #tpu.memory_space<vmem_shared>> -> memref<10240x128xf32, #tpu.memory_space<vmem_shared>>
    tpu.wait_indirect_dma semaphore(%arg23 : memref<!tpu.dma_semaphore, #tpu.memory_space<semaphore_mem>>) src(%arg14 : memref<80x128xf32, #tpu.memory_space<vmem>>) dst(%dma_wait3A_123 : memref<10240x128xf32, #tpu.memory_space<vmem_shared>>)
    %barrier3A_124 = arith.constant 0 : index
    tpu.barrier barrier_id(%barrier3A_124)
    %mul3A_125 = arith.constant 640 : i32
    %mul3A_126 = arith.muli %arg1, %mul3A_125 : i32
    %mul3A_127 = arith.constant 640 : i32
    %mul3A_128 = arith.muli %arg1, %mul3A_127 : i32
    "tpu.region"() ({
      %run_scoped3A = tpu.sem_alloc : memref<!tpu.dma_semaphore, #tpu.memory_space<semaphore_mem>>
      %dma_start3A_129 = arith.constant 0 : i32
      %dma_start3A_130 = tpu.memref_slice %arg5[%arg0, %mul3A_128, %dma_start3A_129] : memref<2x10240x128xf32, #tpu.memory_space<hbm>> -> memref<1x640x128xf32, #tpu.memory_space<hbm>>
      %dma_start3A_131 = tpu.memref_squeeze %dma_start3A_130 : memref<1x640x128xf32, #tpu.memory_space<hbm>> -> memref<640x128xf32, #tpu.memory_space<hbm>>
      %dma_start3A_132 = arith.constant 0 : i32
      %dma_start3A_133 = tpu.memref_slice %arg18[%mul3A_126, %dma_start3A_132] : memref<10240x128xf32, #tpu.memory_space<vmem_shared>> -> memref<640x128xf32, #tpu.memory_space<vmem_shared>>
      tpu.enqueue_dma source(%dma_start3A_133 : memref<640x128xf32, #tpu.memory_space<vmem_shared>>) target(%dma_start3A_131 : memref<640x128xf32, #tpu.memory_space<hbm>>) target_semaphore(%run_scoped3A : memref<!tpu.dma_semaphore, #tpu.memory_space<semaphore_mem>>)
      %dma_wait3A_134 = arith.constant 0 : i32
      %dma_wait3A_135 = tpu.memref_slice %arg5[%arg0, %mul3A_128, %dma_wait3A_134] : memref<2x10240x128xf32, #tpu.memory_space<hbm>> -> memref<1x640x128xf32, #tpu.memory_space<hbm>>
      %dma_wait3A_136 = tpu.memref_squeeze %dma_wait3A_135 : memref<1x640x128xf32, #tpu.memory_space<hbm>> -> memref<640x128xf32, #tpu.memory_space<hbm>>
      %dma_wait3A_137 = arith.constant 0 : i32
      %dma_wait3A_138 = tpu.memref_slice %arg18[%mul3A_126, %dma_wait3A_137] : memref<10240x128xf32, #tpu.memory_space<vmem_shared>> -> memref<640x128xf32, #tpu.memory_space<vmem_shared>>
      tpu.wait_dma2 semaphore(%run_scoped3A : memref<!tpu.dma_semaphore, #tpu.memory_space<semaphore_mem>>) src(%dma_wait3A_138 : memref<640x128xf32, #tpu.memory_space<vmem_shared>>) dst(%dma_wait3A_136 : memref<640x128xf32, #tpu.memory_space<hbm>>)
      tpu.yield
    }) : () -> ()
    return
  }
}

#map = affine_map<(d0, d1) -> (0)>
#map1 = affine_map<(d0, d1) -> (0, 0)>
module attributes {stable_mosaic.version = 14 : i64} {
  func.func @_sc_degrees(%arg0: i32, %arg1: i32, %arg2: memref<320000xi32, #tpu.memory_space<hbm>>, %arg3: memref<320000xi32, #tpu.memory_space<hbm>>, %arg4: memref<2x20480xf32, #tpu.memory_space<hbm>>, %arg5: memref<10000xi32, #tpu.memory_space<vmem>>, %arg6: memref<20480xf32, #tpu.memory_space<vmem>>, %arg7: memref<16x1280xf32, #tpu.memory_space<vmem>>, %arg8: memref<16x20480xf32, #tpu.memory_space<vmem_shared>>) attributes {dimension_semantics = [#tpu.dimension_semantics<core_parallel>, #tpu.dimension_semantics<subcore_parallel>], iteration_bounds = array<i64: 2, 16>, scalar_prefetch = 0 : i64, scratch_operands = 4 : i64, tpu.core_type = #tpu.core_type<sc_vector_subcore>, window_params = [{transform_indices = #map}, {transform_indices = #map}, {transform_indices = #map1}]} {
    %mul3A = arith.constant 16 : i32
    %mul3A_0 = arith.muli %arg0, %mul3A : i32
    %add3A = arith.addi %mul3A_0, %arg1 : i32
    %scan3A = arith.constant 0 : i32
    %scan3A_1 = arith.constant 0 : i32
    %scan3A_2 = arith.constant 1280 : i32
    %scan3A_3 = arith.addi %scan3A_1, %scan3A_2 : i32
    %scan3A_4 = arith.constant 1 : i32
    scf.for %scan3A_32 = %scan3A_1 to %scan3A_3 step %scan3A_4  : i32 {
      %broadcast_in_dim3A = arith.constant 0.000000e+00 : f32
      %broadcast_in_dim3A_33 = vector.broadcast %broadcast_in_dim3A : f32 to vector<16xf32>
      %mul3A_34 = arith.constant 16 : i32
      %mul3A_35 = arith.muli %scan3A_32, %mul3A_34 : i32
      %swap3A = arith.index_cast %mul3A_35 : i32 to index
      %swap3A_36 = tpu.vector_load %arg6[%swap3A] {strides = array<i32>} : memref<20480xf32, #tpu.memory_space<vmem>>, vector<16xf32>,
      tpu.vector_store %arg6[%swap3A], %broadcast_in_dim3A_33 {strides = array<i32>} : memref<20480xf32, #tpu.memory_space<vmem>>, vector<16xf32>,
    }
    %scan3A_5 = arith.constant 1280 : i32
    %mul3A_6 = arith.constant 10000 : i32
    %mul3A_7 = arith.muli %add3A, %mul3A_6 : i32
    "tpu.region"() ({
      %run_scoped3A = tpu.sem_alloc : memref<!tpu.dma_semaphore, #tpu.memory_space<semaphore_mem>>
      %dma_start3A = tpu.memref_slice %arg2[%mul3A_7] : memref<320000xi32, #tpu.memory_space<hbm>> -> memref<10000xi32, #tpu.memory_space<hbm>>
      %dma_start3A_32 = tpu.memref_slice %arg2[%mul3A_7] : memref<320000xi32, #tpu.memory_space<hbm>> -> memref<10000xi32, #tpu.memory_space<hbm>>
      tpu.enqueue_dma source(%dma_start3A_32 : memref<10000xi32, #tpu.memory_space<hbm>>) target(%arg5 : memref<10000xi32, #tpu.memory_space<vmem>>) target_semaphore(%run_scoped3A : memref<!tpu.dma_semaphore, #tpu.memory_space<semaphore_mem>>)
      %dma_wait3A = tpu.memref_slice %arg2[%mul3A_7] : memref<320000xi32, #tpu.memory_space<hbm>> -> memref<10000xi32, #tpu.memory_space<hbm>>
      %dma_wait3A_33 = tpu.memref_slice %arg2[%mul3A_7] : memref<320000xi32, #tpu.memory_space<hbm>> -> memref<10000xi32, #tpu.memory_space<hbm>>
      tpu.wait_dma2 semaphore(%run_scoped3A : memref<!tpu.dma_semaphore, #tpu.memory_space<semaphore_mem>>) src(%dma_wait3A_33 : memref<10000xi32, #tpu.memory_space<hbm>>) dst(%arg5 : memref<10000xi32, #tpu.memory_space<vmem>>)
      tpu.yield
    }) : () -> ()
    %scan3A_8 = arith.constant 0 : i32
    %scan3A_9 = arith.constant 0 : i32
    %scan3A_10 = arith.constant 625 : i32
    %scan3A_11 = arith.addi %scan3A_9, %scan3A_10 : i32
    %scan3A_12 = arith.constant 1 : i32
    scf.for %scan3A_32 = %scan3A_9 to %scan3A_11 step %scan3A_12  : i32 {
      %mul3A_33 = arith.constant 16 : i32
      %mul3A_34 = arith.muli %scan3A_32, %mul3A_33 : i32
      %get3A = arith.index_cast %mul3A_34 : i32 to index
      %get3A_35 = tpu.vector_load %arg5[%get3A] {strides = array<i32>} : memref<10000xi32, #tpu.memory_space<vmem>>, vector<16xi32>,
      %add3A_36 = arith.constant 0 : i32
      %add3A_37 = vector.broadcast %add3A_36 : i32 to vector<16xi32>
      %add3A_38 = arith.addi %get3A_35, %add3A_37 : vector<16xi32>
      %broadcast_in_dim3A = arith.constant true
      %broadcast_in_dim3A_39 = vector.broadcast %broadcast_in_dim3A : i1 to vector<16xi1>
      %unique3A, %unique3A_40 = tpu.scan_count mask(%broadcast_in_dim3A_39 : vector<16xi1>) value(%add3A_38 : vector<16xi32>) : vector<16xi1>, vector<16xi32>
      %convert_element_type3A = arith.sitofp %unique3A_40 : vector<16xi32> to vector<16xf32>
      tpu.vector_store_idx %arg6[%add3A_38], %convert_element_type3A masked %unique3A {add = true} : memref<20480xf32, #tpu.memory_space<vmem>>[vector<16xi32>], vector<16xf32>, vector<16xi1>
    }
    %scan3A_13 = arith.constant 625 : i32
    %mul3A_14 = arith.constant 10000 : i32
    %mul3A_15 = arith.muli %add3A, %mul3A_14 : i32
    "tpu.region"() ({
      %run_scoped3A = tpu.sem_alloc : memref<!tpu.dma_semaphore, #tpu.memory_space<semaphore_mem>>
      %dma_start3A = tpu.memref_slice %arg3[%mul3A_15] : memref<320000xi32, #tpu.memory_space<hbm>> -> memref<10000xi32, #tpu.memory_space<hbm>>
      %dma_start3A_32 = tpu.memref_slice %arg3[%mul3A_15] : memref<320000xi32, #tpu.memory_space<hbm>> -> memref<10000xi32, #tpu.memory_space<hbm>>
      tpu.enqueue_dma source(%dma_start3A_32 : memref<10000xi32, #tpu.memory_space<hbm>>) target(%arg5 : memref<10000xi32, #tpu.memory_space<vmem>>) target_semaphore(%run_scoped3A : memref<!tpu.dma_semaphore, #tpu.memory_space<semaphore_mem>>)
      %dma_wait3A = tpu.memref_slice %arg3[%mul3A_15] : memref<320000xi32, #tpu.memory_space<hbm>> -> memref<10000xi32, #tpu.memory_space<hbm>>
      %dma_wait3A_33 = tpu.memref_slice %arg3[%mul3A_15] : memref<320000xi32, #tpu.memory_space<hbm>> -> memref<10000xi32, #tpu.memory_space<hbm>>
      tpu.wait_dma2 semaphore(%run_scoped3A : memref<!tpu.dma_semaphore, #tpu.memory_space<semaphore_mem>>) src(%dma_wait3A_33 : memref<10000xi32, #tpu.memory_space<hbm>>) dst(%arg5 : memref<10000xi32, #tpu.memory_space<vmem>>)
      tpu.yield
    }) : () -> ()
    %scan3A_16 = arith.constant 0 : i32
    %scan3A_17 = arith.constant 0 : i32
    %scan3A_18 = arith.constant 625 : i32
    %scan3A_19 = arith.addi %scan3A_17, %scan3A_18 : i32
    %scan3A_20 = arith.constant 1 : i32
    scf.for %scan3A_32 = %scan3A_17 to %scan3A_19 step %scan3A_20  : i32 {
      %mul3A_33 = arith.constant 16 : i32
      %mul3A_34 = arith.muli %scan3A_32, %mul3A_33 : i32
      %get3A = arith.index_cast %mul3A_34 : i32 to index
      %get3A_35 = tpu.vector_load %arg5[%get3A] {strides = array<i32>} : memref<10000xi32, #tpu.memory_space<vmem>>, vector<16xi32>,
      %add3A_36 = arith.constant 10240 : i32
      %add3A_37 = vector.broadcast %add3A_36 : i32 to vector<16xi32>
      %add3A_38 = arith.addi %get3A_35, %add3A_37 : vector<16xi32>
      %broadcast_in_dim3A = arith.constant true
      %broadcast_in_dim3A_39 = vector.broadcast %broadcast_in_dim3A : i1 to vector<16xi1>
      %unique3A, %unique3A_40 = tpu.scan_count mask(%broadcast_in_dim3A_39 : vector<16xi1>) value(%add3A_38 : vector<16xi32>) : vector<16xi1>, vector<16xi32>
      %convert_element_type3A = arith.sitofp %unique3A_40 : vector<16xi32> to vector<16xf32>
      tpu.vector_store_idx %arg6[%add3A_38], %convert_element_type3A masked %unique3A {add = true} : memref<20480xf32, #tpu.memory_space<vmem>>[vector<16xi32>], vector<16xf32>, vector<16xi1>
    }
    %scan3A_21 = arith.constant 625 : i32
    "tpu.region"() ({
      %run_scoped3A = tpu.sem_alloc : memref<!tpu.dma_semaphore, #tpu.memory_space<semaphore_mem>>
      %dma_start3A = arith.constant 0 : i32
      %dma_start3A_32 = tpu.memref_slice %arg8[%arg1, %dma_start3A] : memref<16x20480xf32, #tpu.memory_space<vmem_shared>> -> memref<1x20480xf32, #tpu.memory_space<vmem_shared>>
      %dma_start3A_33 = tpu.memref_squeeze %dma_start3A_32 : memref<1x20480xf32, #tpu.memory_space<vmem_shared>> -> memref<20480xf32, #tpu.memory_space<vmem_shared>>
      %dma_start3A_34 = arith.constant 0 : i32
      %dma_start3A_35 = tpu.memref_slice %arg8[%arg1, %dma_start3A_34] : memref<16x20480xf32, #tpu.memory_space<vmem_shared>> -> memref<1x20480xf32, #tpu.memory_space<vmem_shared>>
      %dma_start3A_36 = tpu.memref_squeeze %dma_start3A_35 : memref<1x20480xf32, #tpu.memory_space<vmem_shared>> -> memref<20480xf32, #tpu.memory_space<vmem_shared>>
      tpu.enqueue_dma source(%arg6 : memref<20480xf32, #tpu.memory_space<vmem>>) target(%dma_start3A_36 : memref<20480xf32, #tpu.memory_space<vmem_shared>>) target_semaphore(%run_scoped3A : memref<!tpu.dma_semaphore, #tpu.memory_space<semaphore_mem>>)
      %dma_wait3A = arith.constant 0 : i32
      %dma_wait3A_37 = tpu.memref_slice %arg8[%arg1, %dma_wait3A] : memref<16x20480xf32, #tpu.memory_space<vmem_shared>> -> memref<1x20480xf32, #tpu.memory_space<vmem_shared>>
      %dma_wait3A_38 = tpu.memref_squeeze %dma_wait3A_37 : memref<1x20480xf32, #tpu.memory_space<vmem_shared>> -> memref<20480xf32, #tpu.memory_space<vmem_shared>>
      %dma_wait3A_39 = arith.constant 0 : i32
      %dma_wait3A_40 = tpu.memref_slice %arg8[%arg1, %dma_wait3A_39] : memref<16x20480xf32, #tpu.memory_space<vmem_shared>> -> memref<1x20480xf32, #tpu.memory_space<vmem_shared>>
      %dma_wait3A_41 = tpu.memref_squeeze %dma_wait3A_40 : memref<1x20480xf32, #tpu.memory_space<vmem_shared>> -> memref<20480xf32, #tpu.memory_space<vmem_shared>>
      tpu.wait_dma2 semaphore(%run_scoped3A : memref<!tpu.dma_semaphore, #tpu.memory_space<semaphore_mem>>) src(%arg6 : memref<20480xf32, #tpu.memory_space<vmem>>) dst(%dma_wait3A_41 : memref<20480xf32, #tpu.memory_space<vmem_shared>>)
      tpu.yield
    }) : () -> ()
    %barrier3A = arith.constant 0 : index
    tpu.barrier barrier_id(%barrier3A)
    %mul3A_22 = arith.constant 1280 : i32
    %mul3A_23 = arith.muli %arg1, %mul3A_22 : i32
    "tpu.region"() ({
      %run_scoped3A = tpu.sem_alloc : memref<!tpu.dma_semaphore, #tpu.memory_space<semaphore_mem>>
      %dma_start3A = arith.constant 0 : i32
      %dma_start3A_32 = tpu.memref_slice %arg8[%dma_start3A, %mul3A_23] : memref<16x20480xf32, #tpu.memory_space<vmem_shared>> -> memref<16x1280xf32, #tpu.memory_space<vmem_shared>>
      %dma_start3A_33 = arith.constant 0 : i32
      %dma_start3A_34 = tpu.memref_slice %arg8[%dma_start3A_33, %mul3A_23] : memref<16x20480xf32, #tpu.memory_space<vmem_shared>> -> memref<16x1280xf32, #tpu.memory_space<vmem_shared>>
      tpu.enqueue_dma source(%dma_start3A_34 : memref<16x1280xf32, #tpu.memory_space<vmem_shared>>) target(%arg7 : memref<16x1280xf32, #tpu.memory_space<vmem>>) target_semaphore(%run_scoped3A : memref<!tpu.dma_semaphore, #tpu.memory_space<semaphore_mem>>)
      %dma_wait3A = arith.constant 0 : i32
      %dma_wait3A_35 = tpu.memref_slice %arg8[%dma_wait3A, %mul3A_23] : memref<16x20480xf32, #tpu.memory_space<vmem_shared>> -> memref<16x1280xf32, #tpu.memory_space<vmem_shared>>
      %dma_wait3A_36 = arith.constant 0 : i32
      %dma_wait3A_37 = tpu.memref_slice %arg8[%dma_wait3A_36, %mul3A_23] : memref<16x20480xf32, #tpu.memory_space<vmem_shared>> -> memref<16x1280xf32, #tpu.memory_space<vmem_shared>>
      tpu.wait_dma2 semaphore(%run_scoped3A : memref<!tpu.dma_semaphore, #tpu.memory_space<semaphore_mem>>) src(%dma_wait3A_37 : memref<16x1280xf32, #tpu.memory_space<vmem_shared>>) dst(%arg7 : memref<16x1280xf32, #tpu.memory_space<vmem>>)
      tpu.yield
    }) : () -> ()
    %scan3A_24 = arith.constant 0 : i32
    %scan3A_25 = arith.constant 0 : i32
    %scan3A_26 = arith.constant 80 : i32
    %scan3A_27 = arith.addi %scan3A_25, %scan3A_26 : i32
    %scan3A_28 = arith.constant 1 : i32
    scf.for %scan3A_32 = %scan3A_25 to %scan3A_27 step %scan3A_28  : i32 {
      %mul3A_33 = arith.constant 16 : i32
      %mul3A_34 = arith.muli %scan3A_32, %mul3A_33 : i32
      %get3A = arith.constant 0 : i32
      %get3A_35 = arith.index_cast %get3A : i32 to index
      %get3A_36 = arith.index_cast %mul3A_34 : i32 to index
      %get3A_37 = tpu.vector_load %arg7[%get3A_35, %get3A_36] {strides = array<i32>} : memref<16x1280xf32, #tpu.memory_space<vmem>>, vector<16xf32>,
      %mul3A_38 = arith.constant 16 : i32
      %mul3A_39 = arith.muli %scan3A_32, %mul3A_38 : i32
      %get3A_40 = arith.constant 1 : i32
      %get3A_41 = arith.index_cast %get3A_40 : i32 to index
      %get3A_42 = arith.index_cast %mul3A_39 : i32 to index
      %get3A_43 = tpu.vector_load %arg7[%get3A_41, %get3A_42] {strides = array<i32>} : memref<16x1280xf32, #tpu.memory_space<vmem>>, vector<16xf32>,
      %add3A_44 = arith.addf %get3A_37, %get3A_43 : vector<16xf32>
      %mul3A_45 = arith.constant 16 : i32
      %mul3A_46 = arith.muli %scan3A_32, %mul3A_45 : i32
      %get3A_47 = arith.constant 2 : i32
      %get3A_48 = arith.index_cast %get3A_47 : i32 to index
      %get3A_49 = arith.index_cast %mul3A_46 : i32 to index
      %get3A_50 = tpu.vector_load %arg7[%get3A_48, %get3A_49] {strides = array<i32>} : memref<16x1280xf32, #tpu.memory_space<vmem>>, vector<16xf32>,
      %add3A_51 = arith.addf %add3A_44, %get3A_50 : vector<16xf32>
      %mul3A_52 = arith.constant 16 : i32
      %mul3A_53 = arith.muli %scan3A_32, %mul3A_52 : i32
      %get3A_54 = arith.constant 3 : i32
      %get3A_55 = arith.index_cast %get3A_54 : i32 to index
      %get3A_56 = arith.index_cast %mul3A_53 : i32 to index
      %get3A_57 = tpu.vector_load %arg7[%get3A_55, %get3A_56] {strides = array<i32>} : memref<16x1280xf32, #tpu.memory_space<vmem>>, vector<16xf32>,
      %add3A_58 = arith.addf %add3A_51, %get3A_57 : vector<16xf32>
      %mul3A_59 = arith.constant 16 : i32
      %mul3A_60 = arith.muli %scan3A_32, %mul3A_59 : i32
      %get3A_61 = arith.constant 4 : i32
      %get3A_62 = arith.index_cast %get3A_61 : i32 to index
      %get3A_63 = arith.index_cast %mul3A_60 : i32 to index
      %get3A_64 = tpu.vector_load %arg7[%get3A_62, %get3A_63] {strides = array<i32>} : memref<16x1280xf32, #tpu.memory_space<vmem>>, vector<16xf32>,
      %add3A_65 = arith.addf %add3A_58, %get3A_64 : vector<16xf32>
      %mul3A_66 = arith.constant 16 : i32
      %mul3A_67 = arith.muli %scan3A_32, %mul3A_66 : i32
      %get3A_68 = arith.constant 5 : i32
      %get3A_69 = arith.index_cast %get3A_68 : i32 to index
      %get3A_70 = arith.index_cast %mul3A_67 : i32 to index
      %get3A_71 = tpu.vector_load %arg7[%get3A_69, %get3A_70] {strides = array<i32>} : memref<16x1280xf32, #tpu.memory_space<vmem>>, vector<16xf32>,
      %add3A_72 = arith.addf %add3A_65, %get3A_71 : vector<16xf32>
      %mul3A_73 = arith.constant 16 : i32
      %mul3A_74 = arith.muli %scan3A_32, %mul3A_73 : i32
      %get3A_75 = arith.constant 6 : i32
      %get3A_76 = arith.index_cast %get3A_75 : i32 to index
      %get3A_77 = arith.index_cast %mul3A_74 : i32 to index
      %get3A_78 = tpu.vector_load %arg7[%get3A_76, %get3A_77] {strides = array<i32>} : memref<16x1280xf32, #tpu.memory_space<vmem>>, vector<16xf32>,
      %add3A_79 = arith.addf %add3A_72, %get3A_78 : vector<16xf32>
      %mul3A_80 = arith.constant 16 : i32
      %mul3A_81 = arith.muli %scan3A_32, %mul3A_80 : i32
      %get3A_82 = arith.constant 7 : i32
      %get3A_83 = arith.index_cast %get3A_82 : i32 to index
      %get3A_84 = arith.index_cast %mul3A_81 : i32 to index
      %get3A_85 = tpu.vector_load %arg7[%get3A_83, %get3A_84] {strides = array<i32>} : memref<16x1280xf32, #tpu.memory_space<vmem>>, vector<16xf32>,
      %add3A_86 = arith.addf %add3A_79, %get3A_85 : vector<16xf32>
      %mul3A_87 = arith.constant 16 : i32
      %mul3A_88 = arith.muli %scan3A_32, %mul3A_87 : i32
      %get3A_89 = arith.constant 8 : i32
      %get3A_90 = arith.index_cast %get3A_89 : i32 to index
      %get3A_91 = arith.index_cast %mul3A_88 : i32 to index
      %get3A_92 = tpu.vector_load %arg7[%get3A_90, %get3A_91] {strides = array<i32>} : memref<16x1280xf32, #tpu.memory_space<vmem>>, vector<16xf32>,
      %add3A_93 = arith.addf %add3A_86, %get3A_92 : vector<16xf32>
      %mul3A_94 = arith.constant 16 : i32
      %mul3A_95 = arith.muli %scan3A_32, %mul3A_94 : i32
      %get3A_96 = arith.constant 9 : i32
      %get3A_97 = arith.index_cast %get3A_96 : i32 to index
      %get3A_98 = arith.index_cast %mul3A_95 : i32 to index
      %get3A_99 = tpu.vector_load %arg7[%get3A_97, %get3A_98] {strides = array<i32>} : memref<16x1280xf32, #tpu.memory_space<vmem>>, vector<16xf32>,
      %add3A_100 = arith.addf %add3A_93, %get3A_99 : vector<16xf32>
      %mul3A_101 = arith.constant 16 : i32
      %mul3A_102 = arith.muli %scan3A_32, %mul3A_101 : i32
      %get3A_103 = arith.constant 10 : i32
      %get3A_104 = arith.index_cast %get3A_103 : i32 to index
      %get3A_105 = arith.index_cast %mul3A_102 : i32 to index
      %get3A_106 = tpu.vector_load %arg7[%get3A_104, %get3A_105] {strides = array<i32>} : memref<16x1280xf32, #tpu.memory_space<vmem>>, vector<16xf32>,
      %add3A_107 = arith.addf %add3A_100, %get3A_106 : vector<16xf32>
      %mul3A_108 = arith.constant 16 : i32
      %mul3A_109 = arith.muli %scan3A_32, %mul3A_108 : i32
      %get3A_110 = arith.constant 11 : i32
      %get3A_111 = arith.index_cast %get3A_110 : i32 to index
      %get3A_112 = arith.index_cast %mul3A_109 : i32 to index
      %get3A_113 = tpu.vector_load %arg7[%get3A_111, %get3A_112] {strides = array<i32>} : memref<16x1280xf32, #tpu.memory_space<vmem>>, vector<16xf32>,
      %add3A_114 = arith.addf %add3A_107, %get3A_113 : vector<16xf32>
      %mul3A_115 = arith.constant 16 : i32
      %mul3A_116 = arith.muli %scan3A_32, %mul3A_115 : i32
      %get3A_117 = arith.constant 12 : i32
      %get3A_118 = arith.index_cast %get3A_117 : i32 to index
      %get3A_119 = arith.index_cast %mul3A_116 : i32 to index
      %get3A_120 = tpu.vector_load %arg7[%get3A_118, %get3A_119] {strides = array<i32>} : memref<16x1280xf32, #tpu.memory_space<vmem>>, vector<16xf32>,
      %add3A_121 = arith.addf %add3A_114, %get3A_120 : vector<16xf32>
      %mul3A_122 = arith.constant 16 : i32
      %mul3A_123 = arith.muli %scan3A_32, %mul3A_122 : i32
      %get3A_124 = arith.constant 13 : i32
      %get3A_125 = arith.index_cast %get3A_124 : i32 to index
      %get3A_126 = arith.index_cast %mul3A_123 : i32 to index
      %get3A_127 = tpu.vector_load %arg7[%get3A_125, %get3A_126] {strides = array<i32>} : memref<16x1280xf32, #tpu.memory_space<vmem>>, vector<16xf32>,
      %add3A_128 = arith.addf %add3A_121, %get3A_127 : vector<16xf32>
      %mul3A_129 = arith.constant 16 : i32
      %mul3A_130 = arith.muli %scan3A_32, %mul3A_129 : i32
      %get3A_131 = arith.constant 14 : i32
      %get3A_132 = arith.index_cast %get3A_131 : i32 to index
      %get3A_133 = arith.index_cast %mul3A_130 : i32 to index
      %get3A_134 = tpu.vector_load %arg7[%get3A_132, %get3A_133] {strides = array<i32>} : memref<16x1280xf32, #tpu.memory_space<vmem>>, vector<16xf32>,
      %add3A_135 = arith.addf %add3A_128, %get3A_134 : vector<16xf32>
      %mul3A_136 = arith.constant 16 : i32
      %mul3A_137 = arith.muli %scan3A_32, %mul3A_136 : i32
      %get3A_138 = arith.constant 15 : i32
      %get3A_139 = arith.index_cast %get3A_138 : i32 to index
      %get3A_140 = arith.index_cast %mul3A_137 : i32 to index
      %get3A_141 = tpu.vector_load %arg7[%get3A_139, %get3A_140] {strides = array<i32>} : memref<16x1280xf32, #tpu.memory_space<vmem>>, vector<16xf32>,
      %add3A_142 = arith.addf %add3A_135, %get3A_141 : vector<16xf32>
      %mul3A_143 = arith.constant 16 : i32
      %mul3A_144 = arith.muli %scan3A_32, %mul3A_143 : i32
      %swap3A = arith.index_cast %mul3A_144 : i32 to index
      %swap3A_145 = tpu.vector_load %arg6[%swap3A] {strides = array<i32>} : memref<20480xf32, #tpu.memory_space<vmem>>, vector<16xf32>,
      tpu.vector_store %arg6[%swap3A], %add3A_142 {strides = array<i32>} : memref<20480xf32, #tpu.memory_space<vmem>>, vector<16xf32>,
    }
    %scan3A_29 = arith.constant 80 : i32
    %mul3A_30 = arith.constant 1280 : i32
    %mul3A_31 = arith.muli %arg1, %mul3A_30 : i32
    "tpu.region"() ({
      %run_scoped3A = tpu.sem_alloc : memref<!tpu.dma_semaphore, #tpu.memory_space<semaphore_mem>>
      %dma_start3A = arith.constant 0 : i32
      %dma_start3A_32 = tpu.memref_slice %arg6[%dma_start3A] : memref<20480xf32, #tpu.memory_space<vmem>> -> memref<1280xf32, #tpu.memory_space<vmem>>
      %dma_start3A_33 = tpu.memref_slice %arg4[%arg0, %mul3A_31] : memref<2x20480xf32, #tpu.memory_space<hbm>> -> memref<1x1280xf32, #tpu.memory_space<hbm>>
      %dma_start3A_34 = tpu.memref_squeeze %dma_start3A_33 : memref<1x1280xf32, #tpu.memory_space<hbm>> -> memref<1280xf32, #tpu.memory_space<hbm>>
      %dma_start3A_35 = tpu.memref_slice %arg4[%arg0, %mul3A_31] : memref<2x20480xf32, #tpu.memory_space<hbm>> -> memref<1x1280xf32, #tpu.memory_space<hbm>>
      %dma_start3A_36 = tpu.memref_squeeze %dma_start3A_35 : memref<1x1280xf32, #tpu.memory_space<hbm>> -> memref<1280xf32, #tpu.memory_space<hbm>>
      %dma_start3A_37 = arith.constant 0 : i32
      %dma_start3A_38 = tpu.memref_slice %arg6[%dma_start3A_37] : memref<20480xf32, #tpu.memory_space<vmem>> -> memref<1280xf32, #tpu.memory_space<vmem>>
      tpu.enqueue_dma source(%dma_start3A_38 : memref<1280xf32, #tpu.memory_space<vmem>>) target(%dma_start3A_36 : memref<1280xf32, #tpu.memory_space<hbm>>) target_semaphore(%run_scoped3A : memref<!tpu.dma_semaphore, #tpu.memory_space<semaphore_mem>>)
      %dma_wait3A = arith.constant 0 : i32
      %dma_wait3A_39 = tpu.memref_slice %arg6[%dma_wait3A] : memref<20480xf32, #tpu.memory_space<vmem>> -> memref<1280xf32, #tpu.memory_space<vmem>>
      %dma_wait3A_40 = tpu.memref_slice %arg4[%arg0, %mul3A_31] : memref<2x20480xf32, #tpu.memory_space<hbm>> -> memref<1x1280xf32, #tpu.memory_space<hbm>>
      %dma_wait3A_41 = tpu.memref_squeeze %dma_wait3A_40 : memref<1x1280xf32, #tpu.memory_space<hbm>> -> memref<1280xf32, #tpu.memory_space<hbm>>
      %dma_wait3A_42 = tpu.memref_slice %arg4[%arg0, %mul3A_31] : memref<2x20480xf32, #tpu.memory_space<hbm>> -> memref<1x1280xf32, #tpu.memory_space<hbm>>
      %dma_wait3A_43 = tpu.memref_squeeze %dma_wait3A_42 : memref<1x1280xf32, #tpu.memory_space<hbm>> -> memref<1280xf32, #tpu.memory_space<hbm>>
      %dma_wait3A_44 = arith.constant 0 : i32
      %dma_wait3A_45 = tpu.memref_slice %arg6[%dma_wait3A_44] : memref<20480xf32, #tpu.memory_space<vmem>> -> memref<1280xf32, #tpu.memory_space<vmem>>
      tpu.wait_dma2 semaphore(%run_scoped3A : memref<!tpu.dma_semaphore, #tpu.memory_space<semaphore_mem>>) src(%dma_wait3A_45 : memref<1280xf32, #tpu.memory_space<vmem>>) dst(%dma_wait3A_43 : memref<1280xf32, #tpu.memory_space<hbm>>)
      tpu.yield
    }) : () -> ()
    return
  }
}

#map = affine_map<(d0, d1) -> (0, 0)>
#map1 = affine_map<(d0, d1) -> (0)>
#map2 = affine_map<(d0, d1) -> (0, 0, 0)>
module attributes {stable_mosaic.version = 14 : i64} {
  func.func @_sc_aggregate(%arg0: i32, %arg1: i32, %arg2: memref<10000x128xf32, #tpu.memory_space<hbm>>, %arg3: memref<320000xi32, #tpu.memory_space<hbm>>, %arg4: memref<320000xi32, #tpu.memory_space<hbm>>, %arg5: memref<2x10240x128xf32, #tpu.memory_space<hbm>>, %arg6: memref<80xi32, #tpu.memory_space<vmem>>, %arg7: memref<80xi32, #tpu.memory_space<vmem>>, %arg8: memref<80xi32, #tpu.memory_space<vmem>>, %arg9: memref<80xi32, #tpu.memory_space<vmem>>, %arg10: memref<80xi32, #tpu.memory_space<vmem>>, %arg11: memref<80xi32, #tpu.memory_space<vmem>>, %arg12: memref<80xi32, #tpu.memory_space<vmem>>, %arg13: memref<80xi32, #tpu.memory_space<vmem>>, %arg14: memref<80x128xf32, #tpu.memory_space<vmem>>, %arg15: memref<80x128xf32, #tpu.memory_space<vmem>>, %arg16: memref<80x128xf32, #tpu.memory_space<vmem>>, %arg17: memref<80x128xf32, #tpu.memory_space<vmem>>, %arg18: memref<10240x128xf32, #tpu.memory_space<vmem_shared>>, %arg19: memref<!tpu.dma_semaphore, #tpu.memory_space<semaphore_mem>>, %arg20: memref<!tpu.dma_semaphore, #tpu.memory_space<semaphore_mem>>, %arg21: memref<!tpu.dma_semaphore, #tpu.memory_space<semaphore_mem>>, %arg22: memref<!tpu.dma_semaphore, #tpu.memory_space<semaphore_mem>>, %arg23: memref<!tpu.dma_semaphore, #tpu.memory_space<semaphore_mem>>, %arg24: memref<!tpu.dma_semaphore, #tpu.memory_space<semaphore_mem>>, %arg25: memref<!tpu.dma_semaphore, #tpu.memory_space<semaphore_mem>>, %arg26: memref<!tpu.dma_semaphore, #tpu.memory_space<semaphore_mem>>) attributes {dimension_semantics = [#tpu.dimension_semantics<core_parallel>, #tpu.dimension_semantics<subcore_parallel>], iteration_bounds = array<i64: 2, 16>, scalar_prefetch = 0 : i64, scratch_operands = 21 : i64, tpu.core_type = #tpu.core_type<sc_vector_subcore>, window_params = [{transform_indices = #map}, {transform_indices = #map1}, {transform_indices = #map1}, {transform_indices = #map2}]} {
    %mul3A = arith.constant 16 : i32
    %mul3A_0 = arith.muli %arg0, %mul3A : i32
    %add3A = arith.addi %mul3A_0, %arg1 : i32
    %scan3A = arith.constant 0 : i32
    %scan3A_1 = arith.constant 0 : i32
    %scan3A_2 = arith.constant 80 : i32
    %scan3A_3 = arith.addi %scan3A_1, %scan3A_2 : i32
    %scan3A_4 = arith.constant 1 : i32
    scf.for %scan3A_129 = %scan3A_1 to %scan3A_3 step %scan3A_4  : i32 {
      %broadcast_in_dim3A = arith.constant 0.000000e+00 : f32
      %broadcast_in_dim3A_130 = vector.broadcast %broadcast_in_dim3A : f32 to vector<16xf32>
      %swap3A = arith.index_cast %scan3A_129 : i32 to index
      %swap3A_131 = arith.constant 0 : index
      %swap3A_132 = tpu.vector_load %arg14[%swap3A, %swap3A_131] {strides = array<i32>} : memref<80x128xf32, #tpu.memory_space<vmem>>, vector<1x16xf32>,
      %swap3A_133 = vector.shape_cast %swap3A_132 : vector<1x16xf32> to vector<16xf32>
      %swap3A_134 = vector.shape_cast %broadcast_in_dim3A_130 : vector<16xf32> to vector<1x16xf32>
      tpu.vector_store %arg14[%swap3A, %swap3A_131], %swap3A_134 {strides = array<i32>} : memref<80x128xf32, #tpu.memory_space<vmem>>, vector<1x16xf32>,
      %broadcast_in_dim3A_135 = arith.constant 0.000000e+00 : f32
      %broadcast_in_dim3A_136 = vector.broadcast %broadcast_in_dim3A_135 : f32 to vector<16xf32>
      %swap3A_137 = arith.index_cast %scan3A_129 : i32 to index
      %swap3A_138 = arith.constant 16 : index
      %swap3A_139 = tpu.vector_load %arg14[%swap3A_137, %swap3A_138] {strides = array<i32>} : memref<80x128xf32, #tpu.memory_space<vmem>>, vector<1x16xf32>,
      %swap3A_140 = vector.shape_cast %swap3A_139 : vector<1x16xf32> to vector<16xf32>
      %swap3A_141 = vector.shape_cast %broadcast_in_dim3A_136 : vector<16xf32> to vector<1x16xf32>
      tpu.vector_store %arg14[%swap3A_137, %swap3A_138], %swap3A_141 {strides = array<i32>} : memref<80x128xf32, #tpu.memory_space<vmem>>, vector<1x16xf32>,
      %broadcast_in_dim3A_142 = arith.constant 0.000000e+00 : f32
      %broadcast_in_dim3A_143 = vector.broadcast %broadcast_in_dim3A_142 : f32 to vector<16xf32>
      %swap3A_144 = arith.index_cast %scan3A_129 : i32 to index
      %swap3A_145 = arith.constant 32 : index
      %swap3A_146 = tpu.vector_load %arg14[%swap3A_144, %swap3A_145] {strides = array<i32>} : memref<80x128xf32, #tpu.memory_space<vmem>>, vector<1x16xf32>,
      %swap3A_147 = vector.shape_cast %swap3A_146 : vector<1x16xf32> to vector<16xf32>
      %swap3A_148 = vector.shape_cast %broadcast_in_dim3A_143 : vector<16xf32> to vector<1x16xf32>
      tpu.vector_store %arg14[%swap3A_144, %swap3A_145], %swap3A_148 {strides = array<i32>} : memref<80x128xf32, #tpu.memory_space<vmem>>, vector<1x16xf32>,
      %broadcast_in_dim3A_149 = arith.constant 0.000000e+00 : f32
      %broadcast_in_dim3A_150 = vector.broadcast %broadcast_in_dim3A_149 : f32 to vector<16xf32>
      %swap3A_151 = arith.index_cast %scan3A_129 : i32 to index
      %swap3A_152 = arith.constant 48 : index
      %swap3A_153 = tpu.vector_load %arg14[%swap3A_151, %swap3A_152] {strides = array<i32>} : memref<80x128xf32, #tpu.memory_space<vmem>>, vector<1x16xf32>,
      %swap3A_154 = vector.shape_cast %swap3A_153 : vector<1x16xf32> to vector<16xf32>
      %swap3A_155 = vector.shape_cast %broadcast_in_dim3A_150 : vector<16xf32> to vector<1x16xf32>
      tpu.vector_store %arg14[%swap3A_151, %swap3A_152], %swap3A_155 {strides = array<i32>} : memref<80x128xf32, #tpu.memory_space<vmem>>, vector<1x16xf32>,
      %broadcast_in_dim3A_156 = arith.constant 0.000000e+00 : f32
      %broadcast_in_dim3A_157 = vector.broadcast %broadcast_in_dim3A_156 : f32 to vector<16xf32>
      %swap3A_158 = arith.index_cast %scan3A_129 : i32 to index
      %swap3A_159 = arith.constant 64 : index
      %swap3A_160 = tpu.vector_load %arg14[%swap3A_158, %swap3A_159] {strides = array<i32>} : memref<80x128xf32, #tpu.memory_space<vmem>>, vector<1x16xf32>,
      %swap3A_161 = vector.shape_cast %swap3A_160 : vector<1x16xf32> to vector<16xf32>
      %swap3A_162 = vector.shape_cast %broadcast_in_dim3A_157 : vector<16xf32> to vector<1x16xf32>
      tpu.vector_store %arg14[%swap3A_158, %swap3A_159], %swap3A_162 {strides = array<i32>} : memref<80x128xf32, #tpu.memory_space<vmem>>, vector<1x16xf32>,
      %broadcast_in_dim3A_163 = arith.constant 0.000000e+00 : f32
      %broadcast_in_dim3A_164 = vector.broadcast %broadcast_in_dim3A_163 : f32 to vector<16xf32>
      %swap3A_165 = arith.index_cast %scan3A_129 : i32 to index
      %swap3A_166 = arith.constant 80 : index
      %swap3A_167 = tpu.vector_load %arg14[%swap3A_165, %swap3A_166] {strides = array<i32>} : memref<80x128xf32, #tpu.memory_space<vmem>>, vector<1x16xf32>,
      %swap3A_168 = vector.shape_cast %swap3A_167 : vector<1x16xf32> to vector<16xf32>
      %swap3A_169 = vector.shape_cast %broadcast_in_dim3A_164 : vector<16xf32> to vector<1x16xf32>
      tpu.vector_store %arg14[%swap3A_165, %swap3A_166], %swap3A_169 {strides = array<i32>} : memref<80x128xf32, #tpu.memory_space<vmem>>, vector<1x16xf32>,
      %broadcast_in_dim3A_170 = arith.constant 0.000000e+00 : f32
      %broadcast_in_dim3A_171 = vector.broadcast %broadcast_in_dim3A_170 : f32 to vector<16xf32>
      %swap3A_172 = arith.index_cast %scan3A_129 : i32 to index
      %swap3A_173 = arith.constant 96 : index
      %swap3A_174 = tpu.vector_load %arg14[%swap3A_172, %swap3A_173] {strides = array<i32>} : memref<80x128xf32, #tpu.memory_space<vmem>>, vector<1x16xf32>,
      %swap3A_175 = vector.shape_cast %swap3A_174 : vector<1x16xf32> to vector<16xf32>
      %swap3A_176 = vector.shape_cast %broadcast_in_dim3A_171 : vector<16xf32> to vector<1x16xf32>
      tpu.vector_store %arg14[%swap3A_172, %swap3A_173], %swap3A_176 {strides = array<i32>} : memref<80x128xf32, #tpu.memory_space<vmem>>, vector<1x16xf32>,
      %broadcast_in_dim3A_177 = arith.constant 0.000000e+00 : f32
      %broadcast_in_dim3A_178 = vector.broadcast %broadcast_in_dim3A_177 : f32 to vector<16xf32>
      %swap3A_179 = arith.index_cast %scan3A_129 : i32 to index
      %swap3A_180 = arith.constant 112 : index
      %swap3A_181 = tpu.vector_load %arg14[%swap3A_179, %swap3A_180] {strides = array<i32>} : memref<80x128xf32, #tpu.memory_space<vmem>>, vector<1x16xf32>,
      %swap3A_182 = vector.shape_cast %swap3A_181 : vector<1x16xf32> to vector<16xf32>
      %swap3A_183 = vector.shape_cast %broadcast_in_dim3A_178 : vector<16xf32> to vector<1x16xf32>
      tpu.vector_store %arg14[%swap3A_179, %swap3A_180], %swap3A_183 {strides = array<i32>} : memref<80x128xf32, #tpu.memory_space<vmem>>, vector<1x16xf32>,
    }
    %scan3A_5 = arith.constant 80 : i32
    %mul3A_6 = arith.constant 640 : i32
    %mul3A_7 = arith.muli %arg1, %mul3A_6 : i32
    %add3A_8 = arith.constant 0 : i32
    %add3A_9 = arith.addi %mul3A_7, %add3A_8 : i32
    "tpu.region"() ({
      %run_scoped3A = tpu.sem_alloc : memref<!tpu.dma_semaphore, #tpu.memory_space<semaphore_mem>>
      %dma_start3A_129 = arith.constant 0 : i32
      %dma_start3A_130 = tpu.memref_slice %arg18[%add3A_9, %dma_start3A_129] : memref<10240x128xf32, #tpu.memory_space<vmem_shared>> -> memref<80x128xf32, #tpu.memory_space<vmem_shared>>
      %dma_start3A_131 = arith.constant 0 : i32
      %dma_start3A_132 = tpu.memref_slice %arg18[%add3A_9, %dma_start3A_131] : memref<10240x128xf32, #tpu.memory_space<vmem_shared>> -> memref<80x128xf32, #tpu.memory_space<vmem_shared>>
      tpu.enqueue_dma source(%arg14 : memref<80x128xf32, #tpu.memory_space<vmem>>) target(%dma_start3A_132 : memref<80x128xf32, #tpu.memory_space<vmem_shared>>) target_semaphore(%run_scoped3A : memref<!tpu.dma_semaphore, #tpu.memory_space<semaphore_mem>>)
      %dma_wait3A_133 = arith.constant 0 : i32
      %dma_wait3A_134 = tpu.memref_slice %arg18[%add3A_9, %dma_wait3A_133] : memref<10240x128xf32, #tpu.memory_space<vmem_shared>> -> memref<80x128xf32, #tpu.memory_space<vmem_shared>>
      %dma_wait3A_135 = arith.constant 0 : i32
      %dma_wait3A_136 = tpu.memref_slice %arg18[%add3A_9, %dma_wait3A_135] : memref<10240x128xf32, #tpu.memory_space<vmem_shared>> -> memref<80x128xf32, #tpu.memory_space<vmem_shared>>
      tpu.wait_dma2 semaphore(%run_scoped3A : memref<!tpu.dma_semaphore, #tpu.memory_space<semaphore_mem>>) src(%arg14 : memref<80x128xf32, #tpu.memory_space<vmem>>) dst(%dma_wait3A_136 : memref<80x128xf32, #tpu.memory_space<vmem_shared>>)
      tpu.yield
    }) : () -> ()
    %mul3A_10 = arith.constant 640 : i32
    %mul3A_11 = arith.muli %arg1, %mul3A_10 : i32
    %add3A_12 = arith.constant 80 : i32
    %add3A_13 = arith.addi %mul3A_11, %add3A_12 : i32
    "tpu.region"() ({
      %run_scoped3A = tpu.sem_alloc : memref<!tpu.dma_semaphore, #tpu.memory_space<semaphore_mem>>
      %dma_start3A_129 = arith.constant 0 : i32
      %dma_start3A_130 = tpu.memref_slice %arg18[%add3A_13, %dma_start3A_129] : memref<10240x128xf32, #tpu.memory_space<vmem_shared>> -> memref<80x128xf32, #tpu.memory_space<vmem_shared>>
      %dma_start3A_131 = arith.constant 0 : i32
      %dma_start3A_132 = tpu.memref_slice %arg18[%add3A_13, %dma_start3A_131] : memref<10240x128xf32, #tpu.memory_space<vmem_shared>> -> memref<80x128xf32, #tpu.memory_space<vmem_shared>>
      tpu.enqueue_dma source(%arg14 : memref<80x128xf32, #tpu.memory_space<vmem>>) target(%dma_start3A_132 : memref<80x128xf32, #tpu.memory_space<vmem_shared>>) target_semaphore(%run_scoped3A : memref<!tpu.dma_semaphore, #tpu.memory_space<semaphore_mem>>)
      %dma_wait3A_133 = arith.constant 0 : i32
      %dma_wait3A_134 = tpu.memref_slice %arg18[%add3A_13, %dma_wait3A_133] : memref<10240x128xf32, #tpu.memory_space<vmem_shared>> -> memref<80x128xf32, #tpu.memory_space<vmem_shared>>
      %dma_wait3A_135 = arith.constant 0 : i32
      %dma_wait3A_136 = tpu.memref_slice %arg18[%add3A_13, %dma_wait3A_135] : memref<10240x128xf32, #tpu.memory_space<vmem_shared>> -> memref<80x128xf32, #tpu.memory_space<vmem_shared>>
      tpu.wait_dma2 semaphore(%run_scoped3A : memref<!tpu.dma_semaphore, #tpu.memory_space<semaphore_mem>>) src(%arg14 : memref<80x128xf32, #tpu.memory_space<vmem>>) dst(%dma_wait3A_136 : memref<80x128xf32, #tpu.memory_space<vmem_shared>>)
      tpu.yield
    }) : () -> ()
    %mul3A_14 = arith.constant 640 : i32
    %mul3A_15 = arith.muli %arg1, %mul3A_14 : i32
    %add3A_16 = arith.constant 160 : i32
    %add3A_17 = arith.addi %mul3A_15, %add3A_16 : i32
    "tpu.region"() ({
      %run_scoped3A = tpu.sem_alloc : memref<!tpu.dma_semaphore, #tpu.memory_space<semaphore_mem>>
      %dma_start3A_129 = arith.constant 0 : i32
      %dma_start3A_130 = tpu.memref_slice %arg18[%add3A_17, %dma_start3A_129] : memref<10240x128xf32, #tpu.memory_space<vmem_shared>> -> memref<80x128xf32, #tpu.memory_space<vmem_shared>>
      %dma_start3A_131 = arith.constant 0 : i32
      %dma_start3A_132 = tpu.memref_slice %arg18[%add3A_17, %dma_start3A_131] : memref<10240x128xf32, #tpu.memory_space<vmem_shared>> -> memref<80x128xf32, #tpu.memory_space<vmem_shared>>
      tpu.enqueue_dma source(%arg14 : memref<80x128xf32, #tpu.memory_space<vmem>>) target(%dma_start3A_132 : memref<80x128xf32, #tpu.memory_space<vmem_shared>>) target_semaphore(%run_scoped3A : memref<!tpu.dma_semaphore, #tpu.memory_space<semaphore_mem>>)
      %dma_wait3A_133 = arith.constant 0 : i32
      %dma_wait3A_134 = tpu.memref_slice %arg18[%add3A_17, %dma_wait3A_133] : memref<10240x128xf32, #tpu.memory_space<vmem_shared>> -> memref<80x128xf32, #tpu.memory_space<vmem_shared>>
      %dma_wait3A_135 = arith.constant 0 : i32
      %dma_wait3A_136 = tpu.memref_slice %arg18[%add3A_17, %dma_wait3A_135] : memref<10240x128xf32, #tpu.memory_space<vmem_shared>> -> memref<80x128xf32, #tpu.memory_space<vmem_shared>>
      tpu.wait_dma2 semaphore(%run_scoped3A : memref<!tpu.dma_semaphore, #tpu.memory_space<semaphore_mem>>) src(%arg14 : memref<80x128xf32, #tpu.memory_space<vmem>>) dst(%dma_wait3A_136 : memref<80x128xf32, #tpu.memory_space<vmem_shared>>)
      tpu.yield
    }) : () -> ()
    %mul3A_18 = arith.constant 640 : i32
    %mul3A_19 = arith.muli %arg1, %mul3A_18 : i32
    %add3A_20 = arith.constant 240 : i32
    %add3A_21 = arith.addi %mul3A_19, %add3A_20 : i32
    "tpu.region"() ({
      %run_scoped3A = tpu.sem_alloc : memref<!tpu.dma_semaphore, #tpu.memory_space<semaphore_mem>>
      %dma_start3A_129 = arith.constant 0 : i32
      %dma_start3A_130 = tpu.memref_slice %arg18[%add3A_21, %dma_start3A_129] : memref<10240x128xf32, #tpu.memory_space<vmem_shared>> -> memref<80x128xf32, #tpu.memory_space<vmem_shared>>
      %dma_start3A_131 = arith.constant 0 : i32
      %dma_start3A_132 = tpu.memref_slice %arg18[%add3A_21, %dma_start3A_131] : memref<10240x128xf32, #tpu.memory_space<vmem_shared>> -> memref<80x128xf32, #tpu.memory_space<vmem_shared>>
      tpu.enqueue_dma source(%arg14 : memref<80x128xf32, #tpu.memory_space<vmem>>) target(%dma_start3A_132 : memref<80x128xf32, #tpu.memory_space<vmem_shared>>) target_semaphore(%run_scoped3A : memref<!tpu.dma_semaphore, #tpu.memory_space<semaphore_mem>>)
      %dma_wait3A_133 = arith.constant 0 : i32
      %dma_wait3A_134 = tpu.memref_slice %arg18[%add3A_21, %dma_wait3A_133] : memref<10240x128xf32, #tpu.memory_space<vmem_shared>> -> memref<80x128xf32, #tpu.memory_space<vmem_shared>>
      %dma_wait3A_135 = arith.constant 0 : i32
      %dma_wait3A_136 = tpu.memref_slice %arg18[%add3A_21, %dma_wait3A_135] : memref<10240x128xf32, #tpu.memory_space<vmem_shared>> -> memref<80x128xf32, #tpu.memory_space<vmem_shared>>
      tpu.wait_dma2 semaphore(%run_scoped3A : memref<!tpu.dma_semaphore, #tpu.memory_space<semaphore_mem>>) src(%arg14 : memref<80x128xf32, #tpu.memory_space<vmem>>) dst(%dma_wait3A_136 : memref<80x128xf32, #tpu.memory_space<vmem_shared>>)
      tpu.yield
    }) : () -> ()
    %mul3A_22 = arith.constant 640 : i32
    %mul3A_23 = arith.muli %arg1, %mul3A_22 : i32
    %add3A_24 = arith.constant 320 : i32
    %add3A_25 = arith.addi %mul3A_23, %add3A_24 : i32
    "tpu.region"() ({
      %run_scoped3A = tpu.sem_alloc : memref<!tpu.dma_semaphore, #tpu.memory_space<semaphore_mem>>
      %dma_start3A_129 = arith.constant 0 : i32
      %dma_start3A_130 = tpu.memref_slice %arg18[%add3A_25, %dma_start3A_129] : memref<10240x128xf32, #tpu.memory_space<vmem_shared>> -> memref<80x128xf32, #tpu.memory_space<vmem_shared>>
      %dma_start3A_131 = arith.constant 0 : i32
      %dma_start3A_132 = tpu.memref_slice %arg18[%add3A_25, %dma_start3A_131] : memref<10240x128xf32, #tpu.memory_space<vmem_shared>> -> memref<80x128xf32, #tpu.memory_space<vmem_shared>>
      tpu.enqueue_dma source(%arg14 : memref<80x128xf32, #tpu.memory_space<vmem>>) target(%dma_start3A_132 : memref<80x128xf32, #tpu.memory_space<vmem_shared>>) target_semaphore(%run_scoped3A : memref<!tpu.dma_semaphore, #tpu.memory_space<semaphore_mem>>)
      %dma_wait3A_133 = arith.constant 0 : i32
      %dma_wait3A_134 = tpu.memref_slice %arg18[%add3A_25, %dma_wait3A_133] : memref<10240x128xf32, #tpu.memory_space<vmem_shared>> -> memref<80x128xf32, #tpu.memory_space<vmem_shared>>
      %dma_wait3A_135 = arith.constant 0 : i32
      %dma_wait3A_136 = tpu.memref_slice %arg18[%add3A_25, %dma_wait3A_135] : memref<10240x128xf32, #tpu.memory_space<vmem_shared>> -> memref<80x128xf32, #tpu.memory_space<vmem_shared>>
      tpu.wait_dma2 semaphore(%run_scoped3A : memref<!tpu.dma_semaphore, #tpu.memory_space<semaphore_mem>>) src(%arg14 : memref<80x128xf32, #tpu.memory_space<vmem>>) dst(%dma_wait3A_136 : memref<80x128xf32, #tpu.memory_space<vmem_shared>>)
      tpu.yield
    }) : () -> ()
    %mul3A_26 = arith.constant 640 : i32
    %mul3A_27 = arith.muli %arg1, %mul3A_26 : i32
    %add3A_28 = arith.constant 400 : i32
    %add3A_29 = arith.addi %mul3A_27, %add3A_28 : i32
    "tpu.region"() ({
      %run_scoped3A = tpu.sem_alloc : memref<!tpu.dma_semaphore, #tpu.memory_space<semaphore_mem>>
      %dma_start3A_129 = arith.constant 0 : i32
      %dma_start3A_130 = tpu.memref_slice %arg18[%add3A_29, %dma_start3A_129] : memref<10240x128xf32, #tpu.memory_space<vmem_shared>> -> memref<80x128xf32, #tpu.memory_space<vmem_shared>>
      %dma_start3A_131 = arith.constant 0 : i32
      %dma_start3A_132 = tpu.memref_slice %arg18[%add3A_29, %dma_start3A_131] : memref<10240x128xf32, #tpu.memory_space<vmem_shared>> -> memref<80x128xf32, #tpu.memory_space<vmem_shared>>
      tpu.enqueue_dma source(%arg14 : memref<80x128xf32, #tpu.memory_space<vmem>>) target(%dma_start3A_132 : memref<80x128xf32, #tpu.memory_space<vmem_shared>>) target_semaphore(%run_scoped3A : memref<!tpu.dma_semaphore, #tpu.memory_space<semaphore_mem>>)
      %dma_wait3A_133 = arith.constant 0 : i32
      %dma_wait3A_134 = tpu.memref_slice %arg18[%add3A_29, %dma_wait3A_133] : memref<10240x128xf32, #tpu.memory_space<vmem_shared>> -> memref<80x128xf32, #tpu.memory_space<vmem_shared>>
      %dma_wait3A_135 = arith.constant 0 : i32
      %dma_wait3A_136 = tpu.memref_slice %arg18[%add3A_29, %dma_wait3A_135] : memref<10240x128xf32, #tpu.memory_space<vmem_shared>> -> memref<80x128xf32, #tpu.memory_space<vmem_shared>>
      tpu.wait_dma2 semaphore(%run_scoped3A : memref<!tpu.dma_semaphore, #tpu.memory_space<semaphore_mem>>) src(%arg14 : memref<80x128xf32, #tpu.memory_space<vmem>>) dst(%dma_wait3A_136 : memref<80x128xf32, #tpu.memory_space<vmem_shared>>)
      tpu.yield
    }) : () -> ()
    %mul3A_30 = arith.constant 640 : i32
    %mul3A_31 = arith.muli %arg1, %mul3A_30 : i32
    %add3A_32 = arith.constant 480 : i32
    %add3A_33 = arith.addi %mul3A_31, %add3A_32 : i32
    "tpu.region"() ({
      %run_scoped3A = tpu.sem_alloc : memref<!tpu.dma_semaphore, #tpu.memory_space<semaphore_mem>>
      %dma_start3A_129 = arith.constant 0 : i32
      %dma_start3A_130 = tpu.memref_slice %arg18[%add3A_33, %dma_start3A_129] : memref<10240x128xf32, #tpu.memory_space<vmem_shared>> -> memref<80x128xf32, #tpu.memory_space<vmem_shared>>
      %dma_start3A_131 = arith.constant 0 : i32
      %dma_start3A_132 = tpu.memref_slice %arg18[%add3A_33, %dma_start3A_131] : memref<10240x128xf32, #tpu.memory_space<vmem_shared>> -> memref<80x128xf32, #tpu.memory_space<vmem_shared>>
      tpu.enqueue_dma source(%arg14 : memref<80x128xf32, #tpu.memory_space<vmem>>) target(%dma_start3A_132 : memref<80x128xf32, #tpu.memory_space<vmem_shared>>) target_semaphore(%run_scoped3A : memref<!tpu.dma_semaphore, #tpu.memory_space<semaphore_mem>>)
      %dma_wait3A_133 = arith.constant 0 : i32
      %dma_wait3A_134 = tpu.memref_slice %arg18[%add3A_33, %dma_wait3A_133] : memref<10240x128xf32, #tpu.memory_space<vmem_shared>> -> memref<80x128xf32, #tpu.memory_space<vmem_shared>>
      %dma_wait3A_135 = arith.constant 0 : i32
      %dma_wait3A_136 = tpu.memref_slice %arg18[%add3A_33, %dma_wait3A_135] : memref<10240x128xf32, #tpu.memory_space<vmem_shared>> -> memref<80x128xf32, #tpu.memory_space<vmem_shared>>
      tpu.wait_dma2 semaphore(%run_scoped3A : memref<!tpu.dma_semaphore, #tpu.memory_space<semaphore_mem>>) src(%arg14 : memref<80x128xf32, #tpu.memory_space<vmem>>) dst(%dma_wait3A_136 : memref<80x128xf32, #tpu.memory_space<vmem_shared>>)
      tpu.yield
    }) : () -> ()
    %mul3A_34 = arith.constant 640 : i32
    %mul3A_35 = arith.muli %arg1, %mul3A_34 : i32
    %add3A_36 = arith.constant 560 : i32
    %add3A_37 = arith.addi %mul3A_35, %add3A_36 : i32
    "tpu.region"() ({
      %run_scoped3A = tpu.sem_alloc : memref<!tpu.dma_semaphore, #tpu.memory_space<semaphore_mem>>
      %dma_start3A_129 = arith.constant 0 : i32
      %dma_start3A_130 = tpu.memref_slice %arg18[%add3A_37, %dma_start3A_129] : memref<10240x128xf32, #tpu.memory_space<vmem_shared>> -> memref<80x128xf32, #tpu.memory_space<vmem_shared>>
      %dma_start3A_131 = arith.constant 0 : i32
      %dma_start3A_132 = tpu.memref_slice %arg18[%add3A_37, %dma_start3A_131] : memref<10240x128xf32, #tpu.memory_space<vmem_shared>> -> memref<80x128xf32, #tpu.memory_space<vmem_shared>>
      tpu.enqueue_dma source(%arg14 : memref<80x128xf32, #tpu.memory_space<vmem>>) target(%dma_start3A_132 : memref<80x128xf32, #tpu.memory_space<vmem_shared>>) target_semaphore(%run_scoped3A : memref<!tpu.dma_semaphore, #tpu.memory_space<semaphore_mem>>)
      %dma_wait3A_133 = arith.constant 0 : i32
      %dma_wait3A_134 = tpu.memref_slice %arg18[%add3A_37, %dma_wait3A_133] : memref<10240x128xf32, #tpu.memory_space<vmem_shared>> -> memref<80x128xf32, #tpu.memory_space<vmem_shared>>
      %dma_wait3A_135 = arith.constant 0 : i32
      %dma_wait3A_136 = tpu.memref_slice %arg18[%add3A_37, %dma_wait3A_135] : memref<10240x128xf32, #tpu.memory_space<vmem_shared>> -> memref<80x128xf32, #tpu.memory_space<vmem_shared>>
      tpu.wait_dma2 semaphore(%run_scoped3A : memref<!tpu.dma_semaphore, #tpu.memory_space<semaphore_mem>>) src(%arg14 : memref<80x128xf32, #tpu.memory_space<vmem>>) dst(%dma_wait3A_136 : memref<80x128xf32, #tpu.memory_space<vmem_shared>>)
      tpu.yield
    }) : () -> ()
    %barrier3A = arith.constant 0 : index
    tpu.barrier barrier_id(%barrier3A)
    %mul3A_38 = arith.constant 10000 : i32
    %mul3A_39 = arith.muli %add3A, %mul3A_38 : i32
    %add3A_40 = arith.constant 0 : i32
    %add3A_41 = arith.addi %mul3A_39, %add3A_40 : i32
    "tpu.region"() ({
      %run_scoped3A = tpu.sem_alloc : memref<!tpu.dma_semaphore, #tpu.memory_space<semaphore_mem>>
      %dma_start3A_129 = tpu.memref_slice %arg3[%add3A_41] : memref<320000xi32, #tpu.memory_space<hbm>> -> memref<80xi32, #tpu.memory_space<hbm>>
      %dma_start3A_130 = tpu.memref_slice %arg3[%add3A_41] : memref<320000xi32, #tpu.memory_space<hbm>> -> memref<80xi32, #tpu.memory_space<hbm>>
      tpu.enqueue_dma source(%dma_start3A_130 : memref<80xi32, #tpu.memory_space<hbm>>) target(%arg6 : memref<80xi32, #tpu.memory_space<vmem>>) target_semaphore(%run_scoped3A : memref<!tpu.dma_semaphore, #tpu.memory_space<semaphore_mem>>)
      %dma_wait3A_131 = tpu.memref_slice %arg3[%add3A_41] : memref<320000xi32, #tpu.memory_space<hbm>> -> memref<80xi32, #tpu.memory_space<hbm>>
      %dma_wait3A_132 = tpu.memref_slice %arg3[%add3A_41] : memref<320000xi32, #tpu.memory_space<hbm>> -> memref<80xi32, #tpu.memory_space<hbm>>
      tpu.wait_dma2 semaphore(%run_scoped3A : memref<!tpu.dma_semaphore, #tpu.memory_space<semaphore_mem>>) src(%dma_wait3A_132 : memref<80xi32, #tpu.memory_space<hbm>>) dst(%arg6 : memref<80xi32, #tpu.memory_space<vmem>>)
      tpu.yield
    }) : () -> ()
    %dma_start3A = arith.constant 0 : i32
    %dma_start3A_42 = arith.constant 0 : i32
    %dma_start3A_43 = tpu.memref_slice %arg2[%dma_start3A, %dma_start3A_42] : memref<10000x128xf32, #tpu.memory_space<hbm>> -> memref<10000x128xf32, #tpu.memory_space<hbm>>
    tpu.enqueue_indirect_dma source(%dma_start3A_43 : memref<10000x128xf32, #tpu.memory_space<hbm>>) target(%arg14 : memref<80x128xf32, #tpu.memory_space<vmem>>) offsets(%arg6 : memref<80xi32, #tpu.memory_space<vmem>>) semaphore(%arg19 : memref<!tpu.dma_semaphore, #tpu.memory_space<semaphore_mem>>)
    %add3A_44 = arith.constant 80 : i32
    %add3A_45 = arith.addi %mul3A_39, %add3A_44 : i32
    "tpu.region"() ({
      %run_scoped3A = tpu.sem_alloc : memref<!tpu.dma_semaphore, #tpu.memory_space<semaphore_mem>>
      %dma_start3A_129 = tpu.memref_slice %arg3[%add3A_45] : memref<320000xi32, #tpu.memory_space<hbm>> -> memref<80xi32, #tpu.memory_space<hbm>>
      %dma_start3A_130 = tpu.memref_slice %arg3[%add3A_45] : memref<320000xi32, #tpu.memory_space<hbm>> -> memref<80xi32, #tpu.memory_space<hbm>>
      tpu.enqueue_dma source(%dma_start3A_130 : memref<80xi32, #tpu.memory_space<hbm>>) target(%arg7 : memref<80xi32, #tpu.memory_space<vmem>>) target_semaphore(%run_scoped3A : memref<!tpu.dma_semaphore, #tpu.memory_space<semaphore_mem>>)
      %dma_wait3A_131 = tpu.memref_slice %arg3[%add3A_45] : memref<320000xi32, #tpu.memory_space<hbm>> -> memref<80xi32, #tpu.memory_space<hbm>>
      %dma_wait3A_132 = tpu.memref_slice %arg3[%add3A_45] : memref<320000xi32, #tpu.memory_space<hbm>> -> memref<80xi32, #tpu.memory_space<hbm>>
      tpu.wait_dma2 semaphore(%run_scoped3A : memref<!tpu.dma_semaphore, #tpu.memory_space<semaphore_mem>>) src(%dma_wait3A_132 : memref<80xi32, #tpu.memory_space<hbm>>) dst(%arg7 : memref<80xi32, #tpu.memory_space<vmem>>)
      tpu.yield
    }) : () -> ()
    %dma_start3A_46 = arith.constant 0 : i32
    %dma_start3A_47 = arith.constant 0 : i32
    %dma_start3A_48 = tpu.memref_slice %arg2[%dma_start3A_46, %dma_start3A_47] : memref<10000x128xf32, #tpu.memory_space<hbm>> -> memref<10000x128xf32, #tpu.memory_space<hbm>>
    tpu.enqueue_indirect_dma source(%dma_start3A_48 : memref<10000x128xf32, #tpu.memory_space<hbm>>) target(%arg15 : memref<80x128xf32, #tpu.memory_space<vmem>>) offsets(%arg7 : memref<80xi32, #tpu.memory_space<vmem>>) semaphore(%arg20 : memref<!tpu.dma_semaphore, #tpu.memory_space<semaphore_mem>>)
    %add3A_49 = arith.constant 160 : i32
    %add3A_50 = arith.addi %mul3A_39, %add3A_49 : i32
    "tpu.region"() ({
      %run_scoped3A = tpu.sem_alloc : memref<!tpu.dma_semaphore, #tpu.memory_space<semaphore_mem>>
      %dma_start3A_129 = tpu.memref_slice %arg3[%add3A_50] : memref<320000xi32, #tpu.memory_space<hbm>> -> memref<80xi32, #tpu.memory_space<hbm>>
      %dma_start3A_130 = tpu.memref_slice %arg3[%add3A_50] : memref<320000xi32, #tpu.memory_space<hbm>> -> memref<80xi32, #tpu.memory_space<hbm>>
      tpu.enqueue_dma source(%dma_start3A_130 : memref<80xi32, #tpu.memory_space<hbm>>) target(%arg8 : memref<80xi32, #tpu.memory_space<vmem>>) target_semaphore(%run_scoped3A : memref<!tpu.dma_semaphore, #tpu.memory_space<semaphore_mem>>)
      %dma_wait3A_131 = tpu.memref_slice %arg3[%add3A_50] : memref<320000xi32, #tpu.memory_space<hbm>> -> memref<80xi32, #tpu.memory_space<hbm>>
      %dma_wait3A_132 = tpu.memref_slice %arg3[%add3A_50] : memref<320000xi32, #tpu.memory_space<hbm>> -> memref<80xi32, #tpu.memory_space<hbm>>
      tpu.wait_dma2 semaphore(%run_scoped3A : memref<!tpu.dma_semaphore, #tpu.memory_space<semaphore_mem>>) src(%dma_wait3A_132 : memref<80xi32, #tpu.memory_space<hbm>>) dst(%arg8 : memref<80xi32, #tpu.memory_space<vmem>>)
      tpu.yield
    }) : () -> ()
    %dma_start3A_51 = arith.constant 0 : i32
    %dma_start3A_52 = arith.constant 0 : i32
    %dma_start3A_53 = tpu.memref_slice %arg2[%dma_start3A_51, %dma_start3A_52] : memref<10000x128xf32, #tpu.memory_space<hbm>> -> memref<10000x128xf32, #tpu.memory_space<hbm>>
    tpu.enqueue_indirect_dma source(%dma_start3A_53 : memref<10000x128xf32, #tpu.memory_space<hbm>>) target(%arg16 : memref<80x128xf32, #tpu.memory_space<vmem>>) offsets(%arg8 : memref<80xi32, #tpu.memory_space<vmem>>) semaphore(%arg21 : memref<!tpu.dma_semaphore, #tpu.memory_space<semaphore_mem>>)
    %dma_wait3A = arith.constant 0 : i32
    %dma_wait3A_54 = arith.constant 0 : i32
    %dma_wait3A_55 = tpu.memref_slice %arg2[%dma_wait3A, %dma_wait3A_54] : memref<10000x128xf32, #tpu.memory_space<hbm>> -> memref<10000x128xf32, #tpu.memory_space<hbm>>
    tpu.wait_indirect_dma semaphore(%arg19 : memref<!tpu.dma_semaphore, #tpu.memory_space<semaphore_mem>>) src(%dma_wait3A_55 : memref<10000x128xf32, #tpu.memory_space<hbm>>) dst(%arg14 : memref<80x128xf32, #tpu.memory_space<vmem>>)
    %add3A_56 = arith.constant 0 : i32
    %add3A_57 = arith.addi %mul3A_39, %add3A_56 : i32
    "tpu.region"() ({
      %run_scoped3A = tpu.sem_alloc : memref<!tpu.dma_semaphore, #tpu.memory_space<semaphore_mem>>
      %dma_start3A_129 = tpu.memref_slice %arg4[%add3A_57] : memref<320000xi32, #tpu.memory_space<hbm>> -> memref<80xi32, #tpu.memory_space<hbm>>
      %dma_start3A_130 = tpu.memref_slice %arg4[%add3A_57] : memref<320000xi32, #tpu.memory_space<hbm>> -> memref<80xi32, #tpu.memory_space<hbm>>
      tpu.enqueue_dma source(%dma_start3A_130 : memref<80xi32, #tpu.memory_space<hbm>>) target(%arg10 : memref<80xi32, #tpu.memory_space<vmem>>) target_semaphore(%run_scoped3A : memref<!tpu.dma_semaphore, #tpu.memory_space<semaphore_mem>>)
      %dma_wait3A_131 = tpu.memref_slice %arg4[%add3A_57] : memref<320000xi32, #tpu.memory_space<hbm>> -> memref<80xi32, #tpu.memory_space<hbm>>
      %dma_wait3A_132 = tpu.memref_slice %arg4[%add3A_57] : memref<320000xi32, #tpu.memory_space<hbm>> -> memref<80xi32, #tpu.memory_space<hbm>>
      tpu.wait_dma2 semaphore(%run_scoped3A : memref<!tpu.dma_semaphore, #tpu.memory_space<semaphore_mem>>) src(%dma_wait3A_132 : memref<80xi32, #tpu.memory_space<hbm>>) dst(%arg10 : memref<80xi32, #tpu.memory_space<vmem>>)
      tpu.yield
    }) : () -> ()
    %dma_start3A_58 = arith.constant 0 : i32
    %dma_start3A_59 = arith.constant 0 : i32
    %dma_start3A_60 = tpu.memref_slice %arg18[%dma_start3A_58, %dma_start3A_59] : memref<10240x128xf32, #tpu.memory_space<vmem_shared>> -> memref<10240x128xf32, #tpu.memory_space<vmem_shared>>
    tpu.enqueue_indirect_dma source(%arg14 : memref<80x128xf32, #tpu.memory_space<vmem>>) target(%dma_start3A_60 : memref<10240x128xf32, #tpu.memory_space<vmem_shared>>) offsets(%arg10 : memref<80xi32, #tpu.memory_space<vmem>>) semaphore(%arg23 : memref<!tpu.dma_semaphore, #tpu.memory_space<semaphore_mem>>) {add = true}
    %add3A_61 = arith.constant 240 : i32
    %add3A_62 = arith.addi %mul3A_39, %add3A_61 : i32
    "tpu.region"() ({
      %run_scoped3A = tpu.sem_alloc : memref<!tpu.dma_semaphore, #tpu.memory_space<semaphore_mem>>
      %dma_start3A_129 = tpu.memref_slice %arg3[%add3A_62] : memref<320000xi32, #tpu.memory_space<hbm>> -> memref<80xi32, #tpu.memory_space<hbm>>
      %dma_start3A_130 = tpu.memref_slice %arg3[%add3A_62] : memref<320000xi32, #tpu.memory_space<hbm>> -> memref<80xi32, #tpu.memory_space<hbm>>
      tpu.enqueue_dma source(%dma_start3A_130 : memref<80xi32, #tpu.memory_space<hbm>>) target(%arg9 : memref<80xi32, #tpu.memory_space<vmem>>) target_semaphore(%run_scoped3A : memref<!tpu.dma_semaphore, #tpu.memory_space<semaphore_mem>>)
      %dma_wait3A_131 = tpu.memref_slice %arg3[%add3A_62] : memref<320000xi32, #tpu.memory_space<hbm>> -> memref<80xi32, #tpu.memory_space<hbm>>
      %dma_wait3A_132 = tpu.memref_slice %arg3[%add3A_62] : memref<320000xi32, #tpu.memory_space<hbm>> -> memref<80xi32, #tpu.memory_space<hbm>>
      tpu.wait_dma2 semaphore(%run_scoped3A : memref<!tpu.dma_semaphore, #tpu.memory_space<semaphore_mem>>) src(%dma_wait3A_132 : memref<80xi32, #tpu.memory_space<hbm>>) dst(%arg9 : memref<80xi32, #tpu.memory_space<vmem>>)
      tpu.yield
    }) : () -> ()
    %dma_start3A_63 = arith.constant 0 : i32
    %dma_start3A_64 = arith.constant 0 : i32
    %dma_start3A_65 = tpu.memref_slice %arg2[%dma_start3A_63, %dma_start3A_64] : memref<10000x128xf32, #tpu.memory_space<hbm>> -> memref<10000x128xf32, #tpu.memory_space<hbm>>
    tpu.enqueue_indirect_dma source(%dma_start3A_65 : memref<10000x128xf32, #tpu.memory_space<hbm>>) target(%arg17 : memref<80x128xf32, #tpu.memory_space<vmem>>) offsets(%arg9 : memref<80xi32, #tpu.memory_space<vmem>>) semaphore(%arg22 : memref<!tpu.dma_semaphore, #tpu.memory_space<semaphore_mem>>)
    %dma_wait3A_66 = arith.constant 0 : i32
    %dma_wait3A_67 = arith.constant 0 : i32
    %dma_wait3A_68 = tpu.memref_slice %arg2[%dma_wait3A_66, %dma_wait3A_67] : memref<10000x128xf32, #tpu.memory_space<hbm>> -> memref<10000x128xf32, #tpu.memory_space<hbm>>
    tpu.wait_indirect_dma semaphore(%arg20 : memref<!tpu.dma_semaphore, #tpu.memory_space<semaphore_mem>>) src(%dma_wait3A_68 : memref<10000x128xf32, #tpu.memory_space<hbm>>) dst(%arg15 : memref<80x128xf32, #tpu.memory_space<vmem>>)
    %add3A_69 = arith.constant 80 : i32
    %add3A_70 = arith.addi %mul3A_39, %add3A_69 : i32
    "tpu.region"() ({
      %run_scoped3A = tpu.sem_alloc : memref<!tpu.dma_semaphore, #tpu.memory_space<semaphore_mem>>
      %dma_start3A_129 = tpu.memref_slice %arg4[%add3A_70] : memref<320000xi32, #tpu.memory_space<hbm>> -> memref<80xi32, #tpu.memory_space<hbm>>
      %dma_start3A_130 = tpu.memref_slice %arg4[%add3A_70] : memref<320000xi32, #tpu.memory_space<hbm>> -> memref<80xi32, #tpu.memory_space<hbm>>
      tpu.enqueue_dma source(%dma_start3A_130 : memref<80xi32, #tpu.memory_space<hbm>>) target(%arg11 : memref<80xi32, #tpu.memory_space<vmem>>) target_semaphore(%run_scoped3A : memref<!tpu.dma_semaphore, #tpu.memory_space<semaphore_mem>>)
      %dma_wait3A_131 = tpu.memref_slice %arg4[%add3A_70] : memref<320000xi32, #tpu.memory_space<hbm>> -> memref<80xi32, #tpu.memory_space<hbm>>
      %dma_wait3A_132 = tpu.memref_slice %arg4[%add3A_70] : memref<320000xi32, #tpu.memory_space<hbm>> -> memref<80xi32, #tpu.memory_space<hbm>>
      tpu.wait_dma2 semaphore(%run_scoped3A : memref<!tpu.dma_semaphore, #tpu.memory_space<semaphore_mem>>) src(%dma_wait3A_132 : memref<80xi32, #tpu.memory_space<hbm>>) dst(%arg11 : memref<80xi32, #tpu.memory_space<vmem>>)
      tpu.yield
    }) : () -> ()
    %dma_start3A_71 = arith.constant 0 : i32
    %dma_start3A_72 = arith.constant 0 : i32
    %dma_start3A_73 = tpu.memref_slice %arg18[%dma_start3A_71, %dma_start3A_72] : memref<10240x128xf32, #tpu.memory_space<vmem_shared>> -> memref<10240x128xf32, #tpu.memory_space<vmem_shared>>
    tpu.enqueue_indirect_dma source(%arg15 : memref<80x128xf32, #tpu.memory_space<vmem>>) target(%dma_start3A_73 : memref<10240x128xf32, #tpu.memory_space<vmem_shared>>) offsets(%arg11 : memref<80xi32, #tpu.memory_space<vmem>>) semaphore(%arg24 : memref<!tpu.dma_semaphore, #tpu.memory_space<semaphore_mem>>) {add = true}
    %scan3A_74 = arith.constant 0 : i32
    %scan3A_75 = arith.constant 0 : i32
    %scan3A_76 = arith.constant 30 : i32
    %scan3A_77 = arith.addi %scan3A_75, %scan3A_76 : i32
    %scan3A_78 = arith.constant 1 : i32
    scf.for %scan3A_129 = %scan3A_75 to %scan3A_77 step %scan3A_78  : i32 {
      %mul3A_130 = arith.constant 4 : i32
      %mul3A_131 = arith.muli %mul3A_130, %scan3A_129 : i32
      %add3A_132 = arith.constant 2 : i32
      %add3A_133 = arith.addi %add3A_132, %mul3A_131 : i32
      %dma_wait3A_134 = arith.constant 0 : i32
      %dma_wait3A_135 = arith.constant 0 : i32
      %dma_wait3A_136 = tpu.memref_slice %arg18[%dma_wait3A_134, %dma_wait3A_135] : memref<10240x128xf32, #tpu.memory_space<vmem_shared>> -> memref<10240x128xf32, #tpu.memory_space<vmem_shared>>
      tpu.wait_indirect_dma semaphore(%arg23 : memref<!tpu.dma_semaphore, #tpu.memory_space<semaphore_mem>>) src(%arg14 : memref<80x128xf32, #tpu.memory_space<vmem>>) dst(%dma_wait3A_136 : memref<10240x128xf32, #tpu.memory_space<vmem_shared>>)
      %add3A_137 = arith.constant 0 : i32
      %add3A_138 = arith.addi %add3A_133, %add3A_137 : i32
      %add3A_139 = arith.constant 2 : i32
      %add3A_140 = arith.addi %add3A_138, %add3A_139 : i32
      %mul3A_141 = arith.constant 80 : i32
      %mul3A_142 = arith.muli %add3A_140, %mul3A_141 : i32
      %add3A_143 = arith.addi %mul3A_39, %mul3A_142 : i32
      "tpu.region"() ({
        %run_scoped3A = tpu.sem_alloc : memref<!tpu.dma_semaphore, #tpu.memory_space<semaphore_mem>>
        %dma_start3A_230 = tpu.memref_slice %arg3[%add3A_143] : memref<320000xi32, #tpu.memory_space<hbm>> -> memref<80xi32, #tpu.memory_space<hbm>>
        %dma_start3A_231 = tpu.memref_slice %arg3[%add3A_143] : memref<320000xi32, #tpu.memory_space<hbm>> -> memref<80xi32, #tpu.memory_space<hbm>>
        tpu.enqueue_dma source(%dma_start3A_231 : memref<80xi32, #tpu.memory_space<hbm>>) target(%arg6 : memref<80xi32, #tpu.memory_space<vmem>>) target_semaphore(%run_scoped3A : memref<!tpu.dma_semaphore, #tpu.memory_space<semaphore_mem>>)
        %dma_wait3A_232 = tpu.memref_slice %arg3[%add3A_143] : memref<320000xi32, #tpu.memory_space<hbm>> -> memref<80xi32, #tpu.memory_space<hbm>>
        %dma_wait3A_233 = tpu.memref_slice %arg3[%add3A_143] : memref<320000xi32, #tpu.memory_space<hbm>> -> memref<80xi32, #tpu.memory_space<hbm>>
        tpu.wait_dma2 semaphore(%run_scoped3A : memref<!tpu.dma_semaphore, #tpu.memory_space<semaphore_mem>>) src(%dma_wait3A_233 : memref<80xi32, #tpu.memory_space<hbm>>) dst(%arg6 : memref<80xi32, #tpu.memory_space<vmem>>)
        tpu.yield
      }) : () -> ()
      %dma_start3A_144 = arith.constant 0 : i32
      %dma_start3A_145 = arith.constant 0 : i32
      %dma_start3A_146 = tpu.memref_slice %arg2[%dma_start3A_144, %dma_start3A_145] : memref<10000x128xf32, #tpu.memory_space<hbm>> -> memref<10000x128xf32, #tpu.memory_space<hbm>>
      tpu.enqueue_indirect_dma source(%dma_start3A_146 : memref<10000x128xf32, #tpu.memory_space<hbm>>) target(%arg14 : memref<80x128xf32, #tpu.memory_space<vmem>>) offsets(%arg6 : memref<80xi32, #tpu.memory_space<vmem>>) semaphore(%arg19 : memref<!tpu.dma_semaphore, #tpu.memory_space<semaphore_mem>>)
      %dma_wait3A_147 = arith.constant 0 : i32
      %dma_wait3A_148 = arith.constant 0 : i32
      %dma_wait3A_149 = tpu.memref_slice %arg2[%dma_wait3A_147, %dma_wait3A_148] : memref<10000x128xf32, #tpu.memory_space<hbm>> -> memref<10000x128xf32, #tpu.memory_space<hbm>>
      tpu.wait_indirect_dma semaphore(%arg21 : memref<!tpu.dma_semaphore, #tpu.memory_space<semaphore_mem>>) src(%dma_wait3A_149 : memref<10000x128xf32, #tpu.memory_space<hbm>>) dst(%arg16 : memref<80x128xf32, #tpu.memory_space<vmem>>)
      %add3A_150 = arith.constant 0 : i32
      %add3A_151 = arith.addi %add3A_133, %add3A_150 : i32
      %mul3A_152 = arith.constant 80 : i32
      %mul3A_153 = arith.muli %add3A_151, %mul3A_152 : i32
      %add3A_154 = arith.addi %mul3A_39, %mul3A_153 : i32
      "tpu.region"() ({
        %run_scoped3A = tpu.sem_alloc : memref<!tpu.dma_semaphore, #tpu.memory_space<semaphore_mem>>
        %dma_start3A_230 = tpu.memref_slice %arg4[%add3A_154] : memref<320000xi32, #tpu.memory_space<hbm>> -> memref<80xi32, #tpu.memory_space<hbm>>
        %dma_start3A_231 = tpu.memref_slice %arg4[%add3A_154] : memref<320000xi32, #tpu.memory_space<hbm>> -> memref<80xi32, #tpu.memory_space<hbm>>
        tpu.enqueue_dma source(%dma_start3A_231 : memref<80xi32, #tpu.memory_space<hbm>>) target(%arg12 : memref<80xi32, #tpu.memory_space<vmem>>) target_semaphore(%run_scoped3A : memref<!tpu.dma_semaphore, #tpu.memory_space<semaphore_mem>>)
        %dma_wait3A_232 = tpu.memref_slice %arg4[%add3A_154] : memref<320000xi32, #tpu.memory_space<hbm>> -> memref<80xi32, #tpu.memory_space<hbm>>
        %dma_wait3A_233 = tpu.memref_slice %arg4[%add3A_154] : memref<320000xi32, #tpu.memory_space<hbm>> -> memref<80xi32, #tpu.memory_space<hbm>>
        tpu.wait_dma2 semaphore(%run_scoped3A : memref<!tpu.dma_semaphore, #tpu.memory_space<semaphore_mem>>) src(%dma_wait3A_233 : memref<80xi32, #tpu.memory_space<hbm>>) dst(%arg12 : memref<80xi32, #tpu.memory_space<vmem>>)
        tpu.yield
      }) : () -> ()
      %dma_start3A_155 = arith.constant 0 : i32
      %dma_start3A_156 = arith.constant 0 : i32
      %dma_start3A_157 = tpu.memref_slice %arg18[%dma_start3A_155, %dma_start3A_156] : memref<10240x128xf32, #tpu.memory_space<vmem_shared>> -> memref<10240x128xf32, #tpu.memory_space<vmem_shared>>
      tpu.enqueue_indirect_dma source(%arg16 : memref<80x128xf32, #tpu.memory_space<vmem>>) target(%dma_start3A_157 : memref<10240x128xf32, #tpu.memory_space<vmem_shared>>) offsets(%arg12 : memref<80xi32, #tpu.memory_space<vmem>>) semaphore(%arg25 : memref<!tpu.dma_semaphore, #tpu.memory_space<semaphore_mem>>) {add = true}
      %dma_wait3A_158 = arith.constant 0 : i32
      %dma_wait3A_159 = arith.constant 0 : i32
      %dma_wait3A_160 = tpu.memref_slice %arg18[%dma_wait3A_158, %dma_wait3A_159] : memref<10240x128xf32, #tpu.memory_space<vmem_shared>> -> memref<10240x128xf32, #tpu.memory_space<vmem_shared>>
      tpu.wait_indirect_dma semaphore(%arg24 : memref<!tpu.dma_semaphore, #tpu.memory_space<semaphore_mem>>) src(%arg15 : memref<80x128xf32, #tpu.memory_space<vmem>>) dst(%dma_wait3A_160 : memref<10240x128xf32, #tpu.memory_space<vmem_shared>>)
      %add3A_161 = arith.constant 1 : i32
      %add3A_162 = arith.addi %add3A_133, %add3A_161 : i32
      %add3A_163 = arith.constant 2 : i32
      %add3A_164 = arith.addi %add3A_162, %add3A_163 : i32
      %mul3A_165 = arith.constant 80 : i32
      %mul3A_166 = arith.muli %add3A_164, %mul3A_165 : i32
      %add3A_167 = arith.addi %mul3A_39, %mul3A_166 : i32
      "tpu.region"() ({
        %run_scoped3A = tpu.sem_alloc : memref<!tpu.dma_semaphore, #tpu.memory_space<semaphore_mem>>
        %dma_start3A_230 = tpu.memref_slice %arg3[%add3A_167] : memref<320000xi32, #tpu.memory_space<hbm>> -> memref<80xi32, #tpu.memory_space<hbm>>
        %dma_start3A_231 = tpu.memref_slice %arg3[%add3A_167] : memref<320000xi32, #tpu.memory_space<hbm>> -> memref<80xi32, #tpu.memory_space<hbm>>
        tpu.enqueue_dma source(%dma_start3A_231 : memref<80xi32, #tpu.memory_space<hbm>>) target(%arg7 : memref<80xi32, #tpu.memory_space<vmem>>) target_semaphore(%run_scoped3A : memref<!tpu.dma_semaphore, #tpu.memory_space<semaphore_mem>>)
        %dma_wait3A_232 = tpu.memref_slice %arg3[%add3A_167] : memref<320000xi32, #tpu.memory_space<hbm>> -> memref<80xi32, #tpu.memory_space<hbm>>
        %dma_wait3A_233 = tpu.memref_slice %arg3[%add3A_167] : memref<320000xi32, #tpu.memory_space<hbm>> -> memref<80xi32, #tpu.memory_space<hbm>>
        tpu.wait_dma2 semaphore(%run_scoped3A : memref<!tpu.dma_semaphore, #tpu.memory_space<semaphore_mem>>) src(%dma_wait3A_233 : memref<80xi32, #tpu.memory_space<hbm>>) dst(%arg7 : memref<80xi32, #tpu.memory_space<vmem>>)
        tpu.yield
      }) : () -> ()
      %dma_start3A_168 = arith.constant 0 : i32
      %dma_start3A_169 = arith.constant 0 : i32
      %dma_start3A_170 = tpu.memref_slice %arg2[%dma_start3A_168, %dma_start3A_169] : memref<10000x128xf32, #tpu.memory_space<hbm>> -> memref<10000x128xf32, #tpu.memory_space<hbm>>
      tpu.enqueue_indirect_dma source(%dma_start3A_170 : memref<10000x128xf32, #tpu.memory_space<hbm>>) target(%arg15 : memref<80x128xf32, #tpu.memory_space<vmem>>) offsets(%arg7 : memref<80xi32, #tpu.memory_space<vmem>>) semaphore(%arg20 : memref<!tpu.dma_semaphore, #tpu.memory_space<semaphore_mem>>)
      %dma_wait3A_171 = arith.constant 0 : i32
      %dma_wait3A_172 = arith.constant 0 : i32
      %dma_wait3A_173 = tpu.memref_slice %arg2[%dma_wait3A_171, %dma_wait3A_172] : memref<10000x128xf32, #tpu.memory_space<hbm>> -> memref<10000x128xf32, #tpu.memory_space<hbm>>
      tpu.wait_indirect_dma semaphore(%arg22 : memref<!tpu.dma_semaphore, #tpu.memory_space<semaphore_mem>>) src(%dma_wait3A_173 : memref<10000x128xf32, #tpu.memory_space<hbm>>) dst(%arg17 : memref<80x128xf32, #tpu.memory_space<vmem>>)
      %add3A_174 = arith.constant 1 : i32
      %add3A_175 = arith.addi %add3A_133, %add3A_174 : i32
      %mul3A_176 = arith.constant 80 : i32
      %mul3A_177 = arith.muli %add3A_175, %mul3A_176 : i32
      %add3A_178 = arith.addi %mul3A_39, %mul3A_177 : i32
      "tpu.region"() ({
        %run_scoped3A = tpu.sem_alloc : memref<!tpu.dma_semaphore, #tpu.memory_space<semaphore_mem>>
        %dma_start3A_230 = tpu.memref_slice %arg4[%add3A_178] : memref<320000xi32, #tpu.memory_space<hbm>> -> memref<80xi32, #tpu.memory_space<hbm>>
        %dma_start3A_231 = tpu.memref_slice %arg4[%add3A_178] : memref<320000xi32, #tpu.memory_space<hbm>> -> memref<80xi32, #tpu.memory_space<hbm>>
        tpu.enqueue_dma source(%dma_start3A_231 : memref<80xi32, #tpu.memory_space<hbm>>) target(%arg13 : memref<80xi32, #tpu.memory_space<vmem>>) target_semaphore(%run_scoped3A : memref<!tpu.dma_semaphore, #tpu.memory_space<semaphore_mem>>)
        %dma_wait3A_232 = tpu.memref_slice %arg4[%add3A_178] : memref<320000xi32, #tpu.memory_space<hbm>> -> memref<80xi32, #tpu.memory_space<hbm>>
        %dma_wait3A_233 = tpu.memref_slice %arg4[%add3A_178] : memref<320000xi32, #tpu.memory_space<hbm>> -> memref<80xi32, #tpu.memory_space<hbm>>
        tpu.wait_dma2 semaphore(%run_scoped3A : memref<!tpu.dma_semaphore, #tpu.memory_space<semaphore_mem>>) src(%dma_wait3A_233 : memref<80xi32, #tpu.memory_space<hbm>>) dst(%arg13 : memref<80xi32, #tpu.memory_space<vmem>>)
        tpu.yield
      }) : () -> ()
      %dma_start3A_179 = arith.constant 0 : i32
      %dma_start3A_180 = arith.constant 0 : i32
      %dma_start3A_181 = tpu.memref_slice %arg18[%dma_start3A_179, %dma_start3A_180] : memref<10240x128xf32, #tpu.memory_space<vmem_shared>> -> memref<10240x128xf32, #tpu.memory_space<vmem_shared>>
      tpu.enqueue_indirect_dma source(%arg17 : memref<80x128xf32, #tpu.memory_space<vmem>>) target(%dma_start3A_181 : memref<10240x128xf32, #tpu.memory_space<vmem_shared>>) offsets(%arg13 : memref<80xi32, #tpu.memory_space<vmem>>) semaphore(%arg26 : memref<!tpu.dma_semaphore, #tpu.memory_space<semaphore_mem>>) {add = true}
      %dma_wait3A_182 = arith.constant 0 : i32
      %dma_wait3A_183 = arith.constant 0 : i32
      %dma_wait3A_184 = tpu.memref_slice %arg18[%dma_wait3A_182, %dma_wait3A_183] : memref<10240x128xf32, #tpu.memory_space<vmem_shared>> -> memref<10240x128xf32, #tpu.memory_space<vmem_shared>>
      tpu.wait_indirect_dma semaphore(%arg25 : memref<!tpu.dma_semaphore, #tpu.memory_space<semaphore_mem>>) src(%arg16 : memref<80x128xf32, #tpu.memory_space<vmem>>) dst(%dma_wait3A_184 : memref<10240x128xf32, #tpu.memory_space<vmem_shared>>)
      %add3A_185 = arith.constant 2 : i32
      %add3A_186 = arith.addi %add3A_133, %add3A_185 : i32
      %add3A_187 = arith.constant 2 : i32
      %add3A_188 = arith.addi %add3A_186, %add3A_187 : i32
      %mul3A_189 = arith.constant 80 : i32
      %mul3A_190 = arith.muli %add3A_188, %mul3A_189 : i32
      %add3A_191 = arith.addi %mul3A_39, %mul3A_190 : i32
      "tpu.region"() ({
        %run_scoped3A = tpu.sem_alloc : memref<!tpu.dma_semaphore, #tpu.memory_space<semaphore_mem>>
        %dma_start3A_230 = tpu.memref_slice %arg3[%add3A_191] : memref<320000xi32, #tpu.memory_space<hbm>> -> memref<80xi32, #tpu.memory_space<hbm>>
        %dma_start3A_231 = tpu.memref_slice %arg3[%add3A_191] : memref<320000xi32, #tpu.memory_space<hbm>> -> memref<80xi32, #tpu.memory_space<hbm>>
        tpu.enqueue_dma source(%dma_start3A_231 : memref<80xi32, #tpu.memory_space<hbm>>) target(%arg8 : memref<80xi32, #tpu.memory_space<vmem>>) target_semaphore(%run_scoped3A : memref<!tpu.dma_semaphore, #tpu.memory_space<semaphore_mem>>)
        %dma_wait3A_232 = tpu.memref_slice %arg3[%add3A_191] : memref<320000xi32, #tpu.memory_space<hbm>> -> memref<80xi32, #tpu.memory_space<hbm>>
        %dma_wait3A_233 = tpu.memref_slice %arg3[%add3A_191] : memref<320000xi32, #tpu.memory_space<hbm>> -> memref<80xi32, #tpu.memory_space<hbm>>
        tpu.wait_dma2 semaphore(%run_scoped3A : memref<!tpu.dma_semaphore, #tpu.memory_space<semaphore_mem>>) src(%dma_wait3A_233 : memref<80xi32, #tpu.memory_space<hbm>>) dst(%arg8 : memref<80xi32, #tpu.memory_space<vmem>>)
        tpu.yield
      }) : () -> ()
      %dma_start3A_192 = arith.constant 0 : i32
      %dma_start3A_193 = arith.constant 0 : i32
      %dma_start3A_194 = tpu.memref_slice %arg2[%dma_start3A_192, %dma_start3A_193] : memref<10000x128xf32, #tpu.memory_space<hbm>> -> memref<10000x128xf32, #tpu.memory_space<hbm>>
      tpu.enqueue_indirect_dma source(%dma_start3A_194 : memref<10000x128xf32, #tpu.memory_space<hbm>>) target(%arg16 : memref<80x128xf32, #tpu.memory_space<vmem>>) offsets(%arg8 : memref<80xi32, #tpu.memory_space<vmem>>) semaphore(%arg21 : memref<!tpu.dma_semaphore, #tpu.memory_space<semaphore_mem>>)
      %dma_wait3A_195 = arith.constant 0 : i32
      %dma_wait3A_196 = arith.constant 0 : i32
      %dma_wait3A_197 = tpu.memref_slice %arg2[%dma_wait3A_195, %dma_wait3A_196] : memref<10000x128xf32, #tpu.memory_space<hbm>> -> memref<10000x128xf32, #tpu.memory_space<hbm>>
      tpu.wait_indirect_dma semaphore(%arg19 : memref<!tpu.dma_semaphore, #tpu.memory_space<semaphore_mem>>) src(%dma_wait3A_197 : memref<10000x128xf32, #tpu.memory_space<hbm>>) dst(%arg14 : memref<80x128xf32, #tpu.memory_space<vmem>>)
      %add3A_198 = arith.constant 2 : i32
      %add3A_199 = arith.addi %add3A_133, %add3A_198 : i32
      %mul3A_200 = arith.constant 80 : i32
      %mul3A_201 = arith.muli %add3A_199, %mul3A_200 : i32
      %add3A_202 = arith.addi %mul3A_39, %mul3A_201 : i32
      "tpu.region"() ({
        %run_scoped3A = tpu.sem_alloc : memref<!tpu.dma_semaphore, #tpu.memory_space<semaphore_mem>>
        %dma_start3A_230 = tpu.memref_slice %arg4[%add3A_202] : memref<320000xi32, #tpu.memory_space<hbm>> -> memref<80xi32, #tpu.memory_space<hbm>>
        %dma_start3A_231 = tpu.memref_slice %arg4[%add3A_202] : memref<320000xi32, #tpu.memory_space<hbm>> -> memref<80xi32, #tpu.memory_space<hbm>>
        tpu.enqueue_dma source(%dma_start3A_231 : memref<80xi32, #tpu.memory_space<hbm>>) target(%arg10 : memref<80xi32, #tpu.memory_space<vmem>>) target_semaphore(%run_scoped3A : memref<!tpu.dma_semaphore, #tpu.memory_space<semaphore_mem>>)
        %dma_wait3A_232 = tpu.memref_slice %arg4[%add3A_202] : memref<320000xi32, #tpu.memory_space<hbm>> -> memref<80xi32, #tpu.memory_space<hbm>>
        %dma_wait3A_233 = tpu.memref_slice %arg4[%add3A_202] : memref<320000xi32, #tpu.memory_space<hbm>> -> memref<80xi32, #tpu.memory_space<hbm>>
        tpu.wait_dma2 semaphore(%run_scoped3A : memref<!tpu.dma_semaphore, #tpu.memory_space<semaphore_mem>>) src(%dma_wait3A_233 : memref<80xi32, #tpu.memory_space<hbm>>) dst(%arg10 : memref<80xi32, #tpu.memory_space<vmem>>)
        tpu.yield
      }) : () -> ()
      %dma_start3A_203 = arith.constant 0 : i32
      %dma_start3A_204 = arith.constant 0 : i32
      %dma_start3A_205 = tpu.memref_slice %arg18[%dma_start3A_203, %dma_start3A_204] : memref<10240x128xf32, #tpu.memory_space<vmem_shared>> -> memref<10240x128xf32, #tpu.memory_space<vmem_shared>>
      tpu.enqueue_indirect_dma source(%arg14 : memref<80x128xf32, #tpu.memory_space<vmem>>) target(%dma_start3A_205 : memref<10240x128xf32, #tpu.memory_space<vmem_shared>>) offsets(%arg10 : memref<80xi32, #tpu.memory_space<vmem>>) semaphore(%arg23 : memref<!tpu.dma_semaphore, #tpu.memory_space<semaphore_mem>>) {add = true}
      %dma_wait3A_206 = arith.constant 0 : i32
      %dma_wait3A_207 = arith.constant 0 : i32
      %dma_wait3A_208 = tpu.memref_slice %arg18[%dma_wait3A_206, %dma_wait3A_207] : memref<10240x128xf32, #tpu.memory_space<vmem_shared>> -> memref<10240x128xf32, #tpu.memory_space<vmem_shared>>
      tpu.wait_indirect_dma semaphore(%arg26 : memref<!tpu.dma_semaphore, #tpu.memory_space<semaphore_mem>>) src(%arg17 : memref<80x128xf32, #tpu.memory_space<vmem>>) dst(%dma_wait3A_208 : memref<10240x128xf32, #tpu.memory_space<vmem_shared>>)
      %add3A_209 = arith.constant 3 : i32
      %add3A_210 = arith.addi %add3A_133, %add3A_209 : i32
      %add3A_211 = arith.constant 2 : i32
      %add3A_212 = arith.addi %add3A_210, %add3A_211 : i32
      %mul3A_213 = arith.constant 80 : i32
      %mul3A_214 = arith.muli %add3A_212, %mul3A_213 : i32
      %add3A_215 = arith.addi %mul3A_39, %mul3A_214 : i32
      "tpu.region"() ({
        %run_scoped3A = tpu.sem_alloc : memref<!tpu.dma_semaphore, #tpu.memory_space<semaphore_mem>>
        %dma_start3A_230 = tpu.memref_slice %arg3[%add3A_215] : memref<320000xi32, #tpu.memory_space<hbm>> -> memref<80xi32, #tpu.memory_space<hbm>>
        %dma_start3A_231 = tpu.memref_slice %arg3[%add3A_215] : memref<320000xi32, #tpu.memory_space<hbm>> -> memref<80xi32, #tpu.memory_space<hbm>>
        tpu.enqueue_dma source(%dma_start3A_231 : memref<80xi32, #tpu.memory_space<hbm>>) target(%arg9 : memref<80xi32, #tpu.memory_space<vmem>>) target_semaphore(%run_scoped3A : memref<!tpu.dma_semaphore, #tpu.memory_space<semaphore_mem>>)
        %dma_wait3A_232 = tpu.memref_slice %arg3[%add3A_215] : memref<320000xi32, #tpu.memory_space<hbm>> -> memref<80xi32, #tpu.memory_space<hbm>>
        %dma_wait3A_233 = tpu.memref_slice %arg3[%add3A_215] : memref<320000xi32, #tpu.memory_space<hbm>> -> memref<80xi32, #tpu.memory_space<hbm>>
        tpu.wait_dma2 semaphore(%run_scoped3A : memref<!tpu.dma_semaphore, #tpu.memory_space<semaphore_mem>>) src(%dma_wait3A_233 : memref<80xi32, #tpu.memory_space<hbm>>) dst(%arg9 : memref<80xi32, #tpu.memory_space<vmem>>)
        tpu.yield
      }) : () -> ()
      %dma_start3A_216 = arith.constant 0 : i32
      %dma_start3A_217 = arith.constant 0 : i32
      %dma_start3A_218 = tpu.memref_slice %arg2[%dma_start3A_216, %dma_start3A_217] : memref<10000x128xf32, #tpu.memory_space<hbm>> -> memref<10000x128xf32, #tpu.memory_space<hbm>>
      tpu.enqueue_indirect_dma source(%dma_start3A_218 : memref<10000x128xf32, #tpu.memory_space<hbm>>) target(%arg17 : memref<80x128xf32, #tpu.memory_space<vmem>>) offsets(%arg9 : memref<80xi32, #tpu.memory_space<vmem>>) semaphore(%arg22 : memref<!tpu.dma_semaphore, #tpu.memory_space<semaphore_mem>>)
      %dma_wait3A_219 = arith.constant 0 : i32
      %dma_wait3A_220 = arith.constant 0 : i32
      %dma_wait3A_221 = tpu.memref_slice %arg2[%dma_wait3A_219, %dma_wait3A_220] : memref<10000x128xf32, #tpu.memory_space<hbm>> -> memref<10000x128xf32, #tpu.memory_space<hbm>>
      tpu.wait_indirect_dma semaphore(%arg20 : memref<!tpu.dma_semaphore, #tpu.memory_space<semaphore_mem>>) src(%dma_wait3A_221 : memref<10000x128xf32, #tpu.memory_space<hbm>>) dst(%arg15 : memref<80x128xf32, #tpu.memory_space<vmem>>)
      %add3A_222 = arith.constant 3 : i32
      %add3A_223 = arith.addi %add3A_133, %add3A_222 : i32
      %mul3A_224 = arith.constant 80 : i32
      %mul3A_225 = arith.muli %add3A_223, %mul3A_224 : i32
      %add3A_226 = arith.addi %mul3A_39, %mul3A_225 : i32
      "tpu.region"() ({
        %run_scoped3A = tpu.sem_alloc : memref<!tpu.dma_semaphore, #tpu.memory_space<semaphore_mem>>
        %dma_start3A_230 = tpu.memref_slice %arg4[%add3A_226] : memref<320000xi32, #tpu.memory_space<hbm>> -> memref<80xi32, #tpu.memory_space<hbm>>
        %dma_start3A_231 = tpu.memref_slice %arg4[%add3A_226] : memref<320000xi32, #tpu.memory_space<hbm>> -> memref<80xi32, #tpu.memory_space<hbm>>
        tpu.enqueue_dma source(%dma_start3A_231 : memref<80xi32, #tpu.memory_space<hbm>>) target(%arg11 : memref<80xi32, #tpu.memory_space<vmem>>) target_semaphore(%run_scoped3A : memref<!tpu.dma_semaphore, #tpu.memory_space<semaphore_mem>>)
        %dma_wait3A_232 = tpu.memref_slice %arg4[%add3A_226] : memref<320000xi32, #tpu.memory_space<hbm>> -> memref<80xi32, #tpu.memory_space<hbm>>
        %dma_wait3A_233 = tpu.memref_slice %arg4[%add3A_226] : memref<320000xi32, #tpu.memory_space<hbm>> -> memref<80xi32, #tpu.memory_space<hbm>>
        tpu.wait_dma2 semaphore(%run_scoped3A : memref<!tpu.dma_semaphore, #tpu.memory_space<semaphore_mem>>) src(%dma_wait3A_233 : memref<80xi32, #tpu.memory_space<hbm>>) dst(%arg11 : memref<80xi32, #tpu.memory_space<vmem>>)
        tpu.yield
      }) : () -> ()
      %dma_start3A_227 = arith.constant 0 : i32
      %dma_start3A_228 = arith.constant 0 : i32
      %dma_start3A_229 = tpu.memref_slice %arg18[%dma_start3A_227, %dma_start3A_228] : memref<10240x128xf32, #tpu.memory_space<vmem_shared>> -> memref<10240x128xf32, #tpu.memory_space<vmem_shared>>
      tpu.enqueue_indirect_dma source(%arg15 : memref<80x128xf32, #tpu.memory_space<vmem>>) target(%dma_start3A_229 : memref<10240x128xf32, #tpu.memory_space<vmem_shared>>) offsets(%arg11 : memref<80xi32, #tpu.memory_space<vmem>>) semaphore(%arg24 : memref<!tpu.dma_semaphore, #tpu.memory_space<semaphore_mem>>) {add = true}
    }
    %scan3A_79 = arith.constant 30 : i32
    %dma_wait3A_80 = arith.constant 0 : i32
    %dma_wait3A_81 = arith.constant 0 : i32
    %dma_wait3A_82 = tpu.memref_slice %arg18[%dma_wait3A_80, %dma_wait3A_81] : memref<10240x128xf32, #tpu.memory_space<vmem_shared>> -> memref<10240x128xf32, #tpu.memory_space<vmem_shared>>
    tpu.wait_indirect_dma semaphore(%arg23 : memref<!tpu.dma_semaphore, #tpu.memory_space<semaphore_mem>>) src(%arg14 : memref<80x128xf32, #tpu.memory_space<vmem>>) dst(%dma_wait3A_82 : memref<10240x128xf32, #tpu.memory_space<vmem_shared>>)
    %add3A_83 = arith.constant 9920 : i32
    %add3A_84 = arith.addi %mul3A_39, %add3A_83 : i32
    "tpu.region"() ({
      %run_scoped3A = tpu.sem_alloc : memref<!tpu.dma_semaphore, #tpu.memory_space<semaphore_mem>>
      %dma_start3A_129 = tpu.memref_slice %arg3[%add3A_84] : memref<320000xi32, #tpu.memory_space<hbm>> -> memref<80xi32, #tpu.memory_space<hbm>>
      %dma_start3A_130 = tpu.memref_slice %arg3[%add3A_84] : memref<320000xi32, #tpu.memory_space<hbm>> -> memref<80xi32, #tpu.memory_space<hbm>>
      tpu.enqueue_dma source(%dma_start3A_130 : memref<80xi32, #tpu.memory_space<hbm>>) target(%arg6 : memref<80xi32, #tpu.memory_space<vmem>>) target_semaphore(%run_scoped3A : memref<!tpu.dma_semaphore, #tpu.memory_space<semaphore_mem>>)
      %dma_wait3A_131 = tpu.memref_slice %arg3[%add3A_84] : memref<320000xi32, #tpu.memory_space<hbm>> -> memref<80xi32, #tpu.memory_space<hbm>>
      %dma_wait3A_132 = tpu.memref_slice %arg3[%add3A_84] : memref<320000xi32, #tpu.memory_space<hbm>> -> memref<80xi32, #tpu.memory_space<hbm>>
      tpu.wait_dma2 semaphore(%run_scoped3A : memref<!tpu.dma_semaphore, #tpu.memory_space<semaphore_mem>>) src(%dma_wait3A_132 : memref<80xi32, #tpu.memory_space<hbm>>) dst(%arg6 : memref<80xi32, #tpu.memory_space<vmem>>)
      tpu.yield
    }) : () -> ()
    %dma_start3A_85 = arith.constant 0 : i32
    %dma_start3A_86 = arith.constant 0 : i32
    %dma_start3A_87 = tpu.memref_slice %arg2[%dma_start3A_85, %dma_start3A_86] : memref<10000x128xf32, #tpu.memory_space<hbm>> -> memref<10000x128xf32, #tpu.memory_space<hbm>>
    tpu.enqueue_indirect_dma source(%dma_start3A_87 : memref<10000x128xf32, #tpu.memory_space<hbm>>) target(%arg14 : memref<80x128xf32, #tpu.memory_space<vmem>>) offsets(%arg6 : memref<80xi32, #tpu.memory_space<vmem>>) semaphore(%arg19 : memref<!tpu.dma_semaphore, #tpu.memory_space<semaphore_mem>>)
    %dma_wait3A_88 = arith.constant 0 : i32
    %dma_wait3A_89 = arith.constant 0 : i32
    %dma_wait3A_90 = tpu.memref_slice %arg2[%dma_wait3A_88, %dma_wait3A_89] : memref<10000x128xf32, #tpu.memory_space<hbm>> -> memref<10000x128xf32, #tpu.memory_space<hbm>>
    tpu.wait_indirect_dma semaphore(%arg21 : memref<!tpu.dma_semaphore, #tpu.memory_space<semaphore_mem>>) src(%dma_wait3A_90 : memref<10000x128xf32, #tpu.memory_space<hbm>>) dst(%arg16 : memref<80x128xf32, #tpu.memory_space<vmem>>)
    %add3A_91 = arith.constant 9760 : i32
    %add3A_92 = arith.addi %mul3A_39, %add3A_91 : i32
    "tpu.region"() ({
      %run_scoped3A = tpu.sem_alloc : memref<!tpu.dma_semaphore, #tpu.memory_space<semaphore_mem>>
      %dma_start3A_129 = tpu.memref_slice %arg4[%add3A_92] : memref<320000xi32, #tpu.memory_space<hbm>> -> memref<80xi32, #tpu.memory_space<hbm>>
      %dma_start3A_130 = tpu.memref_slice %arg4[%add3A_92] : memref<320000xi32, #tpu.memory_space<hbm>> -> memref<80xi32, #tpu.memory_space<hbm>>
      tpu.enqueue_dma source(%dma_start3A_130 : memref<80xi32, #tpu.memory_space<hbm>>) target(%arg12 : memref<80xi32, #tpu.memory_space<vmem>>) target_semaphore(%run_scoped3A : memref<!tpu.dma_semaphore, #tpu.memory_space<semaphore_mem>>)
      %dma_wait3A_131 = tpu.memref_slice %arg4[%add3A_92] : memref<320000xi32, #tpu.memory_space<hbm>> -> memref<80xi32, #tpu.memory_space<hbm>>
      %dma_wait3A_132 = tpu.memref_slice %arg4[%add3A_92] : memref<320000xi32, #tpu.memory_space<hbm>> -> memref<80xi32, #tpu.memory_space<hbm>>
      tpu.wait_dma2 semaphore(%run_scoped3A : memref<!tpu.dma_semaphore, #tpu.memory_space<semaphore_mem>>) src(%dma_wait3A_132 : memref<80xi32, #tpu.memory_space<hbm>>) dst(%arg12 : memref<80xi32, #tpu.memory_space<vmem>>)
      tpu.yield
    }) : () -> ()
    %dma_start3A_93 = arith.constant 0 : i32
    %dma_start3A_94 = arith.constant 0 : i32
    %dma_start3A_95 = tpu.memref_slice %arg18[%dma_start3A_93, %dma_start3A_94] : memref<10240x128xf32, #tpu.memory_space<vmem_shared>> -> memref<10240x128xf32, #tpu.memory_space<vmem_shared>>
    tpu.enqueue_indirect_dma source(%arg16 : memref<80x128xf32, #tpu.memory_space<vmem>>) target(%dma_start3A_95 : memref<10240x128xf32, #tpu.memory_space<vmem_shared>>) offsets(%arg12 : memref<80xi32, #tpu.memory_space<vmem>>) semaphore(%arg25 : memref<!tpu.dma_semaphore, #tpu.memory_space<semaphore_mem>>) {add = true}
    %dma_wait3A_96 = arith.constant 0 : i32
    %dma_wait3A_97 = arith.constant 0 : i32
    %dma_wait3A_98 = tpu.memref_slice %arg18[%dma_wait3A_96, %dma_wait3A_97] : memref<10240x128xf32, #tpu.memory_space<vmem_shared>> -> memref<10240x128xf32, #tpu.memory_space<vmem_shared>>
    tpu.wait_indirect_dma semaphore(%arg24 : memref<!tpu.dma_semaphore, #tpu.memory_space<semaphore_mem>>) src(%arg15 : memref<80x128xf32, #tpu.memory_space<vmem>>) dst(%dma_wait3A_98 : memref<10240x128xf32, #tpu.memory_space<vmem_shared>>)
    %dma_wait3A_99 = arith.constant 0 : i32
    %dma_wait3A_100 = arith.constant 0 : i32
    %dma_wait3A_101 = tpu.memref_slice %arg2[%dma_wait3A_99, %dma_wait3A_100] : memref<10000x128xf32, #tpu.memory_space<hbm>> -> memref<10000x128xf32, #tpu.memory_space<hbm>>
    tpu.wait_indirect_dma semaphore(%arg22 : memref<!tpu.dma_semaphore, #tpu.memory_space<semaphore_mem>>) src(%dma_wait3A_101 : memref<10000x128xf32, #tpu.memory_space<hbm>>) dst(%arg17 : memref<80x128xf32, #tpu.memory_space<vmem>>)
    %add3A_102 = arith.constant 9840 : i32
    %add3A_103 = arith.addi %mul3A_39, %add3A_102 : i32
    "tpu.region"() ({
      %run_scoped3A = tpu.sem_alloc : memref<!tpu.dma_semaphore, #tpu.memory_space<semaphore_mem>>
      %dma_start3A_129 = tpu.memref_slice %arg4[%add3A_103] : memref<320000xi32, #tpu.memory_space<hbm>> -> memref<80xi32, #tpu.memory_space<hbm>>
      %dma_start3A_130 = tpu.memref_slice %arg4[%add3A_103] : memref<320000xi32, #tpu.memory_space<hbm>> -> memref<80xi32, #tpu.memory_space<hbm>>
      tpu.enqueue_dma source(%dma_start3A_130 : memref<80xi32, #tpu.memory_space<hbm>>) target(%arg13 : memref<80xi32, #tpu.memory_space<vmem>>) target_semaphore(%run_scoped3A : memref<!tpu.dma_semaphore, #tpu.memory_space<semaphore_mem>>)
      %dma_wait3A_131 = tpu.memref_slice %arg4[%add3A_103] : memref<320000xi32, #tpu.memory_space<hbm>> -> memref<80xi32, #tpu.memory_space<hbm>>
      %dma_wait3A_132 = tpu.memref_slice %arg4[%add3A_103] : memref<320000xi32, #tpu.memory_space<hbm>> -> memref<80xi32, #tpu.memory_space<hbm>>
      tpu.wait_dma2 semaphore(%run_scoped3A : memref<!tpu.dma_semaphore, #tpu.memory_space<semaphore_mem>>) src(%dma_wait3A_132 : memref<80xi32, #tpu.memory_space<hbm>>) dst(%arg13 : memref<80xi32, #tpu.memory_space<vmem>>)
      tpu.yield
    }) : () -> ()
    %dma_start3A_104 = arith.constant 0 : i32
    %dma_start3A_105 = arith.constant 0 : i32
    %dma_start3A_106 = tpu.memref_slice %arg18[%dma_start3A_104, %dma_start3A_105] : memref<10240x128xf32, #tpu.memory_space<vmem_shared>> -> memref<10240x128xf32, #tpu.memory_space<vmem_shared>>
    tpu.enqueue_indirect_dma source(%arg17 : memref<80x128xf32, #tpu.memory_space<vmem>>) target(%dma_start3A_106 : memref<10240x128xf32, #tpu.memory_space<vmem_shared>>) offsets(%arg13 : memref<80xi32, #tpu.memory_space<vmem>>) semaphore(%arg26 : memref<!tpu.dma_semaphore, #tpu.memory_space<semaphore_mem>>) {add = true}
    %dma_wait3A_107 = arith.constant 0 : i32
    %dma_wait3A_108 = arith.constant 0 : i32
    %dma_wait3A_109 = tpu.memref_slice %arg18[%dma_wait3A_107, %dma_wait3A_108] : memref<10240x128xf32, #tpu.memory_space<vmem_shared>> -> memref<10240x128xf32, #tpu.memory_space<vmem_shared>>
    tpu.wait_indirect_dma semaphore(%arg25 : memref<!tpu.dma_semaphore, #tpu.memory_space<semaphore_mem>>) src(%arg16 : memref<80x128xf32, #tpu.memory_space<vmem>>) dst(%dma_wait3A_109 : memref<10240x128xf32, #tpu.memory_space<vmem_shared>>)
    %dma_wait3A_110 = arith.constant 0 : i32
    %dma_wait3A_111 = arith.constant 0 : i32
    %dma_wait3A_112 = tpu.memref_slice %arg2[%dma_wait3A_110, %dma_wait3A_111] : memref<10000x128xf32, #tpu.memory_space<hbm>> -> memref<10000x128xf32, #tpu.memory_space<hbm>>
    tpu.wait_indirect_dma semaphore(%arg19 : memref<!tpu.dma_semaphore, #tpu.memory_space<semaphore_mem>>) src(%dma_wait3A_112 : memref<10000x128xf32, #tpu.memory_space<hbm>>) dst(%arg14 : memref<80x128xf32, #tpu.memory_space<vmem>>)
    %add3A_113 = arith.constant 9920 : i32
    %add3A_114 = arith.addi %mul3A_39, %add3A_113 : i32
    "tpu.region"() ({
      %run_scoped3A = tpu.sem_alloc : memref<!tpu.dma_semaphore, #tpu.memory_space<semaphore_mem>>
      %dma_start3A_129 = tpu.memref_slice %arg4[%add3A_114] : memref<320000xi32, #tpu.memory_space<hbm>> -> memref<80xi32, #tpu.memory_space<hbm>>
      %dma_start3A_130 = tpu.memref_slice %arg4[%add3A_114] : memref<320000xi32, #tpu.memory_space<hbm>> -> memref<80xi32, #tpu.memory_space<hbm>>
      tpu.enqueue_dma source(%dma_start3A_130 : memref<80xi32, #tpu.memory_space<hbm>>) target(%arg10 : memref<80xi32, #tpu.memory_space<vmem>>) target_semaphore(%run_scoped3A : memref<!tpu.dma_semaphore, #tpu.memory_space<semaphore_mem>>)
      %dma_wait3A_131 = tpu.memref_slice %arg4[%add3A_114] : memref<320000xi32, #tpu.memory_space<hbm>> -> memref<80xi32, #tpu.memory_space<hbm>>
      %dma_wait3A_132 = tpu.memref_slice %arg4[%add3A_114] : memref<320000xi32, #tpu.memory_space<hbm>> -> memref<80xi32, #tpu.memory_space<hbm>>
      tpu.wait_dma2 semaphore(%run_scoped3A : memref<!tpu.dma_semaphore, #tpu.memory_space<semaphore_mem>>) src(%dma_wait3A_132 : memref<80xi32, #tpu.memory_space<hbm>>) dst(%arg10 : memref<80xi32, #tpu.memory_space<vmem>>)
      tpu.yield
    }) : () -> ()
    %dma_start3A_115 = arith.constant 0 : i32
    %dma_start3A_116 = arith.constant 0 : i32
    %dma_start3A_117 = tpu.memref_slice %arg18[%dma_start3A_115, %dma_start3A_116] : memref<10240x128xf32, #tpu.memory_space<vmem_shared>> -> memref<10240x128xf32, #tpu.memory_space<vmem_shared>>
    tpu.enqueue_indirect_dma source(%arg14 : memref<80x128xf32, #tpu.memory_space<vmem>>) target(%dma_start3A_117 : memref<10240x128xf32, #tpu.memory_space<vmem_shared>>) offsets(%arg10 : memref<80xi32, #tpu.memory_space<vmem>>) semaphore(%arg23 : memref<!tpu.dma_semaphore, #tpu.memory_space<semaphore_mem>>) {add = true}
    %dma_wait3A_118 = arith.constant 0 : i32
    %dma_wait3A_119 = arith.constant 0 : i32
    %dma_wait3A_120 = tpu.memref_slice %arg18[%dma_wait3A_118, %dma_wait3A_119] : memref<10240x128xf32, #tpu.memory_space<vmem_shared>> -> memref<10240x128xf32, #tpu.memory_space<vmem_shared>>
    tpu.wait_indirect_dma semaphore(%arg26 : memref<!tpu.dma_semaphore, #tpu.memory_space<semaphore_mem>>) src(%arg17 : memref<80x128xf32, #tpu.memory_space<vmem>>) dst(%dma_wait3A_120 : memref<10240x128xf32, #tpu.memory_space<vmem_shared>>)
    %dma_wait3A_121 = arith.constant 0 : i32
    %dma_wait3A_122 = arith.constant 0 : i32
    %dma_wait3A_123 = tpu.memref_slice %arg18[%dma_wait3A_121, %dma_wait3A_122] : memref<10240x128xf32, #tpu.memory_space<vmem_shared>> -> memref<10240x128xf32, #tpu.memory_space<vmem_shared>>
    tpu.wait_indirect_dma semaphore(%arg23 : memref<!tpu.dma_semaphore, #tpu.memory_space<semaphore_mem>>) src(%arg14 : memref<80x128xf32, #tpu.memory_space<vmem>>) dst(%dma_wait3A_123 : memref<10240x128xf32, #tpu.memory_space<vmem_shared>>)
    %barrier3A_124 = arith.constant 0 : index
    tpu.barrier barrier_id(%barrier3A_124)
    %mul3A_125 = arith.constant 640 : i32
    %mul3A_126 = arith.muli %arg1, %mul3A_125 : i32
    %mul3A_127 = arith.constant 640 : i32
    %mul3A_128 = arith.muli %arg1, %mul3A_127 : i32
    "tpu.region"() ({
      %run_scoped3A = tpu.sem_alloc : memref<!tpu.dma_semaphore, #tpu.memory_space<semaphore_mem>>
      %dma_start3A_129 = arith.constant 0 : i32
      %dma_start3A_130 = tpu.memref_slice %arg5[%arg0, %mul3A_128, %dma_start3A_129] : memref<2x10240x128xf32, #tpu.memory_space<hbm>> -> memref<1x640x128xf32, #tpu.memory_space<hbm>>
      %dma_start3A_131 = tpu.memref_squeeze %dma_start3A_130 : memref<1x640x128xf32, #tpu.memory_space<hbm>> -> memref<640x128xf32, #tpu.memory_space<hbm>>
      %dma_start3A_132 = arith.constant 0 : i32
      %dma_start3A_133 = tpu.memref_slice %arg18[%mul3A_126, %dma_start3A_132] : memref<10240x128xf32, #tpu.memory_space<vmem_shared>> -> memref<640x128xf32, #tpu.memory_space<vmem_shared>>
      tpu.enqueue_dma source(%dma_start3A_133 : memref<640x128xf32, #tpu.memory_space<vmem_shared>>) target(%dma_start3A_131 : memref<640x128xf32, #tpu.memory_space<hbm>>) target_semaphore(%run_scoped3A : memref<!tpu.dma_semaphore, #tpu.memory_space<semaphore_mem>>)
      %dma_wait3A_134 = arith.constant 0 : i32
      %dma_wait3A_135 = tpu.memref_slice %arg5[%arg0, %mul3A_128, %dma_wait3A_134] : memref<2x10240x128xf32, #tpu.memory_space<hbm>> -> memref<1x640x128xf32, #tpu.memory_space<hbm>>
      %dma_wait3A_136 = tpu.memref_squeeze %dma_wait3A_135 : memref<1x640x128xf32, #tpu.memory_space<hbm>> -> memref<640x128xf32, #tpu.memory_space<hbm>>
      %dma_wait3A_137 = arith.constant 0 : i32
      %dma_wait3A_138 = tpu.memref_slice %arg18[%mul3A_126, %dma_wait3A_137] : memref<10240x128xf32, #tpu.memory_space<vmem_shared>> -> memref<640x128xf32, #tpu.memory_space<vmem_shared>>
      tpu.wait_dma2 semaphore(%run_scoped3A : memref<!tpu.dma_semaphore, #tpu.memory_space<semaphore_mem>>) src(%dma_wait3A_138 : memref<640x128xf32, #tpu.memory_space<vmem_shared>>) dst(%dma_wait3A_136 : memref<640x128xf32, #tpu.memory_space<hbm>>)
      tpu.yield
    }) : () -> ()
    return
  }
}

module attributes {stable_mosaic.version = 14 : i64} {
  func.func @_tc_weights_body(%arg0: memref<128x128xf32, #tpu.memory_space<vmem>>, %arg1: memref<128x128xf32, #tpu.memory_space<vmem>>, %arg2: memref<128x128xf32, #tpu.memory_space<vmem>>, %arg3: memref<128x128xf32, #tpu.memory_space<vmem>>, %arg4: memref<128x128xf32, #tpu.memory_space<vmem>>, %arg5: memref<128x128xf32, #tpu.memory_space<vmem>>, %arg6: memref<128x128xf32, #tpu.memory_space<vmem>>, %arg7: memref<128x128xf32, #tpu.memory_space<vmem>>, %arg8: memref<128x128xf32, #tpu.memory_space<vmem>>, %arg9: memref<128x128xf32, #tpu.memory_space<vmem>>, %arg10: memref<128x128xf32, #tpu.memory_space<vmem>>, %arg11: memref<128x128xf32, #tpu.memory_space<vmem>>, %arg12: memref<128x128xf32, #tpu.memory_space<vmem>>, %arg13: memref<128x128xf32, #tpu.memory_space<vmem>>, %arg14: memref<128x128xf32, #tpu.memory_space<vmem>>, %arg15: memref<128x128xf32, #tpu.memory_space<vmem>>, %arg16: memref<128x128xf32, #tpu.memory_space<vmem>>, %arg17: memref<128x128xf32, #tpu.memory_space<vmem>>, %arg18: memref<128x128xf32, #tpu.memory_space<vmem>>, %arg19: memref<128x128xf32, #tpu.memory_space<vmem>>, %arg20: memref<128x128xf32, #tpu.memory_space<vmem>>, %arg21: memref<128xf32, #tpu.memory_space<vmem>>, %arg22: memref<128x128xf32, #tpu.memory_space<vmem>>, %arg23: memref<128xf32, #tpu.memory_space<vmem>>, %arg24: memref<128x128xf32, #tpu.memory_space<vmem>>, %arg25: memref<128xf32, #tpu.memory_space<vmem>>, %arg26: memref<1xf32, #tpu.memory_space<vmem>>, %arg27: memref<128x128xf32, #tpu.memory_space<vmem>>, %arg28: memref<128x128xf32, #tpu.memory_space<vmem>>) attributes {dimension_semantics = [], scalar_prefetch = 0 : i64, scratch_operands = 0 : i64, tpu.core_type = #tpu.core_type<tc>} {
    %get3A = arith.constant 0 : index
    %get3A_0 = arith.constant 0 : index
    %get3A_1 = vector.load %arg0[%get3A, %get3A_0] : memref<128x128xf32, #tpu.memory_space<vmem>>, vector<128x128xf32>
    %get3A_2 = arith.constant 0 : index
    %get3A_3 = arith.constant 0 : index
    %get3A_4 = vector.load %arg2[%get3A_2, %get3A_3] : memref<128x128xf32, #tpu.memory_space<vmem>>, vector<128x128xf32>
    %get3A_5 = arith.constant 0 : index
    %get3A_6 = arith.constant 0 : index
    %get3A_7 = vector.load %arg3[%get3A_5, %get3A_6] : memref<128x128xf32, #tpu.memory_space<vmem>>, vector<128x128xf32>
    %get3A_8 = arith.constant 0 : index
    %get3A_9 = arith.constant 0 : index
    %get3A_10 = vector.load %arg4[%get3A_8, %get3A_9] : memref<128x128xf32, #tpu.memory_space<vmem>>, vector<128x128xf32>
    %get3A_11 = arith.constant 0 : index
    %get3A_12 = arith.constant 0 : index
    %get3A_13 = vector.load %arg5[%get3A_11, %get3A_12] : memref<128x128xf32, #tpu.memory_space<vmem>>, vector<128x128xf32>
    %get3A_14 = arith.constant 0 : index
    %get3A_15 = arith.constant 0 : index
    %get3A_16 = vector.load %arg6[%get3A_14, %get3A_15] : memref<128x128xf32, #tpu.memory_space<vmem>>, vector<128x128xf32>
    %get3A_17 = arith.constant 0 : index
    %get3A_18 = arith.constant 0 : index
    %get3A_19 = vector.load %arg7[%get3A_17, %get3A_18] : memref<128x128xf32, #tpu.memory_space<vmem>>, vector<128x128xf32>
    %get3A_20 = arith.constant 0 : index
    %get3A_21 = arith.constant 0 : index
    %get3A_22 = vector.load %arg8[%get3A_20, %get3A_21] : memref<128x128xf32, #tpu.memory_space<vmem>>, vector<128x128xf32>
    %get3A_23 = arith.constant 0 : index
    %get3A_24 = arith.constant 0 : index
    %get3A_25 = vector.load %arg9[%get3A_23, %get3A_24] : memref<128x128xf32, #tpu.memory_space<vmem>>, vector<128x128xf32>
    %get3A_26 = arith.constant 0 : index
    %get3A_27 = arith.constant 0 : index
    %get3A_28 = vector.load %arg10[%get3A_26, %get3A_27] : memref<128x128xf32, #tpu.memory_space<vmem>>, vector<128x128xf32>
    %dot_general3A = arith.constant dense<0.000000e+00> : vector<128x128xf32>
    %dot_general3A_29 = tpu.matmul %get3A_4, %get3A_1, %dot_general3A {dimension_numbers = #tpu.dot_dimension_numbers<[1], [0], [0], [1], [0, 0, 1, 1], [], []>, transpose_lhs_hint = false} : vector<128x128xf32>, vector<128x128xf32>, vector<128x128xf32> -> vector<128x128xf32>
    %dot_general3A_30 = arith.constant dense<0.000000e+00> : vector<128x128xf32>
    %dot_general3A_31 = tpu.matmul %get3A_7, %get3A_1, %dot_general3A_30 {dimension_numbers = #tpu.dot_dimension_numbers<[1], [0], [0], [1], [0, 0, 1, 1], [], []>, transpose_lhs_hint = false} : vector<128x128xf32>, vector<128x128xf32>, vector<128x128xf32> -> vector<128x128xf32>
    %add3A = arith.addf %dot_general3A_29, %dot_general3A_31 : vector<128x128xf32>
    %add3A_32 = arith.addf %add3A, %get3A_10 : vector<128x128xf32>
    %logistic3A = arith.negf %add3A_32 : vector<128x128xf32>
    %logistic3A_33 = math.exp %logistic3A : vector<128x128xf32>
    %logistic3A_34 = arith.constant 1.000000e+00 : f32
    %logistic3A_35 = vector.broadcast %logistic3A_34 : f32 to vector<128x128xf32>
    %logistic3A_36 = arith.addf %logistic3A_35, %logistic3A_33 : vector<128x128xf32>
    %logistic3A_37 = arith.divf %logistic3A_35, %logistic3A_36 : vector<128x128xf32>
    %dot_general3A_38 = arith.constant dense<0.000000e+00> : vector<128x128xf32>
    %dot_general3A_39 = tpu.matmul %get3A_13, %get3A_1, %dot_general3A_38 {dimension_numbers = #tpu.dot_dimension_numbers<[1], [0], [0], [1], [0, 0, 1, 1], [], []>, transpose_lhs_hint = false} : vector<128x128xf32>, vector<128x128xf32>, vector<128x128xf32> -> vector<128x128xf32>
    %dot_general3A_40 = arith.constant dense<0.000000e+00> : vector<128x128xf32>
    %dot_general3A_41 = tpu.matmul %get3A_16, %get3A_1, %dot_general3A_40 {dimension_numbers = #tpu.dot_dimension_numbers<[1], [0], [0], [1], [0, 0, 1, 1], [], []>, transpose_lhs_hint = false} : vector<128x128xf32>, vector<128x128xf32>, vector<128x128xf32> -> vector<128x128xf32>
    %add3A_42 = arith.addf %dot_general3A_39, %dot_general3A_41 : vector<128x128xf32>
    %add3A_43 = arith.addf %add3A_42, %get3A_19 : vector<128x128xf32>
    %logistic3A_44 = arith.negf %add3A_43 : vector<128x128xf32>
    %logistic3A_45 = math.exp %logistic3A_44 : vector<128x128xf32>
    %logistic3A_46 = arith.constant 1.000000e+00 : f32
    %logistic3A_47 = vector.broadcast %logistic3A_46 : f32 to vector<128x128xf32>
    %logistic3A_48 = arith.addf %logistic3A_47, %logistic3A_45 : vector<128x128xf32>
    %logistic3A_49 = arith.divf %logistic3A_47, %logistic3A_48 : vector<128x128xf32>
    %dot_general3A_50 = arith.constant dense<0.000000e+00> : vector<128x128xf32>
    %dot_general3A_51 = tpu.matmul %get3A_22, %get3A_1, %dot_general3A_50 {dimension_numbers = #tpu.dot_dimension_numbers<[1], [0], [0], [1], [0, 0, 1, 1], [], []>, transpose_lhs_hint = false} : vector<128x128xf32>, vector<128x128xf32>, vector<128x128xf32> -> vector<128x128xf32>
    %mul3A = arith.mulf %logistic3A_49, %get3A_1 : vector<128x128xf32>
    %dot_general3A_52 = arith.constant dense<0.000000e+00> : vector<128x128xf32>
    %dot_general3A_53 = tpu.matmul %get3A_25, %mul3A, %dot_general3A_52 {dimension_numbers = #tpu.dot_dimension_numbers<[1], [0], [0], [1], [0, 0, 1, 1], [], []>, transpose_lhs_hint = false} : vector<128x128xf32>, vector<128x128xf32>, vector<128x128xf32> -> vector<128x128xf32>
    %add3A_54 = arith.addf %dot_general3A_51, %dot_general3A_53 : vector<128x128xf32>
    %add3A_55 = arith.addf %add3A_54, %get3A_28 : vector<128x128xf32>
    %tanh3A = math.tanh %add3A_55 : vector<128x128xf32>
    %sub3A = arith.constant 1.000000e+00 : f32
    %sub3A_56 = vector.broadcast %sub3A : f32 to vector<128x128xf32>
    %sub3A_57 = arith.subf %sub3A_56, %logistic3A_37 : vector<128x128xf32>
    %mul3A_58 = arith.mulf %sub3A_57, %get3A_1 : vector<128x128xf32>
    %mul3A_59 = arith.mulf %logistic3A_37, %tanh3A : vector<128x128xf32>
    %add3A_60 = arith.addf %mul3A_58, %mul3A_59 : vector<128x128xf32>
    %get3A_61 = arith.constant 0 : index
    %get3A_62 = arith.constant 0 : index
    %get3A_63 = vector.load %arg2[%get3A_61, %get3A_62] : memref<128x128xf32, #tpu.memory_space<vmem>>, vector<128x128xf32>
    %get3A_64 = arith.constant 0 : index
    %get3A_65 = arith.constant 0 : index
    %get3A_66 = vector.load %arg3[%get3A_64, %get3A_65] : memref<128x128xf32, #tpu.memory_space<vmem>>, vector<128x128xf32>
    %get3A_67 = arith.constant 0 : index
    %get3A_68 = arith.constant 0 : index
    %get3A_69 = vector.load %arg4[%get3A_67, %get3A_68] : memref<128x128xf32, #tpu.memory_space<vmem>>, vector<128x128xf32>
    %get3A_70 = arith.constant 0 : index
    %get3A_71 = arith.constant 0 : index
    %get3A_72 = vector.load %arg5[%get3A_70, %get3A_71] : memref<128x128xf32, #tpu.memory_space<vmem>>, vector<128x128xf32>
    %get3A_73 = arith.constant 0 : index
    %get3A_74 = arith.constant 0 : index
    %get3A_75 = vector.load %arg6[%get3A_73, %get3A_74] : memref<128x128xf32, #tpu.memory_space<vmem>>, vector<128x128xf32>
    %get3A_76 = arith.constant 0 : index
    %get3A_77 = arith.constant 0 : index
    %get3A_78 = vector.load %arg7[%get3A_76, %get3A_77] : memref<128x128xf32, #tpu.memory_space<vmem>>, vector<128x128xf32>
    %get3A_79 = arith.constant 0 : index
    %get3A_80 = arith.constant 0 : index
    %get3A_81 = vector.load %arg8[%get3A_79, %get3A_80] : memref<128x128xf32, #tpu.memory_space<vmem>>, vector<128x128xf32>
    %get3A_82 = arith.constant 0 : index
    %get3A_83 = arith.constant 0 : index
    %get3A_84 = vector.load %arg9[%get3A_82, %get3A_83] : memref<128x128xf32, #tpu.memory_space<vmem>>, vector<128x128xf32>
    %get3A_85 = arith.constant 0 : index
    %get3A_86 = arith.constant 0 : index
    %get3A_87 = vector.load %arg10[%get3A_85, %get3A_86] : memref<128x128xf32, #tpu.memory_space<vmem>>, vector<128x128xf32>
    %dot_general3A_88 = arith.constant dense<0.000000e+00> : vector<128x128xf32>
    %dot_general3A_89 = tpu.matmul %get3A_63, %add3A_60, %dot_general3A_88 {dimension_numbers = #tpu.dot_dimension_numbers<[1], [0], [0], [1], [0, 0, 1, 1], [], []>, transpose_lhs_hint = false} : vector<128x128xf32>, vector<128x128xf32>, vector<128x128xf32> -> vector<128x128xf32>
    %dot_general3A_90 = arith.constant dense<0.000000e+00> : vector<128x128xf32>
    %dot_general3A_91 = tpu.matmul %get3A_66, %add3A_60, %dot_general3A_90 {dimension_numbers = #tpu.dot_dimension_numbers<[1], [0], [0], [1], [0, 0, 1, 1], [], []>, transpose_lhs_hint = false} : vector<128x128xf32>, vector<128x128xf32>, vector<128x128xf32> -> vector<128x128xf32>
    %add3A_92 = arith.addf %dot_general3A_89, %dot_general3A_91 : vector<128x128xf32>
    %add3A_93 = arith.addf %add3A_92, %get3A_69 : vector<128x128xf32>
    %logistic3A_94 = arith.negf %add3A_93 : vector<128x128xf32>
    %logistic3A_95 = math.exp %logistic3A_94 : vector<128x128xf32>
    %logistic3A_96 = arith.constant 1.000000e+00 : f32
    %logistic3A_97 = vector.broadcast %logistic3A_96 : f32 to vector<128x128xf32>
    %logistic3A_98 = arith.addf %logistic3A_97, %logistic3A_95 : vector<128x128xf32>
    %logistic3A_99 = arith.divf %logistic3A_97, %logistic3A_98 : vector<128x128xf32>
    %dot_general3A_100 = arith.constant dense<0.000000e+00> : vector<128x128xf32>
    %dot_general3A_101 = tpu.matmul %get3A_72, %add3A_60, %dot_general3A_100 {dimension_numbers = #tpu.dot_dimension_numbers<[1], [0], [0], [1], [0, 0, 1, 1], [], []>, transpose_lhs_hint = false} : vector<128x128xf32>, vector<128x128xf32>, vector<128x128xf32> -> vector<128x128xf32>
    %dot_general3A_102 = arith.constant dense<0.000000e+00> : vector<128x128xf32>
    %dot_general3A_103 = tpu.matmul %get3A_75, %add3A_60, %dot_general3A_102 {dimension_numbers = #tpu.dot_dimension_numbers<[1], [0], [0], [1], [0, 0, 1, 1], [], []>, transpose_lhs_hint = false} : vector<128x128xf32>, vector<128x128xf32>, vector<128x128xf32> -> vector<128x128xf32>
    %add3A_104 = arith.addf %dot_general3A_101, %dot_general3A_103 : vector<128x128xf32>
    %add3A_105 = arith.addf %add3A_104, %get3A_78 : vector<128x128xf32>
    %logistic3A_106 = arith.negf %add3A_105 : vector<128x128xf32>
    %logistic3A_107 = math.exp %logistic3A_106 : vector<128x128xf32>
    %logistic3A_108 = arith.constant 1.000000e+00 : f32
    %logistic3A_109 = vector.broadcast %logistic3A_108 : f32 to vector<128x128xf32>
    %logistic3A_110 = arith.addf %logistic3A_109, %logistic3A_107 : vector<128x128xf32>
    %logistic3A_111 = arith.divf %logistic3A_109, %logistic3A_110 : vector<128x128xf32>
    %dot_general3A_112 = arith.constant dense<0.000000e+00> : vector<128x128xf32>
    %dot_general3A_113 = tpu.matmul %get3A_81, %add3A_60, %dot_general3A_112 {dimension_numbers = #tpu.dot_dimension_numbers<[1], [0], [0], [1], [0, 0, 1, 1], [], []>, transpose_lhs_hint = false} : vector<128x128xf32>, vector<128x128xf32>, vector<128x128xf32> -> vector<128x128xf32>
    %mul3A_114 = arith.mulf %logistic3A_111, %add3A_60 : vector<128x128xf32>
    %dot_general3A_115 = arith.constant dense<0.000000e+00> : vector<128x128xf32>
    %dot_general3A_116 = tpu.matmul %get3A_84, %mul3A_114, %dot_general3A_115 {dimension_numbers = #tpu.dot_dimension_numbers<[1], [0], [0], [1], [0, 0, 1, 1], [], []>, transpose_lhs_hint = false} : vector<128x128xf32>, vector<128x128xf32>, vector<128x128xf32> -> vector<128x128xf32>
    %add3A_117 = arith.addf %dot_general3A_113, %dot_general3A_116 : vector<128x128xf32>
    %add3A_118 = arith.addf %add3A_117, %get3A_87 : vector<128x128xf32>
    %tanh3A_119 = math.tanh %add3A_118 : vector<128x128xf32>
    %sub3A_120 = arith.constant 1.000000e+00 : f32
    %sub3A_121 = vector.broadcast %sub3A_120 : f32 to vector<128x128xf32>
    %sub3A_122 = arith.subf %sub3A_121, %logistic3A_99 : vector<128x128xf32>
    %mul3A_123 = arith.mulf %sub3A_122, %add3A_60 : vector<128x128xf32>
    %mul3A_124 = arith.mulf %logistic3A_99, %tanh3A_119 : vector<128x128xf32>
    %add3A_125 = arith.addf %mul3A_123, %mul3A_124 : vector<128x128xf32>
    %get3A_126 = arith.constant 0 : index
    %get3A_127 = arith.constant 0 : index
    %get3A_128 = vector.load %arg2[%get3A_126, %get3A_127] : memref<128x128xf32, #tpu.memory_space<vmem>>, vector<128x128xf32>
    %get3A_129 = arith.constant 0 : index
    %get3A_130 = arith.constant 0 : index
    %get3A_131 = vector.load %arg3[%get3A_129, %get3A_130] : memref<128x128xf32, #tpu.memory_space<vmem>>, vector<128x128xf32>
    %get3A_132 = arith.constant 0 : index
    %get3A_133 = arith.constant 0 : index
    %get3A_134 = vector.load %arg4[%get3A_132, %get3A_133] : memref<128x128xf32, #tpu.memory_space<vmem>>, vector<128x128xf32>
    %get3A_135 = arith.constant 0 : index
    %get3A_136 = arith.constant 0 : index
    %get3A_137 = vector.load %arg5[%get3A_135, %get3A_136] : memref<128x128xf32, #tpu.memory_space<vmem>>, vector<128x128xf32>
    %get3A_138 = arith.constant 0 : index
    %get3A_139 = arith.constant 0 : index
    %get3A_140 = vector.load %arg6[%get3A_138, %get3A_139] : memref<128x128xf32, #tpu.memory_space<vmem>>, vector<128x128xf32>
    %get3A_141 = arith.constant 0 : index
    %get3A_142 = arith.constant 0 : index
    %get3A_143 = vector.load %arg7[%get3A_141, %get3A_142] : memref<128x128xf32, #tpu.memory_space<vmem>>, vector<128x128xf32>
    %get3A_144 = arith.constant 0 : index
    %get3A_145 = arith.constant 0 : index
    %get3A_146 = vector.load %arg8[%get3A_144, %get3A_145] : memref<128x128xf32, #tpu.memory_space<vmem>>, vector<128x128xf32>
    %get3A_147 = arith.constant 0 : index
    %get3A_148 = arith.constant 0 : index
    %get3A_149 = vector.load %arg9[%get3A_147, %get3A_148] : memref<128x128xf32, #tpu.memory_space<vmem>>, vector<128x128xf32>
    %get3A_150 = arith.constant 0 : index
    %get3A_151 = arith.constant 0 : index
    %get3A_152 = vector.load %arg10[%get3A_150, %get3A_151] : memref<128x128xf32, #tpu.memory_space<vmem>>, vector<128x128xf32>
    %dot_general3A_153 = arith.constant dense<0.000000e+00> : vector<128x128xf32>
    %dot_general3A_154 = tpu.matmul %get3A_128, %add3A_125, %dot_general3A_153 {dimension_numbers = #tpu.dot_dimension_numbers<[1], [0], [0], [1], [0, 0, 1, 1], [], []>, transpose_lhs_hint = false} : vector<128x128xf32>, vector<128x128xf32>, vector<128x128xf32> -> vector<128x128xf32>
    %dot_general3A_155 = arith.constant dense<0.000000e+00> : vector<128x128xf32>
    %dot_general3A_156 = tpu.matmul %get3A_131, %add3A_125, %dot_general3A_155 {dimension_numbers = #tpu.dot_dimension_numbers<[1], [0], [0], [1], [0, 0, 1, 1], [], []>, transpose_lhs_hint = false} : vector<128x128xf32>, vector<128x128xf32>, vector<128x128xf32> -> vector<128x128xf32>
    %add3A_157 = arith.addf %dot_general3A_154, %dot_general3A_156 : vector<128x128xf32>
    %add3A_158 = arith.addf %add3A_157, %get3A_134 : vector<128x128xf32>
    %logistic3A_159 = arith.negf %add3A_158 : vector<128x128xf32>
    %logistic3A_160 = math.exp %logistic3A_159 : vector<128x128xf32>
    %logistic3A_161 = arith.constant 1.000000e+00 : f32
    %logistic3A_162 = vector.broadcast %logistic3A_161 : f32 to vector<128x128xf32>
    %logistic3A_163 = arith.addf %logistic3A_162, %logistic3A_160 : vector<128x128xf32>
    %logistic3A_164 = arith.divf %logistic3A_162, %logistic3A_163 : vector<128x128xf32>
    %dot_general3A_165 = arith.constant dense<0.000000e+00> : vector<128x128xf32>
    %dot_general3A_166 = tpu.matmul %get3A_137, %add3A_125, %dot_general3A_165 {dimension_numbers = #tpu.dot_dimension_numbers<[1], [0], [0], [1], [0, 0, 1, 1], [], []>, transpose_lhs_hint = false} : vector<128x128xf32>, vector<128x128xf32>, vector<128x128xf32> -> vector<128x128xf32>
    %dot_general3A_167 = arith.constant dense<0.000000e+00> : vector<128x128xf32>
    %dot_general3A_168 = tpu.matmul %get3A_140, %add3A_125, %dot_general3A_167 {dimension_numbers = #tpu.dot_dimension_numbers<[1], [0], [0], [1], [0, 0, 1, 1], [], []>, transpose_lhs_hint = false} : vector<128x128xf32>, vector<128x128xf32>, vector<128x128xf32> -> vector<128x128xf32>
    %add3A_169 = arith.addf %dot_general3A_166, %dot_general3A_168 : vector<128x128xf32>
    %add3A_170 = arith.addf %add3A_169, %get3A_143 : vector<128x128xf32>
    %logistic3A_171 = arith.negf %add3A_170 : vector<128x128xf32>
    %logistic3A_172 = math.exp %logistic3A_171 : vector<128x128xf32>
    %logistic3A_173 = arith.constant 1.000000e+00 : f32
    %logistic3A_174 = vector.broadcast %logistic3A_173 : f32 to vector<128x128xf32>
    %logistic3A_175 = arith.addf %logistic3A_174, %logistic3A_172 : vector<128x128xf32>
    %logistic3A_176 = arith.divf %logistic3A_174, %logistic3A_175 : vector<128x128xf32>
    %dot_general3A_177 = arith.constant dense<0.000000e+00> : vector<128x128xf32>
    %dot_general3A_178 = tpu.matmul %get3A_146, %add3A_125, %dot_general3A_177 {dimension_numbers = #tpu.dot_dimension_numbers<[1], [0], [0], [1], [0, 0, 1, 1], [], []>, transpose_lhs_hint = false} : vector<128x128xf32>, vector<128x128xf32>, vector<128x128xf32> -> vector<128x128xf32>
    %mul3A_179 = arith.mulf %logistic3A_176, %add3A_125 : vector<128x128xf32>
    %dot_general3A_180 = arith.constant dense<0.000000e+00> : vector<128x128xf32>
    %dot_general3A_181 = tpu.matmul %get3A_149, %mul3A_179, %dot_general3A_180 {dimension_numbers = #tpu.dot_dimension_numbers<[1], [0], [0], [1], [0, 0, 1, 1], [], []>, transpose_lhs_hint = false} : vector<128x128xf32>, vector<128x128xf32>, vector<128x128xf32> -> vector<128x128xf32>
    %add3A_182 = arith.addf %dot_general3A_178, %dot_general3A_181 : vector<128x128xf32>
    %add3A_183 = arith.addf %add3A_182, %get3A_152 : vector<128x128xf32>
    %tanh3A_184 = math.tanh %add3A_183 : vector<128x128xf32>
    %sub3A_185 = arith.constant 1.000000e+00 : f32
    %sub3A_186 = vector.broadcast %sub3A_185 : f32 to vector<128x128xf32>
    %sub3A_187 = arith.subf %sub3A_186, %logistic3A_164 : vector<128x128xf32>
    %mul3A_188 = arith.mulf %sub3A_187, %add3A_125 : vector<128x128xf32>
    %mul3A_189 = arith.mulf %logistic3A_164, %tanh3A_184 : vector<128x128xf32>
    %add3A_190 = arith.addf %mul3A_188, %mul3A_189 : vector<128x128xf32>
    %get3A_191 = arith.constant 0 : index
    %get3A_192 = arith.constant 0 : index
    %get3A_193 = vector.load %arg1[%get3A_191, %get3A_192] : memref<128x128xf32, #tpu.memory_space<vmem>>, vector<128x128xf32>
    %get3A_194 = arith.constant 0 : index
    %get3A_195 = arith.constant 0 : index
    %get3A_196 = vector.load %arg11[%get3A_194, %get3A_195] : memref<128x128xf32, #tpu.memory_space<vmem>>, vector<128x128xf32>
    %get3A_197 = arith.constant 0 : index
    %get3A_198 = arith.constant 0 : index
    %get3A_199 = vector.load %arg12[%get3A_197, %get3A_198] : memref<128x128xf32, #tpu.memory_space<vmem>>, vector<128x128xf32>
    %get3A_200 = arith.constant 0 : index
    %get3A_201 = arith.constant 0 : index
    %get3A_202 = vector.load %arg13[%get3A_200, %get3A_201] : memref<128x128xf32, #tpu.memory_space<vmem>>, vector<128x128xf32>
    %get3A_203 = arith.constant 0 : index
    %get3A_204 = arith.constant 0 : index
    %get3A_205 = vector.load %arg14[%get3A_203, %get3A_204] : memref<128x128xf32, #tpu.memory_space<vmem>>, vector<128x128xf32>
    %get3A_206 = arith.constant 0 : index
    %get3A_207 = arith.constant 0 : index
    %get3A_208 = vector.load %arg15[%get3A_206, %get3A_207] : memref<128x128xf32, #tpu.memory_space<vmem>>, vector<128x128xf32>
    %get3A_209 = arith.constant 0 : index
    %get3A_210 = arith.constant 0 : index
    %get3A_211 = vector.load %arg16[%get3A_209, %get3A_210] : memref<128x128xf32, #tpu.memory_space<vmem>>, vector<128x128xf32>
    %get3A_212 = arith.constant 0 : index
    %get3A_213 = arith.constant 0 : index
    %get3A_214 = vector.load %arg17[%get3A_212, %get3A_213] : memref<128x128xf32, #tpu.memory_space<vmem>>, vector<128x128xf32>
    %get3A_215 = arith.constant 0 : index
    %get3A_216 = arith.constant 0 : index
    %get3A_217 = vector.load %arg18[%get3A_215, %get3A_216] : memref<128x128xf32, #tpu.memory_space<vmem>>, vector<128x128xf32>
    %get3A_218 = arith.constant 0 : index
    %get3A_219 = arith.constant 0 : index
    %get3A_220 = vector.load %arg19[%get3A_218, %get3A_219] : memref<128x128xf32, #tpu.memory_space<vmem>>, vector<128x128xf32>
    %dot_general3A_221 = arith.constant dense<0.000000e+00> : vector<128x128xf32>
    %dot_general3A_222 = tpu.matmul %get3A_196, %get3A_193, %dot_general3A_221 {dimension_numbers = #tpu.dot_dimension_numbers<[1], [0], [0], [1], [0, 0, 1, 1], [], []>, transpose_lhs_hint = false} : vector<128x128xf32>, vector<128x128xf32>, vector<128x128xf32> -> vector<128x128xf32>
    %dot_general3A_223 = arith.constant dense<0.000000e+00> : vector<128x128xf32>
    %dot_general3A_224 = tpu.matmul %get3A_199, %get3A_193, %dot_general3A_223 {dimension_numbers = #tpu.dot_dimension_numbers<[1], [0], [0], [1], [0, 0, 1, 1], [], []>, transpose_lhs_hint = false} : vector<128x128xf32>, vector<128x128xf32>, vector<128x128xf32> -> vector<128x128xf32>
    %add3A_225 = arith.addf %dot_general3A_222, %dot_general3A_224 : vector<128x128xf32>
    %add3A_226 = arith.addf %add3A_225, %get3A_202 : vector<128x128xf32>
    %logistic3A_227 = arith.negf %add3A_226 : vector<128x128xf32>
    %logistic3A_228 = math.exp %logistic3A_227 : vector<128x128xf32>
    %logistic3A_229 = arith.constant 1.000000e+00 : f32
    %logistic3A_230 = vector.broadcast %logistic3A_229 : f32 to vector<128x128xf32>
    %logistic3A_231 = arith.addf %logistic3A_230, %logistic3A_228 : vector<128x128xf32>
    %logistic3A_232 = arith.divf %logistic3A_230, %logistic3A_231 : vector<128x128xf32>
    %dot_general3A_233 = arith.constant dense<0.000000e+00> : vector<128x128xf32>
    %dot_general3A_234 = tpu.matmul %get3A_205, %get3A_193, %dot_general3A_233 {dimension_numbers = #tpu.dot_dimension_numbers<[1], [0], [0], [1], [0, 0, 1, 1], [], []>, transpose_lhs_hint = false} : vector<128x128xf32>, vector<128x128xf32>, vector<128x128xf32> -> vector<128x128xf32>
    %dot_general3A_235 = arith.constant dense<0.000000e+00> : vector<128x128xf32>
    %dot_general3A_236 = tpu.matmul %get3A_208, %get3A_193, %dot_general3A_235 {dimension_numbers = #tpu.dot_dimension_numbers<[1], [0], [0], [1], [0, 0, 1, 1], [], []>, transpose_lhs_hint = false} : vector<128x128xf32>, vector<128x128xf32>, vector<128x128xf32> -> vector<128x128xf32>
    %add3A_237 = arith.addf %dot_general3A_234, %dot_general3A_236 : vector<128x128xf32>
    %add3A_238 = arith.addf %add3A_237, %get3A_211 : vector<128x128xf32>
    %logistic3A_239 = arith.negf %add3A_238 : vector<128x128xf32>
    %logistic3A_240 = math.exp %logistic3A_239 : vector<128x128xf32>
    %logistic3A_241 = arith.constant 1.000000e+00 : f32
    %logistic3A_242 = vector.broadcast %logistic3A_241 : f32 to vector<128x128xf32>
    %logistic3A_243 = arith.addf %logistic3A_242, %logistic3A_240 : vector<128x128xf32>
    %logistic3A_244 = arith.divf %logistic3A_242, %logistic3A_243 : vector<128x128xf32>
    %dot_general3A_245 = arith.constant dense<0.000000e+00> : vector<128x128xf32>
    %dot_general3A_246 = tpu.matmul %get3A_214, %get3A_193, %dot_general3A_245 {dimension_numbers = #tpu.dot_dimension_numbers<[1], [0], [0], [1], [0, 0, 1, 1], [], []>, transpose_lhs_hint = false} : vector<128x128xf32>, vector<128x128xf32>, vector<128x128xf32> -> vector<128x128xf32>
    %mul3A_247 = arith.mulf %logistic3A_244, %get3A_193 : vector<128x128xf32>
    %dot_general3A_248 = arith.constant dense<0.000000e+00> : vector<128x128xf32>
    %dot_general3A_249 = tpu.matmul %get3A_217, %mul3A_247, %dot_general3A_248 {dimension_numbers = #tpu.dot_dimension_numbers<[1], [0], [0], [1], [0, 0, 1, 1], [], []>, transpose_lhs_hint = false} : vector<128x128xf32>, vector<128x128xf32>, vector<128x128xf32> -> vector<128x128xf32>
    %add3A_250 = arith.addf %dot_general3A_246, %dot_general3A_249 : vector<128x128xf32>
    %add3A_251 = arith.addf %add3A_250, %get3A_220 : vector<128x128xf32>
    %tanh3A_252 = math.tanh %add3A_251 : vector<128x128xf32>
    %sub3A_253 = arith.constant 1.000000e+00 : f32
    %sub3A_254 = vector.broadcast %sub3A_253 : f32 to vector<128x128xf32>
    %sub3A_255 = arith.subf %sub3A_254, %logistic3A_232 : vector<128x128xf32>
    %mul3A_256 = arith.mulf %sub3A_255, %get3A_193 : vector<128x128xf32>
    %mul3A_257 = arith.mulf %logistic3A_232, %tanh3A_252 : vector<128x128xf32>
    %add3A_258 = arith.addf %mul3A_256, %mul3A_257 : vector<128x128xf32>
    %get3A_259 = arith.constant 0 : index
    %get3A_260 = arith.constant 0 : index
    %get3A_261 = vector.load %arg11[%get3A_259, %get3A_260] : memref<128x128xf32, #tpu.memory_space<vmem>>, vector<128x128xf32>
    %get3A_262 = arith.constant 0 : index
    %get3A_263 = arith.constant 0 : index
    %get3A_264 = vector.load %arg12[%get3A_262, %get3A_263] : memref<128x128xf32, #tpu.memory_space<vmem>>, vector<128x128xf32>
    %get3A_265 = arith.constant 0 : index
    %get3A_266 = arith.constant 0 : index
    %get3A_267 = vector.load %arg13[%get3A_265, %get3A_266] : memref<128x128xf32, #tpu.memory_space<vmem>>, vector<128x128xf32>
    %get3A_268 = arith.constant 0 : index
    %get3A_269 = arith.constant 0 : index
    %get3A_270 = vector.load %arg14[%get3A_268, %get3A_269] : memref<128x128xf32, #tpu.memory_space<vmem>>, vector<128x128xf32>
    %get3A_271 = arith.constant 0 : index
    %get3A_272 = arith.constant 0 : index
    %get3A_273 = vector.load %arg15[%get3A_271, %get3A_272] : memref<128x128xf32, #tpu.memory_space<vmem>>, vector<128x128xf32>
    %get3A_274 = arith.constant 0 : index
    %get3A_275 = arith.constant 0 : index
    %get3A_276 = vector.load %arg16[%get3A_274, %get3A_275] : memref<128x128xf32, #tpu.memory_space<vmem>>, vector<128x128xf32>
    %get3A_277 = arith.constant 0 : index
    %get3A_278 = arith.constant 0 : index
    %get3A_279 = vector.load %arg17[%get3A_277, %get3A_278] : memref<128x128xf32, #tpu.memory_space<vmem>>, vector<128x128xf32>
    %get3A_280 = arith.constant 0 : index
    %get3A_281 = arith.constant 0 : index
    %get3A_282 = vector.load %arg18[%get3A_280, %get3A_281] : memref<128x128xf32, #tpu.memory_space<vmem>>, vector<128x128xf32>
    %get3A_283 = arith.constant 0 : index
    %get3A_284 = arith.constant 0 : index
    %get3A_285 = vector.load %arg19[%get3A_283, %get3A_284] : memref<128x128xf32, #tpu.memory_space<vmem>>, vector<128x128xf32>
    %dot_general3A_286 = arith.constant dense<0.000000e+00> : vector<128x128xf32>
    %dot_general3A_287 = tpu.matmul %get3A_261, %add3A_258, %dot_general3A_286 {dimension_numbers = #tpu.dot_dimension_numbers<[1], [0], [0], [1], [0, 0, 1, 1], [], []>, transpose_lhs_hint = false} : vector<128x128xf32>, vector<128x128xf32>, vector<128x128xf32> -> vector<128x128xf32>
    %dot_general3A_288 = arith.constant dense<0.000000e+00> : vector<128x128xf32>
    %dot_general3A_289 = tpu.matmul %get3A_264, %add3A_258, %dot_general3A_288 {dimension_numbers = #tpu.dot_dimension_numbers<[1], [0], [0], [1], [0, 0, 1, 1], [], []>, transpose_lhs_hint = false} : vector<128x128xf32>, vector<128x128xf32>, vector<128x128xf32> -> vector<128x128xf32>
    %add3A_290 = arith.addf %dot_general3A_287, %dot_general3A_289 : vector<128x128xf32>
    %add3A_291 = arith.addf %add3A_290, %get3A_267 : vector<128x128xf32>
    %logistic3A_292 = arith.negf %add3A_291 : vector<128x128xf32>
    %logistic3A_293 = math.exp %logistic3A_292 : vector<128x128xf32>
    %logistic3A_294 = arith.constant 1.000000e+00 : f32
    %logistic3A_295 = vector.broadcast %logistic3A_294 : f32 to vector<128x128xf32>
    %logistic3A_296 = arith.addf %logistic3A_295, %logistic3A_293 : vector<128x128xf32>
    %logistic3A_297 = arith.divf %logistic3A_295, %logistic3A_296 : vector<128x128xf32>
    %dot_general3A_298 = arith.constant dense<0.000000e+00> : vector<128x128xf32>
    %dot_general3A_299 = tpu.matmul %get3A_270, %add3A_258, %dot_general3A_298 {dimension_numbers = #tpu.dot_dimension_numbers<[1], [0], [0], [1], [0, 0, 1, 1], [], []>, transpose_lhs_hint = false} : vector<128x128xf32>, vector<128x128xf32>, vector<128x128xf32> -> vector<128x128xf32>
    %dot_general3A_300 = arith.constant dense<0.000000e+00> : vector<128x128xf32>
    %dot_general3A_301 = tpu.matmul %get3A_273, %add3A_258, %dot_general3A_300 {dimension_numbers = #tpu.dot_dimension_numbers<[1], [0], [0], [1], [0, 0, 1, 1], [], []>, transpose_lhs_hint = false} : vector<128x128xf32>, vector<128x128xf32>, vector<128x128xf32> -> vector<128x128xf32>
    %add3A_302 = arith.addf %dot_general3A_299, %dot_general3A_301 : vector<128x128xf32>
    %add3A_303 = arith.addf %add3A_302, %get3A_276 : vector<128x128xf32>
    %logistic3A_304 = arith.negf %add3A_303 : vector<128x128xf32>
    %logistic3A_305 = math.exp %logistic3A_304 : vector<128x128xf32>
    %logistic3A_306 = arith.constant 1.000000e+00 : f32
    %logistic3A_307 = vector.broadcast %logistic3A_306 : f32 to vector<128x128xf32>
    %logistic3A_308 = arith.addf %logistic3A_307, %logistic3A_305 : vector<128x128xf32>
    %logistic3A_309 = arith.divf %logistic3A_307, %logistic3A_308 : vector<128x128xf32>
    %dot_general3A_310 = arith.constant dense<0.000000e+00> : vector<128x128xf32>
    %dot_general3A_311 = tpu.matmul %get3A_279, %add3A_258, %dot_general3A_310 {dimension_numbers = #tpu.dot_dimension_numbers<[1], [0], [0], [1], [0, 0, 1, 1], [], []>, transpose_lhs_hint = false} : vector<128x128xf32>, vector<128x128xf32>, vector<128x128xf32> -> vector<128x128xf32>
    %mul3A_312 = arith.mulf %logistic3A_309, %add3A_258 : vector<128x128xf32>
    %dot_general3A_313 = arith.constant dense<0.000000e+00> : vector<128x128xf32>
    %dot_general3A_314 = tpu.matmul %get3A_282, %mul3A_312, %dot_general3A_313 {dimension_numbers = #tpu.dot_dimension_numbers<[1], [0], [0], [1], [0, 0, 1, 1], [], []>, transpose_lhs_hint = false} : vector<128x128xf32>, vector<128x128xf32>, vector<128x128xf32> -> vector<128x128xf32>
    %add3A_315 = arith.addf %dot_general3A_311, %dot_general3A_314 : vector<128x128xf32>
    %add3A_316 = arith.addf %add3A_315, %get3A_285 : vector<128x128xf32>
    %tanh3A_317 = math.tanh %add3A_316 : vector<128x128xf32>
    %sub3A_318 = arith.constant 1.000000e+00 : f32
    %sub3A_319 = vector.broadcast %sub3A_318 : f32 to vector<128x128xf32>
    %sub3A_320 = arith.subf %sub3A_319, %logistic3A_297 : vector<128x128xf32>
    %mul3A_321 = arith.mulf %sub3A_320, %add3A_258 : vector<128x128xf32>
    %mul3A_322 = arith.mulf %logistic3A_297, %tanh3A_317 : vector<128x128xf32>
    %add3A_323 = arith.addf %mul3A_321, %mul3A_322 : vector<128x128xf32>
    %get3A_324 = arith.constant 0 : index
    %get3A_325 = arith.constant 0 : index
    %get3A_326 = vector.load %arg11[%get3A_324, %get3A_325] : memref<128x128xf32, #tpu.memory_space<vmem>>, vector<128x128xf32>
    %get3A_327 = arith.constant 0 : index
    %get3A_328 = arith.constant 0 : index
    %get3A_329 = vector.load %arg12[%get3A_327, %get3A_328] : memref<128x128xf32, #tpu.memory_space<vmem>>, vector<128x128xf32>
    %get3A_330 = arith.constant 0 : index
    %get3A_331 = arith.constant 0 : index
    %get3A_332 = vector.load %arg13[%get3A_330, %get3A_331] : memref<128x128xf32, #tpu.memory_space<vmem>>, vector<128x128xf32>
    %get3A_333 = arith.constant 0 : index
    %get3A_334 = arith.constant 0 : index
    %get3A_335 = vector.load %arg14[%get3A_333, %get3A_334] : memref<128x128xf32, #tpu.memory_space<vmem>>, vector<128x128xf32>
    %get3A_336 = arith.constant 0 : index
    %get3A_337 = arith.constant 0 : index
    %get3A_338 = vector.load %arg15[%get3A_336, %get3A_337] : memref<128x128xf32, #tpu.memory_space<vmem>>, vector<128x128xf32>
    %get3A_339 = arith.constant 0 : index
    %get3A_340 = arith.constant 0 : index
    %get3A_341 = vector.load %arg16[%get3A_339, %get3A_340] : memref<128x128xf32, #tpu.memory_space<vmem>>, vector<128x128xf32>
    %get3A_342 = arith.constant 0 : index
    %get3A_343 = arith.constant 0 : index
    %get3A_344 = vector.load %arg17[%get3A_342, %get3A_343] : memref<128x128xf32, #tpu.memory_space<vmem>>, vector<128x128xf32>
    %get3A_345 = arith.constant 0 : index
    %get3A_346 = arith.constant 0 : index
    %get3A_347 = vector.load %arg18[%get3A_345, %get3A_346] : memref<128x128xf32, #tpu.memory_space<vmem>>, vector<128x128xf32>
    %get3A_348 = arith.constant 0 : index
    %get3A_349 = arith.constant 0 : index
    %get3A_350 = vector.load %arg19[%get3A_348, %get3A_349] : memref<128x128xf32, #tpu.memory_space<vmem>>, vector<128x128xf32>
    %dot_general3A_351 = arith.constant dense<0.000000e+00> : vector<128x128xf32>
    %dot_general3A_352 = tpu.matmul %get3A_326, %add3A_323, %dot_general3A_351 {dimension_numbers = #tpu.dot_dimension_numbers<[1], [0], [0], [1], [0, 0, 1, 1], [], []>, transpose_lhs_hint = false} : vector<128x128xf32>, vector<128x128xf32>, vector<128x128xf32> -> vector<128x128xf32>
    %dot_general3A_353 = arith.constant dense<0.000000e+00> : vector<128x128xf32>
    %dot_general3A_354 = tpu.matmul %get3A_329, %add3A_323, %dot_general3A_353 {dimension_numbers = #tpu.dot_dimension_numbers<[1], [0], [0], [1], [0, 0, 1, 1], [], []>, transpose_lhs_hint = false} : vector<128x128xf32>, vector<128x128xf32>, vector<128x128xf32> -> vector<128x128xf32>
    %add3A_355 = arith.addf %dot_general3A_352, %dot_general3A_354 : vector<128x128xf32>
    %add3A_356 = arith.addf %add3A_355, %get3A_332 : vector<128x128xf32>
    %logistic3A_357 = arith.negf %add3A_356 : vector<128x128xf32>
    %logistic3A_358 = math.exp %logistic3A_357 : vector<128x128xf32>
    %logistic3A_359 = arith.constant 1.000000e+00 : f32
    %logistic3A_360 = vector.broadcast %logistic3A_359 : f32 to vector<128x128xf32>
    %logistic3A_361 = arith.addf %logistic3A_360, %logistic3A_358 : vector<128x128xf32>
    %logistic3A_362 = arith.divf %logistic3A_360, %logistic3A_361 : vector<128x128xf32>
    %dot_general3A_363 = arith.constant dense<0.000000e+00> : vector<128x128xf32>
    %dot_general3A_364 = tpu.matmul %get3A_335, %add3A_323, %dot_general3A_363 {dimension_numbers = #tpu.dot_dimension_numbers<[1], [0], [0], [1], [0, 0, 1, 1], [], []>, transpose_lhs_hint = false} : vector<128x128xf32>, vector<128x128xf32>, vector<128x128xf32> -> vector<128x128xf32>
    %dot_general3A_365 = arith.constant dense<0.000000e+00> : vector<128x128xf32>
    %dot_general3A_366 = tpu.matmul %get3A_338, %add3A_323, %dot_general3A_365 {dimension_numbers = #tpu.dot_dimension_numbers<[1], [0], [0], [1], [0, 0, 1, 1], [], []>, transpose_lhs_hint = false} : vector<128x128xf32>, vector<128x128xf32>, vector<128x128xf32> -> vector<128x128xf32>
    %add3A_367 = arith.addf %dot_general3A_364, %dot_general3A_366 : vector<128x128xf32>
    %add3A_368 = arith.addf %add3A_367, %get3A_341 : vector<128x128xf32>
    %logistic3A_369 = arith.negf %add3A_368 : vector<128x128xf32>
    %logistic3A_370 = math.exp %logistic3A_369 : vector<128x128xf32>
    %logistic3A_371 = arith.constant 1.000000e+00 : f32
    %logistic3A_372 = vector.broadcast %logistic3A_371 : f32 to vector<128x128xf32>
    %logistic3A_373 = arith.addf %logistic3A_372, %logistic3A_370 : vector<128x128xf32>
    %logistic3A_374 = arith.divf %logistic3A_372, %logistic3A_373 : vector<128x128xf32>
    %dot_general3A_375 = arith.constant dense<0.000000e+00> : vector<128x128xf32>
    %dot_general3A_376 = tpu.matmul %get3A_344, %add3A_323, %dot_general3A_375 {dimension_numbers = #tpu.dot_dimension_numbers<[1], [0], [0], [1], [0, 0, 1, 1], [], []>, transpose_lhs_hint = false} : vector<128x128xf32>, vector<128x128xf32>, vector<128x128xf32> -> vector<128x128xf32>
    %mul3A_377 = arith.mulf %logistic3A_374, %add3A_323 : vector<128x128xf32>
    %dot_general3A_378 = arith.constant dense<0.000000e+00> : vector<128x128xf32>
    %dot_general3A_379 = tpu.matmul %get3A_347, %mul3A_377, %dot_general3A_378 {dimension_numbers = #tpu.dot_dimension_numbers<[1], [0], [0], [1], [0, 0, 1, 1], [], []>, transpose_lhs_hint = false} : vector<128x128xf32>, vector<128x128xf32>, vector<128x128xf32> -> vector<128x128xf32>
    %add3A_380 = arith.addf %dot_general3A_376, %dot_general3A_379 : vector<128x128xf32>
    %add3A_381 = arith.addf %add3A_380, %get3A_350 : vector<128x128xf32>
    %tanh3A_382 = math.tanh %add3A_381 : vector<128x128xf32>
    %sub3A_383 = arith.constant 1.000000e+00 : f32
    %sub3A_384 = vector.broadcast %sub3A_383 : f32 to vector<128x128xf32>
    %sub3A_385 = arith.subf %sub3A_384, %logistic3A_362 : vector<128x128xf32>
    %mul3A_386 = arith.mulf %sub3A_385, %add3A_323 : vector<128x128xf32>
    %mul3A_387 = arith.mulf %logistic3A_362, %tanh3A_382 : vector<128x128xf32>
    %add3A_388 = arith.addf %mul3A_386, %mul3A_387 : vector<128x128xf32>
    %get3A_389 = arith.constant 0 : index
    %get3A_390 = arith.constant 0 : index
    %get3A_391 = vector.load %arg20[%get3A_389, %get3A_390] : memref<128x128xf32, #tpu.memory_space<vmem>>, vector<128x128xf32>
    %dot_general3A_392 = arith.constant dense<0.000000e+00> : vector<128x128xf32>
    %dot_general3A_393 = tpu.matmul %add3A_190, %get3A_391, %dot_general3A_392 {dimension_numbers = #tpu.dot_dimension_numbers<[1], [1], [0], [0], [0, 0, 1, 0], [], []>, transpose_lhs_hint = false} : vector<128x128xf32>, vector<128x128xf32>, vector<128x128xf32> -> vector<128x128xf32>
    %get3A_394 = arith.constant 0 : index
    %get3A_395 = vector.load %arg21[%get3A_394] : memref<128xf32, #tpu.memory_space<vmem>>, vector<128xf32>
    %broadcast_in_dim3A = vector.shape_cast %get3A_395 : vector<128xf32> to vector<1x128xf32>
    %add3A_396 = vector.broadcast %broadcast_in_dim3A : vector<1x128xf32> to vector<128x128xf32>
    %add3A_397 = arith.addf %dot_general3A_393, %add3A_396 : vector<128x128xf32>
    %get3A_398 = arith.constant 0 : index
    %get3A_399 = arith.constant 0 : index
    %get3A_400 = vector.load %arg22[%get3A_398, %get3A_399] : memref<128x128xf32, #tpu.memory_space<vmem>>, vector<128x128xf32>
    %dot_general3A_401 = arith.constant dense<0.000000e+00> : vector<128x128xf32>
    %dot_general3A_402 = tpu.matmul %add3A_190, %get3A_400, %dot_general3A_401 {dimension_numbers = #tpu.dot_dimension_numbers<[1], [1], [0], [0], [0, 0, 1, 0], [], []>, transpose_lhs_hint = false} : vector<128x128xf32>, vector<128x128xf32>, vector<128x128xf32> -> vector<128x128xf32>
    %get3A_403 = arith.constant 0 : index
    %get3A_404 = vector.load %arg23[%get3A_403] : memref<128xf32, #tpu.memory_space<vmem>>, vector<128xf32>
    %broadcast_in_dim3A_405 = vector.shape_cast %get3A_404 : vector<128xf32> to vector<1x128xf32>
    %add3A_406 = vector.broadcast %broadcast_in_dim3A_405 : vector<1x128xf32> to vector<128x128xf32>
    %add3A_407 = arith.addf %dot_general3A_402, %add3A_406 : vector<128x128xf32>
    %get3A_408 = arith.constant 0 : index
    %get3A_409 = arith.constant 0 : index
    %get3A_410 = vector.load %arg24[%get3A_408, %get3A_409] : memref<128x128xf32, #tpu.memory_space<vmem>>, vector<128x128xf32>
    %dot_general3A_411 = arith.constant dense<0.000000e+00> : vector<128x128xf32>
    %dot_general3A_412 = tpu.matmul %add3A_190, %get3A_410, %dot_general3A_411 {dimension_numbers = #tpu.dot_dimension_numbers<[1], [1], [0], [0], [0, 0, 1, 0], [], []>, transpose_lhs_hint = false} : vector<128x128xf32>, vector<128x128xf32>, vector<128x128xf32> -> vector<128x128xf32>
    %get3A_413 = arith.constant 0 : index
    %get3A_414 = vector.load %arg25[%get3A_413] : memref<128xf32, #tpu.memory_space<vmem>>, vector<128xf32>
    %broadcast_in_dim3A_415 = vector.shape_cast %get3A_414 : vector<128xf32> to vector<1x128xf32>
    %add3A_416 = vector.broadcast %broadcast_in_dim3A_415 : vector<1x128xf32> to vector<128x128xf32>
    %add3A_417 = arith.addf %dot_general3A_412, %add3A_416 : vector<128x128xf32>
    %dot_general3A_418 = arith.constant dense<0.000000e+00> : vector<128x128xf32>
    %dot_general3A_419 = tpu.matmul %add3A_397, %add3A_407, %dot_general3A_418 {dimension_numbers = #tpu.dot_dimension_numbers<[1], [1], [0], [0], [0, 0, 1, 0], [], []>, transpose_lhs_hint = false} : vector<128x128xf32>, vector<128x128xf32>, vector<128x128xf32> -> vector<128x128xf32>
    %sqrt3A = arith.constant 1.280000e+02 : f32
    %sqrt3A_420 = math.sqrt %sqrt3A : f32
    %div3A = vector.broadcast %sqrt3A_420 : f32 to vector<128x128xf32>
    %div3A_421 = arith.divf %dot_general3A_419, %div3A : vector<128x128xf32>
    %reduce_max3A = arith.constant dense<0xFF800000> : vector<128xf32>
    %reduce_max3A_422 = vector.multi_reduction <maximumf>, %div3A_421, %reduce_max3A [1] : vector<128x128xf32> to vector<128xf32>
    %broadcast_in_dim3A_423 = vector.shape_cast %reduce_max3A_422 : vector<128xf32> to vector<128x1xf32>
    %sub3A_424 = vector.broadcast %broadcast_in_dim3A_423 : vector<128x1xf32> to vector<128x128xf32>
    %sub3A_425 = arith.subf %div3A_421, %sub3A_424 : vector<128x128xf32>
    %exp3A = math.exp %sub3A_425 : vector<128x128xf32>
    %reduce_sum3A = arith.constant dense<0.000000e+00> : vector<128xf32>
    %reduce_sum3A_426 = vector.multi_reduction <add>, %exp3A, %reduce_sum3A [1] : vector<128x128xf32> to vector<128xf32>
    %broadcast_in_dim3A_427 = vector.shape_cast %reduce_sum3A_426 : vector<128xf32> to vector<128x1xf32>
    %div3A_428 = vector.broadcast %broadcast_in_dim3A_427 : vector<128x1xf32> to vector<128x128xf32>
    %div3A_429 = arith.divf %exp3A, %div3A_428 : vector<128x128xf32>
    %dot_general3A_430 = arith.constant dense<0.000000e+00> : vector<128x128xf32>
    %dot_general3A_431 = tpu.matmul %div3A_429, %add3A_417, %dot_general3A_430 {dimension_numbers = #tpu.dot_dimension_numbers<[1], [0], [0], [1], [0, 0, 1, 1], [], []>, transpose_lhs_hint = false} : vector<128x128xf32>, vector<128x128xf32>, vector<128x128xf32> -> vector<128x128xf32>
    %get3A_432 = arith.constant 0 : index
    %get3A_433 = vector.load %arg26[%get3A_432] : memref<1xf32, #tpu.memory_space<vmem>>, vector<1xf32>
    %logistic3A_434 = arith.negf %get3A_433 : vector<1xf32>
    %logistic3A_435 = math.exp %logistic3A_434 : vector<1xf32>
    %logistic3A_436 = arith.constant 1.000000e+00 : f32
    %logistic3A_437 = vector.broadcast %logistic3A_436 : f32 to vector<1xf32>
    %logistic3A_438 = arith.addf %logistic3A_437, %logistic3A_435 : vector<1xf32>
    %logistic3A_439 = arith.divf %logistic3A_437, %logistic3A_438 : vector<1xf32>
    %broadcast_in_dim3A_440 = vector.shape_cast %logistic3A_439 : vector<1xf32> to vector<1x1xf32>
    %mul3A_441 = vector.broadcast %broadcast_in_dim3A_440 : vector<1x1xf32> to vector<128x128xf32>
    %mul3A_442 = arith.mulf %mul3A_441, %dot_general3A_431 : vector<128x128xf32>
    %sub3A_443 = arith.constant 1.000000e+00 : f32
    %sub3A_444 = vector.broadcast %sub3A_443 : f32 to vector<1xf32>
    %sub3A_445 = arith.subf %sub3A_444, %logistic3A_439 : vector<1xf32>
    %broadcast_in_dim3A_446 = vector.shape_cast %sub3A_445 : vector<1xf32> to vector<1x1xf32>
    %mul3A_447 = vector.broadcast %broadcast_in_dim3A_446 : vector<1x1xf32> to vector<128x128xf32>
    %mul3A_448 = arith.mulf %mul3A_447, %add3A_190 : vector<128x128xf32>
    %add3A_449 = arith.addf %mul3A_442, %mul3A_448 : vector<128x128xf32>
    %swap3A = arith.constant 0 : index
    %swap3A_450 = arith.constant 0 : index
    %swap3A_451 = vector.load %arg27[%swap3A, %swap3A_450] : memref<128x128xf32, #tpu.memory_space<vmem>>, vector<128x128xf32>
    tpu.vector_store %arg27[%swap3A, %swap3A_450], %add3A_449 {strides = array<i32>} : memref<128x128xf32, #tpu.memory_space<vmem>>, vector<128x128xf32>,
    %get3A_452 = arith.constant 0 : index
    %get3A_453 = arith.constant 0 : index
    %get3A_454 = vector.load %arg20[%get3A_452, %get3A_453] : memref<128x128xf32, #tpu.memory_space<vmem>>, vector<128x128xf32>
    %dot_general3A_455 = arith.constant dense<0.000000e+00> : vector<128x128xf32>
    %dot_general3A_456 = tpu.matmul %add3A_388, %get3A_454, %dot_general3A_455 {dimension_numbers = #tpu.dot_dimension_numbers<[1], [1], [0], [0], [0, 0, 1, 0], [], []>, transpose_lhs_hint = false} : vector<128x128xf32>, vector<128x128xf32>, vector<128x128xf32> -> vector<128x128xf32>
    %get3A_457 = arith.constant 0 : index
    %get3A_458 = vector.load %arg21[%get3A_457] : memref<128xf32, #tpu.memory_space<vmem>>, vector<128xf32>
    %broadcast_in_dim3A_459 = vector.shape_cast %get3A_458 : vector<128xf32> to vector<1x128xf32>
    %add3A_460 = vector.broadcast %broadcast_in_dim3A_459 : vector<1x128xf32> to vector<128x128xf32>
    %add3A_461 = arith.addf %dot_general3A_456, %add3A_460 : vector<128x128xf32>
    %get3A_462 = arith.constant 0 : index
    %get3A_463 = arith.constant 0 : index
    %get3A_464 = vector.load %arg22[%get3A_462, %get3A_463] : memref<128x128xf32, #tpu.memory_space<vmem>>, vector<128x128xf32>
    %dot_general3A_465 = arith.constant dense<0.000000e+00> : vector<128x128xf32>
    %dot_general3A_466 = tpu.matmul %add3A_388, %get3A_464, %dot_general3A_465 {dimension_numbers = #tpu.dot_dimension_numbers<[1], [1], [0], [0], [0, 0, 1, 0], [], []>, transpose_lhs_hint = false} : vector<128x128xf32>, vector<128x128xf32>, vector<128x128xf32> -> vector<128x128xf32>
    %get3A_467 = arith.constant 0 : index
    %get3A_468 = vector.load %arg23[%get3A_467] : memref<128xf32, #tpu.memory_space<vmem>>, vector<128xf32>
    %broadcast_in_dim3A_469 = vector.shape_cast %get3A_468 : vector<128xf32> to vector<1x128xf32>
    %add3A_470 = vector.broadcast %broadcast_in_dim3A_469 : vector<1x128xf32> to vector<128x128xf32>
    %add3A_471 = arith.addf %dot_general3A_466, %add3A_470 : vector<128x128xf32>
    %get3A_472 = arith.constant 0 : index
    %get3A_473 = arith.constant 0 : index
    %get3A_474 = vector.load %arg24[%get3A_472, %get3A_473] : memref<128x128xf32, #tpu.memory_space<vmem>>, vector<128x128xf32>
    %dot_general3A_475 = arith.constant dense<0.000000e+00> : vector<128x128xf32>
    %dot_general3A_476 = tpu.matmul %add3A_388, %get3A_474, %dot_general3A_475 {dimension_numbers = #tpu.dot_dimension_numbers<[1], [1], [0], [0], [0, 0, 1, 0], [], []>, transpose_lhs_hint = false} : vector<128x128xf32>, vector<128x128xf32>, vector<128x128xf32> -> vector<128x128xf32>
    %get3A_477 = arith.constant 0 : index
    %get3A_478 = vector.load %arg25[%get3A_477] : memref<128xf32, #tpu.memory_space<vmem>>, vector<128xf32>
    %broadcast_in_dim3A_479 = vector.shape_cast %get3A_478 : vector<128xf32> to vector<1x128xf32>
    %add3A_480 = vector.broadcast %broadcast_in_dim3A_479 : vector<1x128xf32> to vector<128x128xf32>
    %add3A_481 = arith.addf %dot_general3A_476, %add3A_480 : vector<128x128xf32>
    %dot_general3A_482 = arith.constant dense<0.000000e+00> : vector<128x128xf32>
    %dot_general3A_483 = tpu.matmul %add3A_461, %add3A_471, %dot_general3A_482 {dimension_numbers = #tpu.dot_dimension_numbers<[1], [1], [0], [0], [0, 0, 1, 0], [], []>, transpose_lhs_hint = false} : vector<128x128xf32>, vector<128x128xf32>, vector<128x128xf32> -> vector<128x128xf32>
    %sqrt3A_484 = arith.constant 1.280000e+02 : f32
    %sqrt3A_485 = math.sqrt %sqrt3A_484 : f32
    %div3A_486 = vector.broadcast %sqrt3A_485 : f32 to vector<128x128xf32>
    %div3A_487 = arith.divf %dot_general3A_483, %div3A_486 : vector<128x128xf32>
    %reduce_max3A_488 = arith.constant dense<0xFF800000> : vector<128xf32>
    %reduce_max3A_489 = vector.multi_reduction <maximumf>, %div3A_487, %reduce_max3A_488 [1] : vector<128x128xf32> to vector<128xf32>
    %broadcast_in_dim3A_490 = vector.shape_cast %reduce_max3A_489 : vector<128xf32> to vector<128x1xf32>
    %sub3A_491 = vector.broadcast %broadcast_in_dim3A_490 : vector<128x1xf32> to vector<128x128xf32>
    %sub3A_492 = arith.subf %div3A_487, %sub3A_491 : vector<128x128xf32>
    %exp3A_493 = math.exp %sub3A_492 : vector<128x128xf32>
    %reduce_sum3A_494 = arith.constant dense<0.000000e+00> : vector<128xf32>
    %reduce_sum3A_495 = vector.multi_reduction <add>, %exp3A_493, %reduce_sum3A_494 [1] : vector<128x128xf32> to vector<128xf32>
    %broadcast_in_dim3A_496 = vector.shape_cast %reduce_sum3A_495 : vector<128xf32> to vector<128x1xf32>
    %div3A_497 = vector.broadcast %broadcast_in_dim3A_496 : vector<128x1xf32> to vector<128x128xf32>
    %div3A_498 = arith.divf %exp3A_493, %div3A_497 : vector<128x128xf32>
    %dot_general3A_499 = arith.constant dense<0.000000e+00> : vector<128x128xf32>
    %dot_general3A_500 = tpu.matmul %div3A_498, %add3A_481, %dot_general3A_499 {dimension_numbers = #tpu.dot_dimension_numbers<[1], [0], [0], [1], [0, 0, 1, 1], [], []>, transpose_lhs_hint = false} : vector<128x128xf32>, vector<128x128xf32>, vector<128x128xf32> -> vector<128x128xf32>
    %get3A_501 = arith.constant 0 : index
    %get3A_502 = vector.load %arg26[%get3A_501] : memref<1xf32, #tpu.memory_space<vmem>>, vector<1xf32>
    %logistic3A_503 = arith.negf %get3A_502 : vector<1xf32>
    %logistic3A_504 = math.exp %logistic3A_503 : vector<1xf32>
    %logistic3A_505 = arith.constant 1.000000e+00 : f32
    %logistic3A_506 = vector.broadcast %logistic3A_505 : f32 to vector<1xf32>
    %logistic3A_507 = arith.addf %logistic3A_506, %logistic3A_504 : vector<1xf32>
    %logistic3A_508 = arith.divf %logistic3A_506, %logistic3A_507 : vector<1xf32>
    %broadcast_in_dim3A_509 = vector.shape_cast %logistic3A_508 : vector<1xf32> to vector<1x1xf32>
    %mul3A_510 = vector.broadcast %broadcast_in_dim3A_509 : vector<1x1xf32> to vector<128x128xf32>
    %mul3A_511 = arith.mulf %mul3A_510, %dot_general3A_500 : vector<128x128xf32>
    %sub3A_512 = arith.constant 1.000000e+00 : f32
    %sub3A_513 = vector.broadcast %sub3A_512 : f32 to vector<1xf32>
    %sub3A_514 = arith.subf %sub3A_513, %logistic3A_508 : vector<1xf32>
    %broadcast_in_dim3A_515 = vector.shape_cast %sub3A_514 : vector<1xf32> to vector<1x1xf32>
    %mul3A_516 = vector.broadcast %broadcast_in_dim3A_515 : vector<1x1xf32> to vector<128x128xf32>
    %mul3A_517 = arith.mulf %mul3A_516, %add3A_388 : vector<128x128xf32>
    %add3A_518 = arith.addf %mul3A_511, %mul3A_517 : vector<128x128xf32>
    %swap3A_519 = arith.constant 0 : index
    %swap3A_520 = arith.constant 0 : index
    %swap3A_521 = vector.load %arg28[%swap3A_519, %swap3A_520] : memref<128x128xf32, #tpu.memory_space<vmem>>, vector<128x128xf32>
    tpu.vector_store %arg28[%swap3A_519, %swap3A_520], %add3A_518 {strides = array<i32>} : memref<128x128xf32, #tpu.memory_space<vmem>>, vector<128x128xf32>,
    return
  }
}

module attributes {stable_mosaic.version = 14 : i64} {
  func.func @_tc_node_body(%arg0: memref<10000x128xf32, #tpu.memory_space<vmem>>, %arg1: memref<2x20480x1xf32, #tpu.memory_space<vmem>>, %arg2: memref<128x128xf32, #tpu.memory_space<vmem>>, %arg3: memref<10000x128xf32, #tpu.memory_space<vmem>>, %arg4: memref<10000x1xf32, #tpu.memory_space<vmem>>, %arg5: memref<10000x1xf32, #tpu.memory_space<vmem>>) attributes {dimension_semantics = [], scalar_prefetch = 0 : i64, scratch_operands = 0 : i64, tpu.core_type = #tpu.core_type<tc>} {
    %get3A = arith.constant 0 : index
    %get3A_0 = arith.constant 0 : index
    %get3A_1 = arith.constant 0 : index
    %get3A_2 = vector.load %arg1[%get3A, %get3A_0, %get3A_1] : memref<2x20480x1xf32, #tpu.memory_space<vmem>>, vector<1x10000x1xf32>
    %get3A_3 = vector.shape_cast %get3A_2 : vector<1x10000x1xf32> to vector<10000x1xf32>
    %get3A_4 = arith.constant 1 : index
    %get3A_5 = arith.constant 0 : index
    %get3A_6 = arith.constant 0 : index
    %get3A_7 = vector.load %arg1[%get3A_4, %get3A_5, %get3A_6] : memref<2x20480x1xf32, #tpu.memory_space<vmem>>, vector<1x10000x1xf32>
    %get3A_8 = vector.shape_cast %get3A_7 : vector<1x10000x1xf32> to vector<10000x1xf32>
    %add3A = arith.addf %get3A_3, %get3A_8 : vector<10000x1xf32>
    %get3A_9 = arith.constant 0 : index
    %get3A_10 = arith.constant 10240 : index
    %get3A_11 = arith.constant 0 : index
    %get3A_12 = vector.load %arg1[%get3A_9, %get3A_10, %get3A_11] : memref<2x20480x1xf32, #tpu.memory_space<vmem>>, vector<1x10000x1xf32>
    %get3A_13 = vector.shape_cast %get3A_12 : vector<1x10000x1xf32> to vector<10000x1xf32>
    %get3A_14 = arith.constant 1 : index
    %get3A_15 = arith.constant 10240 : index
    %get3A_16 = arith.constant 0 : index
    %get3A_17 = vector.load %arg1[%get3A_14, %get3A_15, %get3A_16] : memref<2x20480x1xf32, #tpu.memory_space<vmem>>, vector<1x10000x1xf32>
    %get3A_18 = vector.shape_cast %get3A_17 : vector<1x10000x1xf32> to vector<10000x1xf32>
    %add3A_19 = arith.addf %get3A_13, %get3A_18 : vector<10000x1xf32>
    %max3A = arith.constant 1.000000e+00 : f32
    %max3A_20 = vector.broadcast %max3A : f32 to vector<10000x1xf32>
    %max3A_21 = arith.maximumf %add3A, %max3A_20 : vector<10000x1xf32>
    %rsqrt3A = math.rsqrt %max3A_21 : vector<10000x1xf32>
    %max3A_22 = arith.constant 1.000000e+00 : f32
    %max3A_23 = vector.broadcast %max3A_22 : f32 to vector<10000x1xf32>
    %max3A_24 = arith.maximumf %add3A_19, %max3A_23 : vector<10000x1xf32>
    %rsqrt3A_25 = math.rsqrt %max3A_24 : vector<10000x1xf32>
    %swap3A = arith.constant 0 : index
    %swap3A_26 = arith.constant 0 : index
    %swap3A_27 = vector.load %arg4[%swap3A, %swap3A_26] : memref<10000x1xf32, #tpu.memory_space<vmem>>, vector<10000x1xf32>
    tpu.vector_store %arg4[%swap3A, %swap3A_26], %rsqrt3A {strides = array<i32>} : memref<10000x1xf32, #tpu.memory_space<vmem>>, vector<10000x1xf32>,
    %swap3A_28 = arith.constant 0 : index
    %swap3A_29 = arith.constant 0 : index
    %swap3A_30 = vector.load %arg5[%swap3A_28, %swap3A_29] : memref<10000x1xf32, #tpu.memory_space<vmem>>, vector<10000x1xf32>
    tpu.vector_store %arg5[%swap3A_28, %swap3A_29], %rsqrt3A_25 {strides = array<i32>} : memref<10000x1xf32, #tpu.memory_space<vmem>>, vector<10000x1xf32>,
    %get3A_31 = arith.constant 0 : index
    %get3A_32 = arith.constant 0 : index
    %get3A_33 = vector.load %arg0[%get3A_31, %get3A_32] : memref<10000x128xf32, #tpu.memory_space<vmem>>, vector<10000x128xf32>
    %mul3A = vector.broadcast %rsqrt3A : vector<10000x1xf32> to vector<10000x128xf32>
    %mul3A_34 = arith.mulf %get3A_33, %mul3A : vector<10000x128xf32>
    %get3A_35 = arith.constant 0 : index
    %get3A_36 = arith.constant 0 : index
    %get3A_37 = vector.load %arg2[%get3A_35, %get3A_36] : memref<128x128xf32, #tpu.memory_space<vmem>>, vector<128x128xf32>
    %dot_general3A = arith.constant dense<0.000000e+00> : vector<10000x128xf32>
    %dot_general3A_38 = tpu.matmul %mul3A_34, %get3A_37, %dot_general3A {dimension_numbers = #tpu.dot_dimension_numbers<[1], [0], [0], [1], [0, 0, 1, 1], [], []>, transpose_lhs_hint = false} : vector<10000x128xf32>, vector<128x128xf32>, vector<10000x128xf32> -> vector<10000x128xf32>
    %swap3A_39 = arith.constant 0 : index
    %swap3A_40 = arith.constant 0 : index
    %swap3A_41 = vector.load %arg3[%swap3A_39, %swap3A_40] : memref<10000x128xf32, #tpu.memory_space<vmem>>, vector<10000x128xf32>
    tpu.vector_store %arg3[%swap3A_39, %swap3A_40], %dot_general3A_38 {strides = array<i32>} : memref<10000x128xf32, #tpu.memory_space<vmem>>, vector<10000x128xf32>,
    return
  }
}

module attributes {stable_mosaic.version = 14 : i64} {
  func.func @_tc_layer_body(%arg0: memref<2x10240x128xf32, #tpu.memory_space<vmem>>, %arg1: memref<10000x1xf32, #tpu.memory_space<vmem>>, %arg2: memref<10000x1xf32, #tpu.memory_space<vmem>>, %arg3: memref<128x128xf32, #tpu.memory_space<vmem>>, %arg4: memref<10000x128xf32, #tpu.memory_space<vmem>>) attributes {dimension_semantics = [], scalar_prefetch = 0 : i64, scratch_operands = 0 : i64, tpu.core_type = #tpu.core_type<tc>} {
    %get3A = arith.constant 0 : index
    %get3A_0 = arith.constant 0 : index
    %get3A_1 = arith.constant 0 : index
    %get3A_2 = vector.load %arg0[%get3A, %get3A_0, %get3A_1] : memref<2x10240x128xf32, #tpu.memory_space<vmem>>, vector<1x10000x128xf32>
    %get3A_3 = vector.shape_cast %get3A_2 : vector<1x10000x128xf32> to vector<10000x128xf32>
    %get3A_4 = arith.constant 1 : index
    %get3A_5 = arith.constant 0 : index
    %get3A_6 = arith.constant 0 : index
    %get3A_7 = vector.load %arg0[%get3A_4, %get3A_5, %get3A_6] : memref<2x10240x128xf32, #tpu.memory_space<vmem>>, vector<1x10000x128xf32>
    %get3A_8 = vector.shape_cast %get3A_7 : vector<1x10000x128xf32> to vector<10000x128xf32>
    %add3A = arith.addf %get3A_3, %get3A_8 : vector<10000x128xf32>
    %get3A_9 = arith.constant 0 : index
    %get3A_10 = arith.constant 0 : index
    %get3A_11 = vector.load %arg1[%get3A_9, %get3A_10] : memref<10000x1xf32, #tpu.memory_space<vmem>>, vector<10000x1xf32>
    %mul3A = vector.broadcast %get3A_11 : vector<10000x1xf32> to vector<10000x128xf32>
    %mul3A_12 = arith.mulf %add3A, %mul3A : vector<10000x128xf32>
    %ge3A = arith.constant 0.000000e+00 : f32
    %ge3A_13 = vector.broadcast %ge3A : f32 to vector<10000x128xf32>
    %ge3A_14 = arith.cmpf oge, %mul3A_12, %ge3A_13 : vector<10000x128xf32>
    %mul3A_15 = arith.constant 0.229166672 : f32
    %mul3A_16 = vector.broadcast %mul3A_15 : f32 to vector<10000x128xf32>
    %mul3A_17 = arith.mulf %mul3A_16, %mul3A_12 : vector<10000x128xf32>
    %select_n3A = arith.select %ge3A_14, %mul3A_12, %mul3A_17 : vector<10000x128xi1>, vector<10000x128xf32>
    %get3A_18 = arith.constant 0 : index
    %get3A_19 = arith.constant 0 : index
    %get3A_20 = vector.load %arg2[%get3A_18, %get3A_19] : memref<10000x1xf32, #tpu.memory_space<vmem>>, vector<10000x1xf32>
    %mul3A_21 = vector.broadcast %get3A_20 : vector<10000x1xf32> to vector<10000x128xf32>
    %mul3A_22 = arith.mulf %select_n3A, %mul3A_21 : vector<10000x128xf32>
    %get3A_23 = arith.constant 0 : index
    %get3A_24 = arith.constant 0 : index
    %get3A_25 = vector.load %arg3[%get3A_23, %get3A_24] : memref<128x128xf32, #tpu.memory_space<vmem>>, vector<128x128xf32>
    %dot_general3A = arith.constant dense<0.000000e+00> : vector<10000x128xf32>
    %dot_general3A_26 = tpu.matmul %mul3A_22, %get3A_25, %dot_general3A {dimension_numbers = #tpu.dot_dimension_numbers<[1], [0], [0], [1], [0, 0, 1, 1], [], []>, transpose_lhs_hint = false} : vector<10000x128xf32>, vector<128x128xf32>, vector<10000x128xf32> -> vector<10000x128xf32>
    %swap3A = arith.constant 0 : index
    %swap3A_27 = arith.constant 0 : index
    %swap3A_28 = vector.load %arg4[%swap3A, %swap3A_27] : memref<10000x128xf32, #tpu.memory_space<vmem>>, vector<10000x128xf32>
    tpu.vector_store %arg4[%swap3A, %swap3A_27], %dot_general3A_26 {strides = array<i32>} : memref<10000x128xf32, #tpu.memory_space<vmem>>, vector<10000x128xf32>,
    return
  }
}

module attributes {stable_mosaic.version = 14 : i64} {
  func.func @_tc_final_body(%arg0: memref<2x10240x128xf32, #tpu.memory_space<vmem>>, %arg1: memref<10000x1xf32, #tpu.memory_space<vmem>>, %arg2: memref<10000x128xf32, #tpu.memory_space<vmem>>) attributes {dimension_semantics = [], scalar_prefetch = 0 : i64, scratch_operands = 0 : i64, tpu.core_type = #tpu.core_type<tc>} {
    %get3A = arith.constant 0 : index
    %get3A_0 = arith.constant 0 : index
    %get3A_1 = arith.constant 0 : index
    %get3A_2 = vector.load %arg0[%get3A, %get3A_0, %get3A_1] : memref<2x10240x128xf32, #tpu.memory_space<vmem>>, vector<1x10000x128xf32>
    %get3A_3 = vector.shape_cast %get3A_2 : vector<1x10000x128xf32> to vector<10000x128xf32>
    %get3A_4 = arith.constant 1 : index
    %get3A_5 = arith.constant 0 : index
    %get3A_6 = arith.constant 0 : index
    %get3A_7 = vector.load %arg0[%get3A_4, %get3A_5, %get3A_6] : memref<2x10240x128xf32, #tpu.memory_space<vmem>>, vector<1x10000x128xf32>
    %get3A_8 = vector.shape_cast %get3A_7 : vector<1x10000x128xf32> to vector<10000x128xf32>
    %add3A = arith.addf %get3A_3, %get3A_8 : vector<10000x128xf32>
    %get3A_9 = arith.constant 0 : index
    %get3A_10 = arith.constant 0 : index
    %get3A_11 = vector.load %arg1[%get3A_9, %get3A_10] : memref<10000x1xf32, #tpu.memory_space<vmem>>, vector<10000x1xf32>
    %mul3A = vector.broadcast %get3A_11 : vector<10000x1xf32> to vector<10000x128xf32>
    %mul3A_12 = arith.mulf %add3A, %mul3A : vector<10000x128xf32>
    %ge3A = arith.constant 0.000000e+00 : f32
    %ge3A_13 = vector.broadcast %ge3A : f32 to vector<10000x128xf32>
    %ge3A_14 = arith.cmpf oge, %mul3A_12, %ge3A_13 : vector<10000x128xf32>
    %mul3A_15 = arith.constant 0.229166672 : f32
    %mul3A_16 = vector.broadcast %mul3A_15 : f32 to vector<10000x128xf32>
    %mul3A_17 = arith.mulf %mul3A_16, %mul3A_12 : vector<10000x128xf32>
    %select_n3A = arith.select %ge3A_14, %mul3A_12, %mul3A_17 : vector<10000x128xi1>, vector<10000x128xf32>
    %swap3A = arith.constant 0 : index
    %swap3A_18 = arith.constant 0 : index
    %swap3A_19 = vector.load %arg2[%swap3A, %swap3A_18] : memref<10000x128xf32, #tpu.memory_space<vmem>>, vector<10000x128xf32>
    tpu.vector_store %arg2[%swap3A, %swap3A_18], %select_n3A {strides = array<i32>} : memref<10000x128xf32, #tpu.memory_space<vmem>>, vector<10000x128xf32>,
    return
  }
}

</mosaic_0001>

<sc_bundles>
// kernel: kernel.12.cloned.1.call-start
scs
__scs_entry_jumppad:
0x0: {  	(pc) =	sbr.rel $0x88, $3  }
0x1: {  	(tag) =	ssettag $0x0;
	lr =	simm.s32 $0x1  }
0x2: {  	[smem:$0x3F84] =	sst lr;
	_ =	strace $0xD0000000  }
0x3: {  	_ = 	snop  }
0x4: {  	_ = 	snop  }
0x5: {  	_ = 	snop  }
0x6: {  	_ = 	snop  }
0x7: {  	_ = 	snop  }
__scs_overlays_trampoline_lowered:
0x8: {  	[smem:$0x3F93] =	sst s0  }
0x9: {  	[smem:$0x3F94] =	sst s1  }
0xa: {  	[smem:$0x3F95] =	sst s2  }
0xb: {  	[smem:$0x3F96] =	sst s3  }
0xc: {  	[smem:$0x3F97] =	sst s4  }
0xd: {  	[smem:$0x3F98] =	sst s5  }
0xe: {  	[smem:$0x3F99] =	sst s6  }
0xf: {  	[smem:$0x3F9A] =	sst s7  }
0x10: {  	[smem:$0x3F9B] =	sst s8  }
0x11: {  	[smem:$0x3F9C] =	sst s9;
	s0 =	simm.s32 @!p0 $0x0  }
0x12: {  	s1 =	sld [smem:$0x3F82];
	s0 =	simm.s32 @p0 $0x1  }
0x13: {  	[smem:$0x3F9D] =	sst s0;
	s0 =	simm.s32 @!p1 $0x0  }
0x14: {  	s2 =	sld [smem:$0x3F81];
	s0 =	simm.s32 @p1 $0x1  }
0x15: {  	[smem:$0x3F9E] =	sst s0;
	s0 =	simm.s32 @!p2 $0x0  }
0x16: {  	s3 =	sld [smem:$0x3FDB];
	s0 =	simm.s32 @p2 $0x1  }
0x17: {  	s4 =	simm.s32 $0x1BF5;
	[smem:$0x3FA0] =	sst s0  }
0x18: {  	s0 =	sld [smem:$0x3F83];
	_ =	swait.ge [sflag:s4], $0x0  }
0x19: {  	s7 =	sld [smem:$0x3F84]  }
0x1a: {  	s8 =	sadd.s32 $0xFFFFE003, lr  }
0x1b: {  	s9 =	sadd.s32 $0xFFFFFEF7, lr;
	s5 =	simm.s32 $0xFFFFFFFF;
	p2 =	slt.u32 s8, $0xFFFFF086  }
0x1c: {  	p1 =	slt.u32 s9, $0xF7A;
	s5 =	simm.s32 @!p2 $0x0  }
0x1d: {  	s5 =	simm.s32 @p1 $0x1;
	p0 =	seq.s32 s7, s2  }
0x1e: {  	s7 =	smul.u32 @!p0 $0xF7A, s2;
	p2 =	seq.s32 @!p0 s5, $0x0  }
0x1f: {  	s9 =	smul.u32 $0xF7A, s1;
	s8 =	simm.s32 @!p0 $0x1BF5;
	p2 =	por !p2, p0  }
0x20: {  	[sflag:s8] =	ssyncset.s32 @!p0 $0xFFFFF086;
	s6 =	sadd.s32 @!p0 s3, s7;
	s7 =	simm.s32 @!p0 $0x108  }
0x21: {  	s3 =	sadd.s32 s3, s9;
	s6 =	sadd.s32 @!p0 $0x88, s6;
	s7 =	simm.s32 @p2 $0x1082  }
0x22: {  	[simem:s7], [sflag:s8] =	dma.local @!p0 [hbm:s6], $0xF7A  }
0x23: {  	s9 =	sor.u32 $0xD0000000, s2;
	s6 =	simm.s32 $0x108;
	_ =	swait.ge @!p0 [sflag:s8], $0x0  }
0x24: {  	s3 =	sadd.s32 $0x88, s3;
	s6 =	simm.s32 @!p1 $0x1082;
	[sflag:s4] =	ssyncset.s32 $0xFFFFF086  }
0x25: {  	[simem:s6], [sflag:s4] =	dma.local [hbm:s3], $0xF7A  }
0x26: {  	[smem:$0x3F84] =	sst s1;
	(tag) =	ssettag s2;
	_ =	strace s9  }
0x27: {  	s1 =	sld [smem:$0x3F94]  }
0x28: {  	s2 =	sld [smem:$0x3F95]  }
0x29: {  	s4 =	sld [smem:$0x3F97]  }
0x2a: {  	p0 =	seq.s32 s5, $0x0;
	s5 =	sld [smem:$0x3F98]  }
0x2b: {  	s6 =	sld [smem:$0x3F99]  }
0x2c: {  	s7 =	sld [smem:$0x3F9A]  }
0x2d: {  	s3 =	simm.s32 $0x108;
	s8 =	sld [smem:$0x3F9B]  }
0x2e: {  	s3 =	simm.s32 @!p0 $0x1082;
	s9 =	sld [smem:$0x3F9C]  }
0x2f: {  	lr =	sadd.s32 s0, s3;
	s0 =	sld [smem:$0x3F93]  }
0x30: {  	s3 =	sld [smem:$0x3F96]  }
0x31: {  	[smem:$0x3F9F] =	sst s10  }
0x32: {  	s10 =	sld [smem:$0x3F9D];
	_ =	sdelay $0x3  }
0x33: {  	p0 =	seq.s32 s10, $0x1;
	s10 =	sld [smem:$0x3F9F];
	_ =	sdelay $0x3  }
0x34: {  	[smem:$0x3F9F] =	sst s10  }
0x35: {  	s10 =	sld [smem:$0x3F9E];
	_ =	sdelay $0x3  }
0x36: {  	p1 =	seq.s32 s10, $0x1;
	s10 =	sld [smem:$0x3F9F];
	_ =	sdelay $0x3  }
0x37: {  	[smem:$0x3F9F] =	sst s10  }
0x38: {  	s10 =	sld [smem:$0x3FA0]  }
0x39: {  	_ = 	snop;
	(pc) =	sbr.ind lr, $3  }
0x3a: {  	_ = 	snop  }
0x3b: {  	_ = 	snop  }
0x3c: {  	p2 =	seq.s32 s10, $0x1;
	s10 =	sld [smem:$0x3F9F]  }
0x3d: {  	_ =	shalt  }
0x3e: {  	_ =	shalt  }
0x3f: {  	_ =	shalt  }
0x40: {  	_ =	shalt  }
0x41: {  	_ =	shalt  }
0x42: {  	_ =	shalt  }
0x43: {  	_ =	shalt  }
0x44: {  	_ =	shalt  }
0x45: {  	_ =	shalt  }
0x46: {  	_ =	shalt  }
0x47: {  	_ =	shalt  }
0x48: {  	_ =	shalt  }
0x49: {  	_ =	shalt  }
0x4a: {  	_ =	shalt  }
0x4b: {  	_ =	shalt  }
0x4c: {  	_ =	shalt  }
0x4d: {  	_ =	shalt  }
0x4e: {  	_ =	shalt  }
0x4f: {  	_ =	shalt  }
0x50: {  	_ =	shalt  }
0x51: {  	_ =	shalt  }
0x52: {  	_ =	shalt  }
0x53: {  	_ =	shalt  }
0x54: {  	_ =	shalt  }
0x55: {  	_ =	shalt  }
0x56: {  	_ =	shalt  }
0x57: {  	_ =	shalt  }
0x58: {  	_ =	shalt  }
0x59: {  	_ =	shalt  }
0x5a: {  	_ =	shalt  }
0x5b: {  	_ =	shalt  }
0x5c: {  	_ =	shalt  }
0x5d: {  	_ =	shalt  }
0x5e: {  	_ =	shalt  }
0x5f: {  	_ =	shalt  }
0x60: {  	_ =	shalt  }
0x61: {  	_ =	shalt  }
0x62: {  	_ =	shalt  }
0x63: {  	_ =	shalt  }
0x64: {  	_ =	shalt  }
0x65: {  	_ =	shalt  }
0x66: {  	_ =	shalt  }
0x67: {  	_ =	shalt  }
0x68: {  	_ =	shalt  }
0x69: {  	_ =	shalt  }
0x6a: {  	_ =	shalt  }
0x6b: {  	_ =	shalt  }
0x6c: {  	_ =	shalt  }
0x6d: {  	_ =	shalt  }
0x6e: {  	_ =	shalt  }
0x6f: {  	_ =	shalt  }
0x70: {  	_ =	shalt  }
0x71: {  	_ =	shalt  }
0x72: {  	_ =	shalt  }
0x73: {  	_ =	shalt  }
0x74: {  	_ =	shalt  }
0x75: {  	_ =	shalt  }
0x76: {  	_ =	shalt  }
0x77: {  	_ =	shalt  }
0x78: {  	_ =	shalt  }
0x79: {  	_ =	shalt  }
0x7a: {  	_ =	shalt  }
0x7b: {  	_ =	shalt  }
0x7c: {  	_ =	shalt  }
0x7d: {  	_ =	shalt  }
0x7e: {  	_ =	shalt  }
0x7f: {  	_ =	shalt  }
0x80: {  	_ =	shalt  }
0x81: {  	_ =	shalt  }
0x82: {  	_ =	shalt  }
0x83: {  	_ =	shalt  }
0x84: {  	_ =	shalt  }
0x85: {  	_ =	shalt  }
0x86: {  	_ =	shalt  }
0x87: {  	_ =	shalt  }
.Lfunc_end0:
.L_simem_size_0:
called_computation.1_lowered:
.L_overlay_start_0:
0x88: {  	s2 =	sld [smem:$0x3FD9]  }
0x89: {  	s3 =	sld [smem:$0x3FFE];
	_ =	sdelay $0x1  }
0x8a: {  	s1 =	srdreg.scid  }
0x8b: {  	s0 =	sand.u32 $0x1, s1  }
0x8c: {  	s17 =	sshll.u32 s0, $0xA;
	s2 =	sadd.s32 s3, s2  }
0x8d: {  	s2 =	sadd.s32 s2, s17  }
0x8e: {  	[smem:$0x3FAB] =	sst s2  }
0x8f: {  	_ = 	snop  }
0x90: {  	s2 =	sld [smem:$0x3FD0];
	(tm) =	ssettm $0x1  }
0x91: {  	s18 =	sld [smem:$0x3FFB];
	_ =	sdelay $0x3  }
0x92: {  	_ =	strace s18  }
0x93: {  	s3 =	sld [smem:$0x3FFC];
	_ =	sdelay $0x3  }
0x94: {  	_ =	strace s3  }
0x95: {  	s3 =	sld [smem:$0x3FFD];
	_ =	sdelay $0x3  }
0x96: {  	_ =	strace s3  }
0x97: {  	_ =	strace $0x8FFFFFFF  }
0x98: {  	s19 =	sld [smem:$0x3FDB];
	_ =	sdelay $0x1  }
0x99: {  	s4 =	simm.s32 $_scs_section_size  }
0x9a: {  	s5 =	simm.s32 $_size__tile_overlayer_lowered;
	s6 =	simm.s32 $_tile_overlayer_lowered  }
0x9b: {  	s22 =	simm.s32 $0x1BFF;
	s21 =	sshll.u32 s6, $0x1;
	s3 =	sadd.s32 s4, s19  }
0x9c: {  	s7 =	simm.s32 $0x0;
	s20 =	sshll.u32 s5, $0x1;
	s5 =	sadd.s32 s21, s3  }
0x9d: {  	[timem:s7], [sflag:s22] =	dma.local [hbm:s5], s20  }
0x9e: {  	_ =	swait.ge [sflag:s22], s20  }
0x9f: {  	s4 =	ssub.s32 $0x0, s20;
	[sflag:s22] =	ssyncset.done $0x0  }
0xa0: {  	[sflag:s22] =	ssyncadd.s32 s4;
	_ =	sdelay $0x1  }
0xa1: {  	s23 =	simm.s32 $0x1B8B  }
0xa2: {  	_ =	swait.ge [sflag:s23], $0x1  }
0xa3: {  	[sflag:s23] =	ssyncset.done $0x0  }
0xa4: {  	s25 =	simm.s32 $0x1B8E;
	s24 =	sld [smem:$0x3FFE];
	[sflag:s23] =	ssyncadd.s32 $0xFFFFFFFF  }
0xa5: {  	s26 =	simm.s32 $execute0_lowered;
	[smem:$0x3FD2] =	sst s25  }
0xa6: {  	s5 =	sshll.u32 s26, $0x1;
	_ =	strace $0x80000049;
	[dreg:$0x1] =	wrdreg $0xFFFFFFFF  }
0xa7: {  	s28 =	simm.s32 $_size_execute0_lowered;
	s3 =	sadd.s32 s3, s5;
	[dreg:$0x0] =	wrdreg $0x0  }
0xa8: {  	s5 =	sshll.u32 s28, $0x1;
	[dreg:$0x2] =	wrdreg s3  }
0xa9: {  	[dreg:$0x3] =	wrdreg s5  }
0xaa: {  	[dreg:$0x4] =	wrdreg $0xC0  }
0xab: {  	_ =	task [dreg:s7], $0x5FFFF  }
0xac: {  	[dreg:$0x1] =	wrdreg $0xFFFFFFFF  }
0xad: {  	[dreg:$0x0] =	wrdreg $0x60  }
0xae: {  	[dreg:$0x2] =	wrdreg s2  }
0xaf: {  	[dreg:$0x3] =	wrdreg s24  }
0xb0: {  	[dreg:$0x4] =	wrdreg $0xA4000  }
0xb1: {  	[dreg:$0x5] =	wrdreg $0x9  }
0xb2: {  	_ =	task.clear_ibuf [dreg:s7], $0x6FFFF;
	_ =	strace $0x90000049  }
0xb3: {  	s29 =	simm.s32 $0x9;
	_ =	strace $0x8000004B  }
0xb4: {  	_ =	swait.ge [sflag:s29], $0x1  }
0xb5: {  	[sflag:s29] =	ssyncadd.s32 $0xFFFFFFFF  }
0xb6: {  	_ =	strace $0x9000004B  }
0xb7: {  	_ =	sfence  }
0xb8: {  	s30 =	sld [smem:$0x0];
	_ =	sdelay $0x2  }
0xb9: {  	s31 =	sshll.u32 s1, $0xD;
	s1 =	sshrl.u32 s1, $0x2  }
0xba: {  	s3 =	sand.u32 $0x4000, s31;
	s1 =	sadd.s32 s1, s30  }
0xbb: {  	s0 =	sor.u32 s3, s0;
	s1 =	sshll.u32 s1, $0x11  }
0xbc: {  	s0 =	sor.u32 s1, s0  }
0xbd: {  	s0 =	sadd.s32 $0x8F2B, s0  }
0xbe: {  	[sflag:s0] =	ssyncadd.remote.s32 $0x1  }
0xbf: {  	_ =	sfence.sel $0xFFFF  }
0xc0: {  	[dreg:$0x0] =	wrdreg $0xFFFFFFFF;
	(pc) =	sbr.abs _section_cstart, $3  }
0xc1: {  	[dreg:$0x1] =	wrdreg $0xFFFFFFFF  }
0xc2: {  	_ =	task.clear_ibuf [dreg:s7], $0x2FFFF;
	_ =	strace $0x9FFFFFFF  }
0xc3: {  	(tm) =	ssettm $0x7FFFFFFF  }
tec
execute0_lowered:
.L_overlay_start_1:
0x0: {  	(tag) =	ssettag $0x1  }
0x1: {  	s1 =	rddreg [dreg:$0x0]  }
0x2: {  	s0 =	rddreg [dreg:$0x1]  }
0x3: {  	s2 =	rddreg [dreg:$0x2]  }
0x4: {  	s3 =	srdreg.scid;
	s11 =	stileid.u32  }
0x5: {  	s4 =	simm.s32 $0x0;
	s29 =	simm.s32 $0x400;
	s8 =	smul.u32 $0x14000, s11  }
0x6: {  	s30 =	simm.s32 $0x9;
	s31 =	simm.s32 $0x50;
	s9 =	smul.u32 $0x50000, s11  }
0x7: {  	s3 =	sand.u32 $0x1, s3;
	[smem:$0x7FF] =	sst s4;
	s15 =	smul.u32 $0x2710, s11  }
0x8: {  	s5 =	sadd.s32 $0xE000, s0;
	s6 =	sadd.s32 $0x4200, s0;
	s7 =	smul.u32 $0x140000, s3  }
0x9: {  	_ =	strace $0x8000004A;
	s12 =	sshll.u32 s3, $0x4;
	s13 =	ssub.s32 $0x2, s3  }
0xa: {  	s3 =	smul.u32 $0x27100, s3;
	s10 =	sshrl.u32 s13, $0x1;
	s9 =	sshrl.u32 s9, $0x2  }
0xb: {  	s7 =	sadd.s32 s8, s7;
	s8 =	sor.u32 s11, s12;
	s25 =	sadd.s32 s9, s2  }
0xc: {  	s3 =	sadd.s32 s15, s3;
	s9 =	sadd.s32 $0x2800, s25;
	[dreg:$0xa] =	wrdreg s25  }
0xd: {  	s7 =	sshrl.u32 s7, $0x3;
	s14 =	sadd.s32 $0x5000, s25;
	[dreg:$0xb] =	wrdreg s9  }
0xe: {  	s8 =	smul.u32 $0x2710, s8;
	s16 =	sadd.s32 $0x7800, s25;
	[dreg:$0xc] =	wrdreg s14  }
0xf: {  	s17 =	sadd.s32 $0xA000, s25;
	s18 =	sadd.s32 $0xC800, s25;
	[dreg:$0xd] =	wrdreg s16  }
0x10: {  	s19 =	sadd.s32 $0xF000, s25;
	s20 =	sadd.s32 $0x11800, s25;
	[dreg:$0xe] =	wrdreg s17  }
0x11: {  	s21 =	sadd.s32 $0x230, s3;
	s24 =	sadd.s32 $0x1E0, s3;
	[dreg:$0xf] =	wrdreg s18  }
0x12: {  	s28 =	sadd.s32 $0xF0, s3;
	s12 =	sadd.s32 $0x190, s3;
	[dreg:$0x10] =	wrdreg s19  }
0x13: {  	s0 =	sadd.s32 s7, s0;
	s7 =	ssub.s32 s13, s10;
	[dreg:$0x11] =	wrdreg s20  }
0x14: {  	s10 =	sshrl.u32 s21, $0x3;
	s26 =	sshrl.u32 s24, $0x3;
	s11 =	sshrl.u32 s28, $0x3  }
0x15: {  	s14 =	sshrl.u32 s12, $0x3;
	s18 =	sadd.s32 $0xA0, s3;
	s24 =	sadd.s32 $0x140, s3  }
0x16: {  	s3 =	simm.s32 $0x2C00;
	s10 =	sadd.s32 s10, s5;
	[dreg:$0x1c] =	wrdreg s24  }
0x17: {  	s12 =	simm.s32 $0x180;
	s11 =	sadd.s32 s11, s6;
	[dreg:$0x4] =	wrdreg s10  }
0x18: {  	s8 =	sshrl.u32 s8, $0x3;
	s16 =	sadd.s32 s14, s6;
	[dreg:$0x6] =	wrdreg s11  }
0x19: {  	s17 =	sadd.s32 s14, s5;
	s20 =	sshrl.u32 s18, $0x3;
	[dreg:$0x7] =	wrdreg s16  }
0x1a: {  	s0 =	sadd.s32 $0x17E00, s0;
	s14 =	simm.s32 $0x2;
	[dreg:$0x8] =	wrdreg s17  }
0x1b: {  	s24 =	simm.s32 $0x8;
	s10 =	sadd.s32 s26, s5;
	[dreg:$0x1a] =	wrdreg s0  }
0x1c: {  	s18 =	simm.s32 $0x0;
	s13 =	sadd.s32 s5, s8;
	[dreg:$0x5] =	wrdreg s10  }
0x1d: {  	s9 =	sadd.s32 $0xA, s8;
	s21 =	sadd.s32 s20, s6;
	[dreg:$0x12] =	wrdreg s13  }
0x1e: {  	s15 =	sadd.s32 s6, s8;
	s8 =	sadd.s32 $0x4D8, s8;
	[dreg:$0x9] =	wrdreg s21  }
0x1f: {  	s0 =	simm.s32 $0x80;
	s22 =	sadd.s32 s5, s9;
	[dreg:$0x15] =	wrdreg s15  }
0x20: {  	s11 =	simm.s32 $0x200;
	s23 =	sadd.s32 $0x14, s13;
	[dreg:$0x13] =	wrdreg s22  }
0x21: {  	s16 =	simm.s32 $0x280;
	s19 =	sadd.s32 $0x1E, s13;
	[dreg:$0x14] =	wrdreg s23  }
0x22: {  	s17 =	simm.s32 $0x5;
	s9 =	sadd.s32 s6, s9;
	[dreg:$0x16] =	wrdreg s19  }
0x23: {  	s20 =	simm.s32 $0x300;
	s26 =	sadd.s32 $0x4C4, s15;
	[dreg:$0x17] =	wrdreg s9  }
0x24: {  	s28 =	sadd.s32 $0x4CE, s15;
	s10 =	simm.s32 $0x1;
	[dreg:$0x1d] =	wrdreg s26  }
0x25: {  	s13 =	simm.s32 $0x7C00;
	s22 =	sadd.s32 s5, s8;
	[dreg:$0x1e] =	wrdreg s28  }
0x26: {  	s15 =	simm.s32 $0x6;
	s8 =	sadd.s32 s6, s8;
	[dreg:$0x18] =	wrdreg s22  }
0x27: {  	s21 =	simm.s32 $0x4;
	s23 =	smax.u32 s7, $0x1;
	[dreg:$0x19] =	wrdreg s8  }
0x28: {  	s9 =	simm.s32 $0x5400;
	s19 =	simm.s32 $0x3;
	[dreg:$0x1b] =	wrdreg s23  }
0x29: {  	v0 =	vimm.f32 $0.0e+00;
	s8 =	simm.s32 $0x100;
	s22 =	simm.s32 $0x380;
	s23 =	simm.s32 $0x7  }
.LBB2_1:
0x2a: {  	[dreg:$0x1f] =	wrdreg s18;
	s7 =	simm.s32 $0x0;
	s18 =	simm.s32 $0x200  }
.LBB2_2:
0x2b: {  	p0 =	sne.s32 s18, $0x9E00;
	[tilespmem:s7+$0x470] =	vst v0  }
0x2c: {  	[tilespmem:s7+$0x400] =	vst v0  }
0x2d: {  	[tilespmem:s7+$0x410] =	vst v0  }
.Ltmp0:
0x2e: {  	[tilespmem:s7+$0x420] =	vst v0;
	(pc) =	sbr.rel @p0 .LBB2_2-.Ltmp0, $4  }
0x2f: {  	[tilespmem:s7+$0x430] =	vst v0  }
0x30: {  	[tilespmem:s7+$0x440] =	vst v0  }
0x31: {  	[tilespmem:s7+$0x450] =	vst v0  }
0x32: {  	[tilespmem:s7+$0x460] =	vst v0;
	s7 =	sshra.s32 s18, $0x2;
	s18 =	sadd.s32 $0x200, s18  }
0x33: {  	[tilespmem:s7+$0x470] =	vst v0  }
0x34: {  	[tilespmem:s7+$0x400] =	vst v0  }
0x35: {  	[tilespmem:s7+$0x410] =	vst v0  }
0x36: {  	[tilespmem:s7+$0x420] =	vst v0  }
0x37: {  	[tilespmem:s7+$0x430] =	vst v0  }
0x38: {  	[tilespmem:s7+$0x440] =	vst v0  }
0x39: {  	[tilespmem:s7+$0x450] =	vst v0  }
0x3a: {  	[tilespmem:s7+$0x460] =	vst v0  }
0x3b: {  	[spmem:s25] =	stream.linear.scatter [tilespmem:s29], [sflag:$0x9], $0x2800, $0x38;
	[tilespmem:$0x1E400] =	vst v63  }
0x3c: {  	_ =	swait.ge [sflag:s30], $0x2800  }
0x3d: {  	[sflag:s30] =	ssyncset.done $0x0  }
0x3e: {  	s18 =	rddreg [dreg:$0xb];
	[sflag:s30] =	ssyncadd.s32 $0xFFFFD800  }
0x3f: {  	[spmem:s18] =	stream.linear.scatter [tilespmem:s29], [sflag:$0x9], $0x2800, $0x38;
	[tilespmem:$0x1E400] =	vst v63  }
0x40: {  	_ =	swait.ge [sflag:s30], $0x2800  }
0x41: {  	[sflag:s30] =	ssyncset.done $0x0  }
0x42: {  	s25 =	rddreg [dreg:$0xc];
	[sflag:s30] =	ssyncadd.s32 $0xFFFFD800  }
0x43: {  	[spmem:s25] =	stream.linear.scatter [tilespmem:s29], [sflag:$0x9], $0x2800, $0x38;
	[tilespmem:$0x1E400] =	vst v63  }
0x44: {  	_ =	swait.ge [sflag:s30], $0x2800  }
0x45: {  	[sflag:s30] =	ssyncset.done $0x0  }
0x46: {  	s26 =	rddreg [dreg:$0xd];
	[sflag:s30] =	ssyncadd.s32 $0xFFFFD800  }
0x47: {  	[spmem:s26] =	stream.linear.scatter [tilespmem:s29], [sflag:$0x9], $0x2800, $0x38;
	[tilespmem:$0x1E400] =	vst v63  }
0x48: {  	_ =	swait.ge [sflag:s30], $0x2800  }
0x49: {  	[sflag:s30] =	ssyncset.done $0x0  }
0x4a: {  	s18 =	rddreg [dreg:$0xe];
	[sflag:s30] =	ssyncadd.s32 $0xFFFFD800  }
0x4b: {  	[spmem:s18] =	stream.linear.scatter [tilespmem:s29], [sflag:$0x9], $0x2800, $0x38;
	[tilespmem:$0x1E400] =	vst v63  }
0x4c: {  	_ =	swait.ge [sflag:s30], $0x2800  }
0x4d: {  	[sflag:s30] =	ssyncset.done $0x0  }
0x4e: {  	s25 =	rddreg [dreg:$0xf];
	[sflag:s30] =	ssyncadd.s32 $0xFFFFD800  }
0x4f: {  	[spmem:s25] =	stream.linear.scatter [tilespmem:s29], [sflag:$0x9], $0x2800, $0x38;
	[tilespmem:$0x1E400] =	vst v63  }
0x50: {  	_ =	swait.ge [sflag:s30], $0x2800  }
0x51: {  	[sflag:s30] =	ssyncset.done $0x0  }
0x52: {  	s26 =	rddreg [dreg:$0x10];
	[sflag:s30] =	ssyncadd.s32 $0xFFFFD800  }
0x53: {  	[spmem:s26] =	stream.linear.scatter [tilespmem:s29], [sflag:$0x9], $0x2800, $0x38;
	[tilespmem:$0x1E400] =	vst v63  }
0x54: {  	_ =	swait.ge [sflag:s30], $0x2800  }
0x55: {  	[sflag:s30] =	ssyncset.done $0x0  }
0x56: {  	s18 =	rddreg [dreg:$0x11];
	[sflag:s30] =	ssyncadd.s32 $0xFFFFD800  }
0x57: {  	[spmem:s18] =	stream.linear.scatter [tilespmem:s29], [sflag:$0x9], $0x2800, $0x38;
	[tilespmem:$0x1E400] =	vst v63  }
0x58: {  	_ =	swait.ge [sflag:s30], $0x2800  }
0x59: {  	[sflag:s30] =	ssyncset.done $0x0  }
0x5a: {  	[sflag:s30] =	ssyncadd.s32 $0xFFFFD800  }
0x5b: {  	[bflag:$0x0] =	sbarrier.arrive $0xFFFF  }
0x5c: {  	s7 =	simm.s32 $0x0;
	s18 =	rddreg [dreg:$0x12]  }
0x5d: {  	[tilespmem:s7], [sflag:$0x9] =	stream.linear.gather [hbm4b:s18+s7], $0x50, $0x38;
	[tilespmem:$0x1E400] =	vst v63  }
0x5e: {  	_ =	swait.ge [sflag:s30], $0x50  }
0x5f: {  	[sflag:s30] =	ssyncset.done $0x0  }
0x60: {  	[sflag:s30] =	ssyncadd.s32 $0xFFFFFFB0  }
0x61: {  	[tilespmem:s29], [sflag:$0x1] =	stream.indirect.gather [hbm4b:s1+s31], $0x80, s7, s31, $0xb8;
	[tilespmem:$0x1E400] =	vst v63  }
0x62: {  	s25 =	rddreg [dreg:$0x13]  }
0x63: {  	[tilespmem:s0], [sflag:$0x9] =	stream.linear.gather [hbm4b:s25+s7], $0x50, $0x38;
	[tilespmem:$0x1E400] =	vst v63  }
0x64: {  	_ =	swait.ge [sflag:s30], $0x50  }
0x65: {  	[sflag:s30] =	ssyncset.done $0x0  }
0x66: {  	[sflag:s30] =	ssyncadd.s32 $0xFFFFFFB0  }
0x67: {  	[tilespmem:s3], [sflag:$0x2] =	stream.indirect.gather [hbm4b:s1+s31], $0x80, s0, s31, $0xb8;
	[tilespmem:$0x1E400] =	vst v63  }
0x68: {  	s26 =	rddreg [dreg:$0x14]  }
0x69: {  	[tilespmem:s8], [sflag:$0x9] =	stream.linear.gather [hbm4b:s26+s7], $0x50, $0x38;
	[tilespmem:$0x1E400] =	vst v63  }
0x6a: {  	_ =	swait.ge [sflag:s30], $0x50  }
0x6b: {  	[sflag:s30] =	ssyncset.done $0x0  }
0x6c: {  	[sflag:s30] =	ssyncadd.s32 $0xFFFFFFB0  }
0x6d: {  	[tilespmem:s9], [sflag:$0x3] =	stream.indirect.gather [hbm4b:s1+s31], $0x80, s8, s31, $0xb8;
	[tilespmem:$0x1E400] =	vst v63  }
0x6e: {  	_ =	swait.ge [sflag:s10], $0x2800  }
0x6f: {  	[sflag:s10] =	ssyncset.done $0x0  }
0x70: {  	s25 =	rddreg [dreg:$0x15];
	[sflag:s10] =	ssyncadd.s32 $0xFFFFD800  }
0x71: {  	[tilespmem:s11], [sflag:$0x9] =	stream.linear.gather [hbm4b:s25+s7], $0x50, $0x38;
	[tilespmem:$0x1E400] =	vst v63  }
0x72: {  	_ =	swait.ge [sflag:s30], $0x50  }
0x73: {  	[sflag:s30] =	ssyncset.done $0x0  }
0x74: {  	[sflag:s30] =	ssyncadd.s32 $0xFFFFFFB0  }
0x75: {  	[spmem:s2] =	stream.indirect.scatter.add.f32 [tilespmem:s29], [sflag:$0x5], $0x80, s11, s31, $0xb8;
	[tilespmem:$0x1E400] =	vst v63  }
0x76: {  	s26 =	rddreg [dreg:$0x16]  }
0x77: {  	[tilespmem:s12], [sflag:$0x9] =	stream.linear.gather [hbm4b:s26+s7], $0x50, $0x38;
	[tilespmem:$0x1E400] =	vst v63  }
0x78: {  	_ =	swait.ge [sflag:s30], $0x50  }
0x79: {  	[sflag:s30] =	ssyncset.done $0x0  }
0x7a: {  	[sflag:s30] =	ssyncadd.s32 $0xFFFFFFB0  }
0x7b: {  	[tilespmem:s13], [sflag:$0x4] =	stream.indirect.gather [hbm4b:s1+s31], $0x80, s12, s31, $0xb8;
	[tilespmem:$0x1E400] =	vst v63  }
0x7c: {  	_ =	swait.ge [sflag:s14], $0x2800  }
0x7d: {  	[sflag:s14] =	ssyncset.done $0x0  }
0x7e: {  	s25 =	rddreg [dreg:$0x17];
	[sflag:s14] =	ssyncadd.s32 $0xFFFFD800  }
0x7f: {  	[tilespmem:s16], [sflag:$0x9] =	stream.linear.gather [hbm4b:s25+s7], $0x50, $0x38;
	[tilespmem:$0x1E400] =	vst v63  }
0x80: {  	_ =	swait.ge [sflag:s30], $0x50  }
0x81: {  	[sflag:s30] =	ssyncset.done $0x0  }
0x82: {  	[sflag:s30] =	ssyncadd.s32 $0xFFFFFFB0  }
0x83: {  	[spmem:s2] =	stream.indirect.scatter.add.f32 [tilespmem:s3], [sflag:$0x6], $0x80, s16, s31, $0xb8;
	[tilespmem:$0x1E400] =	vst v63  }
0x84: {  	_ =	swait.ge [sflag:s17], $0x2800  }
0x85: {  	s25 =	rddreg [dreg:$0x1c]  }
0x86: {  	[sflag:s17] =	ssyncset.done $0x0;
	s7 =	sshrl.u32 s25, $0x3  }
0x87: {  	[sflag:s17] =	ssyncadd.s32 $0xFFFFD800;
	s26 =	sadd.s32 s5, s7  }
0x88: {  	[tilespmem:s4], [sflag:$0x9] =	stream.linear.gather [hbm4b:s26+s4], $0x50, $0x38;
	[tilespmem:$0x1E400] =	vst v63  }
0x89: {  	_ =	swait.ge [sflag:s30], $0x50  }
0x8a: {  	[sflag:s30] =	ssyncset.done $0x0  }
0x8b: {  	[sflag:s30] =	ssyncadd.s32 $0xFFFFFFB0  }
0x8c: {  	[tilespmem:s29], [sflag:$0x1] =	stream.indirect.gather [hbm4b:s1+s31], $0x80, s4, s31, $0xb8;
	[tilespmem:$0x1E400] =	vst v63  }
0x8d: {  	_ =	swait.ge [sflag:s19], $0x2800  }
0x8e: {  	s26 =	rddreg [dreg:$0x9];
	[sflag:s19] =	ssyncset.done $0x0  }
0x8f: {  	[sflag:s19] =	ssyncadd.s32 $0xFFFFD800;
	s18 =	sadd.s32 $0x0, s26  }
0x90: {  	[tilespmem:s20], [sflag:$0x9] =	stream.linear.gather [hbm4b:s18+s4], $0x50, $0x38;
	[tilespmem:$0x1E400] =	vst v63  }
0x91: {  	_ =	swait.ge [sflag:s30], $0x50  }
0x92: {  	[sflag:s30] =	ssyncset.done $0x0  }
0x93: {  	[sflag:s30] =	ssyncadd.s32 $0xFFFFFFB0  }
0x94: {  	[spmem:s2] =	stream.indirect.scatter.add.f32 [tilespmem:s9], [sflag:$0x7], $0x80, s20, s31, $0xb8;
	[tilespmem:$0x1E400] =	vst v63  }
0x95: {  	_ =	swait.ge [sflag:s15], $0x2800  }
0x96: {  	s26 =	rddreg [dreg:$0x8];
	[sflag:s15] =	ssyncset.done $0x0  }
0x97: {  	[sflag:s15] =	ssyncadd.s32 $0xFFFFD800;
	s18 =	sadd.s32 $0x0, s26  }
0x98: {  	[tilespmem:s0], [sflag:$0x9] =	stream.linear.gather [hbm4b:s18+s4], $0x50, $0x38;
	[tilespmem:$0x1E400] =	vst v63  }
0x99: {  	_ =	swait.ge [sflag:s30], $0x50  }
0x9a: {  	[sflag:s30] =	ssyncset.done $0x0  }
0x9b: {  	[sflag:s30] =	ssyncadd.s32 $0xFFFFFFB0  }
0x9c: {  	[tilespmem:s3], [sflag:$0x2] =	stream.indirect.gather [hbm4b:s1+s31], $0x80, s0, s31, $0xb8;
	[tilespmem:$0x1E400] =	vst v63  }
0x9d: {  	_ =	swait.ge [sflag:s21], $0x2800  }
0x9e: {  	s26 =	rddreg [dreg:$0x6];
	[sflag:s21] =	ssyncset.done $0x0  }
0x9f: {  	[sflag:s21] =	ssyncadd.s32 $0xFFFFD800;
	s18 =	sadd.s32 $0x0, s26  }
0xa0: {  	[tilespmem:s22], [sflag:$0x9] =	stream.linear.gather [hbm4b:s18+s4], $0x50, $0x38;
	[tilespmem:$0x1E400] =	vst v63  }
0xa1: {  	_ =	swait.ge [sflag:s30], $0x50  }
0xa2: {  	[sflag:s30] =	ssyncset.done $0x0  }
0xa3: {  	[sflag:s30] =	ssyncadd.s32 $0xFFFFFFB0  }
0xa4: {  	[spmem:s2] =	stream.indirect.scatter.add.f32 [tilespmem:s13], [sflag:$0x8], $0x80, s22, s31, $0xb8;
	[tilespmem:$0x1E400] =	vst v63  }
0xa5: {  	_ =	swait.ge [sflag:s23], $0x2800  }
0xa6: {  	s26 =	rddreg [dreg:$0x5];
	[sflag:s23] =	ssyncset.done $0x0  }
0xa7: {  	[sflag:s23] =	ssyncadd.s32 $0xFFFFD800;
	s18 =	sadd.s32 $0x0, s26  }
0xa8: {  	[tilespmem:s8], [sflag:$0x9] =	stream.linear.gather [hbm4b:s18+s4], $0x50, $0x38;
	[tilespmem:$0x1E400] =	vst v63  }
0xa9: {  	_ =	swait.ge [sflag:s30], $0x50  }
0xaa: {  	[sflag:s30] =	ssyncset.done $0x0  }
0xab: {  	[sflag:s30] =	ssyncadd.s32 $0xFFFFFFB0  }
0xac: {  	[tilespmem:s9], [sflag:$0x3] =	stream.indirect.gather [hbm4b:s1+s31], $0x80, s8, s31, $0xb8;
	[tilespmem:$0x1E400] =	vst v63  }
0xad: {  	_ =	swait.ge [sflag:s10], $0x2800  }
0xae: {  	[sflag:s10] =	ssyncset.done $0x0  }
0xaf: {  	s7 =	sadd.s32 s6, s7;
	[sflag:s10] =	ssyncadd.s32 $0xFFFFD800  }
0xb0: {  	[tilespmem:s11], [sflag:$0x9] =	stream.linear.gather [hbm4b:s7+s4], $0x50, $0x38;
	[tilespmem:$0x1E400] =	vst v63  }
0xb1: {  	_ =	swait.ge [sflag:s30], $0x50  }
0xb2: {  	[sflag:s30] =	ssyncset.done $0x0  }
0xb3: {  	[sflag:s30] =	ssyncadd.s32 $0xFFFFFFB0  }
0xb4: {  	[spmem:s2] =	stream.indirect.scatter.add.f32 [tilespmem:s29], [sflag:$0x5], $0x80, s11, s31, $0xb8;
	[tilespmem:$0x1E400] =	vst v63  }
0xb5: {  	_ =	swait.ge [sflag:s24], $0x2800  }
0xb6: {  	s18 =	rddreg [dreg:$0x4];
	[sflag:s24] =	ssyncset.done $0x0  }
0xb7: {  	[sflag:s24] =	ssyncadd.s32 $0xFFFFD800;
	s7 =	sadd.s32 $0x0, s18  }
0xb8: {  	[tilespmem:s12], [sflag:$0x9] =	stream.linear.gather [hbm4b:s7+s4], $0x50, $0x38;
	[tilespmem:$0x1E400] =	vst v63  }
0xb9: {  	_ =	swait.ge [sflag:s30], $0x50  }
0xba: {  	[sflag:s30] =	ssyncset.done $0x0  }
0xbb: {  	[sflag:s30] =	ssyncadd.s32 $0xFFFFFFB0  }
0xbc: {  	[tilespmem:s13], [sflag:$0x4] =	stream.indirect.gather [hbm4b:s1+s31], $0x80, s12, s31, $0xb8;
	[tilespmem:$0x1E400] =	vst v63  }
0xbd: {  	_ =	swait.ge [sflag:s14], $0x2800  }
0xbe: {  	s26 =	rddreg [dreg:$0x7];
	[sflag:s14] =	ssyncset.done $0x0  }
0xbf: {  	[sflag:s14] =	ssyncadd.s32 $0xFFFFD800;
	s7 =	sadd.s32 $0x0, s26  }
0xc0: {  	[tilespmem:s16], [sflag:$0x9] =	stream.linear.gather [hbm4b:s7+s4], $0x50, $0x38;
	[tilespmem:$0x1E400] =	vst v63  }
0xc1: {  	_ =	swait.ge [sflag:s30], $0x50  }
0xc2: {  	[sflag:s30] =	ssyncset.done $0x0  }
0xc3: {  	s28 =	simm.s32 $0x28;
	s18 =	sadd.s32 $0x140, s25;
	[sflag:s30] =	ssyncadd.s32 $0xFFFFFFB0  }
.LBB2_4:
0xc4: {  	[spmem:s2] =	stream.indirect.scatter.add.f32 [tilespmem:s3], [sflag:$0x6], $0x80, s16, s31, $0xb8;
	[tilespmem:$0x1E400] =	vst v63  }
0xc5: {  	_ =	swait.ge [sflag:s17], $0x2800  }
0xc6: {  	s7 =	sshrl.u32 s18, $0x3;
	[sflag:s17] =	ssyncset.done $0x0  }
0xc7: {  	s26 =	sadd.s32 s5, s7;
	[sflag:s17] =	ssyncadd.s32 $0xFFFFD800  }
0xc8: {  	[tilespmem:s4], [sflag:$0x9] =	stream.linear.gather [hbm4b:s26+s4], $0x50, $0x38;
	[tilespmem:$0x1E400] =	vst v63  }
0xc9: {  	_ =	swait.ge [sflag:s30], $0x50  }
0xca: {  	[sflag:s30] =	ssyncset.done $0x0  }
0xcb: {  	[sflag:s30] =	ssyncadd.s32 $0xFFFFFFB0  }
0xcc: {  	[tilespmem:s29], [sflag:$0x1] =	stream.indirect.gather [hbm4b:s1+s31], $0x80, s4, s31, $0xb8;
	[tilespmem:$0x1E400] =	vst v63  }
0xcd: {  	_ =	swait.ge [sflag:s19], $0x2800  }
0xce: {  	s25 =	smov.u32 s28;
	s26 =	rddreg [dreg:$0x9];
	[sflag:s19] =	ssyncset.done $0x0  }
0xcf: {  	[sflag:s19] =	ssyncadd.s32 $0xFFFFD800;
	s26 =	sadd.s32 s25, s26  }
0xd0: {  	[tilespmem:s20], [sflag:$0x9] =	stream.linear.gather [hbm4b:s26+s4], $0x50, $0x38;
	[tilespmem:$0x1E400] =	vst v63  }
0xd1: {  	_ =	swait.ge [sflag:s30], $0x50  }
0xd2: {  	[sflag:s30] =	ssyncset.done $0x0  }
0xd3: {  	[sflag:s30] =	ssyncadd.s32 $0xFFFFFFB0  }
0xd4: {  	[spmem:s2] =	stream.indirect.scatter.add.f32 [tilespmem:s9], [sflag:$0x7], $0x80, s20, s31, $0xb8;
	[tilespmem:$0x1E400] =	vst v63  }
0xd5: {  	_ =	swait.ge [sflag:s15], $0x2800  }
0xd6: {  	s26 =	rddreg [dreg:$0x8];
	[sflag:s15] =	ssyncset.done $0x0  }
0xd7: {  	[sflag:s15] =	ssyncadd.s32 $0xFFFFD800;
	s26 =	sadd.s32 s25, s26  }
0xd8: {  	[tilespmem:s0], [sflag:$0x9] =	stream.linear.gather [hbm4b:s26+s4], $0x50, $0x38;
	[tilespmem:$0x1E400] =	vst v63  }
0xd9: {  	_ =	swait.ge [sflag:s30], $0x50  }
0xda: {  	[sflag:s30] =	ssyncset.done $0x0  }
0xdb: {  	[sflag:s30] =	ssyncadd.s32 $0xFFFFFFB0  }
0xdc: {  	[tilespmem:s3], [sflag:$0x2] =	stream.indirect.gather [hbm4b:s1+s31], $0x80, s0, s31, $0xb8;
	[tilespmem:$0x1E400] =	vst v63  }
0xdd: {  	_ =	swait.ge [sflag:s21], $0x2800  }
0xde: {  	s26 =	rddreg [dreg:$0x6];
	[sflag:s21] =	ssyncset.done $0x0  }
0xdf: {  	[sflag:s21] =	ssyncadd.s32 $0xFFFFD800;
	s26 =	sadd.s32 s25, s26  }
0xe0: {  	[tilespmem:s22], [sflag:$0x9] =	stream.linear.gather [hbm4b:s26+s4], $0x50, $0x38;
	[tilespmem:$0x1E400] =	vst v63  }
0xe1: {  	_ =	swait.ge [sflag:s30], $0x50  }
0xe2: {  	[sflag:s30] =	ssyncset.done $0x0  }
0xe3: {  	[sflag:s30] =	ssyncadd.s32 $0xFFFFFFB0  }
0xe4: {  	[spmem:s2] =	stream.indirect.scatter.add.f32 [tilespmem:s13], [sflag:$0x8], $0x80, s22, s31, $0xb8;
	[tilespmem:$0x1E400] =	vst v63  }
0xe5: {  	_ =	swait.ge [sflag:s23], $0x2800  }
0xe6: {  	s26 =	rddreg [dreg:$0x5];
	[sflag:s23] =	ssyncset.done $0x0  }
0xe7: {  	[sflag:s23] =	ssyncadd.s32 $0xFFFFD800;
	s26 =	sadd.s32 s25, s26  }
0xe8: {  	[tilespmem:s8], [sflag:$0x9] =	stream.linear.gather [hbm4b:s26+s4], $0x50, $0x38;
	[tilespmem:$0x1E400] =	vst v63  }
0xe9: {  	_ =	swait.ge [sflag:s30], $0x50  }
0xea: {  	[sflag:s30] =	ssyncset.done $0x0  }
0xeb: {  	[sflag:s30] =	ssyncadd.s32 $0xFFFFFFB0  }
0xec: {  	[tilespmem:s9], [sflag:$0x3] =	stream.indirect.gather [hbm4b:s1+s31], $0x80, s8, s31, $0xb8;
	[tilespmem:$0x1E400] =	vst v63  }
0xed: {  	_ =	swait.ge [sflag:s10], $0x2800  }
0xee: {  	[sflag:s10] =	ssyncset.done $0x0  }
0xef: {  	s7 =	sadd.s32 s6, s7;
	[sflag:s10] =	ssyncadd.s32 $0xFFFFD800  }
0xf0: {  	[tilespmem:s11], [sflag:$0x9] =	stream.linear.gather [hbm4b:s7+s4], $0x50, $0x38;
	[tilespmem:$0x1E400] =	vst v63  }
0xf1: {  	_ =	swait.ge [sflag:s30], $0x50  }
0xf2: {  	[sflag:s30] =	ssyncset.done $0x0  }
0xf3: {  	[sflag:s30] =	ssyncadd.s32 $0xFFFFFFB0  }
0xf4: {  	[spmem:s2] =	stream.indirect.scatter.add.f32 [tilespmem:s29], [sflag:$0x5], $0x80, s11, s31, $0xb8;
	[tilespmem:$0x1E400] =	vst v63  }
0xf5: {  	_ =	swait.ge [sflag:s24], $0x2800  }
0xf6: {  	s26 =	rddreg [dreg:$0x4];
	[sflag:s24] =	ssyncset.done $0x0  }
0xf7: {  	[sflag:s24] =	ssyncadd.s32 $0xFFFFD800;
	s7 =	sadd.s32 s25, s26  }
0xf8: {  	[tilespmem:s12], [sflag:$0x9] =	stream.linear.gather [hbm4b:s7+s4], $0x50, $0x38;
	[tilespmem:$0x1E400] =	vst v63  }
0xf9: {  	_ =	swait.ge [sflag:s30], $0x50  }
0xfa: {  	[sflag:s30] =	ssyncset.done $0x0  }
0xfb: {  	[sflag:s30] =	ssyncadd.s32 $0xFFFFFFB0  }
0xfc: {  	[tilespmem:s13], [sflag:$0x4] =	stream.indirect.gather [hbm4b:s1+s31], $0x80, s12, s31, $0xb8;
	[tilespmem:$0x1E400] =	vst v63  }
0xfd: {  	_ =	swait.ge [sflag:s14], $0x2800  }
0xfe: {  	p0 =	sne.s32 s28, $0x488;
	s26 =	rddreg [dreg:$0x7];
	[sflag:s14] =	ssyncset.done $0x0  }
.Ltmp1:
0xff: {  	[sflag:s14] =	ssyncadd.s32 $0xFFFFD800;
	s7 =	sadd.s32 s25, s26;
	(pc) =	sbr.rel @p0 .LBB2_4-.Ltmp1, $4  }
0x100: {  	[tilespmem:s16], [sflag:$0x9] =	stream.linear.gather [hbm4b:s7+s4], $0x50, $0x38;
	[tilespmem:$0x1E400] =	vst v63  }
0x101: {  	_ =	swait.ge [sflag:s30], $0x50  }
0x102: {  	[sflag:s30] =	ssyncset.done $0x0  }
0x103: {  	s28 =	sadd.s32 $0x28, s28;
	s18 =	sadd.s32 $0x140, s18;
	[sflag:s30] =	ssyncadd.s32 $0xFFFFFFB0  }
0x104: {  	[spmem:s2] =	stream.indirect.scatter.add.f32 [tilespmem:s3], [sflag:$0x6], $0x80, s16, s31, $0xb8;
	[tilespmem:$0x1E400] =	vst v63  }
0x105: {  	_ =	swait.ge [sflag:s17], $0x2800  }
0x106: {  	[sflag:s17] =	ssyncset.done $0x0  }
0x107: {  	s7 =	rddreg [dreg:$0x18];
	[sflag:s17] =	ssyncadd.s32 $0xFFFFD800  }
0x108: {  	[tilespmem:s4], [sflag:$0x9] =	stream.linear.gather [hbm4b:s7+s4], $0x50, $0x38;
	[tilespmem:$0x1E400] =	vst v63  }
0x109: {  	_ =	swait.ge [sflag:s30], $0x50  }
0x10a: {  	[sflag:s30] =	ssyncset.done $0x0  }
0x10b: {  	[sflag:s30] =	ssyncadd.s32 $0xFFFFFFB0  }
0x10c: {  	[tilespmem:s29], [sflag:$0x1] =	stream.indirect.gather [hbm4b:s1+s31], $0x80, s4, s31, $0xb8;
	[tilespmem:$0x1E400] =	vst v63  }
0x10d: {  	_ =	swait.ge [sflag:s19], $0x2800  }
0x10e: {  	[sflag:s19] =	ssyncset.done $0x0  }
0x10f: {  	s26 =	rddreg [dreg:$0x1d];
	[sflag:s19] =	ssyncadd.s32 $0xFFFFD800  }
0x110: {  	[tilespmem:s20], [sflag:$0x9] =	stream.linear.gather [hbm4b:s26+s4], $0x50, $0x38;
	[tilespmem:$0x1E400] =	vst v63  }
0x111: {  	_ =	swait.ge [sflag:s30], $0x50  }
0x112: {  	[sflag:s30] =	ssyncset.done $0x0  }
0x113: {  	[sflag:s30] =	ssyncadd.s32 $0xFFFFFFB0  }
0x114: {  	[spmem:s2] =	stream.indirect.scatter.add.f32 [tilespmem:s9], [sflag:$0x7], $0x80, s20, s31, $0xb8;
	[tilespmem:$0x1E400] =	vst v63  }
0x115: {  	_ =	swait.ge [sflag:s15], $0x2800  }
0x116: {  	[sflag:s15] =	ssyncset.done $0x0  }
0x117: {  	[sflag:s15] =	ssyncadd.s32 $0xFFFFD800  }
0x118: {  	_ =	swait.ge [sflag:s21], $0x2800  }
0x119: {  	[sflag:s21] =	ssyncset.done $0x0  }
0x11a: {  	s28 =	rddreg [dreg:$0x1e];
	[sflag:s21] =	ssyncadd.s32 $0xFFFFD800  }
0x11b: {  	[tilespmem:s22], [sflag:$0x9] =	stream.linear.gather [hbm4b:s28+s4], $0x50, $0x38;
	[tilespmem:$0x1E400] =	vst v63  }
0x11c: {  	_ =	swait.ge [sflag:s30], $0x50  }
0x11d: {  	[sflag:s30] =	ssyncset.done $0x0  }
0x11e: {  	[sflag:s30] =	ssyncadd.s32 $0xFFFFFFB0  }
0x11f: {  	[spmem:s2] =	stream.indirect.scatter.add.f32 [tilespmem:s13], [sflag:$0x8], $0x80, s22, s31, $0xb8;
	[tilespmem:$0x1E400] =	vst v63  }
0x120: {  	_ =	swait.ge [sflag:s23], $0x2800  }
0x121: {  	[sflag:s23] =	ssyncset.done $0x0  }
0x122: {  	[sflag:s23] =	ssyncadd.s32 $0xFFFFD800  }
0x123: {  	_ =	swait.ge [sflag:s10], $0x2800  }
0x124: {  	[sflag:s10] =	ssyncset.done $0x0  }
0x125: {  	s18 =	rddreg [dreg:$0x19];
	[sflag:s10] =	ssyncadd.s32 $0xFFFFD800  }
0x126: {  	[tilespmem:s11], [sflag:$0x9] =	stream.linear.gather [hbm4b:s18+s4], $0x50, $0x38;
	[tilespmem:$0x1E400] =	vst v63  }
0x127: {  	_ =	swait.ge [sflag:s30], $0x50  }
0x128: {  	[sflag:s30] =	ssyncset.done $0x0  }
0x129: {  	[sflag:s30] =	ssyncadd.s32 $0xFFFFFFB0  }
0x12a: {  	[spmem:s2] =	stream.indirect.scatter.add.f32 [tilespmem:s29], [sflag:$0x5], $0x80, s11, s31, $0xb8;
	[tilespmem:$0x1E400] =	vst v63  }
0x12b: {  	_ =	swait.ge [sflag:s24], $0x2800  }
0x12c: {  	[sflag:s24] =	ssyncset.done $0x0  }
0x12d: {  	[sflag:s24] =	ssyncadd.s32 $0xFFFFD800  }
0x12e: {  	_ =	swait.ge [sflag:s17], $0x2800  }
0x12f: {  	[sflag:s17] =	ssyncset.done $0x0  }
0x130: {  	[sflag:s17] =	ssyncadd.s32 $0xFFFFD800  }
0x131: {  	s25 =	stileid.u32;
	[bflag:$0x0] =	sbarrier.arrive $0xFFFF  }
0x132: {  	s7 =	sshll.u32 s25, $0x6;
	s25 =	rddreg [dreg:$0xa]  }
0x133: {  	s7 =	sor.u32 $0x1C09, s7;
	s26 =	rddreg [dreg:$0x1a];
	s18 =	sshrl.u32 s25, $0x3  }
0x134: {  	[hbm:s26], [sflag:s7] =	dma.local [spmem:s18], $0x2800  }
0x135: {  	_ =	swait.ge [sflag:s30], $0x2800  }
0x136: {  	s26 =	rddreg [dreg:$0x1f]  }
0x137: {  	s28 =	rddreg [dreg:$0x1b];
	s18 =	sadd.s32 $0x1, s26  }
0x138: {  	p0 =	sne.s32 s18, s28  }
.Ltmp2:
0x139: {  	_ = 	snop;
	(pc) =	sbr.rel @p0 .LBB2_1-.Ltmp2, $3  }
0x13a: {  	_ =	sdelay $0x1  }
0x13b: {  	[sflag:s30] =	ssyncset.done $0x0  }
0x13c: {  	[sflag:s30] =	ssyncadd.s32 $0xFFFFD800  }
0x13d: {  	_ =	sfence.sel $0x180000  }
0x13e: {  	[bflag:$0x0] =	sbarrier.arrive $0xFFFF  }
0x13f: {  	_ =	strace $0x9000004A  }
0x140: {  	s0 =	stileid.u32;
	[bflag:$0x2] =	sbarrier.arrive $0xFFFF  }
0x141: {  	p0 =	sne.s32 s0, $0x0;
	s0 =	rddreg [dreg:$0x3]  }
0x142: {  	s0 =	sadd.s32 @!p0 $0x100000, s0  }
0x143: {  	[sflag:s0] =	ssyncadd.tile.s32 @!p0 $0x1;
	_ =	shalt  }
.Lfunc_end2:
_tile_overlayer_lowered:
.L_overlay_start_2:
0x144: {  	(tag) =	ssettag $0x2  }
0x145: {  	s0 =	rddreg [dreg:$0x0];
	s2 =	stileid.u32  }
0x146: {  	s1 =	rddreg [dreg:$0x1];
	p0 =	sne.s32 s2, $0x0  }
0x147: {  	s3 =	rddreg [dreg:$0x2];
	[bflag:$0x3] =	sbarrier.arrive $0xFFFF;
	s2 =	simm.s32 @!p0 $0x1C09  }
0x148: {  	[timem:s3], [sflag:s2] =	dma.local @!p0 [hbm:s0], s1  }
0x149: {  	s0 =	simm.s32 @!p0 $0x9  }
0x14a: {  	_ =	swait.ge @!p0 [sflag:s0], s1  }
0x14b: {  	s1 =	ssub.s32 @!p0 $0x0, s1;
	[sflag:s0] =	ssyncset.done @!p0 $0x0  }
0x14c: {  	[sflag:s0] =	ssyncadd.s32 @!p0 s1  }
0x14d: {  	[bflag:$0x3] =	sbarrier.arrive $0xFFFF  }
0x14e: {  	_ =	shalt  }

// kernel: kernel.15.cloned.1.call-start
scs
__scs_entry_jumppad:
0x0: {  	(pc) =	sbr.rel $0x88, $3  }
0x1: {  	(tag) =	ssettag $0x0;
	lr =	simm.s32 $0x1  }
0x2: {  	[smem:$0x3F84] =	sst lr;
	_ =	strace $0xD0000000  }
0x3: {  	_ = 	snop  }
0x4: {  	_ = 	snop  }
0x5: {  	_ = 	snop  }
0x6: {  	_ = 	snop  }
0x7: {  	_ = 	snop  }
__scs_overlays_trampoline_lowered:
0x8: {  	[smem:$0x3F93] =	sst s0  }
0x9: {  	[smem:$0x3F94] =	sst s1  }
0xa: {  	[smem:$0x3F95] =	sst s2  }
0xb: {  	[smem:$0x3F96] =	sst s3  }
0xc: {  	[smem:$0x3F97] =	sst s4  }
0xd: {  	[smem:$0x3F98] =	sst s5  }
0xe: {  	[smem:$0x3F99] =	sst s6  }
0xf: {  	[smem:$0x3F9A] =	sst s7  }
0x10: {  	[smem:$0x3F9B] =	sst s8  }
0x11: {  	[smem:$0x3F9C] =	sst s9;
	s0 =	simm.s32 @!p0 $0x0  }
0x12: {  	s1 =	sld [smem:$0x3F82];
	s0 =	simm.s32 @p0 $0x1  }
0x13: {  	[smem:$0x3F9D] =	sst s0;
	s0 =	simm.s32 @!p1 $0x0  }
0x14: {  	s2 =	sld [smem:$0x3F81];
	s0 =	simm.s32 @p1 $0x1  }
0x15: {  	[smem:$0x3F9E] =	sst s0;
	s0 =	simm.s32 @!p2 $0x0  }
0x16: {  	s3 =	sld [smem:$0x3FDB];
	s0 =	simm.s32 @p2 $0x1  }
0x17: {  	s4 =	simm.s32 $0x1BF5;
	[smem:$0x3FA0] =	sst s0  }
0x18: {  	s0 =	sld [smem:$0x3F83];
	_ =	swait.ge [sflag:s4], $0x0  }
0x19: {  	s7 =	sld [smem:$0x3F84]  }
0x1a: {  	s8 =	sadd.s32 $0xFFFFE003, lr  }
0x1b: {  	s9 =	sadd.s32 $0xFFFFFEF7, lr;
	s5 =	simm.s32 $0xFFFFFFFF;
	p2 =	slt.u32 s8, $0xFFFFF086  }
0x1c: {  	p1 =	slt.u32 s9, $0xF7A;
	s5 =	simm.s32 @!p2 $0x0  }
0x1d: {  	s5 =	simm.s32 @p1 $0x1;
	p0 =	seq.s32 s7, s2  }
0x1e: {  	s7 =	smul.u32 @!p0 $0xF7A, s2;
	p2 =	seq.s32 @!p0 s5, $0x0  }
0x1f: {  	s9 =	smul.u32 $0xF7A, s1;
	s8 =	simm.s32 @!p0 $0x1BF5;
	p2 =	por !p2, p0  }
0x20: {  	[sflag:s8] =	ssyncset.s32 @!p0 $0xFFFFF086;
	s6 =	sadd.s32 @!p0 s3, s7;
	s7 =	simm.s32 @!p0 $0x108  }
0x21: {  	s3 =	sadd.s32 s3, s9;
	s6 =	sadd.s32 @!p0 $0x88, s6;
	s7 =	simm.s32 @p2 $0x1082  }
0x22: {  	[simem:s7], [sflag:s8] =	dma.local @!p0 [hbm:s6], $0xF7A  }
0x23: {  	s9 =	sor.u32 $0xD0000000, s2;
	s6 =	simm.s32 $0x108;
	_ =	swait.ge @!p0 [sflag:s8], $0x0  }
0x24: {  	s3 =	sadd.s32 $0x88, s3;
	s6 =	simm.s32 @!p1 $0x1082;
	[sflag:s4] =	ssyncset.s32 $0xFFFFF086  }
0x25: {  	[simem:s6], [sflag:s4] =	dma.local [hbm:s3], $0xF7A  }
0x26: {  	[smem:$0x3F84] =	sst s1;
	(tag) =	ssettag s2;
	_ =	strace s9  }
0x27: {  	s1 =	sld [smem:$0x3F94]  }
0x28: {  	s2 =	sld [smem:$0x3F95]  }
0x29: {  	s4 =	sld [smem:$0x3F97]  }
0x2a: {  	p0 =	seq.s32 s5, $0x0;
	s5 =	sld [smem:$0x3F98]  }
0x2b: {  	s6 =	sld [smem:$0x3F99]  }
0x2c: {  	s7 =	sld [smem:$0x3F9A]  }
0x2d: {  	s3 =	simm.s32 $0x108;
	s8 =	sld [smem:$0x3F9B]  }
0x2e: {  	s3 =	simm.s32 @!p0 $0x1082;
	s9 =	sld [smem:$0x3F9C]  }
0x2f: {  	lr =	sadd.s32 s0, s3;
	s0 =	sld [smem:$0x3F93]  }
0x30: {  	s3 =	sld [smem:$0x3F96]  }
0x31: {  	[smem:$0x3F9F] =	sst s10  }
0x32: {  	s10 =	sld [smem:$0x3F9D];
	_ =	sdelay $0x3  }
0x33: {  	p0 =	seq.s32 s10, $0x1;
	s10 =	sld [smem:$0x3F9F];
	_ =	sdelay $0x3  }
0x34: {  	[smem:$0x3F9F] =	sst s10  }
0x35: {  	s10 =	sld [smem:$0x3F9E];
	_ =	sdelay $0x3  }
0x36: {  	p1 =	seq.s32 s10, $0x1;
	s10 =	sld [smem:$0x3F9F];
	_ =	sdelay $0x3  }
0x37: {  	[smem:$0x3F9F] =	sst s10  }
0x38: {  	s10 =	sld [smem:$0x3FA0]  }
0x39: {  	_ = 	snop;
	(pc) =	sbr.ind lr, $3  }
0x3a: {  	_ = 	snop  }
0x3b: {  	_ = 	snop  }
0x3c: {  	p2 =	seq.s32 s10, $0x1;
	s10 =	sld [smem:$0x3F9F]  }
0x3d: {  	_ =	shalt  }
0x3e: {  	_ =	shalt  }
0x3f: {  	_ =	shalt  }
0x40: {  	_ =	shalt  }
0x41: {  	_ =	shalt  }
0x42: {  	_ =	shalt  }
0x43: {  	_ =	shalt  }
0x44: {  	_ =	shalt  }
0x45: {  	_ =	shalt  }
0x46: {  	_ =	shalt  }
0x47: {  	_ =	shalt  }
0x48: {  	_ =	shalt  }
0x49: {  	_ =	shalt  }
0x4a: {  	_ =	shalt  }
0x4b: {  	_ =	shalt  }
0x4c: {  	_ =	shalt  }
0x4d: {  	_ =	shalt  }
0x4e: {  	_ =	shalt  }
0x4f: {  	_ =	shalt  }
0x50: {  	_ =	shalt  }
0x51: {  	_ =	shalt  }
0x52: {  	_ =	shalt  }
0x53: {  	_ =	shalt  }
0x54: {  	_ =	shalt  }
0x55: {  	_ =	shalt  }
0x56: {  	_ =	shalt  }
0x57: {  	_ =	shalt  }
0x58: {  	_ =	shalt  }
0x59: {  	_ =	shalt  }
0x5a: {  	_ =	shalt  }
0x5b: {  	_ =	shalt  }
0x5c: {  	_ =	shalt  }
0x5d: {  	_ =	shalt  }
0x5e: {  	_ =	shalt  }
0x5f: {  	_ =	shalt  }
0x60: {  	_ =	shalt  }
0x61: {  	_ =	shalt  }
0x62: {  	_ =	shalt  }
0x63: {  	_ =	shalt  }
0x64: {  	_ =	shalt  }
0x65: {  	_ =	shalt  }
0x66: {  	_ =	shalt  }
0x67: {  	_ =	shalt  }
0x68: {  	_ =	shalt  }
0x69: {  	_ =	shalt  }
0x6a: {  	_ =	shalt  }
0x6b: {  	_ =	shalt  }
0x6c: {  	_ =	shalt  }
0x6d: {  	_ =	shalt  }
0x6e: {  	_ =	shalt  }
0x6f: {  	_ =	shalt  }
0x70: {  	_ =	shalt  }
0x71: {  	_ =	shalt  }
0x72: {  	_ =	shalt  }
0x73: {  	_ =	shalt  }
0x74: {  	_ =	shalt  }
0x75: {  	_ =	shalt  }
0x76: {  	_ =	shalt  }
0x77: {  	_ =	shalt  }
0x78: {  	_ =	shalt  }
0x79: {  	_ =	shalt  }
0x7a: {  	_ =	shalt  }
0x7b: {  	_ =	shalt  }
0x7c: {  	_ =	shalt  }
0x7d: {  	_ =	shalt  }
0x7e: {  	_ =	shalt  }
0x7f: {  	_ =	shalt  }
0x80: {  	_ =	shalt  }
0x81: {  	_ =	shalt  }
0x82: {  	_ =	shalt  }
0x83: {  	_ =	shalt  }
0x84: {  	_ =	shalt  }
0x85: {  	_ =	shalt  }
0x86: {  	_ =	shalt  }
0x87: {  	_ =	shalt  }
.Lfunc_end0:
.L_simem_size_0:
called_computation.2_lowered:
.L_overlay_start_0:
0x88: {  	s2 =	sld [smem:$0x3FD9]  }
0x89: {  	s3 =	sld [smem:$0x3FFE];
	_ =	sdelay $0x1  }
0x8a: {  	s1 =	srdreg.scid  }
0x8b: {  	s0 =	sand.u32 $0x1, s1  }
0x8c: {  	s17 =	sshll.u32 s0, $0xA;
	s2 =	sadd.s32 s3, s2  }
0x8d: {  	s2 =	sadd.s32 s2, s17  }
0x8e: {  	[smem:$0x3FAB] =	sst s2  }
0x8f: {  	_ = 	snop  }
0x90: {  	s2 =	sld [smem:$0x3FD0];
	(tm) =	ssettm $0x1  }
0x91: {  	s18 =	sld [smem:$0x3FFB];
	_ =	sdelay $0x3  }
0x92: {  	_ =	strace s18  }
0x93: {  	s3 =	sld [smem:$0x3FFC];
	_ =	sdelay $0x3  }
0x94: {  	_ =	strace s3  }
0x95: {  	s3 =	sld [smem:$0x3FFD];
	_ =	sdelay $0x3  }
0x96: {  	_ =	strace s3  }
0x97: {  	_ =	strace $0x8FFFFFFF  }
0x98: {  	s19 =	sld [smem:$0x3FDB];
	_ =	sdelay $0x1  }
0x99: {  	s4 =	simm.s32 $_scs_section_size  }
0x9a: {  	s5 =	simm.s32 $_size__tile_overlayer_lowered;
	s6 =	simm.s32 $_tile_overlayer_lowered  }
0x9b: {  	s22 =	simm.s32 $0x1BFF;
	s21 =	sshll.u32 s6, $0x1;
	s3 =	sadd.s32 s4, s19  }
0x9c: {  	s7 =	simm.s32 $0x0;
	s20 =	sshll.u32 s5, $0x1;
	s5 =	sadd.s32 s21, s3  }
0x9d: {  	[timem:s7], [sflag:s22] =	dma.local [hbm:s5], s20  }
0x9e: {  	_ =	swait.ge [sflag:s22], s20  }
0x9f: {  	s4 =	ssub.s32 $0x0, s20;
	[sflag:s22] =	ssyncset.done $0x0  }
0xa0: {  	[sflag:s22] =	ssyncadd.s32 s4;
	_ =	sdelay $0x1  }
0xa1: {  	s23 =	simm.s32 $0x1B8B  }
0xa2: {  	_ =	swait.ge [sflag:s23], $0x1  }
0xa3: {  	[sflag:s23] =	ssyncset.done $0x0  }
0xa4: {  	s25 =	simm.s32 $0x1B8E;
	s24 =	sld [smem:$0x3FFE];
	[sflag:s23] =	ssyncadd.s32 $0xFFFFFFFF  }
0xa5: {  	s26 =	simm.s32 $execute0_lowered;
	[smem:$0x3FD2] =	sst s25  }
0xa6: {  	s5 =	sshll.u32 s26, $0x1;
	_ =	strace $0x8000004C;
	[dreg:$0x1] =	wrdreg $0xFFFFFFFF  }
0xa7: {  	s28 =	simm.s32 $_size_execute0_lowered;
	s3 =	sadd.s32 s3, s5;
	[dreg:$0x0] =	wrdreg $0x0  }
0xa8: {  	s5 =	sshll.u32 s28, $0x1;
	[dreg:$0x2] =	wrdreg s3  }
0xa9: {  	[dreg:$0x3] =	wrdreg s5  }
0xaa: {  	[dreg:$0x4] =	wrdreg $0xC0  }
0xab: {  	_ =	task [dreg:s7], $0x5FFFF  }
0xac: {  	[dreg:$0x1] =	wrdreg $0xFFFFFFFF  }
0xad: {  	[dreg:$0x0] =	wrdreg $0x60  }
0xae: {  	[dreg:$0x2] =	wrdreg s2  }
0xaf: {  	[dreg:$0x3] =	wrdreg s24  }
0xb0: {  	[dreg:$0x4] =	wrdreg $0xA4000  }
0xb1: {  	[dreg:$0x5] =	wrdreg $0x9  }
0xb2: {  	_ =	task.clear_ibuf [dreg:s7], $0x6FFFF;
	_ =	strace $0x9000004C  }
0xb3: {  	s29 =	simm.s32 $0x9;
	_ =	strace $0x8000004E  }
0xb4: {  	_ =	swait.ge [sflag:s29], $0x1  }
0xb5: {  	[sflag:s29] =	ssyncadd.s32 $0xFFFFFFFF  }
0xb6: {  	_ =	strace $0x9000004E  }
0xb7: {  	_ =	sfence  }
0xb8: {  	s30 =	sld [smem:$0x0];
	_ =	sdelay $0x2  }
0xb9: {  	s31 =	sshll.u32 s1, $0xD;
	s1 =	sshrl.u32 s1, $0x2  }
0xba: {  	s3 =	sand.u32 $0x4000, s31;
	s1 =	sadd.s32 s1, s30  }
0xbb: {  	s0 =	sor.u32 s3, s0;
	s1 =	sshll.u32 s1, $0x11  }
0xbc: {  	s0 =	sor.u32 s1, s0  }
0xbd: {  	s0 =	sadd.s32 $0x8F2B, s0  }
0xbe: {  	[sflag:s0] =	ssyncadd.remote.s32 $0x1  }
0xbf: {  	_ =	sfence.sel $0xFFFF  }
0xc0: {  	[dreg:$0x0] =	wrdreg $0xFFFFFFFF;
	(pc) =	sbr.abs _section_cstart, $3  }
0xc1: {  	[dreg:$0x1] =	wrdreg $0xFFFFFFFF  }
0xc2: {  	_ =	task.clear_ibuf [dreg:s7], $0x2FFFF;
	_ =	strace $0x9FFFFFFF  }
0xc3: {  	(tm) =	ssettm $0x7FFFFFFF  }
tec
execute0_lowered:
.L_overlay_start_1:
0x0: {  	(tag) =	ssettag $0x1  }
0x1: {  	s1 =	rddreg [dreg:$0x0]  }
0x2: {  	s0 =	rddreg [dreg:$0x1]  }
0x3: {  	s2 =	rddreg [dreg:$0x2]  }
0x4: {  	s3 =	srdreg.scid;
	s11 =	stileid.u32  }
0x5: {  	s4 =	simm.s32 $0x0;
	s29 =	simm.s32 $0x400;
	s8 =	smul.u32 $0x14000, s11  }
0x6: {  	s30 =	simm.s32 $0x9;
	s31 =	simm.s32 $0x50;
	s9 =	smul.u32 $0x50000, s11  }
0x7: {  	s3 =	sand.u32 $0x1, s3;
	[smem:$0x7FF] =	sst s4;
	s15 =	smul.u32 $0x2710, s11  }
0x8: {  	s5 =	sadd.s32 $0xE000, s0;
	s6 =	sadd.s32 $0x4200, s0;
	s7 =	smul.u32 $0x140000, s3  }
0x9: {  	_ =	strace $0x8000004D;
	s12 =	sshll.u32 s3, $0x4;
	s13 =	ssub.s32 $0x2, s3  }
0xa: {  	s3 =	smul.u32 $0x27100, s3;
	s10 =	sshrl.u32 s13, $0x1;
	s9 =	sshrl.u32 s9, $0x2  }
0xb: {  	s7 =	sadd.s32 s8, s7;
	s8 =	sor.u32 s11, s12;
	s25 =	sadd.s32 s9, s2  }
0xc: {  	s3 =	sadd.s32 s15, s3;
	s9 =	sadd.s32 $0x2800, s25;
	[dreg:$0xa] =	wrdreg s25  }
0xd: {  	s7 =	sshrl.u32 s7, $0x3;
	s14 =	sadd.s32 $0x5000, s25;
	[dreg:$0xb] =	wrdreg s9  }
0xe: {  	s8 =	smul.u32 $0x2710, s8;
	s16 =	sadd.s32 $0x7800, s25;
	[dreg:$0xc] =	wrdreg s14  }
0xf: {  	s17 =	sadd.s32 $0xA000, s25;
	s18 =	sadd.s32 $0xC800, s25;
	[dreg:$0xd] =	wrdreg s16  }
0x10: {  	s19 =	sadd.s32 $0xF000, s25;
	s20 =	sadd.s32 $0x11800, s25;
	[dreg:$0xe] =	wrdreg s17  }
0x11: {  	s21 =	sadd.s32 $0x230, s3;
	s24 =	sadd.s32 $0x1E0, s3;
	[dreg:$0xf] =	wrdreg s18  }
0x12: {  	s28 =	sadd.s32 $0xF0, s3;
	s12 =	sadd.s32 $0x190, s3;
	[dreg:$0x10] =	wrdreg s19  }
0x13: {  	s0 =	sadd.s32 s7, s0;
	s7 =	ssub.s32 s13, s10;
	[dreg:$0x11] =	wrdreg s20  }
0x14: {  	s10 =	sshrl.u32 s21, $0x3;
	s26 =	sshrl.u32 s24, $0x3;
	s11 =	sshrl.u32 s28, $0x3  }
0x15: {  	s14 =	sshrl.u32 s12, $0x3;
	s18 =	sadd.s32 $0xA0, s3;
	s24 =	sadd.s32 $0x140, s3  }
0x16: {  	s3 =	simm.s32 $0x2C00;
	s10 =	sadd.s32 s10, s5;
	[dreg:$0x1c] =	wrdreg s24  }
0x17: {  	s12 =	simm.s32 $0x180;
	s11 =	sadd.s32 s11, s6;
	[dreg:$0x4] =	wrdreg s10  }
0x18: {  	s8 =	sshrl.u32 s8, $0x3;
	s16 =	sadd.s32 s14, s6;
	[dreg:$0x6] =	wrdreg s11  }
0x19: {  	s17 =	sadd.s32 s14, s5;
	s20 =	sshrl.u32 s18, $0x3;
	[dreg:$0x7] =	wrdreg s16  }
0x1a: {  	s0 =	sadd.s32 $0x17E00, s0;
	s14 =	simm.s32 $0x2;
	[dreg:$0x8] =	wrdreg s17  }
0x1b: {  	s24 =	simm.s32 $0x8;
	s10 =	sadd.s32 s26, s5;
	[dreg:$0x1a] =	wrdreg s0  }
0x1c: {  	s18 =	simm.s32 $0x0;
	s13 =	sadd.s32 s5, s8;
	[dreg:$0x5] =	wrdreg s10  }
0x1d: {  	s9 =	sadd.s32 $0xA, s8;
	s21 =	sadd.s32 s20, s6;
	[dreg:$0x12] =	wrdreg s13  }
0x1e: {  	s15 =	sadd.s32 s6, s8;
	s8 =	sadd.s32 $0x4D8, s8;
	[dreg:$0x9] =	wrdreg s21  }
0x1f: {  	s0 =	simm.s32 $0x80;
	s22 =	sadd.s32 s5, s9;
	[dreg:$0x15] =	wrdreg s15  }
0x20: {  	s11 =	simm.s32 $0x200;
	s23 =	sadd.s32 $0x14, s13;
	[dreg:$0x13] =	wrdreg s22  }
0x21: {  	s16 =	simm.s32 $0x280;
	s19 =	sadd.s32 $0x1E, s13;
	[dreg:$0x14] =	wrdreg s23  }
0x22: {  	s17 =	simm.s32 $0x5;
	s9 =	sadd.s32 s6, s9;
	[dreg:$0x16] =	wrdreg s19  }
0x23: {  	s20 =	simm.s32 $0x300;
	s26 =	sadd.s32 $0x4C4, s15;
	[dreg:$0x17] =	wrdreg s9  }
0x24: {  	s28 =	sadd.s32 $0x4CE, s15;
	s10 =	simm.s32 $0x1;
	[dreg:$0x1d] =	wrdreg s26  }
0x25: {  	s13 =	simm.s32 $0x7C00;
	s22 =	sadd.s32 s5, s8;
	[dreg:$0x1e] =	wrdreg s28  }
0x26: {  	s15 =	simm.s32 $0x6;
	s8 =	sadd.s32 s6, s8;
	[dreg:$0x18] =	wrdreg s22  }
0x27: {  	s21 =	simm.s32 $0x4;
	s23 =	smax.u32 s7, $0x1;
	[dreg:$0x19] =	wrdreg s8  }
0x28: {  	s9 =	simm.s32 $0x5400;
	s19 =	simm.s32 $0x3;
	[dreg:$0x1b] =	wrdreg s23  }
0x29: {  	v0 =	vimm.f32 $0.0e+00;
	s8 =	simm.s32 $0x100;
	s22 =	simm.s32 $0x380;
	s23 =	simm.s32 $0x7  }
.LBB2_1:
0x2a: {  	[dreg:$0x1f] =	wrdreg s18;
	s7 =	simm.s32 $0x0;
	s18 =	simm.s32 $0x200  }
.LBB2_2:
0x2b: {  	p0 =	sne.s32 s18, $0x9E00;
	[tilespmem:s7+$0x470] =	vst v0  }
0x2c: {  	[tilespmem:s7+$0x400] =	vst v0  }
0x2d: {  	[tilespmem:s7+$0x410] =	vst v0  }
.Ltmp0:
0x2e: {  	[tilespmem:s7+$0x420] =	vst v0;
	(pc) =	sbr.rel @p0 .LBB2_2-.Ltmp0, $4  }
0x2f: {  	[tilespmem:s7+$0x430] =	vst v0  }
0x30: {  	[tilespmem:s7+$0x440] =	vst v0  }
0x31: {  	[tilespmem:s7+$0x450] =	vst v0  }
0x32: {  	[tilespmem:s7+$0x460] =	vst v0;
	s7 =	sshra.s32 s18, $0x2;
	s18 =	sadd.s32 $0x200, s18  }
0x33: {  	[tilespmem:s7+$0x470] =	vst v0  }
0x34: {  	[tilespmem:s7+$0x400] =	vst v0  }
0x35: {  	[tilespmem:s7+$0x410] =	vst v0  }
0x36: {  	[tilespmem:s7+$0x420] =	vst v0  }
0x37: {  	[tilespmem:s7+$0x430] =	vst v0  }
0x38: {  	[tilespmem:s7+$0x440] =	vst v0  }
0x39: {  	[tilespmem:s7+$0x450] =	vst v0  }
0x3a: {  	[tilespmem:s7+$0x460] =	vst v0  }
0x3b: {  	[spmem:s25] =	stream.linear.scatter [tilespmem:s29], [sflag:$0x9], $0x2800, $0x38;
	[tilespmem:$0x1E400] =	vst v63  }
0x3c: {  	_ =	swait.ge [sflag:s30], $0x2800  }
0x3d: {  	[sflag:s30] =	ssyncset.done $0x0  }
0x3e: {  	s18 =	rddreg [dreg:$0xb];
	[sflag:s30] =	ssyncadd.s32 $0xFFFFD800  }
0x3f: {  	[spmem:s18] =	stream.linear.scatter [tilespmem:s29], [sflag:$0x9], $0x2800, $0x38;
	[tilespmem:$0x1E400] =	vst v63  }
0x40: {  	_ =	swait.ge [sflag:s30], $0x2800  }
0x41: {  	[sflag:s30] =	ssyncset.done $0x0  }
0x42: {  	s25 =	rddreg [dreg:$0xc];
	[sflag:s30] =	ssyncadd.s32 $0xFFFFD800  }
0x43: {  	[spmem:s25] =	stream.linear.scatter [tilespmem:s29], [sflag:$0x9], $0x2800, $0x38;
	[tilespmem:$0x1E400] =	vst v63  }
0x44: {  	_ =	swait.ge [sflag:s30], $0x2800  }
0x45: {  	[sflag:s30] =	ssyncset.done $0x0  }
0x46: {  	s26 =	rddreg [dreg:$0xd];
	[sflag:s30] =	ssyncadd.s32 $0xFFFFD800  }
0x47: {  	[spmem:s26] =	stream.linear.scatter [tilespmem:s29], [sflag:$0x9], $0x2800, $0x38;
	[tilespmem:$0x1E400] =	vst v63  }
0x48: {  	_ =	swait.ge [sflag:s30], $0x2800  }
0x49: {  	[sflag:s30] =	ssyncset.done $0x0  }
0x4a: {  	s18 =	rddreg [dreg:$0xe];
	[sflag:s30] =	ssyncadd.s32 $0xFFFFD800  }
0x4b: {  	[spmem:s18] =	stream.linear.scatter [tilespmem:s29], [sflag:$0x9], $0x2800, $0x38;
	[tilespmem:$0x1E400] =	vst v63  }
0x4c: {  	_ =	swait.ge [sflag:s30], $0x2800  }
0x4d: {  	[sflag:s30] =	ssyncset.done $0x0  }
0x4e: {  	s25 =	rddreg [dreg:$0xf];
	[sflag:s30] =	ssyncadd.s32 $0xFFFFD800  }
0x4f: {  	[spmem:s25] =	stream.linear.scatter [tilespmem:s29], [sflag:$0x9], $0x2800, $0x38;
	[tilespmem:$0x1E400] =	vst v63  }
0x50: {  	_ =	swait.ge [sflag:s30], $0x2800  }
0x51: {  	[sflag:s30] =	ssyncset.done $0x0  }
0x52: {  	s26 =	rddreg [dreg:$0x10];
	[sflag:s30] =	ssyncadd.s32 $0xFFFFD800  }
0x53: {  	[spmem:s26] =	stream.linear.scatter [tilespmem:s29], [sflag:$0x9], $0x2800, $0x38;
	[tilespmem:$0x1E400] =	vst v63  }
0x54: {  	_ =	swait.ge [sflag:s30], $0x2800  }
0x55: {  	[sflag:s30] =	ssyncset.done $0x0  }
0x56: {  	s18 =	rddreg [dreg:$0x11];
	[sflag:s30] =	ssyncadd.s32 $0xFFFFD800  }
0x57: {  	[spmem:s18] =	stream.linear.scatter [tilespmem:s29], [sflag:$0x9], $0x2800, $0x38;
	[tilespmem:$0x1E400] =	vst v63  }
0x58: {  	_ =	swait.ge [sflag:s30], $0x2800  }
0x59: {  	[sflag:s30] =	ssyncset.done $0x0  }
0x5a: {  	[sflag:s30] =	ssyncadd.s32 $0xFFFFD800  }
0x5b: {  	[bflag:$0x0] =	sbarrier.arrive $0xFFFF  }
0x5c: {  	s7 =	simm.s32 $0x0;
	s18 =	rddreg [dreg:$0x12]  }
0x5d: {  	[tilespmem:s7], [sflag:$0x9] =	stream.linear.gather [hbm4b:s18+s7], $0x50, $0x38;
	[tilespmem:$0x1E400] =	vst v63  }
0x5e: {  	_ =	swait.ge [sflag:s30], $0x50  }
0x5f: {  	[sflag:s30] =	ssyncset.done $0x0  }
0x60: {  	[sflag:s30] =	ssyncadd.s32 $0xFFFFFFB0  }
0x61: {  	[tilespmem:s29], [sflag:$0x1] =	stream.indirect.gather [hbm4b:s1+s31], $0x80, s7, s31, $0xb8;
	[tilespmem:$0x1E400] =	vst v63  }
0x62: {  	s25 =	rddreg [dreg:$0x13]  }
0x63: {  	[tilespmem:s0], [sflag:$0x9] =	stream.linear.gather [hbm4b:s25+s7], $0x50, $0x38;
	[tilespmem:$0x1E400] =	vst v63  }
0x64: {  	_ =	swait.ge [sflag:s30], $0x50  }
0x65: {  	[sflag:s30] =	ssyncset.done $0x0  }
0x66: {  	[sflag:s30] =	ssyncadd.s32 $0xFFFFFFB0  }
0x67: {  	[tilespmem:s3], [sflag:$0x2] =	stream.indirect.gather [hbm4b:s1+s31], $0x80, s0, s31, $0xb8;
	[tilespmem:$0x1E400] =	vst v63  }
0x68: {  	s26 =	rddreg [dreg:$0x14]  }
0x69: {  	[tilespmem:s8], [sflag:$0x9] =	stream.linear.gather [hbm4b:s26+s7], $0x50, $0x38;
	[tilespmem:$0x1E400] =	vst v63  }
0x6a: {  	_ =	swait.ge [sflag:s30], $0x50  }
0x6b: {  	[sflag:s30] =	ssyncset.done $0x0  }
0x6c: {  	[sflag:s30] =	ssyncadd.s32 $0xFFFFFFB0  }
0x6d: {  	[tilespmem:s9], [sflag:$0x3] =	stream.indirect.gather [hbm4b:s1+s31], $0x80, s8, s31, $0xb8;
	[tilespmem:$0x1E400] =	vst v63  }
0x6e: {  	_ =	swait.ge [sflag:s10], $0x2800  }
0x6f: {  	[sflag:s10] =	ssyncset.done $0x0  }
0x70: {  	s25 =	rddreg [dreg:$0x15];
	[sflag:s10] =	ssyncadd.s32 $0xFFFFD800  }
0x71: {  	[tilespmem:s11], [sflag:$0x9] =	stream.linear.gather [hbm4b:s25+s7], $0x50, $0x38;
	[tilespmem:$0x1E400] =	vst v63  }
0x72: {  	_ =	swait.ge [sflag:s30], $0x50  }
0x73: {  	[sflag:s30] =	ssyncset.done $0x0  }
0x74: {  	[sflag:s30] =	ssyncadd.s32 $0xFFFFFFB0  }
0x75: {  	[spmem:s2] =	stream.indirect.scatter.add.f32 [tilespmem:s29], [sflag:$0x5], $0x80, s11, s31, $0xb8;
	[tilespmem:$0x1E400] =	vst v63  }
0x76: {  	s26 =	rddreg [dreg:$0x16]  }
0x77: {  	[tilespmem:s12], [sflag:$0x9] =	stream.linear.gather [hbm4b:s26+s7], $0x50, $0x38;
	[tilespmem:$0x1E400] =	vst v63  }
0x78: {  	_ =	swait.ge [sflag:s30], $0x50  }
0x79: {  	[sflag:s30] =	ssyncset.done $0x0  }
0x7a: {  	[sflag:s30] =	ssyncadd.s32 $0xFFFFFFB0  }
0x7b: {  	[tilespmem:s13], [sflag:$0x4] =	stream.indirect.gather [hbm4b:s1+s31], $0x80, s12, s31, $0xb8;
	[tilespmem:$0x1E400] =	vst v63  }
0x7c: {  	_ =	swait.ge [sflag:s14], $0x2800  }
0x7d: {  	[sflag:s14] =	ssyncset.done $0x0  }
0x7e: {  	s25 =	rddreg [dreg:$0x17];
	[sflag:s14] =	ssyncadd.s32 $0xFFFFD800  }
0x7f: {  	[tilespmem:s16], [sflag:$0x9] =	stream.linear.gather [hbm4b:s25+s7], $0x50, $0x38;
	[tilespmem:$0x1E400] =	vst v63  }
0x80: {  	_ =	swait.ge [sflag:s30], $0x50  }
0x81: {  	[sflag:s30] =	ssyncset.done $0x0  }
0x82: {  	[sflag:s30] =	ssyncadd.s32 $0xFFFFFFB0  }
0x83: {  	[spmem:s2] =	stream.indirect.scatter.add.f32 [tilespmem:s3], [sflag:$0x6], $0x80, s16, s31, $0xb8;
	[tilespmem:$0x1E400] =	vst v63  }
0x84: {  	_ =	swait.ge [sflag:s17], $0x2800  }
0x85: {  	s25 =	rddreg [dreg:$0x1c]  }
0x86: {  	[sflag:s17] =	ssyncset.done $0x0;
	s7 =	sshrl.u32 s25, $0x3  }
0x87: {  	[sflag:s17] =	ssyncadd.s32 $0xFFFFD800;
	s26 =	sadd.s32 s5, s7  }
0x88: {  	[tilespmem:s4], [sflag:$0x9] =	stream.linear.gather [hbm4b:s26+s4], $0x50, $0x38;
	[tilespmem:$0x1E400] =	vst v63  }
0x89: {  	_ =	swait.ge [sflag:s30], $0x50  }
0x8a: {  	[sflag:s30] =	ssyncset.done $0x0  }
0x8b: {  	[sflag:s30] =	ssyncadd.s32 $0xFFFFFFB0  }
0x8c: {  	[tilespmem:s29], [sflag:$0x1] =	stream.indirect.gather [hbm4b:s1+s31], $0x80, s4, s31, $0xb8;
	[tilespmem:$0x1E400] =	vst v63  }
0x8d: {  	_ =	swait.ge [sflag:s19], $0x2800  }
0x8e: {  	s26 =	rddreg [dreg:$0x9];
	[sflag:s19] =	ssyncset.done $0x0  }
0x8f: {  	[sflag:s19] =	ssyncadd.s32 $0xFFFFD800;
	s18 =	sadd.s32 $0x0, s26  }
0x90: {  	[tilespmem:s20], [sflag:$0x9] =	stream.linear.gather [hbm4b:s18+s4], $0x50, $0x38;
	[tilespmem:$0x1E400] =	vst v63  }
0x91: {  	_ =	swait.ge [sflag:s30], $0x50  }
0x92: {  	[sflag:s30] =	ssyncset.done $0x0  }
0x93: {  	[sflag:s30] =	ssyncadd.s32 $0xFFFFFFB0  }
0x94: {  	[spmem:s2] =	stream.indirect.scatter.add.f32 [tilespmem:s9], [sflag:$0x7], $0x80, s20, s31, $0xb8;
	[tilespmem:$0x1E400] =	vst v63  }
0x95: {  	_ =	swait.ge [sflag:s15], $0x2800  }
0x96: {  	s26 =	rddreg [dreg:$0x8];
	[sflag:s15] =	ssyncset.done $0x0  }
0x97: {  	[sflag:s15] =	ssyncadd.s32 $0xFFFFD800;
	s18 =	sadd.s32 $0x0, s26  }
0x98: {  	[tilespmem:s0], [sflag:$0x9] =	stream.linear.gather [hbm4b:s18+s4], $0x50, $0x38;
	[tilespmem:$0x1E400] =	vst v63  }
0x99: {  	_ =	swait.ge [sflag:s30], $0x50  }
0x9a: {  	[sflag:s30] =	ssyncset.done $0x0  }
0x9b: {  	[sflag:s30] =	ssyncadd.s32 $0xFFFFFFB0  }
0x9c: {  	[tilespmem:s3], [sflag:$0x2] =	stream.indirect.gather [hbm4b:s1+s31], $0x80, s0, s31, $0xb8;
	[tilespmem:$0x1E400] =	vst v63  }
0x9d: {  	_ =	swait.ge [sflag:s21], $0x2800  }
0x9e: {  	s26 =	rddreg [dreg:$0x6];
	[sflag:s21] =	ssyncset.done $0x0  }
0x9f: {  	[sflag:s21] =	ssyncadd.s32 $0xFFFFD800;
	s18 =	sadd.s32 $0x0, s26  }
0xa0: {  	[tilespmem:s22], [sflag:$0x9] =	stream.linear.gather [hbm4b:s18+s4], $0x50, $0x38;
	[tilespmem:$0x1E400] =	vst v63  }
0xa1: {  	_ =	swait.ge [sflag:s30], $0x50  }
0xa2: {  	[sflag:s30] =	ssyncset.done $0x0  }
0xa3: {  	[sflag:s30] =	ssyncadd.s32 $0xFFFFFFB0  }
0xa4: {  	[spmem:s2] =	stream.indirect.scatter.add.f32 [tilespmem:s13], [sflag:$0x8], $0x80, s22, s31, $0xb8;
	[tilespmem:$0x1E400] =	vst v63  }
0xa5: {  	_ =	swait.ge [sflag:s23], $0x2800  }
0xa6: {  	s26 =	rddreg [dreg:$0x5];
	[sflag:s23] =	ssyncset.done $0x0  }
0xa7: {  	[sflag:s23] =	ssyncadd.s32 $0xFFFFD800;
	s18 =	sadd.s32 $0x0, s26  }
0xa8: {  	[tilespmem:s8], [sflag:$0x9] =	stream.linear.gather [hbm4b:s18+s4], $0x50, $0x38;
	[tilespmem:$0x1E400] =	vst v63  }
0xa9: {  	_ =	swait.ge [sflag:s30], $0x50  }
0xaa: {  	[sflag:s30] =	ssyncset.done $0x0  }
0xab: {  	[sflag:s30] =	ssyncadd.s32 $0xFFFFFFB0  }
0xac: {  	[tilespmem:s9], [sflag:$0x3] =	stream.indirect.gather [hbm4b:s1+s31], $0x80, s8, s31, $0xb8;
	[tilespmem:$0x1E400] =	vst v63  }
0xad: {  	_ =	swait.ge [sflag:s10], $0x2800  }
0xae: {  	[sflag:s10] =	ssyncset.done $0x0  }
0xaf: {  	s7 =	sadd.s32 s6, s7;
	[sflag:s10] =	ssyncadd.s32 $0xFFFFD800  }
0xb0: {  	[tilespmem:s11], [sflag:$0x9] =	stream.linear.gather [hbm4b:s7+s4], $0x50, $0x38;
	[tilespmem:$0x1E400] =	vst v63  }
0xb1: {  	_ =	swait.ge [sflag:s30], $0x50  }
0xb2: {  	[sflag:s30] =	ssyncset.done $0x0  }
0xb3: {  	[sflag:s30] =	ssyncadd.s32 $0xFFFFFFB0  }
0xb4: {  	[spmem:s2] =	stream.indirect.scatter.add.f32 [tilespmem:s29], [sflag:$0x5], $0x80, s11, s31, $0xb8;
	[tilespmem:$0x1E400] =	vst v63  }
0xb5: {  	_ =	swait.ge [sflag:s24], $0x2800  }
0xb6: {  	s18 =	rddreg [dreg:$0x4];
	[sflag:s24] =	ssyncset.done $0x0  }
0xb7: {  	[sflag:s24] =	ssyncadd.s32 $0xFFFFD800;
	s7 =	sadd.s32 $0x0, s18  }
0xb8: {  	[tilespmem:s12], [sflag:$0x9] =	stream.linear.gather [hbm4b:s7+s4], $0x50, $0x38;
	[tilespmem:$0x1E400] =	vst v63  }
0xb9: {  	_ =	swait.ge [sflag:s30], $0x50  }
0xba: {  	[sflag:s30] =	ssyncset.done $0x0  }
0xbb: {  	[sflag:s30] =	ssyncadd.s32 $0xFFFFFFB0  }
0xbc: {  	[tilespmem:s13], [sflag:$0x4] =	stream.indirect.gather [hbm4b:s1+s31], $0x80, s12, s31, $0xb8;
	[tilespmem:$0x1E400] =	vst v63  }
0xbd: {  	_ =	swait.ge [sflag:s14], $0x2800  }
0xbe: {  	s26 =	rddreg [dreg:$0x7];
	[sflag:s14] =	ssyncset.done $0x0  }
0xbf: {  	[sflag:s14] =	ssyncadd.s32 $0xFFFFD800;
	s7 =	sadd.s32 $0x0, s26  }
0xc0: {  	[tilespmem:s16], [sflag:$0x9] =	stream.linear.gather [hbm4b:s7+s4], $0x50, $0x38;
	[tilespmem:$0x1E400] =	vst v63  }
0xc1: {  	_ =	swait.ge [sflag:s30], $0x50  }
0xc2: {  	[sflag:s30] =	ssyncset.done $0x0  }
0xc3: {  	s28 =	simm.s32 $0x28;
	s18 =	sadd.s32 $0x140, s25;
	[sflag:s30] =	ssyncadd.s32 $0xFFFFFFB0  }
.LBB2_4:
0xc4: {  	[spmem:s2] =	stream.indirect.scatter.add.f32 [tilespmem:s3], [sflag:$0x6], $0x80, s16, s31, $0xb8;
	[tilespmem:$0x1E400] =	vst v63  }
0xc5: {  	_ =	swait.ge [sflag:s17], $0x2800  }
0xc6: {  	s7 =	sshrl.u32 s18, $0x3;
	[sflag:s17] =	ssyncset.done $0x0  }
0xc7: {  	s26 =	sadd.s32 s5, s7;
	[sflag:s17] =	ssyncadd.s32 $0xFFFFD800  }
0xc8: {  	[tilespmem:s4], [sflag:$0x9] =	stream.linear.gather [hbm4b:s26+s4], $0x50, $0x38;
	[tilespmem:$0x1E400] =	vst v63  }
0xc9: {  	_ =	swait.ge [sflag:s30], $0x50  }
0xca: {  	[sflag:s30] =	ssyncset.done $0x0  }
0xcb: {  	[sflag:s30] =	ssyncadd.s32 $0xFFFFFFB0  }
0xcc: {  	[tilespmem:s29], [sflag:$0x1] =	stream.indirect.gather [hbm4b:s1+s31], $0x80, s4, s31, $0xb8;
	[tilespmem:$0x1E400] =	vst v63  }
0xcd: {  	_ =	swait.ge [sflag:s19], $0x2800  }
0xce: {  	s25 =	smov.u32 s28;
	s26 =	rddreg [dreg:$0x9];
	[sflag:s19] =	ssyncset.done $0x0  }
0xcf: {  	[sflag:s19] =	ssyncadd.s32 $0xFFFFD800;
	s26 =	sadd.s32 s25, s26  }
0xd0: {  	[tilespmem:s20], [sflag:$0x9] =	stream.linear.gather [hbm4b:s26+s4], $0x50, $0x38;
	[tilespmem:$0x1E400] =	vst v63  }
0xd1: {  	_ =	swait.ge [sflag:s30], $0x50  }
0xd2: {  	[sflag:s30] =	ssyncset.done $0x0  }
0xd3: {  	[sflag:s30] =	ssyncadd.s32 $0xFFFFFFB0  }
0xd4: {  	[spmem:s2] =	stream.indirect.scatter.add.f32 [tilespmem:s9], [sflag:$0x7], $0x80, s20, s31, $0xb8;
	[tilespmem:$0x1E400] =	vst v63  }
0xd5: {  	_ =	swait.ge [sflag:s15], $0x2800  }
0xd6: {  	s26 =	rddreg [dreg:$0x8];
	[sflag:s15] =	ssyncset.done $0x0  }
0xd7: {  	[sflag:s15] =	ssyncadd.s32 $0xFFFFD800;
	s26 =	sadd.s32 s25, s26  }
0xd8: {  	[tilespmem:s0], [sflag:$0x9] =	stream.linear.gather [hbm4b:s26+s4], $0x50, $0x38;
	[tilespmem:$0x1E400] =	vst v63  }
0xd9: {  	_ =	swait.ge [sflag:s30], $0x50  }
0xda: {  	[sflag:s30] =	ssyncset.done $0x0  }
0xdb: {  	[sflag:s30] =	ssyncadd.s32 $0xFFFFFFB0  }
0xdc: {  	[tilespmem:s3], [sflag:$0x2] =	stream.indirect.gather [hbm4b:s1+s31], $0x80, s0, s31, $0xb8;
	[tilespmem:$0x1E400] =	vst v63  }
0xdd: {  	_ =	swait.ge [sflag:s21], $0x2800  }
0xde: {  	s26 =	rddreg [dreg:$0x6];
	[sflag:s21] =	ssyncset.done $0x0  }
0xdf: {  	[sflag:s21] =	ssyncadd.s32 $0xFFFFD800;
	s26 =	sadd.s32 s25, s26  }
0xe0: {  	[tilespmem:s22], [sflag:$0x9] =	stream.linear.gather [hbm4b:s26+s4], $0x50, $0x38;
	[tilespmem:$0x1E400] =	vst v63  }
0xe1: {  	_ =	swait.ge [sflag:s30], $0x50  }
0xe2: {  	[sflag:s30] =	ssyncset.done $0x0  }
0xe3: {  	[sflag:s30] =	ssyncadd.s32 $0xFFFFFFB0  }
0xe4: {  	[spmem:s2] =	stream.indirect.scatter.add.f32 [tilespmem:s13], [sflag:$0x8], $0x80, s22, s31, $0xb8;
	[tilespmem:$0x1E400] =	vst v63  }
0xe5: {  	_ =	swait.ge [sflag:s23], $0x2800  }
0xe6: {  	s26 =	rddreg [dreg:$0x5];
	[sflag:s23] =	ssyncset.done $0x0  }
0xe7: {  	[sflag:s23] =	ssyncadd.s32 $0xFFFFD800;
	s26 =	sadd.s32 s25, s26  }
0xe8: {  	[tilespmem:s8], [sflag:$0x9] =	stream.linear.gather [hbm4b:s26+s4], $0x50, $0x38;
	[tilespmem:$0x1E400] =	vst v63  }
0xe9: {  	_ =	swait.ge [sflag:s30], $0x50  }
0xea: {  	[sflag:s30] =	ssyncset.done $0x0  }
0xeb: {  	[sflag:s30] =	ssyncadd.s32 $0xFFFFFFB0  }
0xec: {  	[tilespmem:s9], [sflag:$0x3] =	stream.indirect.gather [hbm4b:s1+s31], $0x80, s8, s31, $0xb8;
	[tilespmem:$0x1E400] =	vst v63  }
0xed: {  	_ =	swait.ge [sflag:s10], $0x2800  }
0xee: {  	[sflag:s10] =	ssyncset.done $0x0  }
0xef: {  	s7 =	sadd.s32 s6, s7;
	[sflag:s10] =	ssyncadd.s32 $0xFFFFD800  }
0xf0: {  	[tilespmem:s11], [sflag:$0x9] =	stream.linear.gather [hbm4b:s7+s4], $0x50, $0x38;
	[tilespmem:$0x1E400] =	vst v63  }
0xf1: {  	_ =	swait.ge [sflag:s30], $0x50  }
0xf2: {  	[sflag:s30] =	ssyncset.done $0x0  }
0xf3: {  	[sflag:s30] =	ssyncadd.s32 $0xFFFFFFB0  }
0xf4: {  	[spmem:s2] =	stream.indirect.scatter.add.f32 [tilespmem:s29], [sflag:$0x5], $0x80, s11, s31, $0xb8;
	[tilespmem:$0x1E400] =	vst v63  }
0xf5: {  	_ =	swait.ge [sflag:s24], $0x2800  }
0xf6: {  	s26 =	rddreg [dreg:$0x4];
	[sflag:s24] =	ssyncset.done $0x0  }
0xf7: {  	[sflag:s24] =	ssyncadd.s32 $0xFFFFD800;
	s7 =	sadd.s32 s25, s26  }
0xf8: {  	[tilespmem:s12], [sflag:$0x9] =	stream.linear.gather [hbm4b:s7+s4], $0x50, $0x38;
	[tilespmem:$0x1E400] =	vst v63  }
0xf9: {  	_ =	swait.ge [sflag:s30], $0x50  }
0xfa: {  	[sflag:s30] =	ssyncset.done $0x0  }
0xfb: {  	[sflag:s30] =	ssyncadd.s32 $0xFFFFFFB0  }
0xfc: {  	[tilespmem:s13], [sflag:$0x4] =	stream.indirect.gather [hbm4b:s1+s31], $0x80, s12, s31, $0xb8;
	[tilespmem:$0x1E400] =	vst v63  }
0xfd: {  	_ =	swait.ge [sflag:s14], $0x2800  }
0xfe: {  	p0 =	sne.s32 s28, $0x488;
	s26 =	rddreg [dreg:$0x7];
	[sflag:s14] =	ssyncset.done $0x0  }
.Ltmp1:
0xff: {  	[sflag:s14] =	ssyncadd.s32 $0xFFFFD800;
	s7 =	sadd.s32 s25, s26;
	(pc) =	sbr.rel @p0 .LBB2_4-.Ltmp1, $4  }
0x100: {  	[tilespmem:s16], [sflag:$0x9] =	stream.linear.gather [hbm4b:s7+s4], $0x50, $0x38;
	[tilespmem:$0x1E400] =	vst v63  }
0x101: {  	_ =	swait.ge [sflag:s30], $0x50  }
0x102: {  	[sflag:s30] =	ssyncset.done $0x0  }
0x103: {  	s28 =	sadd.s32 $0x28, s28;
	s18 =	sadd.s32 $0x140, s18;
	[sflag:s30] =	ssyncadd.s32 $0xFFFFFFB0  }
0x104: {  	[spmem:s2] =	stream.indirect.scatter.add.f32 [tilespmem:s3], [sflag:$0x6], $0x80, s16, s31, $0xb8;
	[tilespmem:$0x1E400] =	vst v63  }
0x105: {  	_ =	swait.ge [sflag:s17], $0x2800  }
0x106: {  	[sflag:s17] =	ssyncset.done $0x0  }
0x107: {  	s7 =	rddreg [dreg:$0x18];
	[sflag:s17] =	ssyncadd.s32 $0xFFFFD800  }
0x108: {  	[tilespmem:s4], [sflag:$0x9] =	stream.linear.gather [hbm4b:s7+s4], $0x50, $0x38;
	[tilespmem:$0x1E400] =	vst v63  }
0x109: {  	_ =	swait.ge [sflag:s30], $0x50  }
0x10a: {  	[sflag:s30] =	ssyncset.done $0x0  }
0x10b: {  	[sflag:s30] =	ssyncadd.s32 $0xFFFFFFB0  }
0x10c: {  	[tilespmem:s29], [sflag:$0x1] =	stream.indirect.gather [hbm4b:s1+s31], $0x80, s4, s31, $0xb8;
	[tilespmem:$0x1E400] =	vst v63  }
0x10d: {  	_ =	swait.ge [sflag:s19], $0x2800  }
0x10e: {  	[sflag:s19] =	ssyncset.done $0x0  }
0x10f: {  	s26 =	rddreg [dreg:$0x1d];
	[sflag:s19] =	ssyncadd.s32 $0xFFFFD800  }
0x110: {  	[tilespmem:s20], [sflag:$0x9] =	stream.linear.gather [hbm4b:s26+s4], $0x50, $0x38;
	[tilespmem:$0x1E400] =	vst v63  }
0x111: {  	_ =	swait.ge [sflag:s30], $0x50  }
0x112: {  	[sflag:s30] =	ssyncset.done $0x0  }
0x113: {  	[sflag:s30] =	ssyncadd.s32 $0xFFFFFFB0  }
0x114: {  	[spmem:s2] =	stream.indirect.scatter.add.f32 [tilespmem:s9], [sflag:$0x7], $0x80, s20, s31, $0xb8;
	[tilespmem:$0x1E400] =	vst v63  }
0x115: {  	_ =	swait.ge [sflag:s15], $0x2800  }
0x116: {  	[sflag:s15] =	ssyncset.done $0x0  }
0x117: {  	[sflag:s15] =	ssyncadd.s32 $0xFFFFD800  }
0x118: {  	_ =	swait.ge [sflag:s21], $0x2800  }
0x119: {  	[sflag:s21] =	ssyncset.done $0x0  }
0x11a: {  	s28 =	rddreg [dreg:$0x1e];
	[sflag:s21] =	ssyncadd.s32 $0xFFFFD800  }
0x11b: {  	[tilespmem:s22], [sflag:$0x9] =	stream.linear.gather [hbm4b:s28+s4], $0x50, $0x38;
	[tilespmem:$0x1E400] =	vst v63  }
0x11c: {  	_ =	swait.ge [sflag:s30], $0x50  }
0x11d: {  	[sflag:s30] =	ssyncset.done $0x0  }
0x11e: {  	[sflag:s30] =	ssyncadd.s32 $0xFFFFFFB0  }
0x11f: {  	[spmem:s2] =	stream.indirect.scatter.add.f32 [tilespmem:s13], [sflag:$0x8], $0x80, s22, s31, $0xb8;
	[tilespmem:$0x1E400] =	vst v63  }
0x120: {  	_ =	swait.ge [sflag:s23], $0x2800  }
0x121: {  	[sflag:s23] =	ssyncset.done $0x0  }
0x122: {  	[sflag:s23] =	ssyncadd.s32 $0xFFFFD800  }
0x123: {  	_ =	swait.ge [sflag:s10], $0x2800  }
0x124: {  	[sflag:s10] =	ssyncset.done $0x0  }
0x125: {  	s18 =	rddreg [dreg:$0x19];
	[sflag:s10] =	ssyncadd.s32 $0xFFFFD800  }
0x126: {  	[tilespmem:s11], [sflag:$0x9] =	stream.linear.gather [hbm4b:s18+s4], $0x50, $0x38;
	[tilespmem:$0x1E400] =	vst v63  }
0x127: {  	_ =	swait.ge [sflag:s30], $0x50  }
0x128: {  	[sflag:s30] =	ssyncset.done $0x0  }
0x129: {  	[sflag:s30] =	ssyncadd.s32 $0xFFFFFFB0  }
0x12a: {  	[spmem:s2] =	stream.indirect.scatter.add.f32 [tilespmem:s29], [sflag:$0x5], $0x80, s11, s31, $0xb8;
	[tilespmem:$0x1E400] =	vst v63  }
0x12b: {  	_ =	swait.ge [sflag:s24], $0x2800  }
0x12c: {  	[sflag:s24] =	ssyncset.done $0x0  }
0x12d: {  	[sflag:s24] =	ssyncadd.s32 $0xFFFFD800  }
0x12e: {  	_ =	swait.ge [sflag:s17], $0x2800  }
0x12f: {  	[sflag:s17] =	ssyncset.done $0x0  }
0x130: {  	[sflag:s17] =	ssyncadd.s32 $0xFFFFD800  }
0x131: {  	s25 =	stileid.u32;
	[bflag:$0x0] =	sbarrier.arrive $0xFFFF  }
0x132: {  	s7 =	sshll.u32 s25, $0x6;
	s25 =	rddreg [dreg:$0xa]  }
0x133: {  	s7 =	sor.u32 $0x1C09, s7;
	s26 =	rddreg [dreg:$0x1a];
	s18 =	sshrl.u32 s25, $0x3  }
0x134: {  	[hbm:s26], [sflag:s7] =	dma.local [spmem:s18], $0x2800  }
0x135: {  	_ =	swait.ge [sflag:s30], $0x2800  }
0x136: {  	s26 =	rddreg [dreg:$0x1f]  }
0x137: {  	s28 =	rddreg [dreg:$0x1b];
	s18 =	sadd.s32 $0x1, s26  }
0x138: {  	p0 =	sne.s32 s18, s28  }
.Ltmp2:
0x139: {  	_ = 	snop;
	(pc) =	sbr.rel @p0 .LBB2_1-.Ltmp2, $3  }
0x13a: {  	_ =	sdelay $0x1  }
0x13b: {  	[sflag:s30] =	ssyncset.done $0x0  }
0x13c: {  	[sflag:s30] =	ssyncadd.s32 $0xFFFFD800  }
0x13d: {  	_ =	sfence.sel $0x180000  }
0x13e: {  	[bflag:$0x0] =	sbarrier.arrive $0xFFFF  }
0x13f: {  	_ =	strace $0x9000004D  }
0x140: {  	s0 =	stileid.u32;
	[bflag:$0x2] =	sbarrier.arrive $0xFFFF  }
0x141: {  	p0 =	sne.s32 s0, $0x0;
	s0 =	rddreg [dreg:$0x3]  }
0x142: {  	s0 =	sadd.s32 @!p0 $0x100000, s0  }
0x143: {  	[sflag:s0] =	ssyncadd.tile.s32 @!p0 $0x1;
	_ =	shalt  }
.Lfunc_end2:
_tile_overlayer_lowered:
.L_overlay_start_2:
0x144: {  	(tag) =	ssettag $0x2  }
0x145: {  	s0 =	rddreg [dreg:$0x0];
	s2 =	stileid.u32  }
0x146: {  	s1 =	rddreg [dreg:$0x1];
	p0 =	sne.s32 s2, $0x0  }
0x147: {  	s3 =	rddreg [dreg:$0x2];
	[bflag:$0x3] =	sbarrier.arrive $0xFFFF;
	s2 =	simm.s32 @!p0 $0x1C09  }
0x148: {  	[timem:s3], [sflag:s2] =	dma.local @!p0 [hbm:s0], s1  }
0x149: {  	s0 =	simm.s32 @!p0 $0x9  }
0x14a: {  	_ =	swait.ge @!p0 [sflag:s0], s1  }
0x14b: {  	s1 =	ssub.s32 @!p0 $0x0, s1;
	[sflag:s0] =	ssyncset.done @!p0 $0x0  }
0x14c: {  	[sflag:s0] =	ssyncadd.s32 @!p0 s1  }
0x14d: {  	[bflag:$0x3] =	sbarrier.arrive $0xFFFF  }
0x14e: {  	_ =	shalt  }

// kernel: kernel.9.cloned.1.call-start
scs
__scs_entry_jumppad:
0x0: {  	(pc) =	sbr.rel $0x88, $3  }
0x1: {  	(tag) =	ssettag $0x0;
	lr =	simm.s32 $0x1  }
0x2: {  	[smem:$0x3F84] =	sst lr;
	_ =	strace $0xD0000000  }
0x3: {  	_ = 	snop  }
0x4: {  	_ = 	snop  }
0x5: {  	_ = 	snop  }
0x6: {  	_ = 	snop  }
0x7: {  	_ = 	snop  }
__scs_overlays_trampoline_lowered:
0x8: {  	[smem:$0x3F93] =	sst s0  }
0x9: {  	[smem:$0x3F94] =	sst s1  }
0xa: {  	[smem:$0x3F95] =	sst s2  }
0xb: {  	[smem:$0x3F96] =	sst s3  }
0xc: {  	[smem:$0x3F97] =	sst s4  }
0xd: {  	[smem:$0x3F98] =	sst s5  }
0xe: {  	[smem:$0x3F99] =	sst s6  }
0xf: {  	[smem:$0x3F9A] =	sst s7  }
0x10: {  	[smem:$0x3F9B] =	sst s8  }
0x11: {  	[smem:$0x3F9C] =	sst s9;
	s0 =	simm.s32 @!p0 $0x0  }
0x12: {  	s1 =	sld [smem:$0x3F82];
	s0 =	simm.s32 @p0 $0x1  }
0x13: {  	[smem:$0x3F9D] =	sst s0;
	s0 =	simm.s32 @!p1 $0x0  }
0x14: {  	s2 =	sld [smem:$0x3F81];
	s0 =	simm.s32 @p1 $0x1  }
0x15: {  	[smem:$0x3F9E] =	sst s0;
	s0 =	simm.s32 @!p2 $0x0  }
0x16: {  	s3 =	sld [smem:$0x3FDB];
	s0 =	simm.s32 @p2 $0x1  }
0x17: {  	s4 =	simm.s32 $0x1BF5;
	[smem:$0x3FA0] =	sst s0  }
0x18: {  	s0 =	sld [smem:$0x3F83];
	_ =	swait.ge [sflag:s4], $0x0  }
0x19: {  	s7 =	sld [smem:$0x3F84]  }
0x1a: {  	s8 =	sadd.s32 $0xFFFFE003, lr  }
0x1b: {  	s9 =	sadd.s32 $0xFFFFFEF7, lr;
	s5 =	simm.s32 $0xFFFFFFFF;
	p2 =	slt.u32 s8, $0xFFFFF086  }
0x1c: {  	p1 =	slt.u32 s9, $0xF7A;
	s5 =	simm.s32 @!p2 $0x0  }
0x1d: {  	s5 =	simm.s32 @p1 $0x1;
	p0 =	seq.s32 s7, s2  }
0x1e: {  	s7 =	smul.u32 @!p0 $0xF7A, s2;
	p2 =	seq.s32 @!p0 s5, $0x0  }
0x1f: {  	s9 =	smul.u32 $0xF7A, s1;
	s8 =	simm.s32 @!p0 $0x1BF5;
	p2 =	por !p2, p0  }
0x20: {  	[sflag:s8] =	ssyncset.s32 @!p0 $0xFFFFF086;
	s6 =	sadd.s32 @!p0 s3, s7;
	s7 =	simm.s32 @!p0 $0x108  }
0x21: {  	s3 =	sadd.s32 s3, s9;
	s6 =	sadd.s32 @!p0 $0x88, s6;
	s7 =	simm.s32 @p2 $0x1082  }
0x22: {  	[simem:s7], [sflag:s8] =	dma.local @!p0 [hbm:s6], $0xF7A  }
0x23: {  	s9 =	sor.u32 $0xD0000000, s2;
	s6 =	simm.s32 $0x108;
	_ =	swait.ge @!p0 [sflag:s8], $0x0  }
0x24: {  	s3 =	sadd.s32 $0x88, s3;
	s6 =	simm.s32 @!p1 $0x1082;
	[sflag:s4] =	ssyncset.s32 $0xFFFFF086  }
0x25: {  	[simem:s6], [sflag:s4] =	dma.local [hbm:s3], $0xF7A  }
0x26: {  	[smem:$0x3F84] =	sst s1;
	(tag) =	ssettag s2;
	_ =	strace s9  }
0x27: {  	s1 =	sld [smem:$0x3F94]  }
0x28: {  	s2 =	sld [smem:$0x3F95]  }
0x29: {  	s4 =	sld [smem:$0x3F97]  }
0x2a: {  	p0 =	seq.s32 s5, $0x0;
	s5 =	sld [smem:$0x3F98]  }
0x2b: {  	s6 =	sld [smem:$0x3F99]  }
0x2c: {  	s7 =	sld [smem:$0x3F9A]  }
0x2d: {  	s3 =	simm.s32 $0x108;
	s8 =	sld [smem:$0x3F9B]  }
0x2e: {  	s3 =	simm.s32 @!p0 $0x1082;
	s9 =	sld [smem:$0x3F9C]  }
0x2f: {  	lr =	sadd.s32 s0, s3;
	s0 =	sld [smem:$0x3F93]  }
0x30: {  	s3 =	sld [smem:$0x3F96]  }
0x31: {  	[smem:$0x3F9F] =	sst s10  }
0x32: {  	s10 =	sld [smem:$0x3F9D];
	_ =	sdelay $0x3  }
0x33: {  	p0 =	seq.s32 s10, $0x1;
	s10 =	sld [smem:$0x3F9F];
	_ =	sdelay $0x3  }
0x34: {  	[smem:$0x3F9F] =	sst s10  }
0x35: {  	s10 =	sld [smem:$0x3F9E];
	_ =	sdelay $0x3  }
0x36: {  	p1 =	seq.s32 s10, $0x1;
	s10 =	sld [smem:$0x3F9F];
	_ =	sdelay $0x3  }
0x37: {  	[smem:$0x3F9F] =	sst s10  }
0x38: {  	s10 =	sld [smem:$0x3FA0]  }
0x39: {  	_ = 	snop;
	(pc) =	sbr.ind lr, $3  }
0x3a: {  	_ = 	snop  }
0x3b: {  	_ = 	snop  }
0x3c: {  	p2 =	seq.s32 s10, $0x1;
	s10 =	sld [smem:$0x3F9F]  }
0x3d: {  	_ =	shalt  }
0x3e: {  	_ =	shalt  }
0x3f: {  	_ =	shalt  }
0x40: {  	_ =	shalt  }
0x41: {  	_ =	shalt  }
0x42: {  	_ =	shalt  }
0x43: {  	_ =	shalt  }
0x44: {  	_ =	shalt  }
0x45: {  	_ =	shalt  }
0x46: {  	_ =	shalt  }
0x47: {  	_ =	shalt  }
0x48: {  	_ =	shalt  }
0x49: {  	_ =	shalt  }
0x4a: {  	_ =	shalt  }
0x4b: {  	_ =	shalt  }
0x4c: {  	_ =	shalt  }
0x4d: {  	_ =	shalt  }
0x4e: {  	_ =	shalt  }
0x4f: {  	_ =	shalt  }
0x50: {  	_ =	shalt  }
0x51: {  	_ =	shalt  }
0x52: {  	_ =	shalt  }
0x53: {  	_ =	shalt  }
0x54: {  	_ =	shalt  }
0x55: {  	_ =	shalt  }
0x56: {  	_ =	shalt  }
0x57: {  	_ =	shalt  }
0x58: {  	_ =	shalt  }
0x59: {  	_ =	shalt  }
0x5a: {  	_ =	shalt  }
0x5b: {  	_ =	shalt  }
0x5c: {  	_ =	shalt  }
0x5d: {  	_ =	shalt  }
0x5e: {  	_ =	shalt  }
0x5f: {  	_ =	shalt  }
0x60: {  	_ =	shalt  }
0x61: {  	_ =	shalt  }
0x62: {  	_ =	shalt  }
0x63: {  	_ =	shalt  }
0x64: {  	_ =	shalt  }
0x65: {  	_ =	shalt  }
0x66: {  	_ =	shalt  }
0x67: {  	_ =	shalt  }
0x68: {  	_ =	shalt  }
0x69: {  	_ =	shalt  }
0x6a: {  	_ =	shalt  }
0x6b: {  	_ =	shalt  }
0x6c: {  	_ =	shalt  }
0x6d: {  	_ =	shalt  }
0x6e: {  	_ =	shalt  }
0x6f: {  	_ =	shalt  }
0x70: {  	_ =	shalt  }
0x71: {  	_ =	shalt  }
0x72: {  	_ =	shalt  }
0x73: {  	_ =	shalt  }
0x74: {  	_ =	shalt  }
0x75: {  	_ =	shalt  }
0x76: {  	_ =	shalt  }
0x77: {  	_ =	shalt  }
0x78: {  	_ =	shalt  }
0x79: {  	_ =	shalt  }
0x7a: {  	_ =	shalt  }
0x7b: {  	_ =	shalt  }
0x7c: {  	_ =	shalt  }
0x7d: {  	_ =	shalt  }
0x7e: {  	_ =	shalt  }
0x7f: {  	_ =	shalt  }
0x80: {  	_ =	shalt  }
0x81: {  	_ =	shalt  }
0x82: {  	_ =	shalt  }
0x83: {  	_ =	shalt  }
0x84: {  	_ =	shalt  }
0x85: {  	_ =	shalt  }
0x86: {  	_ =	shalt  }
0x87: {  	_ =	shalt  }
.Lfunc_end0:
.L_simem_size_0:
called_computation_lowered:
.L_overlay_start_0:
0x88: {  	s2 =	sld [smem:$0x3FD9]  }
0x89: {  	s3 =	sld [smem:$0x3FFE];
	_ =	sdelay $0x1  }
0x8a: {  	s1 =	srdreg.scid  }
0x8b: {  	s0 =	sand.u32 $0x1, s1  }
0x8c: {  	s17 =	sshll.u32 s0, $0xA;
	s2 =	sadd.s32 s3, s2  }
0x8d: {  	s2 =	sadd.s32 s2, s17  }
0x8e: {  	[smem:$0x3FAB] =	sst s2  }
0x8f: {  	_ = 	snop  }
0x90: {  	s2 =	sld [smem:$0x3FD0];
	(tm) =	ssettm $0x1  }
0x91: {  	s18 =	sld [smem:$0x3FFB];
	_ =	sdelay $0x3  }
0x92: {  	_ =	strace s18  }
0x93: {  	s3 =	sld [smem:$0x3FFC];
	_ =	sdelay $0x3  }
0x94: {  	_ =	strace s3  }
0x95: {  	s3 =	sld [smem:$0x3FFD];
	_ =	sdelay $0x3  }
0x96: {  	_ =	strace s3  }
0x97: {  	_ =	strace $0x8FFFFFFF  }
0x98: {  	s19 =	sld [smem:$0x3FDB];
	_ =	sdelay $0x1  }
0x99: {  	s4 =	simm.s32 $_scs_section_size  }
0x9a: {  	s5 =	simm.s32 $_size__tile_overlayer_lowered;
	s6 =	simm.s32 $_tile_overlayer_lowered  }
0x9b: {  	s22 =	simm.s32 $0x1BFF;
	s21 =	sshll.u32 s6, $0x1;
	s3 =	sadd.s32 s4, s19  }
0x9c: {  	s7 =	simm.s32 $0x0;
	s20 =	sshll.u32 s5, $0x1;
	s5 =	sadd.s32 s21, s3  }
0x9d: {  	[timem:s7], [sflag:s22] =	dma.local [hbm:s5], s20  }
0x9e: {  	_ =	swait.ge [sflag:s22], s20  }
0x9f: {  	s4 =	ssub.s32 $0x0, s20;
	[sflag:s22] =	ssyncset.done $0x0  }
0xa0: {  	[sflag:s22] =	ssyncadd.s32 s4;
	_ =	sdelay $0x1  }
0xa1: {  	s23 =	simm.s32 $0x1B8B  }
0xa2: {  	_ =	swait.ge [sflag:s23], $0x1  }
0xa3: {  	[sflag:s23] =	ssyncset.done $0x0  }
0xa4: {  	s25 =	simm.s32 $0x1B8E;
	s24 =	sld [smem:$0x3FFE];
	[sflag:s23] =	ssyncadd.s32 $0xFFFFFFFF  }
0xa5: {  	s26 =	simm.s32 $execute0_lowered;
	[smem:$0x3FD2] =	sst s25  }
0xa6: {  	s5 =	sshll.u32 s26, $0x1;
	_ =	strace $0x80000046;
	[dreg:$0x1] =	wrdreg $0xFFFFFFFF  }
0xa7: {  	s28 =	simm.s32 $_size_execute0_lowered;
	s3 =	sadd.s32 s3, s5;
	[dreg:$0x0] =	wrdreg $0x0  }
0xa8: {  	s5 =	sshll.u32 s28, $0x1;
	[dreg:$0x2] =	wrdreg s3  }
0xa9: {  	[dreg:$0x3] =	wrdreg s5  }
0xaa: {  	[dreg:$0x4] =	wrdreg $0xC0  }
0xab: {  	_ =	task [dreg:s7], $0x5FFFF  }
0xac: {  	[dreg:$0x1] =	wrdreg $0xFFFFFFFF  }
0xad: {  	[dreg:$0x0] =	wrdreg $0x60  }
0xae: {  	[dreg:$0x2] =	wrdreg s24  }
0xaf: {  	[dreg:$0x3] =	wrdreg s2  }
0xb0: {  	[dreg:$0x4] =	wrdreg $0xC7800  }
0xb1: {  	[dreg:$0x5] =	wrdreg $0x9  }
0xb2: {  	_ =	task.clear_ibuf [dreg:s7], $0x6FFFF;
	_ =	strace $0x90000046  }
0xb3: {  	s29 =	simm.s32 $0x9;
	_ =	strace $0x80000048  }
0xb4: {  	_ =	swait.ge [sflag:s29], $0x1  }
0xb5: {  	[sflag:s29] =	ssyncadd.s32 $0xFFFFFFFF  }
0xb6: {  	_ =	strace $0x90000048  }
0xb7: {  	_ =	sfence  }
0xb8: {  	s30 =	sld [smem:$0x0];
	_ =	sdelay $0x2  }
0xb9: {  	s31 =	sshll.u32 s1, $0xD;
	s1 =	sshrl.u32 s1, $0x2  }
0xba: {  	s3 =	sand.u32 $0x4000, s31;
	s1 =	sadd.s32 s1, s30  }
0xbb: {  	s0 =	sor.u32 s3, s0;
	s1 =	sshll.u32 s1, $0x11  }
0xbc: {  	s0 =	sor.u32 s1, s0  }
0xbd: {  	s0 =	sadd.s32 $0x8F2B, s0  }
0xbe: {  	[sflag:s0] =	ssyncadd.remote.s32 $0x1  }
0xbf: {  	_ =	sfence.sel $0xFFFF  }
0xc0: {  	[dreg:$0x0] =	wrdreg $0xFFFFFFFF;
	(pc) =	sbr.abs _section_cstart, $3  }
0xc1: {  	[dreg:$0x1] =	wrdreg $0xFFFFFFFF  }
0xc2: {  	_ =	task.clear_ibuf [dreg:s7], $0x2FFFF;
	_ =	strace $0x9FFFFFFF  }
0xc3: {  	(tm) =	ssettm $0x7FFFFFFF  }
tec
execute0_lowered:
.L_overlay_start_1:
0x0: {  	(tag) =	ssettag $0x1  }
0x1: {  	s3 =	rddreg [dreg:$0x0]  }
0x2: {  	s7 =	rddreg [dreg:$0x1]  }
0x3: {  	s0 =	srdreg.scid;
	s6 =	rddreg [dreg:$0x2]  }
0x4: {  	s1 =	stileid.u32;
	s2 =	simm.s32 $0x0;
	s13 =	simm.s32 $0x2800  }
0x5: {  	s14 =	simm.s32 $0x28000;
	s5 =	sand.u32 $0x1, s0;
	s0 =	rddreg [dreg:$0x3]  }
0x6: {  	s15 =	simm.s32 $0x7780;
	s16 =	simm.s32 $0x100;
	[smem:$0x7FF] =	sst s2  }
0x7: {  	s10 =	sshrl.u32 s1, $0x3;
	s29 =	smul.u32 $0xA00, s1;
	s11 =	sshll.u32 s1, $0x7  }
0x8: {  	s12 =	smul.u32 $0xA000, s1;
	s4 =	sshll.u32 s5, $0x4;
	s8 =	ssub.s32 $0x2, s5  }
0x9: {  	_ =	strace $0x80000047;
	s28 =	smul.u32 $0xA0000, s10;
	s5 =	sshll.u32 s5, $0x7  }
0xa: {  	s11 =	sand.u32 $0x380, s11;
	s10 =	simm.s32 $0x2780;
	s4 =	sor.u32 s1, s4  }
0xb: {  	s9 =	sshrl.u32 s8, $0x1;
	s5 =	sor.u32 s5, s29;
	s30 =	sshrl.u32 s12, $0x2  }
0xc: {  	s12 =	simm.s32 $0x400;
	s8 =	ssub.s32 s8, s9;
	s9 =	sshrl.u32 s28, $0x2  }
0xd: {  	s4 =	smul.u32 $0x4E2, s4;
	s31 =	sshrl.u32 s5, $0x3;
	s9 =	sadd.s32 s9, s6  }
0xe: {  	s6 =	sadd.s32 s30, s6;
	s7 =	sadd.s32 s7, s31;
	s8 =	smax.u32 s8, $0x1  }
0xf: {  	s4 =	sadd.s32 s4, s3;
	s5 =	sadd.s32 s11, s9;
	s9 =	simm.s32 $0x1  }
0x10: {  	v0 =	vimm.f32 $0.0e+00;
	s11 =	simm.s32 $0x80;
	s3 =	sadd.s32 $0xE000, s4;
	s4 =	sadd.s32 $0x4200, s4  }
.LBB2_1:
0x11: {  	s17 =	simm.s32 $0x40;
	s18 =	simm.s32 $0x0  }
.LBB2_2:
0x12: {  	p0 =	sne.s32 s17, $0x13FC0;
	[tilespmem:s18+$0x2780] =	vst v0;
	s18 =	smov.u32 s17;
	s17 =	sadd.s32 $0x40, s17  }
.Ltmp0:
0x13: {  	(pc) =	sbr.rel @p0 .LBB2_2-.Ltmp0, $2  }
0x14: {  	_ =	sdelay $0x2  }
0x15: {  	s18 =	sshra.s32 s18, $0x2  }
0x16: {  	[tilespmem:s18+$0x2780] =	vst v0;
	s17 =	simm.s32 $0x0  }
0x17: {  	[tilespmem:s17], [sflag:$0x1] =	stream.linear.gather [hbm4b:s3+s17], $0x2710, $0x38;
	[tilespmem:$0x11780] =	vst v63  }
0x18: {  	_ =	swait.ge [sflag:s9], $0x2710  }
0x19: {  	[sflag:s9] =	ssyncset.done $0x0  }
0x1a: {  	s18 =	simm.s32 $0x0;
	s17 =	simm.s32 $0x40;
	[sflag:s9] =	ssyncadd.s32 $0xFFFFD8F0  }
.LBB2_4:
0x1b: {  	p0 =	sne.s32 s17, $0x9C00;
	v1 =	vld [tilespmem:s18+$0x0];
	_ =	sdelay $0x4  }
0x1c: {  	(xrf1) =	vunique.msk.u32 $0xffff, v1;
	_ =	sdelay $0xd  }
0x1d: {  	_, v2, vm0 =	vpop (xrf1);
	_ =	sdelay $0x1  }
.Ltmp1:
0x1e: {  	(pc) =	sbr.rel @p0 .LBB2_4-.Ltmp1, $3  }
0x1f: {  	_ = 	snop  }
0x20: {  	v2 =	vcvt.s32.f32 v2;
	_ =	sdelay $0x1  }
0x21: {  	s18 =	sshra.s32 s17, $0x2;
	s17 =	sadd.s32 $0x40, s17;
	[tilespmem:v1+s10+$0x0] =	vst.idx.add.f32.msk vm0, v2  }
0x22: {  	v1 =	vld [tilespmem:s18+$0x0];
	_ =	sdelay $0x4  }
0x23: {  	(xrf1) =	vunique.msk.u32 $0xffff, v1;
	_ =	sdelay $0xd  }
0x24: {  	_, v2, vm0 =	vpop (xrf1);
	_ =	sdelay $0x3  }
0x25: {  	v2 =	vcvt.s32.f32 v2;
	_ =	sdelay $0x1  }
0x26: {  	s17 =	simm.s32 $0x0;
	[tilespmem:v1+s10+$0x0] =	vst.idx.add.f32.msk vm0, v2  }
0x27: {  	[tilespmem:s17], [sflag:$0x1] =	stream.linear.gather [hbm4b:s4+s17], $0x2710, $0x38;
	[tilespmem:$0x11780] =	vst v63  }
0x28: {  	_ =	swait.ge [sflag:s9], $0x2710  }
0x29: {  	[sflag:s9] =	ssyncset.done $0x0  }
0x2a: {  	s18 =	simm.s32 $0x0;
	s17 =	simm.s32 $0x40;
	[sflag:s9] =	ssyncadd.s32 $0xFFFFD8F0  }
.LBB2_6:
0x2b: {  	p0 =	sne.s32 s17, $0x9C00;
	v1 =	vld [tilespmem:s18+$0x0];
	_ =	sdelay $0x4  }
0x2c: {  	v1 =	vadd.s32 $0x2800, v1  }
0x2d: {  	(xrf1) =	vunique.msk.u32 $0xffff, v1;
	_ =	sdelay $0xd  }
0x2e: {  	_, v2, vm0 =	vpop (xrf1);
	_ =	sdelay $0x1  }
.Ltmp2:
0x2f: {  	(pc) =	sbr.rel @p0 .LBB2_6-.Ltmp2, $3  }
0x30: {  	_ = 	snop  }
0x31: {  	v2 =	vcvt.s32.f32 v2;
	_ =	sdelay $0x1  }
0x32: {  	s18 =	sshra.s32 s17, $0x2;
	s17 =	sadd.s32 $0x40, s17;
	[tilespmem:v1+s10+$0x0] =	vst.idx.add.f32.msk vm0, v2  }
0x33: {  	v1 =	vld [tilespmem:s18+$0x0];
	_ =	sdelay $0x4  }
0x34: {  	v1 =	vadd.s32 $0x2800, v1  }
0x35: {  	(xrf1) =	vunique.msk.u32 $0xffff, v1;
	_ =	sdelay $0xd  }
0x36: {  	_, v2, vm0 =	vpop (xrf1);
	_ =	sdelay $0x3  }
0x37: {  	v2 =	vcvt.s32.f32 v2;
	_ =	sdelay $0x1  }
0x38: {  	s17 =	simm.s32 $0x2780;
	[tilespmem:v1+s10+$0x0] =	vst.idx.add.f32.msk vm0, v2  }
0x39: {  	[spmem:s5] =	stream.strided.scatter [tilespmem:s17], [sflag:$0x1], $0x5000, s12, s11, $0x38;
	[tilespmem:$0x11780] =	vst v63  }
0x3a: {  	_ =	swait.ge [sflag:s9], $0x5000  }
0x3b: {  	[sflag:s9] =	ssyncset.done $0x0  }
0x3c: {  	[sflag:s9] =	ssyncadd.s32 $0xFFFFB000  }
0x3d: {  	[bflag:$0x0] =	sbarrier.arrive $0xFFFF  }
0x3e: {  	[tilespmem:s15], [sflag:$0x1] =	stream.strided.gather [spmem:s6], $0x5000, s14, s13, $0x38;
	[tilespmem:$0x11780] =	vst v63  }
0x3f: {  	s30 =	simm.s32 $0x0;
	_ =	swait.ge [sflag:s9], $0x5000  }
0x40: {  	s19 =	sand.u32 $0x70, s30;
	s18 =	sand.u32 $0x3C00, s30;
	[sflag:s9] =	ssyncset.done $0x0  }
0x41: {  	s18 =	sor.u32 s19, s18;
	[sflag:s9] =	ssyncadd.s32 $0xFFFFB000  }
0x42: {  	v1 =	vld [tilespmem:s18+$0x7800]  }
0x43: {  	v2 =	vld [tilespmem:s18+$0x7780];
	_ =	sdelay $0x1  }
0x44: {  	v3 =	vld [tilespmem:s18+$0x7880];
	_ =	sdelay $0x1  }
0x45: {  	v4 =	vld [tilespmem:s18+$0x7900]  }
0x46: {  	v1 =	vadd.f32 v1, v2  }
0x47: {  	v2 =	vld [tilespmem:s18+$0x7980]  }
0x48: {  	v1 =	vadd.f32 v3, v1  }
0x49: {  	v3 =	vld [tilespmem:s18+$0x7A00]  }
0x4a: {  	v1 =	vadd.f32 v4, v1  }
0x4b: {  	v60 =	vld [tilespmem:s18+$0x7A80]  }
0x4c: {  	v1 =	vadd.f32 v2, v1  }
0x4d: {  	v2 =	vld [tilespmem:s18+$0x7B00]  }
0x4e: {  	v1 =	vadd.f32 v3, v1  }
0x4f: {  	v3 =	vld [tilespmem:s18+$0x9F80]  }
0x50: {  	v1 =	vadd.f32 v60, v1  }
0x51: {  	v61 =	vld [tilespmem:s18+$0xA000]  }
0x52: {  	v1 =	vadd.f32 v2, v1  }
0x53: {  	v2 =	vld [tilespmem:s18+$0xA080]  }
0x54: {  	v1 =	vadd.f32 v3, v1  }
0x55: {  	v3 =	vld [tilespmem:s18+$0xA100]  }
0x56: {  	v1 =	vadd.f32 v61, v1  }
0x57: {  	v62 =	vld [tilespmem:s18+$0xA180]  }
0x58: {  	v1 =	vadd.f32 v2, v1  }
0x59: {  	v2 =	vld [tilespmem:s18+$0xA200]  }
0x5a: {  	v1 =	vadd.f32 v3, v1  }
0x5b: {  	v3 =	vld [tilespmem:s18+$0xA280]  }
0x5c: {  	v1 =	vadd.f32 v62, v1  }
0x5d: {  	v63 =	vld [tilespmem:s18+$0xA300]  }
0x5e: {  	v1 =	vadd.f32 v2, v1;
	_ =	sdelay $0x1  }
0x5f: {  	v1 =	vadd.f32 v3, v1;
	_ =	sdelay $0x1  }
0x60: {  	s31 =	simm.s32 $0x10;
	s19 =	simm.s32 $0x80;
	v1 =	vadd.f32 v63, v1  }
0x61: {  	s20 =	sand.u32 $0x3C00, s19;
	s18 =	sand.u32 $0x70, s31  }
0x62: {  	s18 =	sor.u32 s18, s20;
	s20 =	simm.s32 $0x20;
	[tilespmem:s17+$0x0] =	vst v1  }
.LBB2_8:
0x63: {  	p0 =	sne.s32 s20, $0x4F0;
	v1 =	vld [tilespmem:s18+$0x7800]  }
0x64: {  	v2 =	vld [tilespmem:s18+$0x7780];
	_ =	sdelay $0x1  }
0x65: {  	v3 =	vld [tilespmem:s18+$0x7880];
	_ =	sdelay $0x1  }
0x66: {  	v4 =	vld [tilespmem:s18+$0x7900]  }
0x67: {  	v1 =	vadd.f32 v1, v2  }
0x68: {  	v2 =	vld [tilespmem:s18+$0x7980]  }
0x69: {  	v1 =	vadd.f32 v3, v1  }
0x6a: {  	v3 =	vld [tilespmem:s18+$0x7A00]  }
0x6b: {  	v1 =	vadd.f32 v4, v1  }
0x6c: {  	v4 =	vld [tilespmem:s18+$0x7A80]  }
0x6d: {  	v1 =	vadd.f32 v2, v1  }
0x6e: {  	v2 =	vld [tilespmem:s18+$0x7B00]  }
0x6f: {  	v1 =	vadd.f32 v3, v1  }
0x70: {  	v3 =	vld [tilespmem:s18+$0x9F80]  }
0x71: {  	v1 =	vadd.f32 v4, v1  }
0x72: {  	v4 =	vld [tilespmem:s18+$0xA000]  }
0x73: {  	v1 =	vadd.f32 v2, v1  }
0x74: {  	v2 =	vld [tilespmem:s18+$0xA080]  }
0x75: {  	v1 =	vadd.f32 v3, v1  }
0x76: {  	v3 =	vld [tilespmem:s18+$0xA100]  }
0x77: {  	v1 =	vadd.f32 v4, v1  }
0x78: {  	v4 =	vld [tilespmem:s18+$0xA180]  }
0x79: {  	v1 =	vadd.f32 v2, v1  }
0x7a: {  	v2 =	vld [tilespmem:s18+$0xA200]  }
0x7b: {  	v1 =	vadd.f32 v3, v1  }
0x7c: {  	v3 =	vld [tilespmem:s18+$0xA280]  }
0x7d: {  	v1 =	vadd.f32 v4, v1  }
0x7e: {  	v4 =	vld [tilespmem:s18+$0xA300]  }
0x7f: {  	v1 =	vadd.f32 v2, v1;
	_ =	sdelay $0x1  }
.Ltmp3:
0x80: {  	v1 =	vadd.f32 v3, v1;
	(pc) =	sbr.rel @p0 .LBB2_8-.Ltmp3, $4  }
0x81: {  	_ = 	snop  }
0x82: {  	s19 =	sadd.s32 $0x80, s19;
	v1 =	vadd.f32 v4, v1  }
0x83: {  	s17 =	sadd.s32 $0x10, s17;
	s21 =	sand.u32 $0x3C00, s19;
	s18 =	sand.u32 $0x70, s20  }
0x84: {  	s20 =	sadd.s32 $0x10, s20;
	s18 =	sor.u32 s18, s21;
	[tilespmem:s17+$0x0] =	vst v1  }
0x85: {  	v1 =	vld [tilespmem:s18+$0x7800]  }
0x86: {  	v2 =	vld [tilespmem:s18+$0x7780];
	_ =	sdelay $0x1  }
0x87: {  	v3 =	vld [tilespmem:s18+$0x7880];
	_ =	sdelay $0x1  }
0x88: {  	v4 =	vld [tilespmem:s18+$0x7900]  }
0x89: {  	v1 =	vadd.f32 v1, v2  }
0x8a: {  	v2 =	vld [tilespmem:s18+$0x7980]  }
0x8b: {  	v1 =	vadd.f32 v3, v1  }
0x8c: {  	v3 =	vld [tilespmem:s18+$0x7A00]  }
0x8d: {  	v1 =	vadd.f32 v4, v1  }
0x8e: {  	v60 =	vld [tilespmem:s18+$0x7A80]  }
0x8f: {  	v1 =	vadd.f32 v2, v1  }
0x90: {  	v2 =	vld [tilespmem:s18+$0x7B00]  }
0x91: {  	v1 =	vadd.f32 v3, v1  }
0x92: {  	v3 =	vld [tilespmem:s18+$0x9F80]  }
0x93: {  	v1 =	vadd.f32 v60, v1  }
0x94: {  	v61 =	vld [tilespmem:s18+$0xA000]  }
0x95: {  	v1 =	vadd.f32 v2, v1  }
0x96: {  	v2 =	vld [tilespmem:s18+$0xA080]  }
0x97: {  	v1 =	vadd.f32 v3, v1  }
0x98: {  	v3 =	vld [tilespmem:s18+$0xA100]  }
0x99: {  	v1 =	vadd.f32 v61, v1  }
0x9a: {  	v62 =	vld [tilespmem:s18+$0xA180]  }
0x9b: {  	v1 =	vadd.f32 v2, v1  }
0x9c: {  	v2 =	vld [tilespmem:s18+$0xA200]  }
0x9d: {  	v1 =	vadd.f32 v3, v1  }
0x9e: {  	v3 =	vld [tilespmem:s18+$0xA280]  }
0x9f: {  	v1 =	vadd.f32 v62, v1  }
0xa0: {  	v63 =	vld [tilespmem:s18+$0xA300]  }
0xa1: {  	v1 =	vadd.f32 v2, v1;
	_ =	sdelay $0x1  }
0xa2: {  	v1 =	vadd.f32 v3, v1;
	_ =	sdelay $0x1  }
0xa3: {  	s2 =	sadd.s32 $0x1, s2;
	v1 =	vadd.f32 v63, v1  }
0xa4: {  	s17 =	sadd.s32 $0x10, s17;
	p0 =	sne.s32 s2, s8  }
.Ltmp4:
0xa5: {  	[tilespmem:s17+$0x0] =	vst v1;
	(pc) =	sbr.rel @p0 .LBB2_1-.Ltmp4, $4  }
0xa6: {  	[hbm4b:s7+s11] =	stream.strided.scatter [tilespmem:s10], [sflag:$0x1], $0x500, s16, s11, $0x38;
	[tilespmem:$0x11780] =	vst v63  }
0xa7: {  	_ =	swait.ge [sflag:s9], $0x500  }
0xa8: {  	[sflag:s9] =	ssyncset.done $0x0  }
0xa9: {  	[sflag:s9] =	ssyncadd.s32 $0xFFFFFB00  }
0xaa: {  	_ =	sfence.sel $0x180000  }
0xab: {  	[bflag:$0x0] =	sbarrier.arrive $0xFFFF  }
0xac: {  	p0 =	sne.s32 s1, $0x0;
	_ =	strace $0x90000047  }
0xad: {  	s0 =	sadd.s32 @!p0 $0x100000, s0;
	[bflag:$0x2] =	sbarrier.arrive $0xFFFF  }
0xae: {  	[sflag:s0] =	ssyncadd.tile.s32 @!p0 $0x1;
	_ =	shalt  }
.Lfunc_end2:
_tile_overlayer_lowered:
.L_overlay_start_2:
0xaf: {  	(tag) =	ssettag $0x2  }
0xb0: {  	s0 =	rddreg [dreg:$0x0];
	s2 =	stileid.u32  }
0xb1: {  	s1 =	rddreg [dreg:$0x1];
	p0 =	sne.s32 s2, $0x0  }
0xb2: {  	s3 =	rddreg [dreg:$0x2];
	[bflag:$0x3] =	sbarrier.arrive $0xFFFF;
	s2 =	simm.s32 @!p0 $0x1C01  }
0xb3: {  	[timem:s3], [sflag:s2] =	dma.local @!p0 [hbm:s0], s1  }
0xb4: {  	s0 =	simm.s32 @!p0 $0x1  }
0xb5: {  	_ =	swait.ge @!p0 [sflag:s0], s1  }
0xb6: {  	s1 =	ssub.s32 @!p0 $0x0, s1;
	[sflag:s0] =	ssyncset.done @!p0 $0x0  }
0xb7: {  	[sflag:s0] =	ssyncadd.s32 @!p0 s1  }
0xb8: {  	[bflag:$0x3] =	sbarrier.arrive $0xFFFF  }
0xb9: {  	_ =	shalt  }

</sc_bundles>
